<compile_context>
chip_gen: v7x
topology: tpu7x:2x2x1
jax: 0.10.2.dev20260603
libtpu: 0.0.44.dev20260713+nightly
codegen_flags: <defaults>
</compile_context>

<pallas_src>
import functools

import jax
import jax.numpy as jnp
from jax import lax
from jax.experimental import pallas as pl
from jax.experimental.pallas import tpu as pltpu
from jax.experimental.pallas import tpu_sc as plsc

NC = 2
NS = 16
NW = NC * NS
CHUNK = 128


def _round_up(a, b):
    return (a + b - 1) // b * b


NB = 2


def _make_scatter_kernel(n_pad, e_pad, widths, n_tables, split=None):
    cps = e_pad // (NS * CHUNK)
    if split is None:
        split = (cps // 2, cps - cps // 2)
    cpt0, cpt1 = split
    assert cpt0 + cpt1 == cps and cpt0 % NB == 0 and cpt1 % NB == 0
    wave = cps // 2
    n_waves = -(-max(cpt0, cpt1) // wave)
    zpt = n_pad // (NS * CHUNK)
    n_str = len(widths)

    mesh = plsc.VectorSubcoreMesh(
        core_axis_name="c", subcore_axis_name="s",
        num_cores=NC, num_subcores=NS)

    out_type = tuple(
        jax.ShapeDtypeStruct((NC, n_pad, w), jnp.float32) for w in widths)
    scratch = (
        [pltpu.VMEM((wave, CHUNK), jnp.int32),
         pltpu.VMEM((wave, CHUNK), jnp.int32)]
        + [pltpu.VMEM((NB, CHUNK, w), jnp.float32) for w in widths]
        + [pltpu.VMEM((CHUNK, w), jnp.float32) for w in widths]
        + [pltpu.VMEM_SHARED((n_pad, w), jnp.float32) for w in widths]
        + [pltpu.SemaphoreType.DMA, pltpu.SemaphoreType.DMA]
    )

    @functools.partial(
        pl.kernel, out_type=out_type, mesh=mesh, scratch_types=scratch,
        compiler_params=pltpu.CompilerParams(use_tc_tiling_on_sc=False))
    def kern(src_hbm, dst_hbm, *rest):
        tabs = rest[:n_str]
        zeros_hbm = rest[n_str:2 * n_str]
        outs = rest[2 * n_str:3 * n_str]
        idx_s = rest[3 * n_str]
        idx_d = rest[3 * n_str + 1]
        rows = rest[3 * n_str + 2:4 * n_str + 2]
        zbufs = rest[4 * n_str + 2:5 * n_str + 2]
        shs = rest[5 * n_str + 2:6 * n_str + 2]
        sem_g = rest[6 * n_str + 2]
        sem_z = rest[6 * n_str + 3]

        cid = lax.axis_index("c")
        sid = lax.axis_index("s")
        my_cpt = jnp.where(cid == 0, cpt0, cpt1)
        chunk0 = sid * cps + cid * cpt0

        def stage_idx_wave(cb, cw):
            def stage(i, c):
                base = (cb + i) * CHUNK
                pltpu.async_copy(src_hbm.at[pl.ds(base, CHUNK)], idx_s.at[i],
                                 sem_z)
                pltpu.async_copy(dst_hbm.at[pl.ds(base, CHUNK)], idx_d.at[i],
                                 sem_z)
                return c
            lax.fori_loop(0, cw, stage, 0)

        def drain_idx_wave(cb, cw):
            def drain(i, c):
                base = (cb + i) * CHUNK
                pltpu.make_async_copy(src_hbm.at[pl.ds(base, CHUNK)],
                                      idx_s.at[i], sem_z).wait()
                pltpu.make_async_copy(dst_hbm.at[pl.ds(base, CHUNK)],
                                      idx_d.at[i], sem_z).wait()
                return c
            lax.fori_loop(0, cw, drain, 0)

        def start_gathers(cb, i, b):
            for t in range(n_str):
                if t < n_tables:
                    pltpu.async_copy(tabs[t].at[idx_s.at[i]], rows[t].at[b],
                                     sem_g)
                else:
                    base = (cb + i) * CHUNK
                    pltpu.async_copy(tabs[t].at[pl.ds(base, CHUNK)],
                                     rows[t].at[b], sem_g)

        def wait_gathers(cb, i, b):
            for t in range(n_str):
                if t < n_tables:
                    pltpu.make_async_copy(tabs[t].at[idx_s.at[i]],
                                          rows[t].at[b], sem_g).wait()
                else:
                    base = (cb + i) * CHUNK
                    pltpu.make_async_copy(tabs[t].at[pl.ds(base, CHUNK)],
                                          rows[t].at[b], sem_g).wait()

        def gather_scatter_wave(cb, cw):
            for b in range(NB):
                @pl.when(b < cw)
                def _(b=b):
                    start_gathers(cb, b, b)

            def body(o, carry):
                for b in range(NB):
                    i = o * NB + b
                    wait_gathers(cb, i, b)
                    for t in range(n_str):
                        pltpu.sync_copy(rows[t].at[b], shs[t].at[idx_d.at[i]],
                                        add=True)

                    @pl.when(i + NB < cw)
                    def _():
                        start_gathers(cb, i + NB, b)
                return carry

            lax.fori_loop(0, cw // NB, body, 0)

        def wave_args(w):
            cb = chunk0 + w * wave
            cw = jnp.clip(my_cpt - w * wave, 0, wave)
            return cb, cw

        stage_idx_wave(*wave_args(0))

        @pl.when(my_cpt > 0)
        def _():
            for t in range(n_str):
                pltpu.sync_copy(zeros_hbm[t], zbufs[t])
            for z in range(zpt):
                row0 = (sid * zpt + z) * CHUNK
                for t in range(n_str):
                    pltpu.sync_copy(zbufs[t], shs[t].at[pl.ds(row0, CHUNK)])

        drain_idx_wave(*wave_args(0))
        plsc.subcore_barrier()
        gather_scatter_wave(*wave_args(0))
        for w in range(1, n_waves):
            cb, cw = wave_args(w)
            stage_idx_wave(cb, cw)
            drain_idx_wave(cb, cw)
            gather_scatter_wave(cb, cw)
        plsc.subcore_barrier()

        @pl.when(my_cpt > 0)
        def _():
            for z in range(zpt):
                row0 = (sid * zpt + z) * CHUNK
                for t in range(n_str):
                    pltpu.sync_copy(shs[t].at[pl.ds(row0, CHUNK)],
                                    rows[t].at[0])
                    pltpu.sync_copy(rows[t].at[0],
                                    outs[t].at[cid, pl.ds(row0, CHUNK)])

    return kern


def _tc1_body(x, xs_c, ea_c,
              w_nb, b_nb, w_nu0, b_nu0, w_nu1, b_nu1, w_nu2, b_nu2,
              w_ed, b_ed, w_eu, b_eu, w_2nb, b_2nb,
              x1_o, a_o, rinv_o, inv_o):
    f32 = jnp.float32
    dot = functools.partial(jnp.dot, preferred_element_type=f32)
    ea = ea_c[0] + ea_c[1]
    ea7 = ea[:, 0:7]
    cnt = ea[:, 7:8]
    inv = 1.0 / jnp.maximum(cnt, 1.0)
    xs = (xs_c[0] + xs_c[1])[:, 0:3]
    agg1 = (dot(xs, w_nb[0:3, :]) + dot(ea7, w_nb[3:10, :])
            + cnt * b_nb[...]) * inv
    z = jnp.maximum(dot(x[...], w_nu0[0:3, :]) + dot(agg1, w_nu0[3:45, :])
                    + b_nu0[...], 0.0)
    z = jnp.maximum(dot(z, w_nu1[...]) + b_nu1[...], 0.0)
    x1 = dot(z, w_nu2[...]) + b_nu2[...]
    wa = w_eu[0:128, :]
    wb = w_eu[128:256, :]
    wc = w_eu[256:384, :]
    w2a = w_2nb[0:128, :]
    w2b = w_2nb[128:256, :]
    wa_eff = w2a + dot(wa, w2b)
    wb_eff = dot(wb, w2b)
    k_eff = dot(dot(w_ed[...], wc), w2b)
    c2 = dot(dot(b_ed[...], wc) + b_eu[...], w2b) + b_2nb[...]
    a = dot(x1, wa_eff)
    b = dot(x1, wb_eff)
    rinv = (cnt * (b + c2) + dot(ea7, k_eff)) * inv
    x1_o[...] = x1
    a_o[...] = a
    rinv_o[...] = rinv
    inv_o[...] = inv


def _tc2_body(x1, as_c, rinv, inv, w_nu0, b_nu0, w_nu1, b_nu1,
              w_nu2, b_nu2, out_o):
    f32 = jnp.float32
    dot = functools.partial(jnp.dot, preferred_element_type=f32)
    agg2 = (as_c[0] + as_c[1]) * inv[...] + rinv[...]
    z = jnp.maximum(dot(x1[...], w_nu0[0:128, :]) + dot(agg2, w_nu0[128:240, :])
                    + b_nu0[...], 0.0)
    z = jnp.maximum(dot(z, w_nu1[...]) + b_nu1[...], 0.0)
    out_o[...] = dot(z, w_nu2[...]) + b_nu2[...]


def _row_spec(r, w):
    return pl.BlockSpec((r, w), lambda i: (i, 0))


def _full_spec(shape):
    nd = len(shape)
    return pl.BlockSpec(shape, lambda i: (0,) * nd)


def kernel(x, edge_index, edge_attr, params):
    n = x.shape[0]
    e = edge_index.shape[1]
    n_pad = _round_up(n + 1, NS * CHUNK)
    e_pad = _round_up(e, NW * CHUNK)

    src = edge_index[0]
    dst = edge_index[1]
    pad_e = e_pad - e
    src_p = jnp.concatenate([src, jnp.zeros((pad_e,), jnp.int32)])
    dst_p = jnp.concatenate(
        [dst, n + (jnp.arange(pad_e, dtype=jnp.int32) % (n_pad - n))])
    x8 = jnp.pad(x, ((0, 0), (0, 5)))
    ea8 = jnp.pad(
        jnp.concatenate([edge_attr, jnp.ones((e, 1), jnp.float32)], axis=1),
        ((0, pad_e), (0, 0)))

    sc_a = _make_scatter_kernel(n_pad, e_pad, widths=(8, 8), n_tables=1,
                                split=(46, 34))
    z8 = jnp.zeros((CHUNK, 8), jnp.float32)
    xs_c, ea_c = sc_a(src_p, dst_p, x8, ea8, z8, z8)

    (w_nb, b_nb), = params['l1_nb']
    (wn0, bn0), (wn1, bn1), (wn2, bn2) = params['l1_nu']
    (w_ed, b_ed), = params['l1_ed']
    (w_eu, b_eu), = params['l1_eu']
    (w_2nb, b_2nb), = params['l2_nb']
    r = 1000
    grid = n // r
    row2 = lambda w: _row_spec(r, w)
    stk = lambda w: pl.BlockSpec((2, r, w), lambda i: (0, i, 0))
    tc1 = pl.pallas_call(
        _tc1_body,
        grid=(grid,),
        in_specs=[row2(3), stk(8), stk(8)]
                 + [_full_spec(s.shape) for s in (
                     w_nb, b_nb.reshape(1, -1), wn0, bn0.reshape(1, -1),
                     wn1, bn1.reshape(1, -1), wn2, bn2.reshape(1, -1),
                     w_ed, b_ed.reshape(1, -1), w_eu, b_eu.reshape(1, -1),
                     w_2nb, b_2nb.reshape(1, -1))],
        out_specs=[row2(128), row2(112), row2(112), row2(1)],
        out_shape=[jax.ShapeDtypeStruct((n, 128), jnp.float32),
                   jax.ShapeDtypeStruct((n, 112), jnp.float32),
                   jax.ShapeDtypeStruct((n, 112), jnp.float32),
                   jax.ShapeDtypeStruct((n, 1), jnp.float32)],
    )
    x1, a_mat, rinv, inv = tc1(
        x, xs_c, ea_c,
        w_nb, b_nb.reshape(1, -1), wn0, bn0.reshape(1, -1),
        wn1, bn1.reshape(1, -1), wn2, bn2.reshape(1, -1),
        w_ed, b_ed.reshape(1, -1), w_eu, b_eu.reshape(1, -1),
        w_2nb, b_2nb.reshape(1, -1))

    sc_b = _make_scatter_kernel(n_pad, e_pad, widths=(112,), n_tables=1,
                                split=(60, 20))
    z112 = jnp.zeros((CHUNK, 112), jnp.float32)
    as_c, = sc_b(src_p, dst_p, a_mat, z112)

    (w2n0, b2n0), (w2n1, b2n1), (w2n2, b2n2) = params['l2_nu']
    tc2 = pl.pallas_call(
        _tc2_body,
        grid=(grid,),
        in_specs=[row2(128), stk(112), row2(112), row2(1)]
                 + [_full_spec(s.shape) for s in (
                     w2n0, b2n0.reshape(1, -1), w2n1, b2n1.reshape(1, -1),
                     w2n2, b2n2.reshape(1, -1))],
        out_specs=[row2(264)],
        out_shape=[jax.ShapeDtypeStruct((n, 264), jnp.float32)],
    )
    x2, = tc2(x1, as_c, rinv, inv,
              w2n0, b2n0.reshape(1, -1), w2n1, b2n1.reshape(1, -1),
              w2n2, b2n2.reshape(1, -1))
    return x2

# --- scband reference (transcript-rebuilt; emitter-appended) ---
"""Pipeline reference for scband-gnncap-model-37168646979921 (READ-ONLY COPY).

The authoritative reference and input builder live on the scoring server;
editing this copy changes nothing except your own understanding.
"""

import jax, jax.numpy as jnp
import numpy as np

N_NODES = 10000
N_EDGES = 160000


def _lin(key, din, dout):
    k1, k2 = jax.random.split(key)
    lim = 1.0 / np.sqrt(din)
    W = jax.random.uniform(k1, (din, dout), minval=-lim, maxval=lim, dtype=jnp.float32)
    b = jax.random.uniform(k2, (dout,), minval=-lim, maxval=lim, dtype=jnp.float32)
    return (W, b)


def _mlp(x, layers):
    n = len(layers)
    for i, (W, b) in enumerate(layers):
        x = x @ W + b
        if i < n - 1:
            x = jax.nn.relu(x)
    return x


def setup_inputs(seed: int = 0):
    key = jax.random.key(seed)
    ks = jax.random.split(key, 4)
    x = jax.random.normal(ks[0], (N_NODES, 3), dtype=jnp.float32)
    edge_index = jax.random.randint(ks[1], (2, N_EDGES), 0, N_NODES, dtype=jnp.int32)
    edge_attr = jax.random.normal(ks[2], (N_EDGES, 7), dtype=jnp.float32)
    pk = jax.random.split(ks[3], 12)
    params = {
        'l1_nb': [_lin(pk[0], 3 + 7, 42)],
        'l1_nu': [_lin(pk[1], 3 + 42, 83), _lin(pk[2], 83, 71), _lin(pk[3], 71, 128)],
        'l1_ed': [_lin(pk[4], 7, 128)],
        'l1_eu': [_lin(pk[5], 3 * 128, 128)],
        'l2_nb': [_lin(pk[6], 128 + 128, 112)],
        'l2_nu': [_lin(pk[7], 128 + 112, 184), _lin(pk[8], 184, 80), _lin(pk[9], 80, 264)],
        'l2_ed': [_lin(pk[10], 128, 264)],
        'l2_eu': [_lin(pk[11], 3 * 264, 264)],
    }
    return {'x': x, 'edge_index': edge_index, 'edge_attr': edge_attr, 'params': params}


def _conv(x, edge_index, edge_attr, nb, nu, ed, eu):
    num_nodes = x.shape[0]
    src = edge_index[0]
    dst = edge_index[1]
    # message: MLP(concat(x_j, e_ij))
    msgs = _mlp(jnp.concatenate([x[src], edge_attr], axis=1), nb)
    # mean aggregation at destination nodes (PyG aggr='mean')
    agg = jax.ops.segment_sum(msgs, dst, num_segments=num_nodes)
    cnt = jax.ops.segment_sum(jnp.ones((edge_index.shape[1],), dtype=x.dtype), dst, num_segments=num_nodes)
    agg = agg / jnp.clip(cnt, 1.0)[:, None]
    # update: MLP(concat(x, agg))
    updated_x = _mlp(jnp.concatenate([x, agg], axis=1), nu)
    # edge update: MLP(concat(h_src, h_dst, MLP_dim(e)))
    e_t = _mlp(edge_attr, ed)
    updated_e = _mlp(jnp.concatenate([updated_x[src], updated_x[dst], e_t], axis=1), eu)
    return updated_x, updated_e


def reference(x, edge_index, edge_attr, params):
    x1, e1 = _conv(x, edge_index, edge_attr, params['l1_nb'], params['l1_nu'], params['l1_ed'], params['l1_eu'])
    x2, e2 = _conv(x1, edge_index, e1, params['l2_nb'], params['l2_nu'], params['l2_ed'], params['l2_eu'])
    return x2

if __name__ == "__main__":
    import jax
    _d = setup_inputs()
    print(jax.jit(kernel)(*tuple(_d.values())))

</pallas_src>

<mosaic_0001>
#map = affine_map<(d0, d1) -> (0)>
#map1 = affine_map<(d0, d1) -> (0, 0)>
#map2 = affine_map<(d0, d1) -> (0, 0, 0)>
module attributes {stable_mosaic.version = 14 : i64} {
  func.func @kern(%arg0: i32, %arg1: i32, %arg2: memref<163840xi32, #tpu.memory_space<hbm>>, %arg3: memref<163840xi32, #tpu.memory_space<hbm>>, %arg4: memref<10000x8xf32, #tpu.memory_space<hbm>>, %arg5: memref<163840x8xf32, #tpu.memory_space<hbm>>, %arg6: memref<128x8xf32, #tpu.memory_space<hbm>>, %arg7: memref<128x8xf32, #tpu.memory_space<hbm>>, %arg8: memref<2x10240x8xf32, #tpu.memory_space<hbm>>, %arg9: memref<2x10240x8xf32, #tpu.memory_space<hbm>>, %arg10: memref<40x128xi32, #tpu.memory_space<vmem>>, %arg11: memref<40x128xi32, #tpu.memory_space<vmem>>, %arg12: memref<2x128x8xf32, #tpu.memory_space<vmem>>, %arg13: memref<2x128x8xf32, #tpu.memory_space<vmem>>, %arg14: memref<128x8xf32, #tpu.memory_space<vmem>>, %arg15: memref<128x8xf32, #tpu.memory_space<vmem>>, %arg16: memref<10240x8xf32, #tpu.memory_space<vmem_shared>>, %arg17: memref<10240x8xf32, #tpu.memory_space<vmem_shared>>, %arg18: memref<!tpu.dma_semaphore, #tpu.memory_space<semaphore_mem>>, %arg19: memref<!tpu.dma_semaphore, #tpu.memory_space<semaphore_mem>>) attributes {dimension_semantics = [#tpu.dimension_semantics<core_parallel>, #tpu.dimension_semantics<subcore_parallel>], iteration_bounds = array<i64: 2, 16>, scalar_prefetch = 0 : i64, scratch_operands = 10 : i64, tpu.core_type = #tpu.core_type<sc_vector_subcore>, window_params = [{transform_indices = #map}, {transform_indices = #map}, {transform_indices = #map1}, {transform_indices = #map1}, {transform_indices = #map1}, {transform_indices = #map1}, {transform_indices = #map2}, {transform_indices = #map2}]} {
    %eq3A = arith.constant 0 : i32
    %eq3A_0 = arith.cmpi eq, %arg0, %eq3A : i32
    %jit3A = arith.constant 46 : i32
    %jit3A_1 = arith.constant 34 : i32
    %select_n3A = arith.select %eq3A_0, %jit3A, %jit3A_1 : i32
    %mul3A = arith.constant 80 : i32
    %mul3A_2 = arith.muli %arg1, %mul3A : i32
    %mul3A_3 = arith.constant 46 : i32
    %mul3A_4 = arith.muli %arg0, %mul3A_3 : i32
    %add3A = arith.addi %mul3A_2, %mul3A_4 : i32
    %add3A_5 = arith.constant 0 : i32
    %add3A_6 = arith.addi %add3A, %add3A_5 : i32
    %sub3A = arith.constant 0 : i32
    %sub3A_7 = arith.subi %select_n3A, %sub3A : i32
    %jit3A_8 = arith.constant 0 : i32
    %jit3A_9 = arith.constant 40 : i32
    %max3A = arith.maxsi %jit3A_8, %sub3A_7 : i32
    %min3A = arith.minsi %jit3A_9, %max3A : i32
    %while3A = arith.constant 0 : i32
    %while3A_10 = arith.constant 0 : i32
    %while3A_11 = arith.subi %min3A, %while3A_10 : i32
    %while3A_12 = arith.addi %while3A_10, %while3A_11 : i32
    %while3A_13 = arith.constant 1 : i32
    %while3A_14 = arith.divsi %while3A_11, %while3A_13 : i32
    %while3A_15 = arith.muli %while3A_14, %while3A_13 : i32
    %while3A_16 = arith.addi %while3A_10, %while3A_15 : i32
    %while3A_17 = arith.constant 1 : i32
    scf.for %while3A_164 = %while3A_10 to %while3A_16 step %while3A_17  : i32 {
      %add3A_165 = arith.addi %add3A_6, %while3A_164 : i32
      %mul3A_166 = arith.constant 128 : i32
      %mul3A_167 = arith.muli %add3A_165, %mul3A_166 : i32
      %dma_start3A = arith.constant 0 : i32
      %dma_start3A_168 = tpu.memref_slice %arg10[%while3A_164, %dma_start3A] : memref<40x128xi32, #tpu.memory_space<vmem>> -> memref<1x128xi32, #tpu.memory_space<vmem>>
      %dma_start3A_169 = tpu.memref_squeeze %dma_start3A_168 : memref<1x128xi32, #tpu.memory_space<vmem>> -> memref<128xi32, #tpu.memory_space<vmem>>
      %dma_start3A_170 = tpu.memref_slice %arg2[%mul3A_167] : memref<163840xi32, #tpu.memory_space<hbm>> -> memref<128xi32, #tpu.memory_space<hbm>>
      %dma_start3A_171 = arith.constant 0 : i32
      %dma_start3A_172 = tpu.memref_slice %arg10[%while3A_164, %dma_start3A_171] : memref<40x128xi32, #tpu.memory_space<vmem>> -> memref<1x128xi32, #tpu.memory_space<vmem>>
      %dma_start3A_173 = tpu.memref_squeeze %dma_start3A_172 : memref<1x128xi32, #tpu.memory_space<vmem>> -> memref<128xi32, #tpu.memory_space<vmem>>
      %dma_start3A_174 = tpu.memref_slice %arg2[%mul3A_167] : memref<163840xi32, #tpu.memory_space<hbm>> -> memref<128xi32, #tpu.memory_space<hbm>>
      tpu.enqueue_dma source(%dma_start3A_174 : memref<128xi32, #tpu.memory_space<hbm>>) target(%dma_start3A_173 : memref<128xi32, #tpu.memory_space<vmem>>) target_semaphore(%arg19 : memref<!tpu.dma_semaphore, #tpu.memory_space<semaphore_mem>>)
      %dma_start3A_175 = arith.constant 0 : i32
      %dma_start3A_176 = tpu.memref_slice %arg11[%while3A_164, %dma_start3A_175] : memref<40x128xi32, #tpu.memory_space<vmem>> -> memref<1x128xi32, #tpu.memory_space<vmem>>
      %dma_start3A_177 = tpu.memref_squeeze %dma_start3A_176 : memref<1x128xi32, #tpu.memory_space<vmem>> -> memref<128xi32, #tpu.memory_space<vmem>>
      %dma_start3A_178 = tpu.memref_slice %arg3[%mul3A_167] : memref<163840xi32, #tpu.memory_space<hbm>> -> memref<128xi32, #tpu.memory_space<hbm>>
      %dma_start3A_179 = arith.constant 0 : i32
      %dma_start3A_180 = tpu.memref_slice %arg11[%while3A_164, %dma_start3A_179] : memref<40x128xi32, #tpu.memory_space<vmem>> -> memref<1x128xi32, #tpu.memory_space<vmem>>
      %dma_start3A_181 = tpu.memref_squeeze %dma_start3A_180 : memref<1x128xi32, #tpu.memory_space<vmem>> -> memref<128xi32, #tpu.memory_space<vmem>>
      %dma_start3A_182 = tpu.memref_slice %arg3[%mul3A_167] : memref<163840xi32, #tpu.memory_space<hbm>> -> memref<128xi32, #tpu.memory_space<hbm>>
      tpu.enqueue_dma source(%dma_start3A_182 : memref<128xi32, #tpu.memory_space<hbm>>) target(%dma_start3A_181 : memref<128xi32, #tpu.memory_space<vmem>>) target_semaphore(%arg19 : memref<!tpu.dma_semaphore, #tpu.memory_space<semaphore_mem>>)
    }
    %while3A_18 = arith.constant 1 : i32
    scf.for %while3A_164 = %while3A_16 to %while3A_12 step %while3A_18  : i32 {
      %add3A_165 = arith.addi %add3A_6, %while3A_164 : i32
      %mul3A_166 = arith.constant 128 : i32
      %mul3A_167 = arith.muli %add3A_165, %mul3A_166 : i32
      %dma_start3A = arith.constant 0 : i32
      %dma_start3A_168 = tpu.memref_slice %arg10[%while3A_164, %dma_start3A] : memref<40x128xi32, #tpu.memory_space<vmem>> -> memref<1x128xi32, #tpu.memory_space<vmem>>
      %dma_start3A_169 = tpu.memref_squeeze %dma_start3A_168 : memref<1x128xi32, #tpu.memory_space<vmem>> -> memref<128xi32, #tpu.memory_space<vmem>>
      %dma_start3A_170 = tpu.memref_slice %arg2[%mul3A_167] : memref<163840xi32, #tpu.memory_space<hbm>> -> memref<128xi32, #tpu.memory_space<hbm>>
      %dma_start3A_171 = arith.constant 0 : i32
      %dma_start3A_172 = tpu.memref_slice %arg10[%while3A_164, %dma_start3A_171] : memref<40x128xi32, #tpu.memory_space<vmem>> -> memref<1x128xi32, #tpu.memory_space<vmem>>
      %dma_start3A_173 = tpu.memref_squeeze %dma_start3A_172 : memref<1x128xi32, #tpu.memory_space<vmem>> -> memref<128xi32, #tpu.memory_space<vmem>>
      %dma_start3A_174 = tpu.memref_slice %arg2[%mul3A_167] : memref<163840xi32, #tpu.memory_space<hbm>> -> memref<128xi32, #tpu.memory_space<hbm>>
      tpu.enqueue_dma source(%dma_start3A_174 : memref<128xi32, #tpu.memory_space<hbm>>) target(%dma_start3A_173 : memref<128xi32, #tpu.memory_space<vmem>>) target_semaphore(%arg19 : memref<!tpu.dma_semaphore, #tpu.memory_space<semaphore_mem>>)
      %dma_start3A_175 = arith.constant 0 : i32
      %dma_start3A_176 = tpu.memref_slice %arg11[%while3A_164, %dma_start3A_175] : memref<40x128xi32, #tpu.memory_space<vmem>> -> memref<1x128xi32, #tpu.memory_space<vmem>>
      %dma_start3A_177 = tpu.memref_squeeze %dma_start3A_176 : memref<1x128xi32, #tpu.memory_space<vmem>> -> memref<128xi32, #tpu.memory_space<vmem>>
      %dma_start3A_178 = tpu.memref_slice %arg3[%mul3A_167] : memref<163840xi32, #tpu.memory_space<hbm>> -> memref<128xi32, #tpu.memory_space<hbm>>
      %dma_start3A_179 = arith.constant 0 : i32
      %dma_start3A_180 = tpu.memref_slice %arg11[%while3A_164, %dma_start3A_179] : memref<40x128xi32, #tpu.memory_space<vmem>> -> memref<1x128xi32, #tpu.memory_space<vmem>>
      %dma_start3A_181 = tpu.memref_squeeze %dma_start3A_180 : memref<1x128xi32, #tpu.memory_space<vmem>> -> memref<128xi32, #tpu.memory_space<vmem>>
      %dma_start3A_182 = tpu.memref_slice %arg3[%mul3A_167] : memref<163840xi32, #tpu.memory_space<hbm>> -> memref<128xi32, #tpu.memory_space<hbm>>
      tpu.enqueue_dma source(%dma_start3A_182 : memref<128xi32, #tpu.memory_space<hbm>>) target(%dma_start3A_181 : memref<128xi32, #tpu.memory_space<vmem>>) target_semaphore(%arg19 : memref<!tpu.dma_semaphore, #tpu.memory_space<semaphore_mem>>)
    }
    %gt3A = arith.constant 0 : i32
    %gt3A_19 = arith.cmpi sgt, %select_n3A, %gt3A : i32
    %convert_element_type3A = arith.extui %gt3A_19 : i1 to i32
    %cond3A = arith.constant 0 : i32
    %cond3A_20 = arith.cmpi ne, %convert_element_type3A, %cond3A : i32
    scf.if %cond3A_20 {
      "tpu.region"() ({
        %run_scoped3A = tpu.sem_alloc : memref<!tpu.dma_semaphore, #tpu.memory_space<semaphore_mem>>
        tpu.enqueue_dma source(%arg6 : memref<128x8xf32, #tpu.memory_space<hbm>>) target(%arg14 : memref<128x8xf32, #tpu.memory_space<vmem>>) target_semaphore(%run_scoped3A : memref<!tpu.dma_semaphore, #tpu.memory_space<semaphore_mem>>)
        tpu.wait_dma2 semaphore(%run_scoped3A : memref<!tpu.dma_semaphore, #tpu.memory_space<semaphore_mem>>) src(%arg6 : memref<128x8xf32, #tpu.memory_space<hbm>>) dst(%arg14 : memref<128x8xf32, #tpu.memory_space<vmem>>)
        tpu.yield
      }) : () -> ()
      "tpu.region"() ({
        %run_scoped3A = tpu.sem_alloc : memref<!tpu.dma_semaphore, #tpu.memory_space<semaphore_mem>>
        tpu.enqueue_dma source(%arg7 : memref<128x8xf32, #tpu.memory_space<hbm>>) target(%arg15 : memref<128x8xf32, #tpu.memory_space<vmem>>) target_semaphore(%run_scoped3A : memref<!tpu.dma_semaphore, #tpu.memory_space<semaphore_mem>>)
        tpu.wait_dma2 semaphore(%run_scoped3A : memref<!tpu.dma_semaphore, #tpu.memory_space<semaphore_mem>>) src(%arg7 : memref<128x8xf32, #tpu.memory_space<hbm>>) dst(%arg15 : memref<128x8xf32, #tpu.memory_space<vmem>>)
        tpu.yield
      }) : () -> ()
      %mul3A_164 = arith.constant 5 : i32
      %mul3A_165 = arith.muli %arg1, %mul3A_164 : i32
      %add3A_166 = arith.constant 0 : i32
      %add3A_167 = arith.addi %mul3A_165, %add3A_166 : i32
      %mul3A_168 = arith.constant 128 : i32
      %mul3A_169 = arith.muli %add3A_167, %mul3A_168 : i32
      "tpu.region"() ({
        %run_scoped3A = tpu.sem_alloc : memref<!tpu.dma_semaphore, #tpu.memory_space<semaphore_mem>>
        %dma_start3A = arith.constant 0 : i32
        %dma_start3A_194 = tpu.memref_slice %arg16[%mul3A_169, %dma_start3A] : memref<10240x8xf32, #tpu.memory_space<vmem_shared>> -> memref<128x8xf32, #tpu.memory_space<vmem_shared>>
        %dma_start3A_195 = arith.constant 0 : i32
        %dma_start3A_196 = tpu.memref_slice %arg16[%mul3A_169, %dma_start3A_195] : memref<10240x8xf32, #tpu.memory_space<vmem_shared>> -> memref<128x8xf32, #tpu.memory_space<vmem_shared>>
        tpu.enqueue_dma source(%arg14 : memref<128x8xf32, #tpu.memory_space<vmem>>) target(%dma_start3A_196 : memref<128x8xf32, #tpu.memory_space<vmem_shared>>) target_semaphore(%run_scoped3A : memref<!tpu.dma_semaphore, #tpu.memory_space<semaphore_mem>>)
        %dma_wait3A = arith.constant 0 : i32
        %dma_wait3A_197 = tpu.memref_slice %arg16[%mul3A_169, %dma_wait3A] : memref<10240x8xf32, #tpu.memory_space<vmem_shared>> -> memref<128x8xf32, #tpu.memory_space<vmem_shared>>
        %dma_wait3A_198 = arith.constant 0 : i32
        %dma_wait3A_199 = tpu.memref_slice %arg16[%mul3A_169, %dma_wait3A_198] : memref<10240x8xf32, #tpu.memory_space<vmem_shared>> -> memref<128x8xf32, #tpu.memory_space<vmem_shared>>
        tpu.wait_dma2 semaphore(%run_scoped3A : memref<!tpu.dma_semaphore, #tpu.memory_space<semaphore_mem>>) src(%arg14 : memref<128x8xf32, #tpu.memory_space<vmem>>) dst(%dma_wait3A_199 : memref<128x8xf32, #tpu.memory_space<vmem_shared>>)
        tpu.yield
      }) : () -> ()
      "tpu.region"() ({
        %run_scoped3A = tpu.sem_alloc : memref<!tpu.dma_semaphore, #tpu.memory_space<semaphore_mem>>
        %dma_start3A = arith.constant 0 : i32
        %dma_start3A_194 = tpu.memref_slice %arg17[%mul3A_169, %dma_start3A] : memref<10240x8xf32, #tpu.memory_space<vmem_shared>> -> memref<128x8xf32, #tpu.memory_space<vmem_shared>>
        %dma_start3A_195 = arith.constant 0 : i32
        %dma_start3A_196 = tpu.memref_slice %arg17[%mul3A_169, %dma_start3A_195] : memref<10240x8xf32, #tpu.memory_space<vmem_shared>> -> memref<128x8xf32, #tpu.memory_space<vmem_shared>>
        tpu.enqueue_dma source(%arg15 : memref<128x8xf32, #tpu.memory_space<vmem>>) target(%dma_start3A_196 : memref<128x8xf32, #tpu.memory_space<vmem_shared>>) target_semaphore(%run_scoped3A : memref<!tpu.dma_semaphore, #tpu.memory_space<semaphore_mem>>)
        %dma_wait3A = arith.constant 0 : i32
        %dma_wait3A_197 = tpu.memref_slice %arg17[%mul3A_169, %dma_wait3A] : memref<10240x8xf32, #tpu.memory_space<vmem_shared>> -> memref<128x8xf32, #tpu.memory_space<vmem_shared>>
        %dma_wait3A_198 = arith.constant 0 : i32
        %dma_wait3A_199 = tpu.memref_slice %arg17[%mul3A_169, %dma_wait3A_198] : memref<10240x8xf32, #tpu.memory_space<vmem_shared>> -> memref<128x8xf32, #tpu.memory_space<vmem_shared>>
        tpu.wait_dma2 semaphore(%run_scoped3A : memref<!tpu.dma_semaphore, #tpu.memory_space<semaphore_mem>>) src(%arg15 : memref<128x8xf32, #tpu.memory_space<vmem>>) dst(%dma_wait3A_199 : memref<128x8xf32, #tpu.memory_space<vmem_shared>>)
        tpu.yield
      }) : () -> ()
      %mul3A_170 = arith.constant 5 : i32
      %mul3A_171 = arith.muli %arg1, %mul3A_170 : i32
      %add3A_172 = arith.constant 1 : i32
      %add3A_173 = arith.addi %mul3A_171, %add3A_172 : i32
      %mul3A_174 = arith.constant 128 : i32
      %mul3A_175 = arith.muli %add3A_173, %mul3A_174 : i32
      "tpu.region"() ({
        %run_scoped3A = tpu.sem_alloc : memref<!tpu.dma_semaphore, #tpu.memory_space<semaphore_mem>>
        %dma_start3A = arith.constant 0 : i32
        %dma_start3A_194 = tpu.memref_slice %arg16[%mul3A_175, %dma_start3A] : memref<10240x8xf32, #tpu.memory_space<vmem_shared>> -> memref<128x8xf32, #tpu.memory_space<vmem_shared>>
        %dma_start3A_195 = arith.constant 0 : i32
        %dma_start3A_196 = tpu.memref_slice %arg16[%mul3A_175, %dma_start3A_195] : memref<10240x8xf32, #tpu.memory_space<vmem_shared>> -> memref<128x8xf32, #tpu.memory_space<vmem_shared>>
        tpu.enqueue_dma source(%arg14 : memref<128x8xf32, #tpu.memory_space<vmem>>) target(%dma_start3A_196 : memref<128x8xf32, #tpu.memory_space<vmem_shared>>) target_semaphore(%run_scoped3A : memref<!tpu.dma_semaphore, #tpu.memory_space<semaphore_mem>>)
        %dma_wait3A = arith.constant 0 : i32
        %dma_wait3A_197 = tpu.memref_slice %arg16[%mul3A_175, %dma_wait3A] : memref<10240x8xf32, #tpu.memory_space<vmem_shared>> -> memref<128x8xf32, #tpu.memory_space<vmem_shared>>
        %dma_wait3A_198 = arith.constant 0 : i32
        %dma_wait3A_199 = tpu.memref_slice %arg16[%mul3A_175, %dma_wait3A_198] : memref<10240x8xf32, #tpu.memory_space<vmem_shared>> -> memref<128x8xf32, #tpu.memory_space<vmem_shared>>
        tpu.wait_dma2 semaphore(%run_scoped3A : memref<!tpu.dma_semaphore, #tpu.memory_space<semaphore_mem>>) src(%arg14 : memref<128x8xf32, #tpu.memory_space<vmem>>) dst(%dma_wait3A_199 : memref<128x8xf32, #tpu.memory_space<vmem_shared>>)
        tpu.yield
      }) : () -> ()
      "tpu.region"() ({
        %run_scoped3A = tpu.sem_alloc : memref<!tpu.dma_semaphore, #tpu.memory_space<semaphore_mem>>
        %dma_start3A = arith.constant 0 : i32
        %dma_start3A_194 = tpu.memref_slice %arg17[%mul3A_175, %dma_start3A] : memref<10240x8xf32, #tpu.memory_space<vmem_shared>> -> memref<128x8xf32, #tpu.memory_space<vmem_shared>>
        %dma_start3A_195 = arith.constant 0 : i32
        %dma_start3A_196 = tpu.memref_slice %arg17[%mul3A_175, %dma_start3A_195] : memref<10240x8xf32, #tpu.memory_space<vmem_shared>> -> memref<128x8xf32, #tpu.memory_space<vmem_shared>>
        tpu.enqueue_dma source(%arg15 : memref<128x8xf32, #tpu.memory_space<vmem>>) target(%dma_start3A_196 : memref<128x8xf32, #tpu.memory_space<vmem_shared>>) target_semaphore(%run_scoped3A : memref<!tpu.dma_semaphore, #tpu.memory_space<semaphore_mem>>)
        %dma_wait3A = arith.constant 0 : i32
        %dma_wait3A_197 = tpu.memref_slice %arg17[%mul3A_175, %dma_wait3A] : memref<10240x8xf32, #tpu.memory_space<vmem_shared>> -> memref<128x8xf32, #tpu.memory_space<vmem_shared>>
        %dma_wait3A_198 = arith.constant 0 : i32
        %dma_wait3A_199 = tpu.memref_slice %arg17[%mul3A_175, %dma_wait3A_198] : memref<10240x8xf32, #tpu.memory_space<vmem_shared>> -> memref<128x8xf32, #tpu.memory_space<vmem_shared>>
        tpu.wait_dma2 semaphore(%run_scoped3A : memref<!tpu.dma_semaphore, #tpu.memory_space<semaphore_mem>>) src(%arg15 : memref<128x8xf32, #tpu.memory_space<vmem>>) dst(%dma_wait3A_199 : memref<128x8xf32, #tpu.memory_space<vmem_shared>>)
        tpu.yield
      }) : () -> ()
      %mul3A_176 = arith.constant 5 : i32
      %mul3A_177 = arith.muli %arg1, %mul3A_176 : i32
      %add3A_178 = arith.constant 2 : i32
      %add3A_179 = arith.addi %mul3A_177, %add3A_178 : i32
      %mul3A_180 = arith.constant 128 : i32
      %mul3A_181 = arith.muli %add3A_179, %mul3A_180 : i32
      "tpu.region"() ({
        %run_scoped3A = tpu.sem_alloc : memref<!tpu.dma_semaphore, #tpu.memory_space<semaphore_mem>>
        %dma_start3A = arith.constant 0 : i32
        %dma_start3A_194 = tpu.memref_slice %arg16[%mul3A_181, %dma_start3A] : memref<10240x8xf32, #tpu.memory_space<vmem_shared>> -> memref<128x8xf32, #tpu.memory_space<vmem_shared>>
        %dma_start3A_195 = arith.constant 0 : i32
        %dma_start3A_196 = tpu.memref_slice %arg16[%mul3A_181, %dma_start3A_195] : memref<10240x8xf32, #tpu.memory_space<vmem_shared>> -> memref<128x8xf32, #tpu.memory_space<vmem_shared>>
        tpu.enqueue_dma source(%arg14 : memref<128x8xf32, #tpu.memory_space<vmem>>) target(%dma_start3A_196 : memref<128x8xf32, #tpu.memory_space<vmem_shared>>) target_semaphore(%run_scoped3A : memref<!tpu.dma_semaphore, #tpu.memory_space<semaphore_mem>>)
        %dma_wait3A = arith.constant 0 : i32
        %dma_wait3A_197 = tpu.memref_slice %arg16[%mul3A_181, %dma_wait3A] : memref<10240x8xf32, #tpu.memory_space<vmem_shared>> -> memref<128x8xf32, #tpu.memory_space<vmem_shared>>
        %dma_wait3A_198 = arith.constant 0 : i32
        %dma_wait3A_199 = tpu.memref_slice %arg16[%mul3A_181, %dma_wait3A_198] : memref<10240x8xf32, #tpu.memory_space<vmem_shared>> -> memref<128x8xf32, #tpu.memory_space<vmem_shared>>
        tpu.wait_dma2 semaphore(%run_scoped3A : memref<!tpu.dma_semaphore, #tpu.memory_space<semaphore_mem>>) src(%arg14 : memref<128x8xf32, #tpu.memory_space<vmem>>) dst(%dma_wait3A_199 : memref<128x8xf32, #tpu.memory_space<vmem_shared>>)
        tpu.yield
      }) : () -> ()
      "tpu.region"() ({
        %run_scoped3A = tpu.sem_alloc : memref<!tpu.dma_semaphore, #tpu.memory_space<semaphore_mem>>
        %dma_start3A = arith.constant 0 : i32
        %dma_start3A_194 = tpu.memref_slice %arg17[%mul3A_181, %dma_start3A] : memref<10240x8xf32, #tpu.memory_space<vmem_shared>> -> memref<128x8xf32, #tpu.memory_space<vmem_shared>>
        %dma_start3A_195 = arith.constant 0 : i32
        %dma_start3A_196 = tpu.memref_slice %arg17[%mul3A_181, %dma_start3A_195] : memref<10240x8xf32, #tpu.memory_space<vmem_shared>> -> memref<128x8xf32, #tpu.memory_space<vmem_shared>>
        tpu.enqueue_dma source(%arg15 : memref<128x8xf32, #tpu.memory_space<vmem>>) target(%dma_start3A_196 : memref<128x8xf32, #tpu.memory_space<vmem_shared>>) target_semaphore(%run_scoped3A : memref<!tpu.dma_semaphore, #tpu.memory_space<semaphore_mem>>)
        %dma_wait3A = arith.constant 0 : i32
        %dma_wait3A_197 = tpu.memref_slice %arg17[%mul3A_181, %dma_wait3A] : memref<10240x8xf32, #tpu.memory_space<vmem_shared>> -> memref<128x8xf32, #tpu.memory_space<vmem_shared>>
        %dma_wait3A_198 = arith.constant 0 : i32
        %dma_wait3A_199 = tpu.memref_slice %arg17[%mul3A_181, %dma_wait3A_198] : memref<10240x8xf32, #tpu.memory_space<vmem_shared>> -> memref<128x8xf32, #tpu.memory_space<vmem_shared>>
        tpu.wait_dma2 semaphore(%run_scoped3A : memref<!tpu.dma_semaphore, #tpu.memory_space<semaphore_mem>>) src(%arg15 : memref<128x8xf32, #tpu.memory_space<vmem>>) dst(%dma_wait3A_199 : memref<128x8xf32, #tpu.memory_space<vmem_shared>>)
        tpu.yield
      }) : () -> ()
      %mul3A_182 = arith.constant 5 : i32
      %mul3A_183 = arith.muli %arg1, %mul3A_182 : i32
      %add3A_184 = arith.constant 3 : i32
      %add3A_185 = arith.addi %mul3A_183, %add3A_184 : i32
      %mul3A_186 = arith.constant 128 : i32
      %mul3A_187 = arith.muli %add3A_185, %mul3A_186 : i32
      "tpu.region"() ({
        %run_scoped3A = tpu.sem_alloc : memref<!tpu.dma_semaphore, #tpu.memory_space<semaphore_mem>>
        %dma_start3A = arith.constant 0 : i32
        %dma_start3A_194 = tpu.memref_slice %arg16[%mul3A_187, %dma_start3A] : memref<10240x8xf32, #tpu.memory_space<vmem_shared>> -> memref<128x8xf32, #tpu.memory_space<vmem_shared>>
        %dma_start3A_195 = arith.constant 0 : i32
        %dma_start3A_196 = tpu.memref_slice %arg16[%mul3A_187, %dma_start3A_195] : memref<10240x8xf32, #tpu.memory_space<vmem_shared>> -> memref<128x8xf32, #tpu.memory_space<vmem_shared>>
        tpu.enqueue_dma source(%arg14 : memref<128x8xf32, #tpu.memory_space<vmem>>) target(%dma_start3A_196 : memref<128x8xf32, #tpu.memory_space<vmem_shared>>) target_semaphore(%run_scoped3A : memref<!tpu.dma_semaphore, #tpu.memory_space<semaphore_mem>>)
        %dma_wait3A = arith.constant 0 : i32
        %dma_wait3A_197 = tpu.memref_slice %arg16[%mul3A_187, %dma_wait3A] : memref<10240x8xf32, #tpu.memory_space<vmem_shared>> -> memref<128x8xf32, #tpu.memory_space<vmem_shared>>
        %dma_wait3A_198 = arith.constant 0 : i32
        %dma_wait3A_199 = tpu.memref_slice %arg16[%mul3A_187, %dma_wait3A_198] : memref<10240x8xf32, #tpu.memory_space<vmem_shared>> -> memref<128x8xf32, #tpu.memory_space<vmem_shared>>
        tpu.wait_dma2 semaphore(%run_scoped3A : memref<!tpu.dma_semaphore, #tpu.memory_space<semaphore_mem>>) src(%arg14 : memref<128x8xf32, #tpu.memory_space<vmem>>) dst(%dma_wait3A_199 : memref<128x8xf32, #tpu.memory_space<vmem_shared>>)
        tpu.yield
      }) : () -> ()
      "tpu.region"() ({
        %run_scoped3A = tpu.sem_alloc : memref<!tpu.dma_semaphore, #tpu.memory_space<semaphore_mem>>
        %dma_start3A = arith.constant 0 : i32
        %dma_start3A_194 = tpu.memref_slice %arg17[%mul3A_187, %dma_start3A] : memref<10240x8xf32, #tpu.memory_space<vmem_shared>> -> memref<128x8xf32, #tpu.memory_space<vmem_shared>>
        %dma_start3A_195 = arith.constant 0 : i32
        %dma_start3A_196 = tpu.memref_slice %arg17[%mul3A_187, %dma_start3A_195] : memref<10240x8xf32, #tpu.memory_space<vmem_shared>> -> memref<128x8xf32, #tpu.memory_space<vmem_shared>>
        tpu.enqueue_dma source(%arg15 : memref<128x8xf32, #tpu.memory_space<vmem>>) target(%dma_start3A_196 : memref<128x8xf32, #tpu.memory_space<vmem_shared>>) target_semaphore(%run_scoped3A : memref<!tpu.dma_semaphore, #tpu.memory_space<semaphore_mem>>)
        %dma_wait3A = arith.constant 0 : i32
        %dma_wait3A_197 = tpu.memref_slice %arg17[%mul3A_187, %dma_wait3A] : memref<10240x8xf32, #tpu.memory_space<vmem_shared>> -> memref<128x8xf32, #tpu.memory_space<vmem_shared>>
        %dma_wait3A_198 = arith.constant 0 : i32
        %dma_wait3A_199 = tpu.memref_slice %arg17[%mul3A_187, %dma_wait3A_198] : memref<10240x8xf32, #tpu.memory_space<vmem_shared>> -> memref<128x8xf32, #tpu.memory_space<vmem_shared>>
        tpu.wait_dma2 semaphore(%run_scoped3A : memref<!tpu.dma_semaphore, #tpu.memory_space<semaphore_mem>>) src(%arg15 : memref<128x8xf32, #tpu.memory_space<vmem>>) dst(%dma_wait3A_199 : memref<128x8xf32, #tpu.memory_space<vmem_shared>>)
        tpu.yield
      }) : () -> ()
      %mul3A_188 = arith.constant 5 : i32
      %mul3A_189 = arith.muli %arg1, %mul3A_188 : i32
      %add3A_190 = arith.constant 4 : i32
      %add3A_191 = arith.addi %mul3A_189, %add3A_190 : i32
      %mul3A_192 = arith.constant 128 : i32
      %mul3A_193 = arith.muli %add3A_191, %mul3A_192 : i32
      "tpu.region"() ({
        %run_scoped3A = tpu.sem_alloc : memref<!tpu.dma_semaphore, #tpu.memory_space<semaphore_mem>>
        %dma_start3A = arith.constant 0 : i32
        %dma_start3A_194 = tpu.memref_slice %arg16[%mul3A_193, %dma_start3A] : memref<10240x8xf32, #tpu.memory_space<vmem_shared>> -> memref<128x8xf32, #tpu.memory_space<vmem_shared>>
        %dma_start3A_195 = arith.constant 0 : i32
        %dma_start3A_196 = tpu.memref_slice %arg16[%mul3A_193, %dma_start3A_195] : memref<10240x8xf32, #tpu.memory_space<vmem_shared>> -> memref<128x8xf32, #tpu.memory_space<vmem_shared>>
        tpu.enqueue_dma source(%arg14 : memref<128x8xf32, #tpu.memory_space<vmem>>) target(%dma_start3A_196 : memref<128x8xf32, #tpu.memory_space<vmem_shared>>) target_semaphore(%run_scoped3A : memref<!tpu.dma_semaphore, #tpu.memory_space<semaphore_mem>>)
        %dma_wait3A = arith.constant 0 : i32
        %dma_wait3A_197 = tpu.memref_slice %arg16[%mul3A_193, %dma_wait3A] : memref<10240x8xf32, #tpu.memory_space<vmem_shared>> -> memref<128x8xf32, #tpu.memory_space<vmem_shared>>
        %dma_wait3A_198 = arith.constant 0 : i32
        %dma_wait3A_199 = tpu.memref_slice %arg16[%mul3A_193, %dma_wait3A_198] : memref<10240x8xf32, #tpu.memory_space<vmem_shared>> -> memref<128x8xf32, #tpu.memory_space<vmem_shared>>
        tpu.wait_dma2 semaphore(%run_scoped3A : memref<!tpu.dma_semaphore, #tpu.memory_space<semaphore_mem>>) src(%arg14 : memref<128x8xf32, #tpu.memory_space<vmem>>) dst(%dma_wait3A_199 : memref<128x8xf32, #tpu.memory_space<vmem_shared>>)
        tpu.yield
      }) : () -> ()
      "tpu.region"() ({
        %run_scoped3A = tpu.sem_alloc : memref<!tpu.dma_semaphore, #tpu.memory_space<semaphore_mem>>
        %dma_start3A = arith.constant 0 : i32
        %dma_start3A_194 = tpu.memref_slice %arg17[%mul3A_193, %dma_start3A] : memref<10240x8xf32, #tpu.memory_space<vmem_shared>> -> memref<128x8xf32, #tpu.memory_space<vmem_shared>>
        %dma_start3A_195 = arith.constant 0 : i32
        %dma_start3A_196 = tpu.memref_slice %arg17[%mul3A_193, %dma_start3A_195] : memref<10240x8xf32, #tpu.memory_space<vmem_shared>> -> memref<128x8xf32, #tpu.memory_space<vmem_shared>>
        tpu.enqueue_dma source(%arg15 : memref<128x8xf32, #tpu.memory_space<vmem>>) target(%dma_start3A_196 : memref<128x8xf32, #tpu.memory_space<vmem_shared>>) target_semaphore(%run_scoped3A : memref<!tpu.dma_semaphore, #tpu.memory_space<semaphore_mem>>)
        %dma_wait3A = arith.constant 0 : i32
        %dma_wait3A_197 = tpu.memref_slice %arg17[%mul3A_193, %dma_wait3A] : memref<10240x8xf32, #tpu.memory_space<vmem_shared>> -> memref<128x8xf32, #tpu.memory_space<vmem_shared>>
        %dma_wait3A_198 = arith.constant 0 : i32
        %dma_wait3A_199 = tpu.memref_slice %arg17[%mul3A_193, %dma_wait3A_198] : memref<10240x8xf32, #tpu.memory_space<vmem_shared>> -> memref<128x8xf32, #tpu.memory_space<vmem_shared>>
        tpu.wait_dma2 semaphore(%run_scoped3A : memref<!tpu.dma_semaphore, #tpu.memory_space<semaphore_mem>>) src(%arg15 : memref<128x8xf32, #tpu.memory_space<vmem>>) dst(%dma_wait3A_199 : memref<128x8xf32, #tpu.memory_space<vmem_shared>>)
        tpu.yield
      }) : () -> ()
    } else {
    }
    %add3A_21 = arith.constant 0 : i32
    %add3A_22 = arith.addi %add3A, %add3A_21 : i32
    %sub3A_23 = arith.constant 0 : i32
    %sub3A_24 = arith.subi %select_n3A, %sub3A_23 : i32
    %jit3A_25 = arith.constant 0 : i32
    %jit3A_26 = arith.constant 40 : i32
    %max3A_27 = arith.maxsi %jit3A_25, %sub3A_24 : i32
    %min3A_28 = arith.minsi %jit3A_26, %max3A_27 : i32
    %while3A_29 = arith.constant 0 : i32
    %while3A_30 = arith.constant 0 : i32
    %while3A_31 = arith.subi %min3A_28, %while3A_30 : i32
    %while3A_32 = arith.addi %while3A_30, %while3A_31 : i32
    %while3A_33 = arith.constant 1 : i32
    %while3A_34 = arith.divsi %while3A_31, %while3A_33 : i32
    %while3A_35 = arith.muli %while3A_34, %while3A_33 : i32
    %while3A_36 = arith.addi %while3A_30, %while3A_35 : i32
    %while3A_37 = arith.constant 1 : i32
    scf.for %while3A_164 = %while3A_30 to %while3A_36 step %while3A_37  : i32 {
      %add3A_165 = arith.addi %add3A_22, %while3A_164 : i32
      %mul3A_166 = arith.constant 128 : i32
      %mul3A_167 = arith.muli %add3A_165, %mul3A_166 : i32
      %dma_wait3A = arith.constant 0 : i32
      %dma_wait3A_168 = tpu.memref_slice %arg10[%while3A_164, %dma_wait3A] : memref<40x128xi32, #tpu.memory_space<vmem>> -> memref<1x128xi32, #tpu.memory_space<vmem>>
      %dma_wait3A_169 = tpu.memref_squeeze %dma_wait3A_168 : memref<1x128xi32, #tpu.memory_space<vmem>> -> memref<128xi32, #tpu.memory_space<vmem>>
      %dma_wait3A_170 = tpu.memref_slice %arg2[%mul3A_167] : memref<163840xi32, #tpu.memory_space<hbm>> -> memref<128xi32, #tpu.memory_space<hbm>>
      %dma_wait3A_171 = arith.constant 0 : i32
      %dma_wait3A_172 = tpu.memref_slice %arg10[%while3A_164, %dma_wait3A_171] : memref<40x128xi32, #tpu.memory_space<vmem>> -> memref<1x128xi32, #tpu.memory_space<vmem>>
      %dma_wait3A_173 = tpu.memref_squeeze %dma_wait3A_172 : memref<1x128xi32, #tpu.memory_space<vmem>> -> memref<128xi32, #tpu.memory_space<vmem>>
      %dma_wait3A_174 = tpu.memref_slice %arg2[%mul3A_167] : memref<163840xi32, #tpu.memory_space<hbm>> -> memref<128xi32, #tpu.memory_space<hbm>>
      tpu.wait_dma2 semaphore(%arg19 : memref<!tpu.dma_semaphore, #tpu.memory_space<semaphore_mem>>) src(%dma_wait3A_174 : memref<128xi32, #tpu.memory_space<hbm>>) dst(%dma_wait3A_173 : memref<128xi32, #tpu.memory_space<vmem>>)
      %dma_wait3A_175 = arith.constant 0 : i32
      %dma_wait3A_176 = tpu.memref_slice %arg11[%while3A_164, %dma_wait3A_175] : memref<40x128xi32, #tpu.memory_space<vmem>> -> memref<1x128xi32, #tpu.memory_space<vmem>>
      %dma_wait3A_177 = tpu.memref_squeeze %dma_wait3A_176 : memref<1x128xi32, #tpu.memory_space<vmem>> -> memref<128xi32, #tpu.memory_space<vmem>>
      %dma_wait3A_178 = tpu.memref_slice %arg3[%mul3A_167] : memref<163840xi32, #tpu.memory_space<hbm>> -> memref<128xi32, #tpu.memory_space<hbm>>
      %dma_wait3A_179 = arith.constant 0 : i32
      %dma_wait3A_180 = tpu.memref_slice %arg11[%while3A_164, %dma_wait3A_179] : memref<40x128xi32, #tpu.memory_space<vmem>> -> memref<1x128xi32, #tpu.memory_space<vmem>>
      %dma_wait3A_181 = tpu.memref_squeeze %dma_wait3A_180 : memref<1x128xi32, #tpu.memory_space<vmem>> -> memref<128xi32, #tpu.memory_space<vmem>>
      %dma_wait3A_182 = tpu.memref_slice %arg3[%mul3A_167] : memref<163840xi32, #tpu.memory_space<hbm>> -> memref<128xi32, #tpu.memory_space<hbm>>
      tpu.wait_dma2 semaphore(%arg19 : memref<!tpu.dma_semaphore, #tpu.memory_space<semaphore_mem>>) src(%dma_wait3A_182 : memref<128xi32, #tpu.memory_space<hbm>>) dst(%dma_wait3A_181 : memref<128xi32, #tpu.memory_space<vmem>>)
    }
    %while3A_38 = arith.constant 1 : i32
    scf.for %while3A_164 = %while3A_36 to %while3A_32 step %while3A_38  : i32 {
      %add3A_165 = arith.addi %add3A_22, %while3A_164 : i32
      %mul3A_166 = arith.constant 128 : i32
      %mul3A_167 = arith.muli %add3A_165, %mul3A_166 : i32
      %dma_wait3A = arith.constant 0 : i32
      %dma_wait3A_168 = tpu.memref_slice %arg10[%while3A_164, %dma_wait3A] : memref<40x128xi32, #tpu.memory_space<vmem>> -> memref<1x128xi32, #tpu.memory_space<vmem>>
      %dma_wait3A_169 = tpu.memref_squeeze %dma_wait3A_168 : memref<1x128xi32, #tpu.memory_space<vmem>> -> memref<128xi32, #tpu.memory_space<vmem>>
      %dma_wait3A_170 = tpu.memref_slice %arg2[%mul3A_167] : memref<163840xi32, #tpu.memory_space<hbm>> -> memref<128xi32, #tpu.memory_space<hbm>>
      %dma_wait3A_171 = arith.constant 0 : i32
      %dma_wait3A_172 = tpu.memref_slice %arg10[%while3A_164, %dma_wait3A_171] : memref<40x128xi32, #tpu.memory_space<vmem>> -> memref<1x128xi32, #tpu.memory_space<vmem>>
      %dma_wait3A_173 = tpu.memref_squeeze %dma_wait3A_172 : memref<1x128xi32, #tpu.memory_space<vmem>> -> memref<128xi32, #tpu.memory_space<vmem>>
      %dma_wait3A_174 = tpu.memref_slice %arg2[%mul3A_167] : memref<163840xi32, #tpu.memory_space<hbm>> -> memref<128xi32, #tpu.memory_space<hbm>>
      tpu.wait_dma2 semaphore(%arg19 : memref<!tpu.dma_semaphore, #tpu.memory_space<semaphore_mem>>) src(%dma_wait3A_174 : memref<128xi32, #tpu.memory_space<hbm>>) dst(%dma_wait3A_173 : memref<128xi32, #tpu.memory_space<vmem>>)
      %dma_wait3A_175 = arith.constant 0 : i32
      %dma_wait3A_176 = tpu.memref_slice %arg11[%while3A_164, %dma_wait3A_175] : memref<40x128xi32, #tpu.memory_space<vmem>> -> memref<1x128xi32, #tpu.memory_space<vmem>>
      %dma_wait3A_177 = tpu.memref_squeeze %dma_wait3A_176 : memref<1x128xi32, #tpu.memory_space<vmem>> -> memref<128xi32, #tpu.memory_space<vmem>>
      %dma_wait3A_178 = tpu.memref_slice %arg3[%mul3A_167] : memref<163840xi32, #tpu.memory_space<hbm>> -> memref<128xi32, #tpu.memory_space<hbm>>
      %dma_wait3A_179 = arith.constant 0 : i32
      %dma_wait3A_180 = tpu.memref_slice %arg11[%while3A_164, %dma_wait3A_179] : memref<40x128xi32, #tpu.memory_space<vmem>> -> memref<1x128xi32, #tpu.memory_space<vmem>>
      %dma_wait3A_181 = tpu.memref_squeeze %dma_wait3A_180 : memref<1x128xi32, #tpu.memory_space<vmem>> -> memref<128xi32, #tpu.memory_space<vmem>>
      %dma_wait3A_182 = tpu.memref_slice %arg3[%mul3A_167] : memref<163840xi32, #tpu.memory_space<hbm>> -> memref<128xi32, #tpu.memory_space<hbm>>
      tpu.wait_dma2 semaphore(%arg19 : memref<!tpu.dma_semaphore, #tpu.memory_space<semaphore_mem>>) src(%dma_wait3A_182 : memref<128xi32, #tpu.memory_space<hbm>>) dst(%dma_wait3A_181 : memref<128xi32, #tpu.memory_space<vmem>>)
    }
    %barrier3A = arith.constant 0 : index
    tpu.barrier barrier_id(%barrier3A)
    %add3A_39 = arith.constant 0 : i32
    %add3A_40 = arith.addi %add3A, %add3A_39 : i32
    %sub3A_41 = arith.constant 0 : i32
    %sub3A_42 = arith.subi %select_n3A, %sub3A_41 : i32
    %jit3A_43 = arith.constant 0 : i32
    %jit3A_44 = arith.constant 40 : i32
    %max3A_45 = arith.maxsi %jit3A_43, %sub3A_42 : i32
    %min3A_46 = arith.minsi %jit3A_44, %max3A_45 : i32
    %gt3A_47 = arith.constant 0 : i32
    %gt3A_48 = arith.cmpi sgt, %min3A_46, %gt3A_47 : i32
    %convert_element_type3A_49 = arith.extui %gt3A_48 : i1 to i32
    %cond3A_50 = arith.constant 0 : i32
    %cond3A_51 = arith.cmpi ne, %convert_element_type3A_49, %cond3A_50 : i32
    scf.if %cond3A_51 {
      %dma_start3A = arith.constant 0 : i32
      %dma_start3A_164 = arith.constant 0 : i32
      %dma_start3A_165 = arith.constant 0 : i32
      %dma_start3A_166 = arith.constant 0 : i32
      %dma_start3A_167 = tpu.memref_slice %arg12[%dma_start3A_164, %dma_start3A_165, %dma_start3A_166] : memref<2x128x8xf32, #tpu.memory_space<vmem>> -> memref<1x128x8xf32, #tpu.memory_space<vmem>>
      %dma_start3A_168 = tpu.memref_squeeze %dma_start3A_167 : memref<1x128x8xf32, #tpu.memory_space<vmem>> -> memref<128x8xf32, #tpu.memory_space<vmem>>
      %dma_start3A_169 = arith.constant 0 : i32
      %dma_start3A_170 = tpu.memref_slice %arg10[%dma_start3A, %dma_start3A_169] : memref<40x128xi32, #tpu.memory_space<vmem>> -> memref<1x128xi32, #tpu.memory_space<vmem>>
      %dma_start3A_171 = tpu.memref_squeeze %dma_start3A_170 : memref<1x128xi32, #tpu.memory_space<vmem>> -> memref<128xi32, #tpu.memory_space<vmem>>
      %dma_start3A_172 = arith.constant 0 : i32
      %dma_start3A_173 = arith.constant 0 : i32
      %dma_start3A_174 = tpu.memref_slice %arg4[%dma_start3A_172, %dma_start3A_173] : memref<10000x8xf32, #tpu.memory_space<hbm>> -> memref<10000x8xf32, #tpu.memory_space<hbm>>
      tpu.enqueue_indirect_dma source(%dma_start3A_174 : memref<10000x8xf32, #tpu.memory_space<hbm>>) target(%dma_start3A_168 : memref<128x8xf32, #tpu.memory_space<vmem>>) offsets(%dma_start3A_171 : memref<128xi32, #tpu.memory_space<vmem>>) semaphore(%arg18 : memref<!tpu.dma_semaphore, #tpu.memory_space<semaphore_mem>>)
      %add3A_175 = arith.constant 0 : i32
      %add3A_176 = arith.addi %add3A_40, %add3A_175 : i32
      %mul3A_177 = arith.constant 128 : i32
      %mul3A_178 = arith.muli %add3A_176, %mul3A_177 : i32
      %dma_start3A_179 = arith.constant 0 : i32
      %dma_start3A_180 = arith.constant 0 : i32
      %dma_start3A_181 = arith.constant 0 : i32
      %dma_start3A_182 = tpu.memref_slice %arg13[%dma_start3A_179, %dma_start3A_180, %dma_start3A_181] : memref<2x128x8xf32, #tpu.memory_space<vmem>> -> memref<1x128x8xf32, #tpu.memory_space<vmem>>
      %dma_start3A_183 = tpu.memref_squeeze %dma_start3A_182 : memref<1x128x8xf32, #tpu.memory_space<vmem>> -> memref<128x8xf32, #tpu.memory_space<vmem>>
      %dma_start3A_184 = arith.constant 0 : i32
      %dma_start3A_185 = tpu.memref_slice %arg5[%mul3A_178, %dma_start3A_184] : memref<163840x8xf32, #tpu.memory_space<hbm>> -> memref<128x8xf32, #tpu.memory_space<hbm>>
      %dma_start3A_186 = arith.constant 0 : i32
      %dma_start3A_187 = arith.constant 0 : i32
      %dma_start3A_188 = tpu.memref_slice %arg13[%dma_start3A_179, %dma_start3A_186, %dma_start3A_187] : memref<2x128x8xf32, #tpu.memory_space<vmem>> -> memref<1x128x8xf32, #tpu.memory_space<vmem>>
      %dma_start3A_189 = tpu.memref_squeeze %dma_start3A_188 : memref<1x128x8xf32, #tpu.memory_space<vmem>> -> memref<128x8xf32, #tpu.memory_space<vmem>>
      %dma_start3A_190 = arith.constant 0 : i32
      %dma_start3A_191 = tpu.memref_slice %arg5[%mul3A_178, %dma_start3A_190] : memref<163840x8xf32, #tpu.memory_space<hbm>> -> memref<128x8xf32, #tpu.memory_space<hbm>>
      tpu.enqueue_dma source(%dma_start3A_191 : memref<128x8xf32, #tpu.memory_space<hbm>>) target(%dma_start3A_189 : memref<128x8xf32, #tpu.memory_space<vmem>>) target_semaphore(%arg18 : memref<!tpu.dma_semaphore, #tpu.memory_space<semaphore_mem>>)
    } else {
    }
    %gt3A_52 = arith.constant 1 : i32
    %gt3A_53 = arith.cmpi sgt, %min3A_46, %gt3A_52 : i32
    %convert_element_type3A_54 = arith.extui %gt3A_53 : i1 to i32
    %cond3A_55 = arith.constant 0 : i32
    %cond3A_56 = arith.cmpi ne, %convert_element_type3A_54, %cond3A_55 : i32
    scf.if %cond3A_56 {
      %dma_start3A = arith.constant 1 : i32
      %dma_start3A_164 = arith.constant 1 : i32
      %dma_start3A_165 = arith.constant 0 : i32
      %dma_start3A_166 = arith.constant 0 : i32
      %dma_start3A_167 = tpu.memref_slice %arg12[%dma_start3A_164, %dma_start3A_165, %dma_start3A_166] : memref<2x128x8xf32, #tpu.memory_space<vmem>> -> memref<1x128x8xf32, #tpu.memory_space<vmem>>
      %dma_start3A_168 = tpu.memref_squeeze %dma_start3A_167 : memref<1x128x8xf32, #tpu.memory_space<vmem>> -> memref<128x8xf32, #tpu.memory_space<vmem>>
      %dma_start3A_169 = arith.constant 0 : i32
      %dma_start3A_170 = tpu.memref_slice %arg10[%dma_start3A, %dma_start3A_169] : memref<40x128xi32, #tpu.memory_space<vmem>> -> memref<1x128xi32, #tpu.memory_space<vmem>>
      %dma_start3A_171 = tpu.memref_squeeze %dma_start3A_170 : memref<1x128xi32, #tpu.memory_space<vmem>> -> memref<128xi32, #tpu.memory_space<vmem>>
      %dma_start3A_172 = arith.constant 0 : i32
      %dma_start3A_173 = arith.constant 0 : i32
      %dma_start3A_174 = tpu.memref_slice %arg4[%dma_start3A_172, %dma_start3A_173] : memref<10000x8xf32, #tpu.memory_space<hbm>> -> memref<10000x8xf32, #tpu.memory_space<hbm>>
      tpu.enqueue_indirect_dma source(%dma_start3A_174 : memref<10000x8xf32, #tpu.memory_space<hbm>>) target(%dma_start3A_168 : memref<128x8xf32, #tpu.memory_space<vmem>>) offsets(%dma_start3A_171 : memref<128xi32, #tpu.memory_space<vmem>>) semaphore(%arg18 : memref<!tpu.dma_semaphore, #tpu.memory_space<semaphore_mem>>)
      %add3A_175 = arith.constant 1 : i32
      %add3A_176 = arith.addi %add3A_40, %add3A_175 : i32
      %mul3A_177 = arith.constant 128 : i32
      %mul3A_178 = arith.muli %add3A_176, %mul3A_177 : i32
      %dma_start3A_179 = arith.constant 1 : i32
      %dma_start3A_180 = arith.constant 0 : i32
      %dma_start3A_181 = arith.constant 0 : i32
      %dma_start3A_182 = tpu.memref_slice %arg13[%dma_start3A_179, %dma_start3A_180, %dma_start3A_181] : memref<2x128x8xf32, #tpu.memory_space<vmem>> -> memref<1x128x8xf32, #tpu.memory_space<vmem>>
      %dma_start3A_183 = tpu.memref_squeeze %dma_start3A_182 : memref<1x128x8xf32, #tpu.memory_space<vmem>> -> memref<128x8xf32, #tpu.memory_space<vmem>>
      %dma_start3A_184 = arith.constant 0 : i32
      %dma_start3A_185 = tpu.memref_slice %arg5[%mul3A_178, %dma_start3A_184] : memref<163840x8xf32, #tpu.memory_space<hbm>> -> memref<128x8xf32, #tpu.memory_space<hbm>>
      %dma_start3A_186 = arith.constant 0 : i32
      %dma_start3A_187 = arith.constant 0 : i32
      %dma_start3A_188 = tpu.memref_slice %arg13[%dma_start3A_179, %dma_start3A_186, %dma_start3A_187] : memref<2x128x8xf32, #tpu.memory_space<vmem>> -> memref<1x128x8xf32, #tpu.memory_space<vmem>>
      %dma_start3A_189 = tpu.memref_squeeze %dma_start3A_188 : memref<1x128x8xf32, #tpu.memory_space<vmem>> -> memref<128x8xf32, #tpu.memory_space<vmem>>
      %dma_start3A_190 = arith.constant 0 : i32
      %dma_start3A_191 = tpu.memref_slice %arg5[%mul3A_178, %dma_start3A_190] : memref<163840x8xf32, #tpu.memory_space<hbm>> -> memref<128x8xf32, #tpu.memory_space<hbm>>
      tpu.enqueue_dma source(%dma_start3A_191 : memref<128x8xf32, #tpu.memory_space<hbm>>) target(%dma_start3A_189 : memref<128x8xf32, #tpu.memory_space<vmem>>) target_semaphore(%arg18 : memref<!tpu.dma_semaphore, #tpu.memory_space<semaphore_mem>>)
    } else {
    }
    %jit3A_57 = arith.constant 2 : i32
    %div3A = arith.divsi %min3A_46, %jit3A_57 : i32
    %sign3A = arith.constant 0 : i32
    %sign3A_58 = arith.cmpi sgt, %min3A_46, %sign3A : i32
    %sign3A_59 = arith.extui %sign3A_58 : i1 to i32
    %sign3A_60 = arith.constant 0 : i32
    %sign3A_61 = arith.cmpi slt, %min3A_46, %sign3A_60 : i32
    %sign3A_62 = arith.extui %sign3A_61 : i1 to i32
    %sign3A_63 = arith.subi %sign3A_59, %sign3A_62 : i32
    %sign3A_64 = arith.constant 0 : i32
    %sign3A_65 = arith.cmpi sgt, %jit3A_57, %sign3A_64 : i32
    %sign3A_66 = arith.extui %sign3A_65 : i1 to i32
    %sign3A_67 = arith.constant 0 : i32
    %sign3A_68 = arith.cmpi slt, %jit3A_57, %sign3A_67 : i32
    %sign3A_69 = arith.extui %sign3A_68 : i1 to i32
    %sign3A_70 = arith.subi %sign3A_66, %sign3A_69 : i32
    %ne3A = arith.cmpi ne, %sign3A_63, %sign3A_70 : i32
    %rem3A = arith.remsi %min3A_46, %jit3A_57 : i32
    %ne3A_71 = arith.constant 0 : i32
    %ne3A_72 = arith.cmpi ne, %rem3A, %ne3A_71 : i32
    %and3A = arith.andi %ne3A, %ne3A_72 : i1
    %sub3A_73 = arith.constant 1 : i32
    %sub3A_74 = arith.subi %div3A, %sub3A_73 : i32
    %select_n3A_75 = arith.select %and3A, %sub3A_74, %div3A : i32
    %while3A_76 = arith.constant 0 : i32
    %while3A_77 = arith.constant 0 : i32
    %while3A_78 = arith.subi %select_n3A_75, %while3A_77 : i32
    %while3A_79 = arith.addi %while3A_77, %while3A_78 : i32
    %while3A_80 = arith.constant 1 : i32
    %while3A_81 = arith.divsi %while3A_78, %while3A_80 : i32
    %while3A_82 = arith.muli %while3A_81, %while3A_80 : i32
    %while3A_83 = arith.addi %while3A_77, %while3A_82 : i32
    %while3A_84 = arith.constant 1 : i32
    scf.for %while3A_164 = %while3A_77 to %while3A_83 step %while3A_84  : i32 {
      %mul3A_165 = arith.constant 2 : i32
      %mul3A_166 = arith.muli %while3A_164, %mul3A_165 : i32
      %add3A_167 = arith.constant 0 : i32
      %add3A_168 = arith.addi %mul3A_166, %add3A_167 : i32
      %dma_wait3A = arith.constant 0 : i32
      %dma_wait3A_169 = arith.constant 0 : i32
      %dma_wait3A_170 = arith.constant 0 : i32
      %dma_wait3A_171 = tpu.memref_slice %arg12[%dma_wait3A, %dma_wait3A_169, %dma_wait3A_170] : memref<2x128x8xf32, #tpu.memory_space<vmem>> -> memref<1x128x8xf32, #tpu.memory_space<vmem>>
      %dma_wait3A_172 = tpu.memref_squeeze %dma_wait3A_171 : memref<1x128x8xf32, #tpu.memory_space<vmem>> -> memref<128x8xf32, #tpu.memory_space<vmem>>
      %dma_wait3A_173 = arith.constant 0 : i32
      %dma_wait3A_174 = tpu.memref_slice %arg10[%add3A_168, %dma_wait3A_173] : memref<40x128xi32, #tpu.memory_space<vmem>> -> memref<1x128xi32, #tpu.memory_space<vmem>>
      %dma_wait3A_175 = tpu.memref_squeeze %dma_wait3A_174 : memref<1x128xi32, #tpu.memory_space<vmem>> -> memref<128xi32, #tpu.memory_space<vmem>>
      %dma_wait3A_176 = arith.constant 0 : i32
      %dma_wait3A_177 = arith.constant 0 : i32
      %dma_wait3A_178 = tpu.memref_slice %arg4[%dma_wait3A_176, %dma_wait3A_177] : memref<10000x8xf32, #tpu.memory_space<hbm>> -> memref<10000x8xf32, #tpu.memory_space<hbm>>
      tpu.wait_indirect_dma semaphore(%arg18 : memref<!tpu.dma_semaphore, #tpu.memory_space<semaphore_mem>>) src(%dma_wait3A_178 : memref<10000x8xf32, #tpu.memory_space<hbm>>) dst(%dma_wait3A_172 : memref<128x8xf32, #tpu.memory_space<vmem>>)
      %add3A_179 = arith.addi %add3A_40, %add3A_168 : i32
      %mul3A_180 = arith.constant 128 : i32
      %mul3A_181 = arith.muli %add3A_179, %mul3A_180 : i32
      %dma_wait3A_182 = arith.constant 0 : i32
      %dma_wait3A_183 = arith.constant 0 : i32
      %dma_wait3A_184 = arith.constant 0 : i32
      %dma_wait3A_185 = tpu.memref_slice %arg13[%dma_wait3A_182, %dma_wait3A_183, %dma_wait3A_184] : memref<2x128x8xf32, #tpu.memory_space<vmem>> -> memref<1x128x8xf32, #tpu.memory_space<vmem>>
      %dma_wait3A_186 = tpu.memref_squeeze %dma_wait3A_185 : memref<1x128x8xf32, #tpu.memory_space<vmem>> -> memref<128x8xf32, #tpu.memory_space<vmem>>
      %dma_wait3A_187 = arith.constant 0 : i32
      %dma_wait3A_188 = tpu.memref_slice %arg5[%mul3A_181, %dma_wait3A_187] : memref<163840x8xf32, #tpu.memory_space<hbm>> -> memref<128x8xf32, #tpu.memory_space<hbm>>
      %dma_wait3A_189 = arith.constant 0 : i32
      %dma_wait3A_190 = arith.constant 0 : i32
      %dma_wait3A_191 = tpu.memref_slice %arg13[%dma_wait3A_182, %dma_wait3A_189, %dma_wait3A_190] : memref<2x128x8xf32, #tpu.memory_space<vmem>> -> memref<1x128x8xf32, #tpu.memory_space<vmem>>
      %dma_wait3A_192 = tpu.memref_squeeze %dma_wait3A_191 : memref<1x128x8xf32, #tpu.memory_space<vmem>> -> memref<128x8xf32, #tpu.memory_space<vmem>>
      %dma_wait3A_193 = arith.constant 0 : i32
      %dma_wait3A_194 = tpu.memref_slice %arg5[%mul3A_181, %dma_wait3A_193] : memref<163840x8xf32, #tpu.memory_space<hbm>> -> memref<128x8xf32, #tpu.memory_space<hbm>>
      tpu.wait_dma2 semaphore(%arg18 : memref<!tpu.dma_semaphore, #tpu.memory_space<semaphore_mem>>) src(%dma_wait3A_194 : memref<128x8xf32, #tpu.memory_space<hbm>>) dst(%dma_wait3A_192 : memref<128x8xf32, #tpu.memory_space<vmem>>)
      %run_scoped3A = arith.constant 0 : i32
      "tpu.region"() ({
        %run_scoped3A_240 = tpu.sem_alloc : memref<!tpu.dma_semaphore, #tpu.memory_space<semaphore_mem>>
        %dma_start3A = arith.constant 0 : i32
        %dma_start3A_241 = arith.constant 0 : i32
        %dma_start3A_242 = tpu.memref_slice %arg12[%run_scoped3A, %dma_start3A, %dma_start3A_241] : memref<2x128x8xf32, #tpu.memory_space<vmem>> -> memref<1x128x8xf32, #tpu.memory_space<vmem>>
        %dma_start3A_243 = tpu.memref_squeeze %dma_start3A_242 : memref<1x128x8xf32, #tpu.memory_space<vmem>> -> memref<128x8xf32, #tpu.memory_space<vmem>>
        %dma_start3A_244 = arith.constant 0 : i32
        %dma_start3A_245 = tpu.memref_slice %arg11[%add3A_168, %dma_start3A_244] : memref<40x128xi32, #tpu.memory_space<vmem>> -> memref<1x128xi32, #tpu.memory_space<vmem>>
        %dma_start3A_246 = tpu.memref_squeeze %dma_start3A_245 : memref<1x128xi32, #tpu.memory_space<vmem>> -> memref<128xi32, #tpu.memory_space<vmem>>
        %dma_start3A_247 = arith.constant 0 : i32
        %dma_start3A_248 = arith.constant 0 : i32
        %dma_start3A_249 = tpu.memref_slice %arg16[%dma_start3A_247, %dma_start3A_248] : memref<10240x8xf32, #tpu.memory_space<vmem_shared>> -> memref<10240x8xf32, #tpu.memory_space<vmem_shared>>
        tpu.enqueue_indirect_dma source(%dma_start3A_243 : memref<128x8xf32, #tpu.memory_space<vmem>>) target(%dma_start3A_249 : memref<10240x8xf32, #tpu.memory_space<vmem_shared>>) offsets(%dma_start3A_246 : memref<128xi32, #tpu.memory_space<vmem>>) semaphore(%run_scoped3A_240 : memref<!tpu.dma_semaphore, #tpu.memory_space<semaphore_mem>>) {add = true}
        %dma_wait3A_250 = arith.constant 0 : i32
        %dma_wait3A_251 = arith.constant 0 : i32
        %dma_wait3A_252 = tpu.memref_slice %arg12[%run_scoped3A, %dma_wait3A_250, %dma_wait3A_251] : memref<2x128x8xf32, #tpu.memory_space<vmem>> -> memref<1x128x8xf32, #tpu.memory_space<vmem>>
        %dma_wait3A_253 = tpu.memref_squeeze %dma_wait3A_252 : memref<1x128x8xf32, #tpu.memory_space<vmem>> -> memref<128x8xf32, #tpu.memory_space<vmem>>
        %dma_wait3A_254 = arith.constant 0 : i32
        %dma_wait3A_255 = tpu.memref_slice %arg11[%add3A_168, %dma_wait3A_254] : memref<40x128xi32, #tpu.memory_space<vmem>> -> memref<1x128xi32, #tpu.memory_space<vmem>>
        %dma_wait3A_256 = tpu.memref_squeeze %dma_wait3A_255 : memref<1x128xi32, #tpu.memory_space<vmem>> -> memref<128xi32, #tpu.memory_space<vmem>>
        %dma_wait3A_257 = arith.constant 0 : i32
        %dma_wait3A_258 = arith.constant 0 : i32
        %dma_wait3A_259 = tpu.memref_slice %arg16[%dma_wait3A_257, %dma_wait3A_258] : memref<10240x8xf32, #tpu.memory_space<vmem_shared>> -> memref<10240x8xf32, #tpu.memory_space<vmem_shared>>
        tpu.wait_indirect_dma semaphore(%run_scoped3A_240 : memref<!tpu.dma_semaphore, #tpu.memory_space<semaphore_mem>>) src(%dma_wait3A_253 : memref<128x8xf32, #tpu.memory_space<vmem>>) dst(%dma_wait3A_259 : memref<10240x8xf32, #tpu.memory_space<vmem_shared>>)
        tpu.yield
      }) : () -> ()
      %run_scoped3A_195 = arith.constant 0 : i32
      "tpu.region"() ({
        %run_scoped3A_240 = tpu.sem_alloc : memref<!tpu.dma_semaphore, #tpu.memory_space<semaphore_mem>>
        %dma_start3A = arith.constant 0 : i32
        %dma_start3A_241 = arith.constant 0 : i32
        %dma_start3A_242 = tpu.memref_slice %arg13[%run_scoped3A_195, %dma_start3A, %dma_start3A_241] : memref<2x128x8xf32, #tpu.memory_space<vmem>> -> memref<1x128x8xf32, #tpu.memory_space<vmem>>
        %dma_start3A_243 = tpu.memref_squeeze %dma_start3A_242 : memref<1x128x8xf32, #tpu.memory_space<vmem>> -> memref<128x8xf32, #tpu.memory_space<vmem>>
        %dma_start3A_244 = arith.constant 0 : i32
        %dma_start3A_245 = tpu.memref_slice %arg11[%add3A_168, %dma_start3A_244] : memref<40x128xi32, #tpu.memory_space<vmem>> -> memref<1x128xi32, #tpu.memory_space<vmem>>
        %dma_start3A_246 = tpu.memref_squeeze %dma_start3A_245 : memref<1x128xi32, #tpu.memory_space<vmem>> -> memref<128xi32, #tpu.memory_space<vmem>>
        %dma_start3A_247 = arith.constant 0 : i32
        %dma_start3A_248 = arith.constant 0 : i32
        %dma_start3A_249 = tpu.memref_slice %arg17[%dma_start3A_247, %dma_start3A_248] : memref<10240x8xf32, #tpu.memory_space<vmem_shared>> -> memref<10240x8xf32, #tpu.memory_space<vmem_shared>>
        tpu.enqueue_indirect_dma source(%dma_start3A_243 : memref<128x8xf32, #tpu.memory_space<vmem>>) target(%dma_start3A_249 : memref<10240x8xf32, #tpu.memory_space<vmem_shared>>) offsets(%dma_start3A_246 : memref<128xi32, #tpu.memory_space<vmem>>) semaphore(%run_scoped3A_240 : memref<!tpu.dma_semaphore, #tpu.memory_space<semaphore_mem>>) {add = true}
        %dma_wait3A_250 = arith.constant 0 : i32
        %dma_wait3A_251 = arith.constant 0 : i32
        %dma_wait3A_252 = tpu.memref_slice %arg13[%run_scoped3A_195, %dma_wait3A_250, %dma_wait3A_251] : memref<2x128x8xf32, #tpu.memory_space<vmem>> -> memref<1x128x8xf32, #tpu.memory_space<vmem>>
        %dma_wait3A_253 = tpu.memref_squeeze %dma_wait3A_252 : memref<1x128x8xf32, #tpu.memory_space<vmem>> -> memref<128x8xf32, #tpu.memory_space<vmem>>
        %dma_wait3A_254 = arith.constant 0 : i32
        %dma_wait3A_255 = tpu.memref_slice %arg11[%add3A_168, %dma_wait3A_254] : memref<40x128xi32, #tpu.memory_space<vmem>> -> memref<1x128xi32, #tpu.memory_space<vmem>>
        %dma_wait3A_256 = tpu.memref_squeeze %dma_wait3A_255 : memref<1x128xi32, #tpu.memory_space<vmem>> -> memref<128xi32, #tpu.memory_space<vmem>>
        %dma_wait3A_257 = arith.constant 0 : i32
        %dma_wait3A_258 = arith.constant 0 : i32
        %dma_wait3A_259 = tpu.memref_slice %arg17[%dma_wait3A_257, %dma_wait3A_258] : memref<10240x8xf32, #tpu.memory_space<vmem_shared>> -> memref<10240x8xf32, #tpu.memory_space<vmem_shared>>
        tpu.wait_indirect_dma semaphore(%run_scoped3A_240 : memref<!tpu.dma_semaphore, #tpu.memory_space<semaphore_mem>>) src(%dma_wait3A_253 : memref<128x8xf32, #tpu.memory_space<vmem>>) dst(%dma_wait3A_259 : memref<10240x8xf32, #tpu.memory_space<vmem_shared>>)
        tpu.yield
      }) : () -> ()
      %add3A_196 = arith.constant 2 : i32
      %add3A_197 = arith.addi %add3A_168, %add3A_196 : i32
      %lt3A = arith.cmpi slt, %add3A_197, %min3A_46 : i32
      %convert_element_type3A_198 = arith.extui %lt3A : i1 to i32
      %cond3A_199 = arith.constant 0 : i32
      %cond3A_200 = arith.cmpi ne, %convert_element_type3A_198, %cond3A_199 : i32
      scf.if %cond3A_200 {
        %add3A_240 = arith.constant 2 : i32
        %add3A_241 = arith.addi %add3A_168, %add3A_240 : i32
        %dma_start3A = arith.constant 0 : i32
        %dma_start3A_242 = arith.constant 0 : i32
        %dma_start3A_243 = arith.constant 0 : i32
        %dma_start3A_244 = tpu.memref_slice %arg12[%dma_start3A, %dma_start3A_242, %dma_start3A_243] : memref<2x128x8xf32, #tpu.memory_space<vmem>> -> memref<1x128x8xf32, #tpu.memory_space<vmem>>
        %dma_start3A_245 = tpu.memref_squeeze %dma_start3A_244 : memref<1x128x8xf32, #tpu.memory_space<vmem>> -> memref<128x8xf32, #tpu.memory_space<vmem>>
        %dma_start3A_246 = arith.constant 0 : i32
        %dma_start3A_247 = tpu.memref_slice %arg10[%add3A_241, %dma_start3A_246] : memref<40x128xi32, #tpu.memory_space<vmem>> -> memref<1x128xi32, #tpu.memory_space<vmem>>
        %dma_start3A_248 = tpu.memref_squeeze %dma_start3A_247 : memref<1x128xi32, #tpu.memory_space<vmem>> -> memref<128xi32, #tpu.memory_space<vmem>>
        %dma_start3A_249 = arith.constant 0 : i32
        %dma_start3A_250 = arith.constant 0 : i32
        %dma_start3A_251 = tpu.memref_slice %arg4[%dma_start3A_249, %dma_start3A_250] : memref<10000x8xf32, #tpu.memory_space<hbm>> -> memref<10000x8xf32, #tpu.memory_space<hbm>>
        tpu.enqueue_indirect_dma source(%dma_start3A_251 : memref<10000x8xf32, #tpu.memory_space<hbm>>) target(%dma_start3A_245 : memref<128x8xf32, #tpu.memory_space<vmem>>) offsets(%dma_start3A_248 : memref<128xi32, #tpu.memory_space<vmem>>) semaphore(%arg18 : memref<!tpu.dma_semaphore, #tpu.memory_space<semaphore_mem>>)
        %add3A_252 = arith.addi %add3A_40, %add3A_241 : i32
        %mul3A_253 = arith.constant 128 : i32
        %mul3A_254 = arith.muli %add3A_252, %mul3A_253 : i32
        %dma_start3A_255 = arith.constant 0 : i32
        %dma_start3A_256 = arith.constant 0 : i32
        %dma_start3A_257 = arith.constant 0 : i32
        %dma_start3A_258 = tpu.memref_slice %arg13[%dma_start3A_255, %dma_start3A_256, %dma_start3A_257] : memref<2x128x8xf32, #tpu.memory_space<vmem>> -> memref<1x128x8xf32, #tpu.memory_space<vmem>>
        %dma_start3A_259 = tpu.memref_squeeze %dma_start3A_258 : memref<1x128x8xf32, #tpu.memory_space<vmem>> -> memref<128x8xf32, #tpu.memory_space<vmem>>
        %dma_start3A_260 = arith.constant 0 : i32
        %dma_start3A_261 = tpu.memref_slice %arg5[%mul3A_254, %dma_start3A_260] : memref<163840x8xf32, #tpu.memory_space<hbm>> -> memref<128x8xf32, #tpu.memory_space<hbm>>
        %dma_start3A_262 = arith.constant 0 : i32
        %dma_start3A_263 = arith.constant 0 : i32
        %dma_start3A_264 = tpu.memref_slice %arg13[%dma_start3A_255, %dma_start3A_262, %dma_start3A_263] : memref<2x128x8xf32, #tpu.memory_space<vmem>> -> memref<1x128x8xf32, #tpu.memory_space<vmem>>
        %dma_start3A_265 = tpu.memref_squeeze %dma_start3A_264 : memref<1x128x8xf32, #tpu.memory_space<vmem>> -> memref<128x8xf32, #tpu.memory_space<vmem>>
        %dma_start3A_266 = arith.constant 0 : i32
        %dma_start3A_267 = tpu.memref_slice %arg5[%mul3A_254, %dma_start3A_266] : memref<163840x8xf32, #tpu.memory_space<hbm>> -> memref<128x8xf32, #tpu.memory_space<hbm>>
        tpu.enqueue_dma source(%dma_start3A_267 : memref<128x8xf32, #tpu.memory_space<hbm>>) target(%dma_start3A_265 : memref<128x8xf32, #tpu.memory_space<vmem>>) target_semaphore(%arg18 : memref<!tpu.dma_semaphore, #tpu.memory_space<semaphore_mem>>)
      } else {
      }
      %mul3A_201 = arith.constant 2 : i32
      %mul3A_202 = arith.muli %while3A_164, %mul3A_201 : i32
      %add3A_203 = arith.constant 1 : i32
      %add3A_204 = arith.addi %mul3A_202, %add3A_203 : i32
      %dma_wait3A_205 = arith.constant 1 : i32
      %dma_wait3A_206 = arith.constant 0 : i32
      %dma_wait3A_207 = arith.constant 0 : i32
      %dma_wait3A_208 = tpu.memref_slice %arg12[%dma_wait3A_205, %dma_wait3A_206, %dma_wait3A_207] : memref<2x128x8xf32, #tpu.memory_space<vmem>> -> memref<1x128x8xf32, #tpu.memory_space<vmem>>
      %dma_wait3A_209 = tpu.memref_squeeze %dma_wait3A_208 : memref<1x128x8xf32, #tpu.memory_space<vmem>> -> memref<128x8xf32, #tpu.memory_space<vmem>>
      %dma_wait3A_210 = arith.constant 0 : i32
      %dma_wait3A_211 = tpu.memref_slice %arg10[%add3A_204, %dma_wait3A_210] : memref<40x128xi32, #tpu.memory_space<vmem>> -> memref<1x128xi32, #tpu.memory_space<vmem>>
      %dma_wait3A_212 = tpu.memref_squeeze %dma_wait3A_211 : memref<1x128xi32, #tpu.memory_space<vmem>> -> memref<128xi32, #tpu.memory_space<vmem>>
      %dma_wait3A_213 = arith.constant 0 : i32
      %dma_wait3A_214 = arith.constant 0 : i32
      %dma_wait3A_215 = tpu.memref_slice %arg4[%dma_wait3A_213, %dma_wait3A_214] : memref<10000x8xf32, #tpu.memory_space<hbm>> -> memref<10000x8xf32, #tpu.memory_space<hbm>>
      tpu.wait_indirect_dma semaphore(%arg18 : memref<!tpu.dma_semaphore, #tpu.memory_space<semaphore_mem>>) src(%dma_wait3A_215 : memref<10000x8xf32, #tpu.memory_space<hbm>>) dst(%dma_wait3A_209 : memref<128x8xf32, #tpu.memory_space<vmem>>)
      %add3A_216 = arith.addi %add3A_40, %add3A_204 : i32
      %mul3A_217 = arith.constant 128 : i32
      %mul3A_218 = arith.muli %add3A_216, %mul3A_217 : i32
      %dma_wait3A_219 = arith.constant 1 : i32
      %dma_wait3A_220 = arith.constant 0 : i32
      %dma_wait3A_221 = arith.constant 0 : i32
      %dma_wait3A_222 = tpu.memref_slice %arg13[%dma_wait3A_219, %dma_wait3A_220, %dma_wait3A_221] : memref<2x128x8xf32, #tpu.memory_space<vmem>> -> memref<1x128x8xf32, #tpu.memory_space<vmem>>
      %dma_wait3A_223 = tpu.memref_squeeze %dma_wait3A_222 : memref<1x128x8xf32, #tpu.memory_space<vmem>> -> memref<128x8xf32, #tpu.memory_space<vmem>>
      %dma_wait3A_224 = arith.constant 0 : i32
      %dma_wait3A_225 = tpu.memref_slice %arg5[%mul3A_218, %dma_wait3A_224] : memref<163840x8xf32, #tpu.memory_space<hbm>> -> memref<128x8xf32, #tpu.memory_space<hbm>>
      %dma_wait3A_226 = arith.constant 0 : i32
      %dma_wait3A_227 = arith.constant 0 : i32
      %dma_wait3A_228 = tpu.memref_slice %arg13[%dma_wait3A_219, %dma_wait3A_226, %dma_wait3A_227] : memref<2x128x8xf32, #tpu.memory_space<vmem>> -> memref<1x128x8xf32, #tpu.memory_space<vmem>>
      %dma_wait3A_229 = tpu.memref_squeeze %dma_wait3A_228 : memref<1x128x8xf32, #tpu.memory_space<vmem>> -> memref<128x8xf32, #tpu.memory_space<vmem>>
      %dma_wait3A_230 = arith.constant 0 : i32
      %dma_wait3A_231 = tpu.memref_slice %arg5[%mul3A_218, %dma_wait3A_230] : memref<163840x8xf32, #tpu.memory_space<hbm>> -> memref<128x8xf32, #tpu.memory_space<hbm>>
      tpu.wait_dma2 semaphore(%arg18 : memref<!tpu.dma_semaphore, #tpu.memory_space<semaphore_mem>>) src(%dma_wait3A_231 : memref<128x8xf32, #tpu.memory_space<hbm>>) dst(%dma_wait3A_229 : memref<128x8xf32, #tpu.memory_space<vmem>>)
      %run_scoped3A_232 = arith.constant 1 : i32
      "tpu.region"() ({
        %run_scoped3A_240 = tpu.sem_alloc : memref<!tpu.dma_semaphore, #tpu.memory_space<semaphore_mem>>
        %dma_start3A = arith.constant 0 : i32
        %dma_start3A_241 = arith.constant 0 : i32
        %dma_start3A_242 = tpu.memref_slice %arg12[%run_scoped3A_232, %dma_start3A, %dma_start3A_241] : memref<2x128x8xf32, #tpu.memory_space<vmem>> -> memref<1x128x8xf32, #tpu.memory_space<vmem>>
        %dma_start3A_243 = tpu.memref_squeeze %dma_start3A_242 : memref<1x128x8xf32, #tpu.memory_space<vmem>> -> memref<128x8xf32, #tpu.memory_space<vmem>>
        %dma_start3A_244 = arith.constant 0 : i32
        %dma_start3A_245 = tpu.memref_slice %arg11[%add3A_204, %dma_start3A_244] : memref<40x128xi32, #tpu.memory_space<vmem>> -> memref<1x128xi32, #tpu.memory_space<vmem>>
        %dma_start3A_246 = tpu.memref_squeeze %dma_start3A_245 : memref<1x128xi32, #tpu.memory_space<vmem>> -> memref<128xi32, #tpu.memory_space<vmem>>
        %dma_start3A_247 = arith.constant 0 : i32
        %dma_start3A_248 = arith.constant 0 : i32
        %dma_start3A_249 = tpu.memref_slice %arg16[%dma_start3A_247, %dma_start3A_248] : memref<10240x8xf32, #tpu.memory_space<vmem_shared>> -> memref<10240x8xf32, #tpu.memory_space<vmem_shared>>
        tpu.enqueue_indirect_dma source(%dma_start3A_243 : memref<128x8xf32, #tpu.memory_space<vmem>>) target(%dma_start3A_249 : memref<10240x8xf32, #tpu.memory_space<vmem_shared>>) offsets(%dma_start3A_246 : memref<128xi32, #tpu.memory_space<vmem>>) semaphore(%run_scoped3A_240 : memref<!tpu.dma_semaphore, #tpu.memory_space<semaphore_mem>>) {add = true}
        %dma_wait3A_250 = arith.constant 0 : i32
        %dma_wait3A_251 = arith.constant 0 : i32
        %dma_wait3A_252 = tpu.memref_slice %arg12[%run_scoped3A_232, %dma_wait3A_250, %dma_wait3A_251] : memref<2x128x8xf32, #tpu.memory_space<vmem>> -> memref<1x128x8xf32, #tpu.memory_space<vmem>>
        %dma_wait3A_253 = tpu.memref_squeeze %dma_wait3A_252 : memref<1x128x8xf32, #tpu.memory_space<vmem>> -> memref<128x8xf32, #tpu.memory_space<vmem>>
        %dma_wait3A_254 = arith.constant 0 : i32
        %dma_wait3A_255 = tpu.memref_slice %arg11[%add3A_204, %dma_wait3A_254] : memref<40x128xi32, #tpu.memory_space<vmem>> -> memref<1x128xi32, #tpu.memory_space<vmem>>
        %dma_wait3A_256 = tpu.memref_squeeze %dma_wait3A_255 : memref<1x128xi32, #tpu.memory_space<vmem>> -> memref<128xi32, #tpu.memory_space<vmem>>
        %dma_wait3A_257 = arith.constant 0 : i32
        %dma_wait3A_258 = arith.constant 0 : i32
        %dma_wait3A_259 = tpu.memref_slice %arg16[%dma_wait3A_257, %dma_wait3A_258] : memref<10240x8xf32, #tpu.memory_space<vmem_shared>> -> memref<10240x8xf32, #tpu.memory_space<vmem_shared>>
        tpu.wait_indirect_dma semaphore(%run_scoped3A_240 : memref<!tpu.dma_semaphore, #tpu.memory_space<semaphore_mem>>) src(%dma_wait3A_253 : memref<128x8xf32, #tpu.memory_space<vmem>>) dst(%dma_wait3A_259 : memref<10240x8xf32, #tpu.memory_space<vmem_shared>>)
        tpu.yield
      }) : () -> ()
      %run_scoped3A_233 = arith.constant 1 : i32
      "tpu.region"() ({
        %run_scoped3A_240 = tpu.sem_alloc : memref<!tpu.dma_semaphore, #tpu.memory_space<semaphore_mem>>
        %dma_start3A = arith.constant 0 : i32
        %dma_start3A_241 = arith.constant 0 : i32
        %dma_start3A_242 = tpu.memref_slice %arg13[%run_scoped3A_233, %dma_start3A, %dma_start3A_241] : memref<2x128x8xf32, #tpu.memory_space<vmem>> -> memref<1x128x8xf32, #tpu.memory_space<vmem>>
        %dma_start3A_243 = tpu.memref_squeeze %dma_start3A_242 : memref<1x128x8xf32, #tpu.memory_space<vmem>> -> memref<128x8xf32, #tpu.memory_space<vmem>>
        %dma_start3A_244 = arith.constant 0 : i32
        %dma_start3A_245 = tpu.memref_slice %arg11[%add3A_204, %dma_start3A_244] : memref<40x128xi32, #tpu.memory_space<vmem>> -> memref<1x128xi32, #tpu.memory_space<vmem>>
        %dma_start3A_246 = tpu.memref_squeeze %dma_start3A_245 : memref<1x128xi32, #tpu.memory_space<vmem>> -> memref<128xi32, #tpu.memory_space<vmem>>
        %dma_start3A_247 = arith.constant 0 : i32
        %dma_start3A_248 = arith.constant 0 : i32
        %dma_start3A_249 = tpu.memref_slice %arg17[%dma_start3A_247, %dma_start3A_248] : memref<10240x8xf32, #tpu.memory_space<vmem_shared>> -> memref<10240x8xf32, #tpu.memory_space<vmem_shared>>
        tpu.enqueue_indirect_dma source(%dma_start3A_243 : memref<128x8xf32, #tpu.memory_space<vmem>>) target(%dma_start3A_249 : memref<10240x8xf32, #tpu.memory_space<vmem_shared>>) offsets(%dma_start3A_246 : memref<128xi32, #tpu.memory_space<vmem>>) semaphore(%run_scoped3A_240 : memref<!tpu.dma_semaphore, #tpu.memory_space<semaphore_mem>>) {add = true}
        %dma_wait3A_250 = arith.constant 0 : i32
        %dma_wait3A_251 = arith.constant 0 : i32
        %dma_wait3A_252 = tpu.memref_slice %arg13[%run_scoped3A_233, %dma_wait3A_250, %dma_wait3A_251] : memref<2x128x8xf32, #tpu.memory_space<vmem>> -> memref<1x128x8xf32, #tpu.memory_space<vmem>>
        %dma_wait3A_253 = tpu.memref_squeeze %dma_wait3A_252 : memref<1x128x8xf32, #tpu.memory_space<vmem>> -> memref<128x8xf32, #tpu.memory_space<vmem>>
        %dma_wait3A_254 = arith.constant 0 : i32
        %dma_wait3A_255 = tpu.memref_slice %arg11[%add3A_204, %dma_wait3A_254] : memref<40x128xi32, #tpu.memory_space<vmem>> -> memref<1x128xi32, #tpu.memory_space<vmem>>
        %dma_wait3A_256 = tpu.memref_squeeze %dma_wait3A_255 : memref<1x128xi32, #tpu.memory_space<vmem>> -> memref<128xi32, #tpu.memory_space<vmem>>
        %dma_wait3A_257 = arith.constant 0 : i32
        %dma_wait3A_258 = arith.constant 0 : i32
        %dma_wait3A_259 = tpu.memref_slice %arg17[%dma_wait3A_257, %dma_wait3A_258] : memref<10240x8xf32, #tpu.memory_space<vmem_shared>> -> memref<10240x8xf32, #tpu.memory_space<vmem_shared>>
        tpu.wait_indirect_dma semaphore(%run_scoped3A_240 : memref<!tpu.dma_semaphore, #tpu.memory_space<semaphore_mem>>) src(%dma_wait3A_253 : memref<128x8xf32, #tpu.memory_space<vmem>>) dst(%dma_wait3A_259 : memref<10240x8xf32, #tpu.memory_space<vmem_shared>>)
        tpu.yield
      }) : () -> ()
      %add3A_234 = arith.constant 2 : i32
      %add3A_235 = arith.addi %add3A_204, %add3A_234 : i32
      %lt3A_236 = arith.cmpi slt, %add3A_235, %min3A_46 : i32
      %convert_element_type3A_237 = arith.extui %lt3A_236 : i1 to i32
      %cond3A_238 = arith.constant 0 : i32
      %cond3A_239 = arith.cmpi ne, %convert_element_type3A_237, %cond3A_238 : i32
      scf.if %cond3A_239 {
        %add3A_240 = arith.constant 2 : i32
        %add3A_241 = arith.addi %add3A_204, %add3A_240 : i32
        %dma_start3A = arith.constant 1 : i32
        %dma_start3A_242 = arith.constant 0 : i32
        %dma_start3A_243 = arith.constant 0 : i32
        %dma_start3A_244 = tpu.memref_slice %arg12[%dma_start3A, %dma_start3A_242, %dma_start3A_243] : memref<2x128x8xf32, #tpu.memory_space<vmem>> -> memref<1x128x8xf32, #tpu.memory_space<vmem>>
        %dma_start3A_245 = tpu.memref_squeeze %dma_start3A_244 : memref<1x128x8xf32, #tpu.memory_space<vmem>> -> memref<128x8xf32, #tpu.memory_space<vmem>>
        %dma_start3A_246 = arith.constant 0 : i32
        %dma_start3A_247 = tpu.memref_slice %arg10[%add3A_241, %dma_start3A_246] : memref<40x128xi32, #tpu.memory_space<vmem>> -> memref<1x128xi32, #tpu.memory_space<vmem>>
        %dma_start3A_248 = tpu.memref_squeeze %dma_start3A_247 : memref<1x128xi32, #tpu.memory_space<vmem>> -> memref<128xi32, #tpu.memory_space<vmem>>
        %dma_start3A_249 = arith.constant 0 : i32
        %dma_start3A_250 = arith.constant 0 : i32
        %dma_start3A_251 = tpu.memref_slice %arg4[%dma_start3A_249, %dma_start3A_250] : memref<10000x8xf32, #tpu.memory_space<hbm>> -> memref<10000x8xf32, #tpu.memory_space<hbm>>
        tpu.enqueue_indirect_dma source(%dma_start3A_251 : memref<10000x8xf32, #tpu.memory_space<hbm>>) target(%dma_start3A_245 : memref<128x8xf32, #tpu.memory_space<vmem>>) offsets(%dma_start3A_248 : memref<128xi32, #tpu.memory_space<vmem>>) semaphore(%arg18 : memref<!tpu.dma_semaphore, #tpu.memory_space<semaphore_mem>>)
        %add3A_252 = arith.addi %add3A_40, %add3A_241 : i32
        %mul3A_253 = arith.constant 128 : i32
        %mul3A_254 = arith.muli %add3A_252, %mul3A_253 : i32
        %dma_start3A_255 = arith.constant 1 : i32
        %dma_start3A_256 = arith.constant 0 : i32
        %dma_start3A_257 = arith.constant 0 : i32
        %dma_start3A_258 = tpu.memref_slice %arg13[%dma_start3A_255, %dma_start3A_256, %dma_start3A_257] : memref<2x128x8xf32, #tpu.memory_space<vmem>> -> memref<1x128x8xf32, #tpu.memory_space<vmem>>
        %dma_start3A_259 = tpu.memref_squeeze %dma_start3A_258 : memref<1x128x8xf32, #tpu.memory_space<vmem>> -> memref<128x8xf32, #tpu.memory_space<vmem>>
        %dma_start3A_260 = arith.constant 0 : i32
        %dma_start3A_261 = tpu.memref_slice %arg5[%mul3A_254, %dma_start3A_260] : memref<163840x8xf32, #tpu.memory_space<hbm>> -> memref<128x8xf32, #tpu.memory_space<hbm>>
        %dma_start3A_262 = arith.constant 0 : i32
        %dma_start3A_263 = arith.constant 0 : i32
        %dma_start3A_264 = tpu.memref_slice %arg13[%dma_start3A_255, %dma_start3A_262, %dma_start3A_263] : memref<2x128x8xf32, #tpu.memory_space<vmem>> -> memref<1x128x8xf32, #tpu.memory_space<vmem>>
        %dma_start3A_265 = tpu.memref_squeeze %dma_start3A_264 : memref<1x128x8xf32, #tpu.memory_space<vmem>> -> memref<128x8xf32, #tpu.memory_space<vmem>>
        %dma_start3A_266 = arith.constant 0 : i32
        %dma_start3A_267 = tpu.memref_slice %arg5[%mul3A_254, %dma_start3A_266] : memref<163840x8xf32, #tpu.memory_space<hbm>> -> memref<128x8xf32, #tpu.memory_space<hbm>>
        tpu.enqueue_dma source(%dma_start3A_267 : memref<128x8xf32, #tpu.memory_space<hbm>>) target(%dma_start3A_265 : memref<128x8xf32, #tpu.memory_space<vmem>>) target_semaphore(%arg18 : memref<!tpu.dma_semaphore, #tpu.memory_space<semaphore_mem>>)
      } else {
      }
    }
    %while3A_85 = arith.constant 1 : i32
    scf.for %while3A_164 = %while3A_83 to %while3A_79 step %while3A_85  : i32 {
      %mul3A_165 = arith.constant 2 : i32
      %mul3A_166 = arith.muli %while3A_164, %mul3A_165 : i32
      %add3A_167 = arith.constant 0 : i32
      %add3A_168 = arith.addi %mul3A_166, %add3A_167 : i32
      %dma_wait3A = arith.constant 0 : i32
      %dma_wait3A_169 = arith.constant 0 : i32
      %dma_wait3A_170 = arith.constant 0 : i32
      %dma_wait3A_171 = tpu.memref_slice %arg12[%dma_wait3A, %dma_wait3A_169, %dma_wait3A_170] : memref<2x128x8xf32, #tpu.memory_space<vmem>> -> memref<1x128x8xf32, #tpu.memory_space<vmem>>
      %dma_wait3A_172 = tpu.memref_squeeze %dma_wait3A_171 : memref<1x128x8xf32, #tpu.memory_space<vmem>> -> memref<128x8xf32, #tpu.memory_space<vmem>>
      %dma_wait3A_173 = arith.constant 0 : i32
      %dma_wait3A_174 = tpu.memref_slice %arg10[%add3A_168, %dma_wait3A_173] : memref<40x128xi32, #tpu.memory_space<vmem>> -> memref<1x128xi32, #tpu.memory_space<vmem>>
      %dma_wait3A_175 = tpu.memref_squeeze %dma_wait3A_174 : memref<1x128xi32, #tpu.memory_space<vmem>> -> memref<128xi32, #tpu.memory_space<vmem>>
      %dma_wait3A_176 = arith.constant 0 : i32
      %dma_wait3A_177 = arith.constant 0 : i32
      %dma_wait3A_178 = tpu.memref_slice %arg4[%dma_wait3A_176, %dma_wait3A_177] : memref<10000x8xf32, #tpu.memory_space<hbm>> -> memref<10000x8xf32, #tpu.memory_space<hbm>>
      tpu.wait_indirect_dma semaphore(%arg18 : memref<!tpu.dma_semaphore, #tpu.memory_space<semaphore_mem>>) src(%dma_wait3A_178 : memref<10000x8xf32, #tpu.memory_space<hbm>>) dst(%dma_wait3A_172 : memref<128x8xf32, #tpu.memory_space<vmem>>)
      %add3A_179 = arith.addi %add3A_40, %add3A_168 : i32
      %mul3A_180 = arith.constant 128 : i32
      %mul3A_181 = arith.muli %add3A_179, %mul3A_180 : i32
      %dma_wait3A_182 = arith.constant 0 : i32
      %dma_wait3A_183 = arith.constant 0 : i32
      %dma_wait3A_184 = arith.constant 0 : i32
      %dma_wait3A_185 = tpu.memref_slice %arg13[%dma_wait3A_182, %dma_wait3A_183, %dma_wait3A_184] : memref<2x128x8xf32, #tpu.memory_space<vmem>> -> memref<1x128x8xf32, #tpu.memory_space<vmem>>
      %dma_wait3A_186 = tpu.memref_squeeze %dma_wait3A_185 : memref<1x128x8xf32, #tpu.memory_space<vmem>> -> memref<128x8xf32, #tpu.memory_space<vmem>>
      %dma_wait3A_187 = arith.constant 0 : i32
      %dma_wait3A_188 = tpu.memref_slice %arg5[%mul3A_181, %dma_wait3A_187] : memref<163840x8xf32, #tpu.memory_space<hbm>> -> memref<128x8xf32, #tpu.memory_space<hbm>>
      %dma_wait3A_189 = arith.constant 0 : i32
      %dma_wait3A_190 = arith.constant 0 : i32
      %dma_wait3A_191 = tpu.memref_slice %arg13[%dma_wait3A_182, %dma_wait3A_189, %dma_wait3A_190] : memref<2x128x8xf32, #tpu.memory_space<vmem>> -> memref<1x128x8xf32, #tpu.memory_space<vmem>>
      %dma_wait3A_192 = tpu.memref_squeeze %dma_wait3A_191 : memref<1x128x8xf32, #tpu.memory_space<vmem>> -> memref<128x8xf32, #tpu.memory_space<vmem>>
      %dma_wait3A_193 = arith.constant 0 : i32
      %dma_wait3A_194 = tpu.memref_slice %arg5[%mul3A_181, %dma_wait3A_193] : memref<163840x8xf32, #tpu.memory_space<hbm>> -> memref<128x8xf32, #tpu.memory_space<hbm>>
      tpu.wait_dma2 semaphore(%arg18 : memref<!tpu.dma_semaphore, #tpu.memory_space<semaphore_mem>>) src(%dma_wait3A_194 : memref<128x8xf32, #tpu.memory_space<hbm>>) dst(%dma_wait3A_192 : memref<128x8xf32, #tpu.memory_space<vmem>>)
      %run_scoped3A = arith.constant 0 : i32
      "tpu.region"() ({
        %run_scoped3A_240 = tpu.sem_alloc : memref<!tpu.dma_semaphore, #tpu.memory_space<semaphore_mem>>
        %dma_start3A = arith.constant 0 : i32
        %dma_start3A_241 = arith.constant 0 : i32
        %dma_start3A_242 = tpu.memref_slice %arg12[%run_scoped3A, %dma_start3A, %dma_start3A_241] : memref<2x128x8xf32, #tpu.memory_space<vmem>> -> memref<1x128x8xf32, #tpu.memory_space<vmem>>
        %dma_start3A_243 = tpu.memref_squeeze %dma_start3A_242 : memref<1x128x8xf32, #tpu.memory_space<vmem>> -> memref<128x8xf32, #tpu.memory_space<vmem>>
        %dma_start3A_244 = arith.constant 0 : i32
        %dma_start3A_245 = tpu.memref_slice %arg11[%add3A_168, %dma_start3A_244] : memref<40x128xi32, #tpu.memory_space<vmem>> -> memref<1x128xi32, #tpu.memory_space<vmem>>
        %dma_start3A_246 = tpu.memref_squeeze %dma_start3A_245 : memref<1x128xi32, #tpu.memory_space<vmem>> -> memref<128xi32, #tpu.memory_space<vmem>>
        %dma_start3A_247 = arith.constant 0 : i32
        %dma_start3A_248 = arith.constant 0 : i32
        %dma_start3A_249 = tpu.memref_slice %arg16[%dma_start3A_247, %dma_start3A_248] : memref<10240x8xf32, #tpu.memory_space<vmem_shared>> -> memref<10240x8xf32, #tpu.memory_space<vmem_shared>>
        tpu.enqueue_indirect_dma source(%dma_start3A_243 : memref<128x8xf32, #tpu.memory_space<vmem>>) target(%dma_start3A_249 : memref<10240x8xf32, #tpu.memory_space<vmem_shared>>) offsets(%dma_start3A_246 : memref<128xi32, #tpu.memory_space<vmem>>) semaphore(%run_scoped3A_240 : memref<!tpu.dma_semaphore, #tpu.memory_space<semaphore_mem>>) {add = true}
        %dma_wait3A_250 = arith.constant 0 : i32
        %dma_wait3A_251 = arith.constant 0 : i32
        %dma_wait3A_252 = tpu.memref_slice %arg12[%run_scoped3A, %dma_wait3A_250, %dma_wait3A_251] : memref<2x128x8xf32, #tpu.memory_space<vmem>> -> memref<1x128x8xf32, #tpu.memory_space<vmem>>
        %dma_wait3A_253 = tpu.memref_squeeze %dma_wait3A_252 : memref<1x128x8xf32, #tpu.memory_space<vmem>> -> memref<128x8xf32, #tpu.memory_space<vmem>>
        %dma_wait3A_254 = arith.constant 0 : i32
        %dma_wait3A_255 = tpu.memref_slice %arg11[%add3A_168, %dma_wait3A_254] : memref<40x128xi32, #tpu.memory_space<vmem>> -> memref<1x128xi32, #tpu.memory_space<vmem>>
        %dma_wait3A_256 = tpu.memref_squeeze %dma_wait3A_255 : memref<1x128xi32, #tpu.memory_space<vmem>> -> memref<128xi32, #tpu.memory_space<vmem>>
        %dma_wait3A_257 = arith.constant 0 : i32
        %dma_wait3A_258 = arith.constant 0 : i32
        %dma_wait3A_259 = tpu.memref_slice %arg16[%dma_wait3A_257, %dma_wait3A_258] : memref<10240x8xf32, #tpu.memory_space<vmem_shared>> -> memref<10240x8xf32, #tpu.memory_space<vmem_shared>>
        tpu.wait_indirect_dma semaphore(%run_scoped3A_240 : memref<!tpu.dma_semaphore, #tpu.memory_space<semaphore_mem>>) src(%dma_wait3A_253 : memref<128x8xf32, #tpu.memory_space<vmem>>) dst(%dma_wait3A_259 : memref<10240x8xf32, #tpu.memory_space<vmem_shared>>)
        tpu.yield
      }) : () -> ()
      %run_scoped3A_195 = arith.constant 0 : i32
      "tpu.region"() ({
        %run_scoped3A_240 = tpu.sem_alloc : memref<!tpu.dma_semaphore, #tpu.memory_space<semaphore_mem>>
        %dma_start3A = arith.constant 0 : i32
        %dma_start3A_241 = arith.constant 0 : i32
        %dma_start3A_242 = tpu.memref_slice %arg13[%run_scoped3A_195, %dma_start3A, %dma_start3A_241] : memref<2x128x8xf32, #tpu.memory_space<vmem>> -> memref<1x128x8xf32, #tpu.memory_space<vmem>>
        %dma_start3A_243 = tpu.memref_squeeze %dma_start3A_242 : memref<1x128x8xf32, #tpu.memory_space<vmem>> -> memref<128x8xf32, #tpu.memory_space<vmem>>
        %dma_start3A_244 = arith.constant 0 : i32
        %dma_start3A_245 = tpu.memref_slice %arg11[%add3A_168, %dma_start3A_244] : memref<40x128xi32, #tpu.memory_space<vmem>> -> memref<1x128xi32, #tpu.memory_space<vmem>>
        %dma_start3A_246 = tpu.memref_squeeze %dma_start3A_245 : memref<1x128xi32, #tpu.memory_space<vmem>> -> memref<128xi32, #tpu.memory_space<vmem>>
        %dma_start3A_247 = arith.constant 0 : i32
        %dma_start3A_248 = arith.constant 0 : i32
        %dma_start3A_249 = tpu.memref_slice %arg17[%dma_start3A_247, %dma_start3A_248] : memref<10240x8xf32, #tpu.memory_space<vmem_shared>> -> memref<10240x8xf32, #tpu.memory_space<vmem_shared>>
        tpu.enqueue_indirect_dma source(%dma_start3A_243 : memref<128x8xf32, #tpu.memory_space<vmem>>) target(%dma_start3A_249 : memref<10240x8xf32, #tpu.memory_space<vmem_shared>>) offsets(%dma_start3A_246 : memref<128xi32, #tpu.memory_space<vmem>>) semaphore(%run_scoped3A_240 : memref<!tpu.dma_semaphore, #tpu.memory_space<semaphore_mem>>) {add = true}
        %dma_wait3A_250 = arith.constant 0 : i32
        %dma_wait3A_251 = arith.constant 0 : i32
        %dma_wait3A_252 = tpu.memref_slice %arg13[%run_scoped3A_195, %dma_wait3A_250, %dma_wait3A_251] : memref<2x128x8xf32, #tpu.memory_space<vmem>> -> memref<1x128x8xf32, #tpu.memory_space<vmem>>
        %dma_wait3A_253 = tpu.memref_squeeze %dma_wait3A_252 : memref<1x128x8xf32, #tpu.memory_space<vmem>> -> memref<128x8xf32, #tpu.memory_space<vmem>>
        %dma_wait3A_254 = arith.constant 0 : i32
        %dma_wait3A_255 = tpu.memref_slice %arg11[%add3A_168, %dma_wait3A_254] : memref<40x128xi32, #tpu.memory_space<vmem>> -> memref<1x128xi32, #tpu.memory_space<vmem>>
        %dma_wait3A_256 = tpu.memref_squeeze %dma_wait3A_255 : memref<1x128xi32, #tpu.memory_space<vmem>> -> memref<128xi32, #tpu.memory_space<vmem>>
        %dma_wait3A_257 = arith.constant 0 : i32
        %dma_wait3A_258 = arith.constant 0 : i32
        %dma_wait3A_259 = tpu.memref_slice %arg17[%dma_wait3A_257, %dma_wait3A_258] : memref<10240x8xf32, #tpu.memory_space<vmem_shared>> -> memref<10240x8xf32, #tpu.memory_space<vmem_shared>>
        tpu.wait_indirect_dma semaphore(%run_scoped3A_240 : memref<!tpu.dma_semaphore, #tpu.memory_space<semaphore_mem>>) src(%dma_wait3A_253 : memref<128x8xf32, #tpu.memory_space<vmem>>) dst(%dma_wait3A_259 : memref<10240x8xf32, #tpu.memory_space<vmem_shared>>)
        tpu.yield
      }) : () -> ()
      %add3A_196 = arith.constant 2 : i32
      %add3A_197 = arith.addi %add3A_168, %add3A_196 : i32
      %lt3A = arith.cmpi slt, %add3A_197, %min3A_46 : i32
      %convert_element_type3A_198 = arith.extui %lt3A : i1 to i32
      %cond3A_199 = arith.constant 0 : i32
      %cond3A_200 = arith.cmpi ne, %convert_element_type3A_198, %cond3A_199 : i32
      scf.if %cond3A_200 {
        %add3A_240 = arith.constant 2 : i32
        %add3A_241 = arith.addi %add3A_168, %add3A_240 : i32
        %dma_start3A = arith.constant 0 : i32
        %dma_start3A_242 = arith.constant 0 : i32
        %dma_start3A_243 = arith.constant 0 : i32
        %dma_start3A_244 = tpu.memref_slice %arg12[%dma_start3A, %dma_start3A_242, %dma_start3A_243] : memref<2x128x8xf32, #tpu.memory_space<vmem>> -> memref<1x128x8xf32, #tpu.memory_space<vmem>>
        %dma_start3A_245 = tpu.memref_squeeze %dma_start3A_244 : memref<1x128x8xf32, #tpu.memory_space<vmem>> -> memref<128x8xf32, #tpu.memory_space<vmem>>
        %dma_start3A_246 = arith.constant 0 : i32
        %dma_start3A_247 = tpu.memref_slice %arg10[%add3A_241, %dma_start3A_246] : memref<40x128xi32, #tpu.memory_space<vmem>> -> memref<1x128xi32, #tpu.memory_space<vmem>>
        %dma_start3A_248 = tpu.memref_squeeze %dma_start3A_247 : memref<1x128xi32, #tpu.memory_space<vmem>> -> memref<128xi32, #tpu.memory_space<vmem>>
        %dma_start3A_249 = arith.constant 0 : i32
        %dma_start3A_250 = arith.constant 0 : i32
        %dma_start3A_251 = tpu.memref_slice %arg4[%dma_start3A_249, %dma_start3A_250] : memref<10000x8xf32, #tpu.memory_space<hbm>> -> memref<10000x8xf32, #tpu.memory_space<hbm>>
        tpu.enqueue_indirect_dma source(%dma_start3A_251 : memref<10000x8xf32, #tpu.memory_space<hbm>>) target(%dma_start3A_245 : memref<128x8xf32, #tpu.memory_space<vmem>>) offsets(%dma_start3A_248 : memref<128xi32, #tpu.memory_space<vmem>>) semaphore(%arg18 : memref<!tpu.dma_semaphore, #tpu.memory_space<semaphore_mem>>)
        %add3A_252 = arith.addi %add3A_40, %add3A_241 : i32
        %mul3A_253 = arith.constant 128 : i32
        %mul3A_254 = arith.muli %add3A_252, %mul3A_253 : i32
        %dma_start3A_255 = arith.constant 0 : i32
        %dma_start3A_256 = arith.constant 0 : i32
        %dma_start3A_257 = arith.constant 0 : i32
        %dma_start3A_258 = tpu.memref_slice %arg13[%dma_start3A_255, %dma_start3A_256, %dma_start3A_257] : memref<2x128x8xf32, #tpu.memory_space<vmem>> -> memref<1x128x8xf32, #tpu.memory_space<vmem>>
        %dma_start3A_259 = tpu.memref_squeeze %dma_start3A_258 : memref<1x128x8xf32, #tpu.memory_space<vmem>> -> memref<128x8xf32, #tpu.memory_space<vmem>>
        %dma_start3A_260 = arith.constant 0 : i32
        %dma_start3A_261 = tpu.memref_slice %arg5[%mul3A_254, %dma_start3A_260] : memref<163840x8xf32, #tpu.memory_space<hbm>> -> memref<128x8xf32, #tpu.memory_space<hbm>>
        %dma_start3A_262 = arith.constant 0 : i32
        %dma_start3A_263 = arith.constant 0 : i32
        %dma_start3A_264 = tpu.memref_slice %arg13[%dma_start3A_255, %dma_start3A_262, %dma_start3A_263] : memref<2x128x8xf32, #tpu.memory_space<vmem>> -> memref<1x128x8xf32, #tpu.memory_space<vmem>>
        %dma_start3A_265 = tpu.memref_squeeze %dma_start3A_264 : memref<1x128x8xf32, #tpu.memory_space<vmem>> -> memref<128x8xf32, #tpu.memory_space<vmem>>
        %dma_start3A_266 = arith.constant 0 : i32
        %dma_start3A_267 = tpu.memref_slice %arg5[%mul3A_254, %dma_start3A_266] : memref<163840x8xf32, #tpu.memory_space<hbm>> -> memref<128x8xf32, #tpu.memory_space<hbm>>
        tpu.enqueue_dma source(%dma_start3A_267 : memref<128x8xf32, #tpu.memory_space<hbm>>) target(%dma_start3A_265 : memref<128x8xf32, #tpu.memory_space<vmem>>) target_semaphore(%arg18 : memref<!tpu.dma_semaphore, #tpu.memory_space<semaphore_mem>>)
      } else {
      }
      %mul3A_201 = arith.constant 2 : i32
      %mul3A_202 = arith.muli %while3A_164, %mul3A_201 : i32
      %add3A_203 = arith.constant 1 : i32
      %add3A_204 = arith.addi %mul3A_202, %add3A_203 : i32
      %dma_wait3A_205 = arith.constant 1 : i32
      %dma_wait3A_206 = arith.constant 0 : i32
      %dma_wait3A_207 = arith.constant 0 : i32
      %dma_wait3A_208 = tpu.memref_slice %arg12[%dma_wait3A_205, %dma_wait3A_206, %dma_wait3A_207] : memref<2x128x8xf32, #tpu.memory_space<vmem>> -> memref<1x128x8xf32, #tpu.memory_space<vmem>>
      %dma_wait3A_209 = tpu.memref_squeeze %dma_wait3A_208 : memref<1x128x8xf32, #tpu.memory_space<vmem>> -> memref<128x8xf32, #tpu.memory_space<vmem>>
      %dma_wait3A_210 = arith.constant 0 : i32
      %dma_wait3A_211 = tpu.memref_slice %arg10[%add3A_204, %dma_wait3A_210] : memref<40x128xi32, #tpu.memory_space<vmem>> -> memref<1x128xi32, #tpu.memory_space<vmem>>
      %dma_wait3A_212 = tpu.memref_squeeze %dma_wait3A_211 : memref<1x128xi32, #tpu.memory_space<vmem>> -> memref<128xi32, #tpu.memory_space<vmem>>
      %dma_wait3A_213 = arith.constant 0 : i32
      %dma_wait3A_214 = arith.constant 0 : i32
      %dma_wait3A_215 = tpu.memref_slice %arg4[%dma_wait3A_213, %dma_wait3A_214] : memref<10000x8xf32, #tpu.memory_space<hbm>> -> memref<10000x8xf32, #tpu.memory_space<hbm>>
      tpu.wait_indirect_dma semaphore(%arg18 : memref<!tpu.dma_semaphore, #tpu.memory_space<semaphore_mem>>) src(%dma_wait3A_215 : memref<10000x8xf32, #tpu.memory_space<hbm>>) dst(%dma_wait3A_209 : memref<128x8xf32, #tpu.memory_space<vmem>>)
      %add3A_216 = arith.addi %add3A_40, %add3A_204 : i32
      %mul3A_217 = arith.constant 128 : i32
      %mul3A_218 = arith.muli %add3A_216, %mul3A_217 : i32
      %dma_wait3A_219 = arith.constant 1 : i32
      %dma_wait3A_220 = arith.constant 0 : i32
      %dma_wait3A_221 = arith.constant 0 : i32
      %dma_wait3A_222 = tpu.memref_slice %arg13[%dma_wait3A_219, %dma_wait3A_220, %dma_wait3A_221] : memref<2x128x8xf32, #tpu.memory_space<vmem>> -> memref<1x128x8xf32, #tpu.memory_space<vmem>>
      %dma_wait3A_223 = tpu.memref_squeeze %dma_wait3A_222 : memref<1x128x8xf32, #tpu.memory_space<vmem>> -> memref<128x8xf32, #tpu.memory_space<vmem>>
      %dma_wait3A_224 = arith.constant 0 : i32
      %dma_wait3A_225 = tpu.memref_slice %arg5[%mul3A_218, %dma_wait3A_224] : memref<163840x8xf32, #tpu.memory_space<hbm>> -> memref<128x8xf32, #tpu.memory_space<hbm>>
      %dma_wait3A_226 = arith.constant 0 : i32
      %dma_wait3A_227 = arith.constant 0 : i32
      %dma_wait3A_228 = tpu.memref_slice %arg13[%dma_wait3A_219, %dma_wait3A_226, %dma_wait3A_227] : memref<2x128x8xf32, #tpu.memory_space<vmem>> -> memref<1x128x8xf32, #tpu.memory_space<vmem>>
      %dma_wait3A_229 = tpu.memref_squeeze %dma_wait3A_228 : memref<1x128x8xf32, #tpu.memory_space<vmem>> -> memref<128x8xf32, #tpu.memory_space<vmem>>
      %dma_wait3A_230 = arith.constant 0 : i32
      %dma_wait3A_231 = tpu.memref_slice %arg5[%mul3A_218, %dma_wait3A_230] : memref<163840x8xf32, #tpu.memory_space<hbm>> -> memref<128x8xf32, #tpu.memory_space<hbm>>
      tpu.wait_dma2 semaphore(%arg18 : memref<!tpu.dma_semaphore, #tpu.memory_space<semaphore_mem>>) src(%dma_wait3A_231 : memref<128x8xf32, #tpu.memory_space<hbm>>) dst(%dma_wait3A_229 : memref<128x8xf32, #tpu.memory_space<vmem>>)
      %run_scoped3A_232 = arith.constant 1 : i32
      "tpu.region"() ({
        %run_scoped3A_240 = tpu.sem_alloc : memref<!tpu.dma_semaphore, #tpu.memory_space<semaphore_mem>>
        %dma_start3A = arith.constant 0 : i32
        %dma_start3A_241 = arith.constant 0 : i32
        %dma_start3A_242 = tpu.memref_slice %arg12[%run_scoped3A_232, %dma_start3A, %dma_start3A_241] : memref<2x128x8xf32, #tpu.memory_space<vmem>> -> memref<1x128x8xf32, #tpu.memory_space<vmem>>
        %dma_start3A_243 = tpu.memref_squeeze %dma_start3A_242 : memref<1x128x8xf32, #tpu.memory_space<vmem>> -> memref<128x8xf32, #tpu.memory_space<vmem>>
        %dma_start3A_244 = arith.constant 0 : i32
        %dma_start3A_245 = tpu.memref_slice %arg11[%add3A_204, %dma_start3A_244] : memref<40x128xi32, #tpu.memory_space<vmem>> -> memref<1x128xi32, #tpu.memory_space<vmem>>
        %dma_start3A_246 = tpu.memref_squeeze %dma_start3A_245 : memref<1x128xi32, #tpu.memory_space<vmem>> -> memref<128xi32, #tpu.memory_space<vmem>>
        %dma_start3A_247 = arith.constant 0 : i32
        %dma_start3A_248 = arith.constant 0 : i32
        %dma_start3A_249 = tpu.memref_slice %arg16[%dma_start3A_247, %dma_start3A_248] : memref<10240x8xf32, #tpu.memory_space<vmem_shared>> -> memref<10240x8xf32, #tpu.memory_space<vmem_shared>>
        tpu.enqueue_indirect_dma source(%dma_start3A_243 : memref<128x8xf32, #tpu.memory_space<vmem>>) target(%dma_start3A_249 : memref<10240x8xf32, #tpu.memory_space<vmem_shared>>) offsets(%dma_start3A_246 : memref<128xi32, #tpu.memory_space<vmem>>) semaphore(%run_scoped3A_240 : memref<!tpu.dma_semaphore, #tpu.memory_space<semaphore_mem>>) {add = true}
        %dma_wait3A_250 = arith.constant 0 : i32
        %dma_wait3A_251 = arith.constant 0 : i32
        %dma_wait3A_252 = tpu.memref_slice %arg12[%run_scoped3A_232, %dma_wait3A_250, %dma_wait3A_251] : memref<2x128x8xf32, #tpu.memory_space<vmem>> -> memref<1x128x8xf32, #tpu.memory_space<vmem>>
        %dma_wait3A_253 = tpu.memref_squeeze %dma_wait3A_252 : memref<1x128x8xf32, #tpu.memory_space<vmem>> -> memref<128x8xf32, #tpu.memory_space<vmem>>
        %dma_wait3A_254 = arith.constant 0 : i32
        %dma_wait3A_255 = tpu.memref_slice %arg11[%add3A_204, %dma_wait3A_254] : memref<40x128xi32, #tpu.memory_space<vmem>> -> memref<1x128xi32, #tpu.memory_space<vmem>>
        %dma_wait3A_256 = tpu.memref_squeeze %dma_wait3A_255 : memref<1x128xi32, #tpu.memory_space<vmem>> -> memref<128xi32, #tpu.memory_space<vmem>>
        %dma_wait3A_257 = arith.constant 0 : i32
        %dma_wait3A_258 = arith.constant 0 : i32
        %dma_wait3A_259 = tpu.memref_slice %arg16[%dma_wait3A_257, %dma_wait3A_258] : memref<10240x8xf32, #tpu.memory_space<vmem_shared>> -> memref<10240x8xf32, #tpu.memory_space<vmem_shared>>
        tpu.wait_indirect_dma semaphore(%run_scoped3A_240 : memref<!tpu.dma_semaphore, #tpu.memory_space<semaphore_mem>>) src(%dma_wait3A_253 : memref<128x8xf32, #tpu.memory_space<vmem>>) dst(%dma_wait3A_259 : memref<10240x8xf32, #tpu.memory_space<vmem_shared>>)
        tpu.yield
      }) : () -> ()
      %run_scoped3A_233 = arith.constant 1 : i32
      "tpu.region"() ({
        %run_scoped3A_240 = tpu.sem_alloc : memref<!tpu.dma_semaphore, #tpu.memory_space<semaphore_mem>>
        %dma_start3A = arith.constant 0 : i32
        %dma_start3A_241 = arith.constant 0 : i32
        %dma_start3A_242 = tpu.memref_slice %arg13[%run_scoped3A_233, %dma_start3A, %dma_start3A_241] : memref<2x128x8xf32, #tpu.memory_space<vmem>> -> memref<1x128x8xf32, #tpu.memory_space<vmem>>
        %dma_start3A_243 = tpu.memref_squeeze %dma_start3A_242 : memref<1x128x8xf32, #tpu.memory_space<vmem>> -> memref<128x8xf32, #tpu.memory_space<vmem>>
        %dma_start3A_244 = arith.constant 0 : i32
        %dma_start3A_245 = tpu.memref_slice %arg11[%add3A_204, %dma_start3A_244] : memref<40x128xi32, #tpu.memory_space<vmem>> -> memref<1x128xi32, #tpu.memory_space<vmem>>
        %dma_start3A_246 = tpu.memref_squeeze %dma_start3A_245 : memref<1x128xi32, #tpu.memory_space<vmem>> -> memref<128xi32, #tpu.memory_space<vmem>>
        %dma_start3A_247 = arith.constant 0 : i32
        %dma_start3A_248 = arith.constant 0 : i32
        %dma_start3A_249 = tpu.memref_slice %arg17[%dma_start3A_247, %dma_start3A_248] : memref<10240x8xf32, #tpu.memory_space<vmem_shared>> -> memref<10240x8xf32, #tpu.memory_space<vmem_shared>>
        tpu.enqueue_indirect_dma source(%dma_start3A_243 : memref<128x8xf32, #tpu.memory_space<vmem>>) target(%dma_start3A_249 : memref<10240x8xf32, #tpu.memory_space<vmem_shared>>) offsets(%dma_start3A_246 : memref<128xi32, #tpu.memory_space<vmem>>) semaphore(%run_scoped3A_240 : memref<!tpu.dma_semaphore, #tpu.memory_space<semaphore_mem>>) {add = true}
        %dma_wait3A_250 = arith.constant 0 : i32
        %dma_wait3A_251 = arith.constant 0 : i32
        %dma_wait3A_252 = tpu.memref_slice %arg13[%run_scoped3A_233, %dma_wait3A_250, %dma_wait3A_251] : memref<2x128x8xf32, #tpu.memory_space<vmem>> -> memref<1x128x8xf32, #tpu.memory_space<vmem>>
        %dma_wait3A_253 = tpu.memref_squeeze %dma_wait3A_252 : memref<1x128x8xf32, #tpu.memory_space<vmem>> -> memref<128x8xf32, #tpu.memory_space<vmem>>
        %dma_wait3A_254 = arith.constant 0 : i32
        %dma_wait3A_255 = tpu.memref_slice %arg11[%add3A_204, %dma_wait3A_254] : memref<40x128xi32, #tpu.memory_space<vmem>> -> memref<1x128xi32, #tpu.memory_space<vmem>>
        %dma_wait3A_256 = tpu.memref_squeeze %dma_wait3A_255 : memref<1x128xi32, #tpu.memory_space<vmem>> -> memref<128xi32, #tpu.memory_space<vmem>>
        %dma_wait3A_257 = arith.constant 0 : i32
        %dma_wait3A_258 = arith.constant 0 : i32
        %dma_wait3A_259 = tpu.memref_slice %arg17[%dma_wait3A_257, %dma_wait3A_258] : memref<10240x8xf32, #tpu.memory_space<vmem_shared>> -> memref<10240x8xf32, #tpu.memory_space<vmem_shared>>
        tpu.wait_indirect_dma semaphore(%run_scoped3A_240 : memref<!tpu.dma_semaphore, #tpu.memory_space<semaphore_mem>>) src(%dma_wait3A_253 : memref<128x8xf32, #tpu.memory_space<vmem>>) dst(%dma_wait3A_259 : memref<10240x8xf32, #tpu.memory_space<vmem_shared>>)
        tpu.yield
      }) : () -> ()
      %add3A_234 = arith.constant 2 : i32
      %add3A_235 = arith.addi %add3A_204, %add3A_234 : i32
      %lt3A_236 = arith.cmpi slt, %add3A_235, %min3A_46 : i32
      %convert_element_type3A_237 = arith.extui %lt3A_236 : i1 to i32
      %cond3A_238 = arith.constant 0 : i32
      %cond3A_239 = arith.cmpi ne, %convert_element_type3A_237, %cond3A_238 : i32
      scf.if %cond3A_239 {
        %add3A_240 = arith.constant 2 : i32
        %add3A_241 = arith.addi %add3A_204, %add3A_240 : i32
        %dma_start3A = arith.constant 1 : i32
        %dma_start3A_242 = arith.constant 0 : i32
        %dma_start3A_243 = arith.constant 0 : i32
        %dma_start3A_244 = tpu.memref_slice %arg12[%dma_start3A, %dma_start3A_242, %dma_start3A_243] : memref<2x128x8xf32, #tpu.memory_space<vmem>> -> memref<1x128x8xf32, #tpu.memory_space<vmem>>
        %dma_start3A_245 = tpu.memref_squeeze %dma_start3A_244 : memref<1x128x8xf32, #tpu.memory_space<vmem>> -> memref<128x8xf32, #tpu.memory_space<vmem>>
        %dma_start3A_246 = arith.constant 0 : i32
        %dma_start3A_247 = tpu.memref_slice %arg10[%add3A_241, %dma_start3A_246] : memref<40x128xi32, #tpu.memory_space<vmem>> -> memref<1x128xi32, #tpu.memory_space<vmem>>
        %dma_start3A_248 = tpu.memref_squeeze %dma_start3A_247 : memref<1x128xi32, #tpu.memory_space<vmem>> -> memref<128xi32, #tpu.memory_space<vmem>>
        %dma_start3A_249 = arith.constant 0 : i32
        %dma_start3A_250 = arith.constant 0 : i32
        %dma_start3A_251 = tpu.memref_slice %arg4[%dma_start3A_249, %dma_start3A_250] : memref<10000x8xf32, #tpu.memory_space<hbm>> -> memref<10000x8xf32, #tpu.memory_space<hbm>>
        tpu.enqueue_indirect_dma source(%dma_start3A_251 : memref<10000x8xf32, #tpu.memory_space<hbm>>) target(%dma_start3A_245 : memref<128x8xf32, #tpu.memory_space<vmem>>) offsets(%dma_start3A_248 : memref<128xi32, #tpu.memory_space<vmem>>) semaphore(%arg18 : memref<!tpu.dma_semaphore, #tpu.memory_space<semaphore_mem>>)
        %add3A_252 = arith.addi %add3A_40, %add3A_241 : i32
        %mul3A_253 = arith.constant 128 : i32
        %mul3A_254 = arith.muli %add3A_252, %mul3A_253 : i32
        %dma_start3A_255 = arith.constant 1 : i32
        %dma_start3A_256 = arith.constant 0 : i32
        %dma_start3A_257 = arith.constant 0 : i32
        %dma_start3A_258 = tpu.memref_slice %arg13[%dma_start3A_255, %dma_start3A_256, %dma_start3A_257] : memref<2x128x8xf32, #tpu.memory_space<vmem>> -> memref<1x128x8xf32, #tpu.memory_space<vmem>>
        %dma_start3A_259 = tpu.memref_squeeze %dma_start3A_258 : memref<1x128x8xf32, #tpu.memory_space<vmem>> -> memref<128x8xf32, #tpu.memory_space<vmem>>
        %dma_start3A_260 = arith.constant 0 : i32
        %dma_start3A_261 = tpu.memref_slice %arg5[%mul3A_254, %dma_start3A_260] : memref<163840x8xf32, #tpu.memory_space<hbm>> -> memref<128x8xf32, #tpu.memory_space<hbm>>
        %dma_start3A_262 = arith.constant 0 : i32
        %dma_start3A_263 = arith.constant 0 : i32
        %dma_start3A_264 = tpu.memref_slice %arg13[%dma_start3A_255, %dma_start3A_262, %dma_start3A_263] : memref<2x128x8xf32, #tpu.memory_space<vmem>> -> memref<1x128x8xf32, #tpu.memory_space<vmem>>
        %dma_start3A_265 = tpu.memref_squeeze %dma_start3A_264 : memref<1x128x8xf32, #tpu.memory_space<vmem>> -> memref<128x8xf32, #tpu.memory_space<vmem>>
        %dma_start3A_266 = arith.constant 0 : i32
        %dma_start3A_267 = tpu.memref_slice %arg5[%mul3A_254, %dma_start3A_266] : memref<163840x8xf32, #tpu.memory_space<hbm>> -> memref<128x8xf32, #tpu.memory_space<hbm>>
        tpu.enqueue_dma source(%dma_start3A_267 : memref<128x8xf32, #tpu.memory_space<hbm>>) target(%dma_start3A_265 : memref<128x8xf32, #tpu.memory_space<vmem>>) target_semaphore(%arg18 : memref<!tpu.dma_semaphore, #tpu.memory_space<semaphore_mem>>)
      } else {
      }
    }
    %add3A_86 = arith.constant 40 : i32
    %add3A_87 = arith.addi %add3A, %add3A_86 : i32
    %sub3A_88 = arith.constant 40 : i32
    %sub3A_89 = arith.subi %select_n3A, %sub3A_88 : i32
    %jit3A_90 = arith.constant 0 : i32
    %jit3A_91 = arith.constant 40 : i32
    %max3A_92 = arith.maxsi %jit3A_90, %sub3A_89 : i32
    %min3A_93 = arith.minsi %jit3A_91, %max3A_92 : i32
    %while3A_94 = arith.constant 0 : i32
    %while3A_95 = arith.constant 0 : i32
    %while3A_96 = arith.subi %min3A_93, %while3A_95 : i32
    %while3A_97 = arith.addi %while3A_95, %while3A_96 : i32
    %while3A_98 = arith.constant 1 : i32
    %while3A_99 = arith.divsi %while3A_96, %while3A_98 : i32
    %while3A_100 = arith.muli %while3A_99, %while3A_98 : i32
    %while3A_101 = arith.addi %while3A_95, %while3A_100 : i32
    %while3A_102 = arith.constant 1 : i32
    scf.for %while3A_164 = %while3A_95 to %while3A_101 step %while3A_102  : i32 {
      %add3A_165 = arith.addi %add3A_87, %while3A_164 : i32
      %mul3A_166 = arith.constant 128 : i32
      %mul3A_167 = arith.muli %add3A_165, %mul3A_166 : i32
      %dma_start3A = arith.constant 0 : i32
      %dma_start3A_168 = tpu.memref_slice %arg10[%while3A_164, %dma_start3A] : memref<40x128xi32, #tpu.memory_space<vmem>> -> memref<1x128xi32, #tpu.memory_space<vmem>>
      %dma_start3A_169 = tpu.memref_squeeze %dma_start3A_168 : memref<1x128xi32, #tpu.memory_space<vmem>> -> memref<128xi32, #tpu.memory_space<vmem>>
      %dma_start3A_170 = tpu.memref_slice %arg2[%mul3A_167] : memref<163840xi32, #tpu.memory_space<hbm>> -> memref<128xi32, #tpu.memory_space<hbm>>
      %dma_start3A_171 = arith.constant 0 : i32
      %dma_start3A_172 = tpu.memref_slice %arg10[%while3A_164, %dma_start3A_171] : memref<40x128xi32, #tpu.memory_space<vmem>> -> memref<1x128xi32, #tpu.memory_space<vmem>>
      %dma_start3A_173 = tpu.memref_squeeze %dma_start3A_172 : memref<1x128xi32, #tpu.memory_space<vmem>> -> memref<128xi32, #tpu.memory_space<vmem>>
      %dma_start3A_174 = tpu.memref_slice %arg2[%mul3A_167] : memref<163840xi32, #tpu.memory_space<hbm>> -> memref<128xi32, #tpu.memory_space<hbm>>
      tpu.enqueue_dma source(%dma_start3A_174 : memref<128xi32, #tpu.memory_space<hbm>>) target(%dma_start3A_173 : memref<128xi32, #tpu.memory_space<vmem>>) target_semaphore(%arg19 : memref<!tpu.dma_semaphore, #tpu.memory_space<semaphore_mem>>)
      %dma_start3A_175 = arith.constant 0 : i32
      %dma_start3A_176 = tpu.memref_slice %arg11[%while3A_164, %dma_start3A_175] : memref<40x128xi32, #tpu.memory_space<vmem>> -> memref<1x128xi32, #tpu.memory_space<vmem>>
      %dma_start3A_177 = tpu.memref_squeeze %dma_start3A_176 : memref<1x128xi32, #tpu.memory_space<vmem>> -> memref<128xi32, #tpu.memory_space<vmem>>
      %dma_start3A_178 = tpu.memref_slice %arg3[%mul3A_167] : memref<163840xi32, #tpu.memory_space<hbm>> -> memref<128xi32, #tpu.memory_space<hbm>>
      %dma_start3A_179 = arith.constant 0 : i32
      %dma_start3A_180 = tpu.memref_slice %arg11[%while3A_164, %dma_start3A_179] : memref<40x128xi32, #tpu.memory_space<vmem>> -> memref<1x128xi32, #tpu.memory_space<vmem>>
      %dma_start3A_181 = tpu.memref_squeeze %dma_start3A_180 : memref<1x128xi32, #tpu.memory_space<vmem>> -> memref<128xi32, #tpu.memory_space<vmem>>
      %dma_start3A_182 = tpu.memref_slice %arg3[%mul3A_167] : memref<163840xi32, #tpu.memory_space<hbm>> -> memref<128xi32, #tpu.memory_space<hbm>>
      tpu.enqueue_dma source(%dma_start3A_182 : memref<128xi32, #tpu.memory_space<hbm>>) target(%dma_start3A_181 : memref<128xi32, #tpu.memory_space<vmem>>) target_semaphore(%arg19 : memref<!tpu.dma_semaphore, #tpu.memory_space<semaphore_mem>>)
    }
    %while3A_103 = arith.constant 1 : i32
    scf.for %while3A_164 = %while3A_101 to %while3A_97 step %while3A_103  : i32 {
      %add3A_165 = arith.addi %add3A_87, %while3A_164 : i32
      %mul3A_166 = arith.constant 128 : i32
      %mul3A_167 = arith.muli %add3A_165, %mul3A_166 : i32
      %dma_start3A = arith.constant 0 : i32
      %dma_start3A_168 = tpu.memref_slice %arg10[%while3A_164, %dma_start3A] : memref<40x128xi32, #tpu.memory_space<vmem>> -> memref<1x128xi32, #tpu.memory_space<vmem>>
      %dma_start3A_169 = tpu.memref_squeeze %dma_start3A_168 : memref<1x128xi32, #tpu.memory_space<vmem>> -> memref<128xi32, #tpu.memory_space<vmem>>
      %dma_start3A_170 = tpu.memref_slice %arg2[%mul3A_167] : memref<163840xi32, #tpu.memory_space<hbm>> -> memref<128xi32, #tpu.memory_space<hbm>>
      %dma_start3A_171 = arith.constant 0 : i32
      %dma_start3A_172 = tpu.memref_slice %arg10[%while3A_164, %dma_start3A_171] : memref<40x128xi32, #tpu.memory_space<vmem>> -> memref<1x128xi32, #tpu.memory_space<vmem>>
      %dma_start3A_173 = tpu.memref_squeeze %dma_start3A_172 : memref<1x128xi32, #tpu.memory_space<vmem>> -> memref<128xi32, #tpu.memory_space<vmem>>
      %dma_start3A_174 = tpu.memref_slice %arg2[%mul3A_167] : memref<163840xi32, #tpu.memory_space<hbm>> -> memref<128xi32, #tpu.memory_space<hbm>>
      tpu.enqueue_dma source(%dma_start3A_174 : memref<128xi32, #tpu.memory_space<hbm>>) target(%dma_start3A_173 : memref<128xi32, #tpu.memory_space<vmem>>) target_semaphore(%arg19 : memref<!tpu.dma_semaphore, #tpu.memory_space<semaphore_mem>>)
      %dma_start3A_175 = arith.constant 0 : i32
      %dma_start3A_176 = tpu.memref_slice %arg11[%while3A_164, %dma_start3A_175] : memref<40x128xi32, #tpu.memory_space<vmem>> -> memref<1x128xi32, #tpu.memory_space<vmem>>
      %dma_start3A_177 = tpu.memref_squeeze %dma_start3A_176 : memref<1x128xi32, #tpu.memory_space<vmem>> -> memref<128xi32, #tpu.memory_space<vmem>>
      %dma_start3A_178 = tpu.memref_slice %arg3[%mul3A_167] : memref<163840xi32, #tpu.memory_space<hbm>> -> memref<128xi32, #tpu.memory_space<hbm>>
      %dma_start3A_179 = arith.constant 0 : i32
      %dma_start3A_180 = tpu.memref_slice %arg11[%while3A_164, %dma_start3A_179] : memref<40x128xi32, #tpu.memory_space<vmem>> -> memref<1x128xi32, #tpu.memory_space<vmem>>
      %dma_start3A_181 = tpu.memref_squeeze %dma_start3A_180 : memref<1x128xi32, #tpu.memory_space<vmem>> -> memref<128xi32, #tpu.memory_space<vmem>>
      %dma_start3A_182 = tpu.memref_slice %arg3[%mul3A_167] : memref<163840xi32, #tpu.memory_space<hbm>> -> memref<128xi32, #tpu.memory_space<hbm>>
      tpu.enqueue_dma source(%dma_start3A_182 : memref<128xi32, #tpu.memory_space<hbm>>) target(%dma_start3A_181 : memref<128xi32, #tpu.memory_space<vmem>>) target_semaphore(%arg19 : memref<!tpu.dma_semaphore, #tpu.memory_space<semaphore_mem>>)
    }
    %while3A_104 = arith.constant 0 : i32
    %while3A_105 = arith.constant 0 : i32
    %while3A_106 = arith.subi %min3A_93, %while3A_105 : i32
    %while3A_107 = arith.addi %while3A_105, %while3A_106 : i32
    %while3A_108 = arith.constant 1 : i32
    %while3A_109 = arith.divsi %while3A_106, %while3A_108 : i32
    %while3A_110 = arith.muli %while3A_109, %while3A_108 : i32
    %while3A_111 = arith.addi %while3A_105, %while3A_110 : i32
    %while3A_112 = arith.constant 1 : i32
    scf.for %while3A_164 = %while3A_105 to %while3A_111 step %while3A_112  : i32 {
      %add3A_165 = arith.addi %add3A_87, %while3A_164 : i32
      %mul3A_166 = arith.constant 128 : i32
      %mul3A_167 = arith.muli %add3A_165, %mul3A_166 : i32
      %dma_wait3A = arith.constant 0 : i32
      %dma_wait3A_168 = tpu.memref_slice %arg10[%while3A_164, %dma_wait3A] : memref<40x128xi32, #tpu.memory_space<vmem>> -> memref<1x128xi32, #tpu.memory_space<vmem>>
      %dma_wait3A_169 = tpu.memref_squeeze %dma_wait3A_168 : memref<1x128xi32, #tpu.memory_space<vmem>> -> memref<128xi32, #tpu.memory_space<vmem>>
      %dma_wait3A_170 = tpu.memref_slice %arg2[%mul3A_167] : memref<163840xi32, #tpu.memory_space<hbm>> -> memref<128xi32, #tpu.memory_space<hbm>>
      %dma_wait3A_171 = arith.constant 0 : i32
      %dma_wait3A_172 = tpu.memref_slice %arg10[%while3A_164, %dma_wait3A_171] : memref<40x128xi32, #tpu.memory_space<vmem>> -> memref<1x128xi32, #tpu.memory_space<vmem>>
      %dma_wait3A_173 = tpu.memref_squeeze %dma_wait3A_172 : memref<1x128xi32, #tpu.memory_space<vmem>> -> memref<128xi32, #tpu.memory_space<vmem>>
      %dma_wait3A_174 = tpu.memref_slice %arg2[%mul3A_167] : memref<163840xi32, #tpu.memory_space<hbm>> -> memref<128xi32, #tpu.memory_space<hbm>>
      tpu.wait_dma2 semaphore(%arg19 : memref<!tpu.dma_semaphore, #tpu.memory_space<semaphore_mem>>) src(%dma_wait3A_174 : memref<128xi32, #tpu.memory_space<hbm>>) dst(%dma_wait3A_173 : memref<128xi32, #tpu.memory_space<vmem>>)
      %dma_wait3A_175 = arith.constant 0 : i32
      %dma_wait3A_176 = tpu.memref_slice %arg11[%while3A_164, %dma_wait3A_175] : memref<40x128xi32, #tpu.memory_space<vmem>> -> memref<1x128xi32, #tpu.memory_space<vmem>>
      %dma_wait3A_177 = tpu.memref_squeeze %dma_wait3A_176 : memref<1x128xi32, #tpu.memory_space<vmem>> -> memref<128xi32, #tpu.memory_space<vmem>>
      %dma_wait3A_178 = tpu.memref_slice %arg3[%mul3A_167] : memref<163840xi32, #tpu.memory_space<hbm>> -> memref<128xi32, #tpu.memory_space<hbm>>
      %dma_wait3A_179 = arith.constant 0 : i32
      %dma_wait3A_180 = tpu.memref_slice %arg11[%while3A_164, %dma_wait3A_179] : memref<40x128xi32, #tpu.memory_space<vmem>> -> memref<1x128xi32, #tpu.memory_space<vmem>>
      %dma_wait3A_181 = tpu.memref_squeeze %dma_wait3A_180 : memref<1x128xi32, #tpu.memory_space<vmem>> -> memref<128xi32, #tpu.memory_space<vmem>>
      %dma_wait3A_182 = tpu.memref_slice %arg3[%mul3A_167] : memref<163840xi32, #tpu.memory_space<hbm>> -> memref<128xi32, #tpu.memory_space<hbm>>
      tpu.wait_dma2 semaphore(%arg19 : memref<!tpu.dma_semaphore, #tpu.memory_space<semaphore_mem>>) src(%dma_wait3A_182 : memref<128xi32, #tpu.memory_space<hbm>>) dst(%dma_wait3A_181 : memref<128xi32, #tpu.memory_space<vmem>>)
    }
    %while3A_113 = arith.constant 1 : i32
    scf.for %while3A_164 = %while3A_111 to %while3A_107 step %while3A_113  : i32 {
      %add3A_165 = arith.addi %add3A_87, %while3A_164 : i32
      %mul3A_166 = arith.constant 128 : i32
      %mul3A_167 = arith.muli %add3A_165, %mul3A_166 : i32
      %dma_wait3A = arith.constant 0 : i32
      %dma_wait3A_168 = tpu.memref_slice %arg10[%while3A_164, %dma_wait3A] : memref<40x128xi32, #tpu.memory_space<vmem>> -> memref<1x128xi32, #tpu.memory_space<vmem>>
      %dma_wait3A_169 = tpu.memref_squeeze %dma_wait3A_168 : memref<1x128xi32, #tpu.memory_space<vmem>> -> memref<128xi32, #tpu.memory_space<vmem>>
      %dma_wait3A_170 = tpu.memref_slice %arg2[%mul3A_167] : memref<163840xi32, #tpu.memory_space<hbm>> -> memref<128xi32, #tpu.memory_space<hbm>>
      %dma_wait3A_171 = arith.constant 0 : i32
      %dma_wait3A_172 = tpu.memref_slice %arg10[%while3A_164, %dma_wait3A_171] : memref<40x128xi32, #tpu.memory_space<vmem>> -> memref<1x128xi32, #tpu.memory_space<vmem>>
      %dma_wait3A_173 = tpu.memref_squeeze %dma_wait3A_172 : memref<1x128xi32, #tpu.memory_space<vmem>> -> memref<128xi32, #tpu.memory_space<vmem>>
      %dma_wait3A_174 = tpu.memref_slice %arg2[%mul3A_167] : memref<163840xi32, #tpu.memory_space<hbm>> -> memref<128xi32, #tpu.memory_space<hbm>>
      tpu.wait_dma2 semaphore(%arg19 : memref<!tpu.dma_semaphore, #tpu.memory_space<semaphore_mem>>) src(%dma_wait3A_174 : memref<128xi32, #tpu.memory_space<hbm>>) dst(%dma_wait3A_173 : memref<128xi32, #tpu.memory_space<vmem>>)
      %dma_wait3A_175 = arith.constant 0 : i32
      %dma_wait3A_176 = tpu.memref_slice %arg11[%while3A_164, %dma_wait3A_175] : memref<40x128xi32, #tpu.memory_space<vmem>> -> memref<1x128xi32, #tpu.memory_space<vmem>>
      %dma_wait3A_177 = tpu.memref_squeeze %dma_wait3A_176 : memref<1x128xi32, #tpu.memory_space<vmem>> -> memref<128xi32, #tpu.memory_space<vmem>>
      %dma_wait3A_178 = tpu.memref_slice %arg3[%mul3A_167] : memref<163840xi32, #tpu.memory_space<hbm>> -> memref<128xi32, #tpu.memory_space<hbm>>
      %dma_wait3A_179 = arith.constant 0 : i32
      %dma_wait3A_180 = tpu.memref_slice %arg11[%while3A_164, %dma_wait3A_179] : memref<40x128xi32, #tpu.memory_space<vmem>> -> memref<1x128xi32, #tpu.memory_space<vmem>>
      %dma_wait3A_181 = tpu.memref_squeeze %dma_wait3A_180 : memref<1x128xi32, #tpu.memory_space<vmem>> -> memref<128xi32, #tpu.memory_space<vmem>>
      %dma_wait3A_182 = tpu.memref_slice %arg3[%mul3A_167] : memref<163840xi32, #tpu.memory_space<hbm>> -> memref<128xi32, #tpu.memory_space<hbm>>
      tpu.wait_dma2 semaphore(%arg19 : memref<!tpu.dma_semaphore, #tpu.memory_space<semaphore_mem>>) src(%dma_wait3A_182 : memref<128xi32, #tpu.memory_space<hbm>>) dst(%dma_wait3A_181 : memref<128xi32, #tpu.memory_space<vmem>>)
    }
    %gt3A_114 = arith.constant 0 : i32
    %gt3A_115 = arith.cmpi sgt, %min3A_93, %gt3A_114 : i32
    %convert_element_type3A_116 = arith.extui %gt3A_115 : i1 to i32
    %cond3A_117 = arith.constant 0 : i32
    %cond3A_118 = arith.cmpi ne, %convert_element_type3A_116, %cond3A_117 : i32
    scf.if %cond3A_118 {
      %dma_start3A = arith.constant 0 : i32
      %dma_start3A_164 = arith.constant 0 : i32
      %dma_start3A_165 = arith.constant 0 : i32
      %dma_start3A_166 = arith.constant 0 : i32
      %dma_start3A_167 = tpu.memref_slice %arg12[%dma_start3A_164, %dma_start3A_165, %dma_start3A_166] : memref<2x128x8xf32, #tpu.memory_space<vmem>> -> memref<1x128x8xf32, #tpu.memory_space<vmem>>
      %dma_start3A_168 = tpu.memref_squeeze %dma_start3A_167 : memref<1x128x8xf32, #tpu.memory_space<vmem>> -> memref<128x8xf32, #tpu.memory_space<vmem>>
      %dma_start3A_169 = arith.constant 0 : i32
      %dma_start3A_170 = tpu.memref_slice %arg10[%dma_start3A, %dma_start3A_169] : memref<40x128xi32, #tpu.memory_space<vmem>> -> memref<1x128xi32, #tpu.memory_space<vmem>>
      %dma_start3A_171 = tpu.memref_squeeze %dma_start3A_170 : memref<1x128xi32, #tpu.memory_space<vmem>> -> memref<128xi32, #tpu.memory_space<vmem>>
      %dma_start3A_172 = arith.constant 0 : i32
      %dma_start3A_173 = arith.constant 0 : i32
      %dma_start3A_174 = tpu.memref_slice %arg4[%dma_start3A_172, %dma_start3A_173] : memref<10000x8xf32, #tpu.memory_space<hbm>> -> memref<10000x8xf32, #tpu.memory_space<hbm>>
      tpu.enqueue_indirect_dma source(%dma_start3A_174 : memref<10000x8xf32, #tpu.memory_space<hbm>>) target(%dma_start3A_168 : memref<128x8xf32, #tpu.memory_space<vmem>>) offsets(%dma_start3A_171 : memref<128xi32, #tpu.memory_space<vmem>>) semaphore(%arg18 : memref<!tpu.dma_semaphore, #tpu.memory_space<semaphore_mem>>)
      %add3A_175 = arith.constant 0 : i32
      %add3A_176 = arith.addi %add3A_87, %add3A_175 : i32
      %mul3A_177 = arith.constant 128 : i32
      %mul3A_178 = arith.muli %add3A_176, %mul3A_177 : i32
      %dma_start3A_179 = arith.constant 0 : i32
      %dma_start3A_180 = arith.constant 0 : i32
      %dma_start3A_181 = arith.constant 0 : i32
      %dma_start3A_182 = tpu.memref_slice %arg13[%dma_start3A_179, %dma_start3A_180, %dma_start3A_181] : memref<2x128x8xf32, #tpu.memory_space<vmem>> -> memref<1x128x8xf32, #tpu.memory_space<vmem>>
      %dma_start3A_183 = tpu.memref_squeeze %dma_start3A_182 : memref<1x128x8xf32, #tpu.memory_space<vmem>> -> memref<128x8xf32, #tpu.memory_space<vmem>>
      %dma_start3A_184 = arith.constant 0 : i32
      %dma_start3A_185 = tpu.memref_slice %arg5[%mul3A_178, %dma_start3A_184] : memref<163840x8xf32, #tpu.memory_space<hbm>> -> memref<128x8xf32, #tpu.memory_space<hbm>>
      %dma_start3A_186 = arith.constant 0 : i32
      %dma_start3A_187 = arith.constant 0 : i32
      %dma_start3A_188 = tpu.memref_slice %arg13[%dma_start3A_179, %dma_start3A_186, %dma_start3A_187] : memref<2x128x8xf32, #tpu.memory_space<vmem>> -> memref<1x128x8xf32, #tpu.memory_space<vmem>>
      %dma_start3A_189 = tpu.memref_squeeze %dma_start3A_188 : memref<1x128x8xf32, #tpu.memory_space<vmem>> -> memref<128x8xf32, #tpu.memory_space<vmem>>
      %dma_start3A_190 = arith.constant 0 : i32
      %dma_start3A_191 = tpu.memref_slice %arg5[%mul3A_178, %dma_start3A_190] : memref<163840x8xf32, #tpu.memory_space<hbm>> -> memref<128x8xf32, #tpu.memory_space<hbm>>
      tpu.enqueue_dma source(%dma_start3A_191 : memref<128x8xf32, #tpu.memory_space<hbm>>) target(%dma_start3A_189 : memref<128x8xf32, #tpu.memory_space<vmem>>) target_semaphore(%arg18 : memref<!tpu.dma_semaphore, #tpu.memory_space<semaphore_mem>>)
    } else {
    }
    %gt3A_119 = arith.constant 1 : i32
    %gt3A_120 = arith.cmpi sgt, %min3A_93, %gt3A_119 : i32
    %convert_element_type3A_121 = arith.extui %gt3A_120 : i1 to i32
    %cond3A_122 = arith.constant 0 : i32
    %cond3A_123 = arith.cmpi ne, %convert_element_type3A_121, %cond3A_122 : i32
    scf.if %cond3A_123 {
      %dma_start3A = arith.constant 1 : i32
      %dma_start3A_164 = arith.constant 1 : i32
      %dma_start3A_165 = arith.constant 0 : i32
      %dma_start3A_166 = arith.constant 0 : i32
      %dma_start3A_167 = tpu.memref_slice %arg12[%dma_start3A_164, %dma_start3A_165, %dma_start3A_166] : memref<2x128x8xf32, #tpu.memory_space<vmem>> -> memref<1x128x8xf32, #tpu.memory_space<vmem>>
      %dma_start3A_168 = tpu.memref_squeeze %dma_start3A_167 : memref<1x128x8xf32, #tpu.memory_space<vmem>> -> memref<128x8xf32, #tpu.memory_space<vmem>>
      %dma_start3A_169 = arith.constant 0 : i32
      %dma_start3A_170 = tpu.memref_slice %arg10[%dma_start3A, %dma_start3A_169] : memref<40x128xi32, #tpu.memory_space<vmem>> -> memref<1x128xi32, #tpu.memory_space<vmem>>
      %dma_start3A_171 = tpu.memref_squeeze %dma_start3A_170 : memref<1x128xi32, #tpu.memory_space<vmem>> -> memref<128xi32, #tpu.memory_space<vmem>>
      %dma_start3A_172 = arith.constant 0 : i32
      %dma_start3A_173 = arith.constant 0 : i32
      %dma_start3A_174 = tpu.memref_slice %arg4[%dma_start3A_172, %dma_start3A_173] : memref<10000x8xf32, #tpu.memory_space<hbm>> -> memref<10000x8xf32, #tpu.memory_space<hbm>>
      tpu.enqueue_indirect_dma source(%dma_start3A_174 : memref<10000x8xf32, #tpu.memory_space<hbm>>) target(%dma_start3A_168 : memref<128x8xf32, #tpu.memory_space<vmem>>) offsets(%dma_start3A_171 : memref<128xi32, #tpu.memory_space<vmem>>) semaphore(%arg18 : memref<!tpu.dma_semaphore, #tpu.memory_space<semaphore_mem>>)
      %add3A_175 = arith.constant 1 : i32
      %add3A_176 = arith.addi %add3A_87, %add3A_175 : i32
      %mul3A_177 = arith.constant 128 : i32
      %mul3A_178 = arith.muli %add3A_176, %mul3A_177 : i32
      %dma_start3A_179 = arith.constant 1 : i32
      %dma_start3A_180 = arith.constant 0 : i32
      %dma_start3A_181 = arith.constant 0 : i32
      %dma_start3A_182 = tpu.memref_slice %arg13[%dma_start3A_179, %dma_start3A_180, %dma_start3A_181] : memref<2x128x8xf32, #tpu.memory_space<vmem>> -> memref<1x128x8xf32, #tpu.memory_space<vmem>>
      %dma_start3A_183 = tpu.memref_squeeze %dma_start3A_182 : memref<1x128x8xf32, #tpu.memory_space<vmem>> -> memref<128x8xf32, #tpu.memory_space<vmem>>
      %dma_start3A_184 = arith.constant 0 : i32
      %dma_start3A_185 = tpu.memref_slice %arg5[%mul3A_178, %dma_start3A_184] : memref<163840x8xf32, #tpu.memory_space<hbm>> -> memref<128x8xf32, #tpu.memory_space<hbm>>
      %dma_start3A_186 = arith.constant 0 : i32
      %dma_start3A_187 = arith.constant 0 : i32
      %dma_start3A_188 = tpu.memref_slice %arg13[%dma_start3A_179, %dma_start3A_186, %dma_start3A_187] : memref<2x128x8xf32, #tpu.memory_space<vmem>> -> memref<1x128x8xf32, #tpu.memory_space<vmem>>
      %dma_start3A_189 = tpu.memref_squeeze %dma_start3A_188 : memref<1x128x8xf32, #tpu.memory_space<vmem>> -> memref<128x8xf32, #tpu.memory_space<vmem>>
      %dma_start3A_190 = arith.constant 0 : i32
      %dma_start3A_191 = tpu.memref_slice %arg5[%mul3A_178, %dma_start3A_190] : memref<163840x8xf32, #tpu.memory_space<hbm>> -> memref<128x8xf32, #tpu.memory_space<hbm>>
      tpu.enqueue_dma source(%dma_start3A_191 : memref<128x8xf32, #tpu.memory_space<hbm>>) target(%dma_start3A_189 : memref<128x8xf32, #tpu.memory_space<vmem>>) target_semaphore(%arg18 : memref<!tpu.dma_semaphore, #tpu.memory_space<semaphore_mem>>)
    } else {
    }
    %jit3A_124 = arith.constant 2 : i32
    %div3A_125 = arith.divsi %min3A_93, %jit3A_124 : i32
    %sign3A_126 = arith.constant 0 : i32
    %sign3A_127 = arith.cmpi sgt, %min3A_93, %sign3A_126 : i32
    %sign3A_128 = arith.extui %sign3A_127 : i1 to i32
    %sign3A_129 = arith.constant 0 : i32
    %sign3A_130 = arith.cmpi slt, %min3A_93, %sign3A_129 : i32
    %sign3A_131 = arith.extui %sign3A_130 : i1 to i32
    %sign3A_132 = arith.subi %sign3A_128, %sign3A_131 : i32
    %sign3A_133 = arith.constant 0 : i32
    %sign3A_134 = arith.cmpi sgt, %jit3A_124, %sign3A_133 : i32
    %sign3A_135 = arith.extui %sign3A_134 : i1 to i32
    %sign3A_136 = arith.constant 0 : i32
    %sign3A_137 = arith.cmpi slt, %jit3A_124, %sign3A_136 : i32
    %sign3A_138 = arith.extui %sign3A_137 : i1 to i32
    %sign3A_139 = arith.subi %sign3A_135, %sign3A_138 : i32
    %ne3A_140 = arith.cmpi ne, %sign3A_132, %sign3A_139 : i32
    %rem3A_141 = arith.remsi %min3A_93, %jit3A_124 : i32
    %ne3A_142 = arith.constant 0 : i32
    %ne3A_143 = arith.cmpi ne, %rem3A_141, %ne3A_142 : i32
    %and3A_144 = arith.andi %ne3A_140, %ne3A_143 : i1
    %sub3A_145 = arith.constant 1 : i32
    %sub3A_146 = arith.subi %div3A_125, %sub3A_145 : i32
    %select_n3A_147 = arith.select %and3A_144, %sub3A_146, %div3A_125 : i32
    %while3A_148 = arith.constant 0 : i32
    %while3A_149 = arith.constant 0 : i32
    %while3A_150 = arith.subi %select_n3A_147, %while3A_149 : i32
    %while3A_151 = arith.addi %while3A_149, %while3A_150 : i32
    %while3A_152 = arith.constant 1 : i32
    %while3A_153 = arith.divsi %while3A_150, %while3A_152 : i32
    %while3A_154 = arith.muli %while3A_153, %while3A_152 : i32
    %while3A_155 = arith.addi %while3A_149, %while3A_154 : i32
    %while3A_156 = arith.constant 1 : i32
    scf.for %while3A_164 = %while3A_149 to %while3A_155 step %while3A_156  : i32 {
      %mul3A_165 = arith.constant 2 : i32
      %mul3A_166 = arith.muli %while3A_164, %mul3A_165 : i32
      %add3A_167 = arith.constant 0 : i32
      %add3A_168 = arith.addi %mul3A_166, %add3A_167 : i32
      %dma_wait3A = arith.constant 0 : i32
      %dma_wait3A_169 = arith.constant 0 : i32
      %dma_wait3A_170 = arith.constant 0 : i32
      %dma_wait3A_171 = tpu.memref_slice %arg12[%dma_wait3A, %dma_wait3A_169, %dma_wait3A_170] : memref<2x128x8xf32, #tpu.memory_space<vmem>> -> memref<1x128x8xf32, #tpu.memory_space<vmem>>
      %dma_wait3A_172 = tpu.memref_squeeze %dma_wait3A_171 : memref<1x128x8xf32, #tpu.memory_space<vmem>> -> memref<128x8xf32, #tpu.memory_space<vmem>>
      %dma_wait3A_173 = arith.constant 0 : i32
      %dma_wait3A_174 = tpu.memref_slice %arg10[%add3A_168, %dma_wait3A_173] : memref<40x128xi32, #tpu.memory_space<vmem>> -> memref<1x128xi32, #tpu.memory_space<vmem>>
      %dma_wait3A_175 = tpu.memref_squeeze %dma_wait3A_174 : memref<1x128xi32, #tpu.memory_space<vmem>> -> memref<128xi32, #tpu.memory_space<vmem>>
      %dma_wait3A_176 = arith.constant 0 : i32
      %dma_wait3A_177 = arith.constant 0 : i32
      %dma_wait3A_178 = tpu.memref_slice %arg4[%dma_wait3A_176, %dma_wait3A_177] : memref<10000x8xf32, #tpu.memory_space<hbm>> -> memref<10000x8xf32, #tpu.memory_space<hbm>>
      tpu.wait_indirect_dma semaphore(%arg18 : memref<!tpu.dma_semaphore, #tpu.memory_space<semaphore_mem>>) src(%dma_wait3A_178 : memref<10000x8xf32, #tpu.memory_space<hbm>>) dst(%dma_wait3A_172 : memref<128x8xf32, #tpu.memory_space<vmem>>)
      %add3A_179 = arith.addi %add3A_87, %add3A_168 : i32
      %mul3A_180 = arith.constant 128 : i32
      %mul3A_181 = arith.muli %add3A_179, %mul3A_180 : i32
      %dma_wait3A_182 = arith.constant 0 : i32
      %dma_wait3A_183 = arith.constant 0 : i32
      %dma_wait3A_184 = arith.constant 0 : i32
      %dma_wait3A_185 = tpu.memref_slice %arg13[%dma_wait3A_182, %dma_wait3A_183, %dma_wait3A_184] : memref<2x128x8xf32, #tpu.memory_space<vmem>> -> memref<1x128x8xf32, #tpu.memory_space<vmem>>
      %dma_wait3A_186 = tpu.memref_squeeze %dma_wait3A_185 : memref<1x128x8xf32, #tpu.memory_space<vmem>> -> memref<128x8xf32, #tpu.memory_space<vmem>>
      %dma_wait3A_187 = arith.constant 0 : i32
      %dma_wait3A_188 = tpu.memref_slice %arg5[%mul3A_181, %dma_wait3A_187] : memref<163840x8xf32, #tpu.memory_space<hbm>> -> memref<128x8xf32, #tpu.memory_space<hbm>>
      %dma_wait3A_189 = arith.constant 0 : i32
      %dma_wait3A_190 = arith.constant 0 : i32
      %dma_wait3A_191 = tpu.memref_slice %arg13[%dma_wait3A_182, %dma_wait3A_189, %dma_wait3A_190] : memref<2x128x8xf32, #tpu.memory_space<vmem>> -> memref<1x128x8xf32, #tpu.memory_space<vmem>>
      %dma_wait3A_192 = tpu.memref_squeeze %dma_wait3A_191 : memref<1x128x8xf32, #tpu.memory_space<vmem>> -> memref<128x8xf32, #tpu.memory_space<vmem>>
      %dma_wait3A_193 = arith.constant 0 : i32
      %dma_wait3A_194 = tpu.memref_slice %arg5[%mul3A_181, %dma_wait3A_193] : memref<163840x8xf32, #tpu.memory_space<hbm>> -> memref<128x8xf32, #tpu.memory_space<hbm>>
      tpu.wait_dma2 semaphore(%arg18 : memref<!tpu.dma_semaphore, #tpu.memory_space<semaphore_mem>>) src(%dma_wait3A_194 : memref<128x8xf32, #tpu.memory_space<hbm>>) dst(%dma_wait3A_192 : memref<128x8xf32, #tpu.memory_space<vmem>>)
      %run_scoped3A = arith.constant 0 : i32
      "tpu.region"() ({
        %run_scoped3A_240 = tpu.sem_alloc : memref<!tpu.dma_semaphore, #tpu.memory_space<semaphore_mem>>
        %dma_start3A = arith.constant 0 : i32
        %dma_start3A_241 = arith.constant 0 : i32
        %dma_start3A_242 = tpu.memref_slice %arg12[%run_scoped3A, %dma_start3A, %dma_start3A_241] : memref<2x128x8xf32, #tpu.memory_space<vmem>> -> memref<1x128x8xf32, #tpu.memory_space<vmem>>
        %dma_start3A_243 = tpu.memref_squeeze %dma_start3A_242 : memref<1x128x8xf32, #tpu.memory_space<vmem>> -> memref<128x8xf32, #tpu.memory_space<vmem>>
        %dma_start3A_244 = arith.constant 0 : i32
        %dma_start3A_245 = tpu.memref_slice %arg11[%add3A_168, %dma_start3A_244] : memref<40x128xi32, #tpu.memory_space<vmem>> -> memref<1x128xi32, #tpu.memory_space<vmem>>
        %dma_start3A_246 = tpu.memref_squeeze %dma_start3A_245 : memref<1x128xi32, #tpu.memory_space<vmem>> -> memref<128xi32, #tpu.memory_space<vmem>>
        %dma_start3A_247 = arith.constant 0 : i32
        %dma_start3A_248 = arith.constant 0 : i32
        %dma_start3A_249 = tpu.memref_slice %arg16[%dma_start3A_247, %dma_start3A_248] : memref<10240x8xf32, #tpu.memory_space<vmem_shared>> -> memref<10240x8xf32, #tpu.memory_space<vmem_shared>>
        tpu.enqueue_indirect_dma source(%dma_start3A_243 : memref<128x8xf32, #tpu.memory_space<vmem>>) target(%dma_start3A_249 : memref<10240x8xf32, #tpu.memory_space<vmem_shared>>) offsets(%dma_start3A_246 : memref<128xi32, #tpu.memory_space<vmem>>) semaphore(%run_scoped3A_240 : memref<!tpu.dma_semaphore, #tpu.memory_space<semaphore_mem>>) {add = true}
        %dma_wait3A_250 = arith.constant 0 : i32
        %dma_wait3A_251 = arith.constant 0 : i32
        %dma_wait3A_252 = tpu.memref_slice %arg12[%run_scoped3A, %dma_wait3A_250, %dma_wait3A_251] : memref<2x128x8xf32, #tpu.memory_space<vmem>> -> memref<1x128x8xf32, #tpu.memory_space<vmem>>
        %dma_wait3A_253 = tpu.memref_squeeze %dma_wait3A_252 : memref<1x128x8xf32, #tpu.memory_space<vmem>> -> memref<128x8xf32, #tpu.memory_space<vmem>>
        %dma_wait3A_254 = arith.constant 0 : i32
        %dma_wait3A_255 = tpu.memref_slice %arg11[%add3A_168, %dma_wait3A_254] : memref<40x128xi32, #tpu.memory_space<vmem>> -> memref<1x128xi32, #tpu.memory_space<vmem>>
        %dma_wait3A_256 = tpu.memref_squeeze %dma_wait3A_255 : memref<1x128xi32, #tpu.memory_space<vmem>> -> memref<128xi32, #tpu.memory_space<vmem>>
        %dma_wait3A_257 = arith.constant 0 : i32
        %dma_wait3A_258 = arith.constant 0 : i32
        %dma_wait3A_259 = tpu.memref_slice %arg16[%dma_wait3A_257, %dma_wait3A_258] : memref<10240x8xf32, #tpu.memory_space<vmem_shared>> -> memref<10240x8xf32, #tpu.memory_space<vmem_shared>>
        tpu.wait_indirect_dma semaphore(%run_scoped3A_240 : memref<!tpu.dma_semaphore, #tpu.memory_space<semaphore_mem>>) src(%dma_wait3A_253 : memref<128x8xf32, #tpu.memory_space<vmem>>) dst(%dma_wait3A_259 : memref<10240x8xf32, #tpu.memory_space<vmem_shared>>)
        tpu.yield
      }) : () -> ()
      %run_scoped3A_195 = arith.constant 0 : i32
      "tpu.region"() ({
        %run_scoped3A_240 = tpu.sem_alloc : memref<!tpu.dma_semaphore, #tpu.memory_space<semaphore_mem>>
        %dma_start3A = arith.constant 0 : i32
        %dma_start3A_241 = arith.constant 0 : i32
        %dma_start3A_242 = tpu.memref_slice %arg13[%run_scoped3A_195, %dma_start3A, %dma_start3A_241] : memref<2x128x8xf32, #tpu.memory_space<vmem>> -> memref<1x128x8xf32, #tpu.memory_space<vmem>>
        %dma_start3A_243 = tpu.memref_squeeze %dma_start3A_242 : memref<1x128x8xf32, #tpu.memory_space<vmem>> -> memref<128x8xf32, #tpu.memory_space<vmem>>
        %dma_start3A_244 = arith.constant 0 : i32
        %dma_start3A_245 = tpu.memref_slice %arg11[%add3A_168, %dma_start3A_244] : memref<40x128xi32, #tpu.memory_space<vmem>> -> memref<1x128xi32, #tpu.memory_space<vmem>>
        %dma_start3A_246 = tpu.memref_squeeze %dma_start3A_245 : memref<1x128xi32, #tpu.memory_space<vmem>> -> memref<128xi32, #tpu.memory_space<vmem>>
        %dma_start3A_247 = arith.constant 0 : i32
        %dma_start3A_248 = arith.constant 0 : i32
        %dma_start3A_249 = tpu.memref_slice %arg17[%dma_start3A_247, %dma_start3A_248] : memref<10240x8xf32, #tpu.memory_space<vmem_shared>> -> memref<10240x8xf32, #tpu.memory_space<vmem_shared>>
        tpu.enqueue_indirect_dma source(%dma_start3A_243 : memref<128x8xf32, #tpu.memory_space<vmem>>) target(%dma_start3A_249 : memref<10240x8xf32, #tpu.memory_space<vmem_shared>>) offsets(%dma_start3A_246 : memref<128xi32, #tpu.memory_space<vmem>>) semaphore(%run_scoped3A_240 : memref<!tpu.dma_semaphore, #tpu.memory_space<semaphore_mem>>) {add = true}
        %dma_wait3A_250 = arith.constant 0 : i32
        %dma_wait3A_251 = arith.constant 0 : i32
        %dma_wait3A_252 = tpu.memref_slice %arg13[%run_scoped3A_195, %dma_wait3A_250, %dma_wait3A_251] : memref<2x128x8xf32, #tpu.memory_space<vmem>> -> memref<1x128x8xf32, #tpu.memory_space<vmem>>
        %dma_wait3A_253 = tpu.memref_squeeze %dma_wait3A_252 : memref<1x128x8xf32, #tpu.memory_space<vmem>> -> memref<128x8xf32, #tpu.memory_space<vmem>>
        %dma_wait3A_254 = arith.constant 0 : i32
        %dma_wait3A_255 = tpu.memref_slice %arg11[%add3A_168, %dma_wait3A_254] : memref<40x128xi32, #tpu.memory_space<vmem>> -> memref<1x128xi32, #tpu.memory_space<vmem>>
        %dma_wait3A_256 = tpu.memref_squeeze %dma_wait3A_255 : memref<1x128xi32, #tpu.memory_space<vmem>> -> memref<128xi32, #tpu.memory_space<vmem>>
        %dma_wait3A_257 = arith.constant 0 : i32
        %dma_wait3A_258 = arith.constant 0 : i32
        %dma_wait3A_259 = tpu.memref_slice %arg17[%dma_wait3A_257, %dma_wait3A_258] : memref<10240x8xf32, #tpu.memory_space<vmem_shared>> -> memref<10240x8xf32, #tpu.memory_space<vmem_shared>>
        tpu.wait_indirect_dma semaphore(%run_scoped3A_240 : memref<!tpu.dma_semaphore, #tpu.memory_space<semaphore_mem>>) src(%dma_wait3A_253 : memref<128x8xf32, #tpu.memory_space<vmem>>) dst(%dma_wait3A_259 : memref<10240x8xf32, #tpu.memory_space<vmem_shared>>)
        tpu.yield
      }) : () -> ()
      %add3A_196 = arith.constant 2 : i32
      %add3A_197 = arith.addi %add3A_168, %add3A_196 : i32
      %lt3A = arith.cmpi slt, %add3A_197, %min3A_93 : i32
      %convert_element_type3A_198 = arith.extui %lt3A : i1 to i32
      %cond3A_199 = arith.constant 0 : i32
      %cond3A_200 = arith.cmpi ne, %convert_element_type3A_198, %cond3A_199 : i32
      scf.if %cond3A_200 {
        %add3A_240 = arith.constant 2 : i32
        %add3A_241 = arith.addi %add3A_168, %add3A_240 : i32
        %dma_start3A = arith.constant 0 : i32
        %dma_start3A_242 = arith.constant 0 : i32
        %dma_start3A_243 = arith.constant 0 : i32
        %dma_start3A_244 = tpu.memref_slice %arg12[%dma_start3A, %dma_start3A_242, %dma_start3A_243] : memref<2x128x8xf32, #tpu.memory_space<vmem>> -> memref<1x128x8xf32, #tpu.memory_space<vmem>>
        %dma_start3A_245 = tpu.memref_squeeze %dma_start3A_244 : memref<1x128x8xf32, #tpu.memory_space<vmem>> -> memref<128x8xf32, #tpu.memory_space<vmem>>
        %dma_start3A_246 = arith.constant 0 : i32
        %dma_start3A_247 = tpu.memref_slice %arg10[%add3A_241, %dma_start3A_246] : memref<40x128xi32, #tpu.memory_space<vmem>> -> memref<1x128xi32, #tpu.memory_space<vmem>>
        %dma_start3A_248 = tpu.memref_squeeze %dma_start3A_247 : memref<1x128xi32, #tpu.memory_space<vmem>> -> memref<128xi32, #tpu.memory_space<vmem>>
        %dma_start3A_249 = arith.constant 0 : i32
        %dma_start3A_250 = arith.constant 0 : i32
        %dma_start3A_251 = tpu.memref_slice %arg4[%dma_start3A_249, %dma_start3A_250] : memref<10000x8xf32, #tpu.memory_space<hbm>> -> memref<10000x8xf32, #tpu.memory_space<hbm>>
        tpu.enqueue_indirect_dma source(%dma_start3A_251 : memref<10000x8xf32, #tpu.memory_space<hbm>>) target(%dma_start3A_245 : memref<128x8xf32, #tpu.memory_space<vmem>>) offsets(%dma_start3A_248 : memref<128xi32, #tpu.memory_space<vmem>>) semaphore(%arg18 : memref<!tpu.dma_semaphore, #tpu.memory_space<semaphore_mem>>)
        %add3A_252 = arith.addi %add3A_87, %add3A_241 : i32
        %mul3A_253 = arith.constant 128 : i32
        %mul3A_254 = arith.muli %add3A_252, %mul3A_253 : i32
        %dma_start3A_255 = arith.constant 0 : i32
        %dma_start3A_256 = arith.constant 0 : i32
        %dma_start3A_257 = arith.constant 0 : i32
        %dma_start3A_258 = tpu.memref_slice %arg13[%dma_start3A_255, %dma_start3A_256, %dma_start3A_257] : memref<2x128x8xf32, #tpu.memory_space<vmem>> -> memref<1x128x8xf32, #tpu.memory_space<vmem>>
        %dma_start3A_259 = tpu.memref_squeeze %dma_start3A_258 : memref<1x128x8xf32, #tpu.memory_space<vmem>> -> memref<128x8xf32, #tpu.memory_space<vmem>>
        %dma_start3A_260 = arith.constant 0 : i32
        %dma_start3A_261 = tpu.memref_slice %arg5[%mul3A_254, %dma_start3A_260] : memref<163840x8xf32, #tpu.memory_space<hbm>> -> memref<128x8xf32, #tpu.memory_space<hbm>>
        %dma_start3A_262 = arith.constant 0 : i32
        %dma_start3A_263 = arith.constant 0 : i32
        %dma_start3A_264 = tpu.memref_slice %arg13[%dma_start3A_255, %dma_start3A_262, %dma_start3A_263] : memref<2x128x8xf32, #tpu.memory_space<vmem>> -> memref<1x128x8xf32, #tpu.memory_space<vmem>>
        %dma_start3A_265 = tpu.memref_squeeze %dma_start3A_264 : memref<1x128x8xf32, #tpu.memory_space<vmem>> -> memref<128x8xf32, #tpu.memory_space<vmem>>
        %dma_start3A_266 = arith.constant 0 : i32
        %dma_start3A_267 = tpu.memref_slice %arg5[%mul3A_254, %dma_start3A_266] : memref<163840x8xf32, #tpu.memory_space<hbm>> -> memref<128x8xf32, #tpu.memory_space<hbm>>
        tpu.enqueue_dma source(%dma_start3A_267 : memref<128x8xf32, #tpu.memory_space<hbm>>) target(%dma_start3A_265 : memref<128x8xf32, #tpu.memory_space<vmem>>) target_semaphore(%arg18 : memref<!tpu.dma_semaphore, #tpu.memory_space<semaphore_mem>>)
      } else {
      }
      %mul3A_201 = arith.constant 2 : i32
      %mul3A_202 = arith.muli %while3A_164, %mul3A_201 : i32
      %add3A_203 = arith.constant 1 : i32
      %add3A_204 = arith.addi %mul3A_202, %add3A_203 : i32
      %dma_wait3A_205 = arith.constant 1 : i32
      %dma_wait3A_206 = arith.constant 0 : i32
      %dma_wait3A_207 = arith.constant 0 : i32
      %dma_wait3A_208 = tpu.memref_slice %arg12[%dma_wait3A_205, %dma_wait3A_206, %dma_wait3A_207] : memref<2x128x8xf32, #tpu.memory_space<vmem>> -> memref<1x128x8xf32, #tpu.memory_space<vmem>>
      %dma_wait3A_209 = tpu.memref_squeeze %dma_wait3A_208 : memref<1x128x8xf32, #tpu.memory_space<vmem>> -> memref<128x8xf32, #tpu.memory_space<vmem>>
      %dma_wait3A_210 = arith.constant 0 : i32
      %dma_wait3A_211 = tpu.memref_slice %arg10[%add3A_204, %dma_wait3A_210] : memref<40x128xi32, #tpu.memory_space<vmem>> -> memref<1x128xi32, #tpu.memory_space<vmem>>
      %dma_wait3A_212 = tpu.memref_squeeze %dma_wait3A_211 : memref<1x128xi32, #tpu.memory_space<vmem>> -> memref<128xi32, #tpu.memory_space<vmem>>
      %dma_wait3A_213 = arith.constant 0 : i32
      %dma_wait3A_214 = arith.constant 0 : i32
      %dma_wait3A_215 = tpu.memref_slice %arg4[%dma_wait3A_213, %dma_wait3A_214] : memref<10000x8xf32, #tpu.memory_space<hbm>> -> memref<10000x8xf32, #tpu.memory_space<hbm>>
      tpu.wait_indirect_dma semaphore(%arg18 : memref<!tpu.dma_semaphore, #tpu.memory_space<semaphore_mem>>) src(%dma_wait3A_215 : memref<10000x8xf32, #tpu.memory_space<hbm>>) dst(%dma_wait3A_209 : memref<128x8xf32, #tpu.memory_space<vmem>>)
      %add3A_216 = arith.addi %add3A_87, %add3A_204 : i32
      %mul3A_217 = arith.constant 128 : i32
      %mul3A_218 = arith.muli %add3A_216, %mul3A_217 : i32
      %dma_wait3A_219 = arith.constant 1 : i32
      %dma_wait3A_220 = arith.constant 0 : i32
      %dma_wait3A_221 = arith.constant 0 : i32
      %dma_wait3A_222 = tpu.memref_slice %arg13[%dma_wait3A_219, %dma_wait3A_220, %dma_wait3A_221] : memref<2x128x8xf32, #tpu.memory_space<vmem>> -> memref<1x128x8xf32, #tpu.memory_space<vmem>>
      %dma_wait3A_223 = tpu.memref_squeeze %dma_wait3A_222 : memref<1x128x8xf32, #tpu.memory_space<vmem>> -> memref<128x8xf32, #tpu.memory_space<vmem>>
      %dma_wait3A_224 = arith.constant 0 : i32
      %dma_wait3A_225 = tpu.memref_slice %arg5[%mul3A_218, %dma_wait3A_224] : memref<163840x8xf32, #tpu.memory_space<hbm>> -> memref<128x8xf32, #tpu.memory_space<hbm>>
      %dma_wait3A_226 = arith.constant 0 : i32
      %dma_wait3A_227 = arith.constant 0 : i32
      %dma_wait3A_228 = tpu.memref_slice %arg13[%dma_wait3A_219, %dma_wait3A_226, %dma_wait3A_227] : memref<2x128x8xf32, #tpu.memory_space<vmem>> -> memref<1x128x8xf32, #tpu.memory_space<vmem>>
      %dma_wait3A_229 = tpu.memref_squeeze %dma_wait3A_228 : memref<1x128x8xf32, #tpu.memory_space<vmem>> -> memref<128x8xf32, #tpu.memory_space<vmem>>
      %dma_wait3A_230 = arith.constant 0 : i32
      %dma_wait3A_231 = tpu.memref_slice %arg5[%mul3A_218, %dma_wait3A_230] : memref<163840x8xf32, #tpu.memory_space<hbm>> -> memref<128x8xf32, #tpu.memory_space<hbm>>
      tpu.wait_dma2 semaphore(%arg18 : memref<!tpu.dma_semaphore, #tpu.memory_space<semaphore_mem>>) src(%dma_wait3A_231 : memref<128x8xf32, #tpu.memory_space<hbm>>) dst(%dma_wait3A_229 : memref<128x8xf32, #tpu.memory_space<vmem>>)
      %run_scoped3A_232 = arith.constant 1 : i32
      "tpu.region"() ({
        %run_scoped3A_240 = tpu.sem_alloc : memref<!tpu.dma_semaphore, #tpu.memory_space<semaphore_mem>>
        %dma_start3A = arith.constant 0 : i32
        %dma_start3A_241 = arith.constant 0 : i32
        %dma_start3A_242 = tpu.memref_slice %arg12[%run_scoped3A_232, %dma_start3A, %dma_start3A_241] : memref<2x128x8xf32, #tpu.memory_space<vmem>> -> memref<1x128x8xf32, #tpu.memory_space<vmem>>
        %dma_start3A_243 = tpu.memref_squeeze %dma_start3A_242 : memref<1x128x8xf32, #tpu.memory_space<vmem>> -> memref<128x8xf32, #tpu.memory_space<vmem>>
        %dma_start3A_244 = arith.constant 0 : i32
        %dma_start3A_245 = tpu.memref_slice %arg11[%add3A_204, %dma_start3A_244] : memref<40x128xi32, #tpu.memory_space<vmem>> -> memref<1x128xi32, #tpu.memory_space<vmem>>
        %dma_start3A_246 = tpu.memref_squeeze %dma_start3A_245 : memref<1x128xi32, #tpu.memory_space<vmem>> -> memref<128xi32, #tpu.memory_space<vmem>>
        %dma_start3A_247 = arith.constant 0 : i32
        %dma_start3A_248 = arith.constant 0 : i32
        %dma_start3A_249 = tpu.memref_slice %arg16[%dma_start3A_247, %dma_start3A_248] : memref<10240x8xf32, #tpu.memory_space<vmem_shared>> -> memref<10240x8xf32, #tpu.memory_space<vmem_shared>>
        tpu.enqueue_indirect_dma source(%dma_start3A_243 : memref<128x8xf32, #tpu.memory_space<vmem>>) target(%dma_start3A_249 : memref<10240x8xf32, #tpu.memory_space<vmem_shared>>) offsets(%dma_start3A_246 : memref<128xi32, #tpu.memory_space<vmem>>) semaphore(%run_scoped3A_240 : memref<!tpu.dma_semaphore, #tpu.memory_space<semaphore_mem>>) {add = true}
        %dma_wait3A_250 = arith.constant 0 : i32
        %dma_wait3A_251 = arith.constant 0 : i32
        %dma_wait3A_252 = tpu.memref_slice %arg12[%run_scoped3A_232, %dma_wait3A_250, %dma_wait3A_251] : memref<2x128x8xf32, #tpu.memory_space<vmem>> -> memref<1x128x8xf32, #tpu.memory_space<vmem>>
        %dma_wait3A_253 = tpu.memref_squeeze %dma_wait3A_252 : memref<1x128x8xf32, #tpu.memory_space<vmem>> -> memref<128x8xf32, #tpu.memory_space<vmem>>
        %dma_wait3A_254 = arith.constant 0 : i32
        %dma_wait3A_255 = tpu.memref_slice %arg11[%add3A_204, %dma_wait3A_254] : memref<40x128xi32, #tpu.memory_space<vmem>> -> memref<1x128xi32, #tpu.memory_space<vmem>>
        %dma_wait3A_256 = tpu.memref_squeeze %dma_wait3A_255 : memref<1x128xi32, #tpu.memory_space<vmem>> -> memref<128xi32, #tpu.memory_space<vmem>>
        %dma_wait3A_257 = arith.constant 0 : i32
        %dma_wait3A_258 = arith.constant 0 : i32
        %dma_wait3A_259 = tpu.memref_slice %arg16[%dma_wait3A_257, %dma_wait3A_258] : memref<10240x8xf32, #tpu.memory_space<vmem_shared>> -> memref<10240x8xf32, #tpu.memory_space<vmem_shared>>
        tpu.wait_indirect_dma semaphore(%run_scoped3A_240 : memref<!tpu.dma_semaphore, #tpu.memory_space<semaphore_mem>>) src(%dma_wait3A_253 : memref<128x8xf32, #tpu.memory_space<vmem>>) dst(%dma_wait3A_259 : memref<10240x8xf32, #tpu.memory_space<vmem_shared>>)
        tpu.yield
      }) : () -> ()
      %run_scoped3A_233 = arith.constant 1 : i32
      "tpu.region"() ({
        %run_scoped3A_240 = tpu.sem_alloc : memref<!tpu.dma_semaphore, #tpu.memory_space<semaphore_mem>>
        %dma_start3A = arith.constant 0 : i32
        %dma_start3A_241 = arith.constant 0 : i32
        %dma_start3A_242 = tpu.memref_slice %arg13[%run_scoped3A_233, %dma_start3A, %dma_start3A_241] : memref<2x128x8xf32, #tpu.memory_space<vmem>> -> memref<1x128x8xf32, #tpu.memory_space<vmem>>
        %dma_start3A_243 = tpu.memref_squeeze %dma_start3A_242 : memref<1x128x8xf32, #tpu.memory_space<vmem>> -> memref<128x8xf32, #tpu.memory_space<vmem>>
        %dma_start3A_244 = arith.constant 0 : i32
        %dma_start3A_245 = tpu.memref_slice %arg11[%add3A_204, %dma_start3A_244] : memref<40x128xi32, #tpu.memory_space<vmem>> -> memref<1x128xi32, #tpu.memory_space<vmem>>
        %dma_start3A_246 = tpu.memref_squeeze %dma_start3A_245 : memref<1x128xi32, #tpu.memory_space<vmem>> -> memref<128xi32, #tpu.memory_space<vmem>>
        %dma_start3A_247 = arith.constant 0 : i32
        %dma_start3A_248 = arith.constant 0 : i32
        %dma_start3A_249 = tpu.memref_slice %arg17[%dma_start3A_247, %dma_start3A_248] : memref<10240x8xf32, #tpu.memory_space<vmem_shared>> -> memref<10240x8xf32, #tpu.memory_space<vmem_shared>>
        tpu.enqueue_indirect_dma source(%dma_start3A_243 : memref<128x8xf32, #tpu.memory_space<vmem>>) target(%dma_start3A_249 : memref<10240x8xf32, #tpu.memory_space<vmem_shared>>) offsets(%dma_start3A_246 : memref<128xi32, #tpu.memory_space<vmem>>) semaphore(%run_scoped3A_240 : memref<!tpu.dma_semaphore, #tpu.memory_space<semaphore_mem>>) {add = true}
        %dma_wait3A_250 = arith.constant 0 : i32
        %dma_wait3A_251 = arith.constant 0 : i32
        %dma_wait3A_252 = tpu.memref_slice %arg13[%run_scoped3A_233, %dma_wait3A_250, %dma_wait3A_251] : memref<2x128x8xf32, #tpu.memory_space<vmem>> -> memref<1x128x8xf32, #tpu.memory_space<vmem>>
        %dma_wait3A_253 = tpu.memref_squeeze %dma_wait3A_252 : memref<1x128x8xf32, #tpu.memory_space<vmem>> -> memref<128x8xf32, #tpu.memory_space<vmem>>
        %dma_wait3A_254 = arith.constant 0 : i32
        %dma_wait3A_255 = tpu.memref_slice %arg11[%add3A_204, %dma_wait3A_254] : memref<40x128xi32, #tpu.memory_space<vmem>> -> memref<1x128xi32, #tpu.memory_space<vmem>>
        %dma_wait3A_256 = tpu.memref_squeeze %dma_wait3A_255 : memref<1x128xi32, #tpu.memory_space<vmem>> -> memref<128xi32, #tpu.memory_space<vmem>>
        %dma_wait3A_257 = arith.constant 0 : i32
        %dma_wait3A_258 = arith.constant 0 : i32
        %dma_wait3A_259 = tpu.memref_slice %arg17[%dma_wait3A_257, %dma_wait3A_258] : memref<10240x8xf32, #tpu.memory_space<vmem_shared>> -> memref<10240x8xf32, #tpu.memory_space<vmem_shared>>
        tpu.wait_indirect_dma semaphore(%run_scoped3A_240 : memref<!tpu.dma_semaphore, #tpu.memory_space<semaphore_mem>>) src(%dma_wait3A_253 : memref<128x8xf32, #tpu.memory_space<vmem>>) dst(%dma_wait3A_259 : memref<10240x8xf32, #tpu.memory_space<vmem_shared>>)
        tpu.yield
      }) : () -> ()
      %add3A_234 = arith.constant 2 : i32
      %add3A_235 = arith.addi %add3A_204, %add3A_234 : i32
      %lt3A_236 = arith.cmpi slt, %add3A_235, %min3A_93 : i32
      %convert_element_type3A_237 = arith.extui %lt3A_236 : i1 to i32
      %cond3A_238 = arith.constant 0 : i32
      %cond3A_239 = arith.cmpi ne, %convert_element_type3A_237, %cond3A_238 : i32
      scf.if %cond3A_239 {
        %add3A_240 = arith.constant 2 : i32
        %add3A_241 = arith.addi %add3A_204, %add3A_240 : i32
        %dma_start3A = arith.constant 1 : i32
        %dma_start3A_242 = arith.constant 0 : i32
        %dma_start3A_243 = arith.constant 0 : i32
        %dma_start3A_244 = tpu.memref_slice %arg12[%dma_start3A, %dma_start3A_242, %dma_start3A_243] : memref<2x128x8xf32, #tpu.memory_space<vmem>> -> memref<1x128x8xf32, #tpu.memory_space<vmem>>
        %dma_start3A_245 = tpu.memref_squeeze %dma_start3A_244 : memref<1x128x8xf32, #tpu.memory_space<vmem>> -> memref<128x8xf32, #tpu.memory_space<vmem>>
        %dma_start3A_246 = arith.constant 0 : i32
        %dma_start3A_247 = tpu.memref_slice %arg10[%add3A_241, %dma_start3A_246] : memref<40x128xi32, #tpu.memory_space<vmem>> -> memref<1x128xi32, #tpu.memory_space<vmem>>
        %dma_start3A_248 = tpu.memref_squeeze %dma_start3A_247 : memref<1x128xi32, #tpu.memory_space<vmem>> -> memref<128xi32, #tpu.memory_space<vmem>>
        %dma_start3A_249 = arith.constant 0 : i32
        %dma_start3A_250 = arith.constant 0 : i32
        %dma_start3A_251 = tpu.memref_slice %arg4[%dma_start3A_249, %dma_start3A_250] : memref<10000x8xf32, #tpu.memory_space<hbm>> -> memref<10000x8xf32, #tpu.memory_space<hbm>>
        tpu.enqueue_indirect_dma source(%dma_start3A_251 : memref<10000x8xf32, #tpu.memory_space<hbm>>) target(%dma_start3A_245 : memref<128x8xf32, #tpu.memory_space<vmem>>) offsets(%dma_start3A_248 : memref<128xi32, #tpu.memory_space<vmem>>) semaphore(%arg18 : memref<!tpu.dma_semaphore, #tpu.memory_space<semaphore_mem>>)
        %add3A_252 = arith.addi %add3A_87, %add3A_241 : i32
        %mul3A_253 = arith.constant 128 : i32
        %mul3A_254 = arith.muli %add3A_252, %mul3A_253 : i32
        %dma_start3A_255 = arith.constant 1 : i32
        %dma_start3A_256 = arith.constant 0 : i32
        %dma_start3A_257 = arith.constant 0 : i32
        %dma_start3A_258 = tpu.memref_slice %arg13[%dma_start3A_255, %dma_start3A_256, %dma_start3A_257] : memref<2x128x8xf32, #tpu.memory_space<vmem>> -> memref<1x128x8xf32, #tpu.memory_space<vmem>>
        %dma_start3A_259 = tpu.memref_squeeze %dma_start3A_258 : memref<1x128x8xf32, #tpu.memory_space<vmem>> -> memref<128x8xf32, #tpu.memory_space<vmem>>
        %dma_start3A_260 = arith.constant 0 : i32
        %dma_start3A_261 = tpu.memref_slice %arg5[%mul3A_254, %dma_start3A_260] : memref<163840x8xf32, #tpu.memory_space<hbm>> -> memref<128x8xf32, #tpu.memory_space<hbm>>
        %dma_start3A_262 = arith.constant 0 : i32
        %dma_start3A_263 = arith.constant 0 : i32
        %dma_start3A_264 = tpu.memref_slice %arg13[%dma_start3A_255, %dma_start3A_262, %dma_start3A_263] : memref<2x128x8xf32, #tpu.memory_space<vmem>> -> memref<1x128x8xf32, #tpu.memory_space<vmem>>
        %dma_start3A_265 = tpu.memref_squeeze %dma_start3A_264 : memref<1x128x8xf32, #tpu.memory_space<vmem>> -> memref<128x8xf32, #tpu.memory_space<vmem>>
        %dma_start3A_266 = arith.constant 0 : i32
        %dma_start3A_267 = tpu.memref_slice %arg5[%mul3A_254, %dma_start3A_266] : memref<163840x8xf32, #tpu.memory_space<hbm>> -> memref<128x8xf32, #tpu.memory_space<hbm>>
        tpu.enqueue_dma source(%dma_start3A_267 : memref<128x8xf32, #tpu.memory_space<hbm>>) target(%dma_start3A_265 : memref<128x8xf32, #tpu.memory_space<vmem>>) target_semaphore(%arg18 : memref<!tpu.dma_semaphore, #tpu.memory_space<semaphore_mem>>)
      } else {
      }
    }
    %while3A_157 = arith.constant 1 : i32
    scf.for %while3A_164 = %while3A_155 to %while3A_151 step %while3A_157  : i32 {
      %mul3A_165 = arith.constant 2 : i32
      %mul3A_166 = arith.muli %while3A_164, %mul3A_165 : i32
      %add3A_167 = arith.constant 0 : i32
      %add3A_168 = arith.addi %mul3A_166, %add3A_167 : i32
      %dma_wait3A = arith.constant 0 : i32
      %dma_wait3A_169 = arith.constant 0 : i32
      %dma_wait3A_170 = arith.constant 0 : i32
      %dma_wait3A_171 = tpu.memref_slice %arg12[%dma_wait3A, %dma_wait3A_169, %dma_wait3A_170] : memref<2x128x8xf32, #tpu.memory_space<vmem>> -> memref<1x128x8xf32, #tpu.memory_space<vmem>>
      %dma_wait3A_172 = tpu.memref_squeeze %dma_wait3A_171 : memref<1x128x8xf32, #tpu.memory_space<vmem>> -> memref<128x8xf32, #tpu.memory_space<vmem>>
      %dma_wait3A_173 = arith.constant 0 : i32
      %dma_wait3A_174 = tpu.memref_slice %arg10[%add3A_168, %dma_wait3A_173] : memref<40x128xi32, #tpu.memory_space<vmem>> -> memref<1x128xi32, #tpu.memory_space<vmem>>
      %dma_wait3A_175 = tpu.memref_squeeze %dma_wait3A_174 : memref<1x128xi32, #tpu.memory_space<vmem>> -> memref<128xi32, #tpu.memory_space<vmem>>
      %dma_wait3A_176 = arith.constant 0 : i32
      %dma_wait3A_177 = arith.constant 0 : i32
      %dma_wait3A_178 = tpu.memref_slice %arg4[%dma_wait3A_176, %dma_wait3A_177] : memref<10000x8xf32, #tpu.memory_space<hbm>> -> memref<10000x8xf32, #tpu.memory_space<hbm>>
      tpu.wait_indirect_dma semaphore(%arg18 : memref<!tpu.dma_semaphore, #tpu.memory_space<semaphore_mem>>) src(%dma_wait3A_178 : memref<10000x8xf32, #tpu.memory_space<hbm>>) dst(%dma_wait3A_172 : memref<128x8xf32, #tpu.memory_space<vmem>>)
      %add3A_179 = arith.addi %add3A_87, %add3A_168 : i32
      %mul3A_180 = arith.constant 128 : i32
      %mul3A_181 = arith.muli %add3A_179, %mul3A_180 : i32
      %dma_wait3A_182 = arith.constant 0 : i32
      %dma_wait3A_183 = arith.constant 0 : i32
      %dma_wait3A_184 = arith.constant 0 : i32
      %dma_wait3A_185 = tpu.memref_slice %arg13[%dma_wait3A_182, %dma_wait3A_183, %dma_wait3A_184] : memref<2x128x8xf32, #tpu.memory_space<vmem>> -> memref<1x128x8xf32, #tpu.memory_space<vmem>>
      %dma_wait3A_186 = tpu.memref_squeeze %dma_wait3A_185 : memref<1x128x8xf32, #tpu.memory_space<vmem>> -> memref<128x8xf32, #tpu.memory_space<vmem>>
      %dma_wait3A_187 = arith.constant 0 : i32
      %dma_wait3A_188 = tpu.memref_slice %arg5[%mul3A_181, %dma_wait3A_187] : memref<163840x8xf32, #tpu.memory_space<hbm>> -> memref<128x8xf32, #tpu.memory_space<hbm>>
      %dma_wait3A_189 = arith.constant 0 : i32
      %dma_wait3A_190 = arith.constant 0 : i32
      %dma_wait3A_191 = tpu.memref_slice %arg13[%dma_wait3A_182, %dma_wait3A_189, %dma_wait3A_190] : memref<2x128x8xf32, #tpu.memory_space<vmem>> -> memref<1x128x8xf32, #tpu.memory_space<vmem>>
      %dma_wait3A_192 = tpu.memref_squeeze %dma_wait3A_191 : memref<1x128x8xf32, #tpu.memory_space<vmem>> -> memref<128x8xf32, #tpu.memory_space<vmem>>
      %dma_wait3A_193 = arith.constant 0 : i32
      %dma_wait3A_194 = tpu.memref_slice %arg5[%mul3A_181, %dma_wait3A_193] : memref<163840x8xf32, #tpu.memory_space<hbm>> -> memref<128x8xf32, #tpu.memory_space<hbm>>
      tpu.wait_dma2 semaphore(%arg18 : memref<!tpu.dma_semaphore, #tpu.memory_space<semaphore_mem>>) src(%dma_wait3A_194 : memref<128x8xf32, #tpu.memory_space<hbm>>) dst(%dma_wait3A_192 : memref<128x8xf32, #tpu.memory_space<vmem>>)
      %run_scoped3A = arith.constant 0 : i32
      "tpu.region"() ({
        %run_scoped3A_240 = tpu.sem_alloc : memref<!tpu.dma_semaphore, #tpu.memory_space<semaphore_mem>>
        %dma_start3A = arith.constant 0 : i32
        %dma_start3A_241 = arith.constant 0 : i32
        %dma_start3A_242 = tpu.memref_slice %arg12[%run_scoped3A, %dma_start3A, %dma_start3A_241] : memref<2x128x8xf32, #tpu.memory_space<vmem>> -> memref<1x128x8xf32, #tpu.memory_space<vmem>>
        %dma_start3A_243 = tpu.memref_squeeze %dma_start3A_242 : memref<1x128x8xf32, #tpu.memory_space<vmem>> -> memref<128x8xf32, #tpu.memory_space<vmem>>
        %dma_start3A_244 = arith.constant 0 : i32
        %dma_start3A_245 = tpu.memref_slice %arg11[%add3A_168, %dma_start3A_244] : memref<40x128xi32, #tpu.memory_space<vmem>> -> memref<1x128xi32, #tpu.memory_space<vmem>>
        %dma_start3A_246 = tpu.memref_squeeze %dma_start3A_245 : memref<1x128xi32, #tpu.memory_space<vmem>> -> memref<128xi32, #tpu.memory_space<vmem>>
        %dma_start3A_247 = arith.constant 0 : i32
        %dma_start3A_248 = arith.constant 0 : i32
        %dma_start3A_249 = tpu.memref_slice %arg16[%dma_start3A_247, %dma_start3A_248] : memref<10240x8xf32, #tpu.memory_space<vmem_shared>> -> memref<10240x8xf32, #tpu.memory_space<vmem_shared>>
        tpu.enqueue_indirect_dma source(%dma_start3A_243 : memref<128x8xf32, #tpu.memory_space<vmem>>) target(%dma_start3A_249 : memref<10240x8xf32, #tpu.memory_space<vmem_shared>>) offsets(%dma_start3A_246 : memref<128xi32, #tpu.memory_space<vmem>>) semaphore(%run_scoped3A_240 : memref<!tpu.dma_semaphore, #tpu.memory_space<semaphore_mem>>) {add = true}
        %dma_wait3A_250 = arith.constant 0 : i32
        %dma_wait3A_251 = arith.constant 0 : i32
        %dma_wait3A_252 = tpu.memref_slice %arg12[%run_scoped3A, %dma_wait3A_250, %dma_wait3A_251] : memref<2x128x8xf32, #tpu.memory_space<vmem>> -> memref<1x128x8xf32, #tpu.memory_space<vmem>>
        %dma_wait3A_253 = tpu.memref_squeeze %dma_wait3A_252 : memref<1x128x8xf32, #tpu.memory_space<vmem>> -> memref<128x8xf32, #tpu.memory_space<vmem>>
        %dma_wait3A_254 = arith.constant 0 : i32
        %dma_wait3A_255 = tpu.memref_slice %arg11[%add3A_168, %dma_wait3A_254] : memref<40x128xi32, #tpu.memory_space<vmem>> -> memref<1x128xi32, #tpu.memory_space<vmem>>
        %dma_wait3A_256 = tpu.memref_squeeze %dma_wait3A_255 : memref<1x128xi32, #tpu.memory_space<vmem>> -> memref<128xi32, #tpu.memory_space<vmem>>
        %dma_wait3A_257 = arith.constant 0 : i32
        %dma_wait3A_258 = arith.constant 0 : i32
        %dma_wait3A_259 = tpu.memref_slice %arg16[%dma_wait3A_257, %dma_wait3A_258] : memref<10240x8xf32, #tpu.memory_space<vmem_shared>> -> memref<10240x8xf32, #tpu.memory_space<vmem_shared>>
        tpu.wait_indirect_dma semaphore(%run_scoped3A_240 : memref<!tpu.dma_semaphore, #tpu.memory_space<semaphore_mem>>) src(%dma_wait3A_253 : memref<128x8xf32, #tpu.memory_space<vmem>>) dst(%dma_wait3A_259 : memref<10240x8xf32, #tpu.memory_space<vmem_shared>>)
        tpu.yield
      }) : () -> ()
      %run_scoped3A_195 = arith.constant 0 : i32
      "tpu.region"() ({
        %run_scoped3A_240 = tpu.sem_alloc : memref<!tpu.dma_semaphore, #tpu.memory_space<semaphore_mem>>
        %dma_start3A = arith.constant 0 : i32
        %dma_start3A_241 = arith.constant 0 : i32
        %dma_start3A_242 = tpu.memref_slice %arg13[%run_scoped3A_195, %dma_start3A, %dma_start3A_241] : memref<2x128x8xf32, #tpu.memory_space<vmem>> -> memref<1x128x8xf32, #tpu.memory_space<vmem>>
        %dma_start3A_243 = tpu.memref_squeeze %dma_start3A_242 : memref<1x128x8xf32, #tpu.memory_space<vmem>> -> memref<128x8xf32, #tpu.memory_space<vmem>>
        %dma_start3A_244 = arith.constant 0 : i32
        %dma_start3A_245 = tpu.memref_slice %arg11[%add3A_168, %dma_start3A_244] : memref<40x128xi32, #tpu.memory_space<vmem>> -> memref<1x128xi32, #tpu.memory_space<vmem>>
        %dma_start3A_246 = tpu.memref_squeeze %dma_start3A_245 : memref<1x128xi32, #tpu.memory_space<vmem>> -> memref<128xi32, #tpu.memory_space<vmem>>
        %dma_start3A_247 = arith.constant 0 : i32
        %dma_start3A_248 = arith.constant 0 : i32
        %dma_start3A_249 = tpu.memref_slice %arg17[%dma_start3A_247, %dma_start3A_248] : memref<10240x8xf32, #tpu.memory_space<vmem_shared>> -> memref<10240x8xf32, #tpu.memory_space<vmem_shared>>
        tpu.enqueue_indirect_dma source(%dma_start3A_243 : memref<128x8xf32, #tpu.memory_space<vmem>>) target(%dma_start3A_249 : memref<10240x8xf32, #tpu.memory_space<vmem_shared>>) offsets(%dma_start3A_246 : memref<128xi32, #tpu.memory_space<vmem>>) semaphore(%run_scoped3A_240 : memref<!tpu.dma_semaphore, #tpu.memory_space<semaphore_mem>>) {add = true}
        %dma_wait3A_250 = arith.constant 0 : i32
        %dma_wait3A_251 = arith.constant 0 : i32
        %dma_wait3A_252 = tpu.memref_slice %arg13[%run_scoped3A_195, %dma_wait3A_250, %dma_wait3A_251] : memref<2x128x8xf32, #tpu.memory_space<vmem>> -> memref<1x128x8xf32, #tpu.memory_space<vmem>>
        %dma_wait3A_253 = tpu.memref_squeeze %dma_wait3A_252 : memref<1x128x8xf32, #tpu.memory_space<vmem>> -> memref<128x8xf32, #tpu.memory_space<vmem>>
        %dma_wait3A_254 = arith.constant 0 : i32
        %dma_wait3A_255 = tpu.memref_slice %arg11[%add3A_168, %dma_wait3A_254] : memref<40x128xi32, #tpu.memory_space<vmem>> -> memref<1x128xi32, #tpu.memory_space<vmem>>
        %dma_wait3A_256 = tpu.memref_squeeze %dma_wait3A_255 : memref<1x128xi32, #tpu.memory_space<vmem>> -> memref<128xi32, #tpu.memory_space<vmem>>
        %dma_wait3A_257 = arith.constant 0 : i32
        %dma_wait3A_258 = arith.constant 0 : i32
        %dma_wait3A_259 = tpu.memref_slice %arg17[%dma_wait3A_257, %dma_wait3A_258] : memref<10240x8xf32, #tpu.memory_space<vmem_shared>> -> memref<10240x8xf32, #tpu.memory_space<vmem_shared>>
        tpu.wait_indirect_dma semaphore(%run_scoped3A_240 : memref<!tpu.dma_semaphore, #tpu.memory_space<semaphore_mem>>) src(%dma_wait3A_253 : memref<128x8xf32, #tpu.memory_space<vmem>>) dst(%dma_wait3A_259 : memref<10240x8xf32, #tpu.memory_space<vmem_shared>>)
        tpu.yield
      }) : () -> ()
      %add3A_196 = arith.constant 2 : i32
      %add3A_197 = arith.addi %add3A_168, %add3A_196 : i32
      %lt3A = arith.cmpi slt, %add3A_197, %min3A_93 : i32
      %convert_element_type3A_198 = arith.extui %lt3A : i1 to i32
      %cond3A_199 = arith.constant 0 : i32
      %cond3A_200 = arith.cmpi ne, %convert_element_type3A_198, %cond3A_199 : i32
      scf.if %cond3A_200 {
        %add3A_240 = arith.constant 2 : i32
        %add3A_241 = arith.addi %add3A_168, %add3A_240 : i32
        %dma_start3A = arith.constant 0 : i32
        %dma_start3A_242 = arith.constant 0 : i32
        %dma_start3A_243 = arith.constant 0 : i32
        %dma_start3A_244 = tpu.memref_slice %arg12[%dma_start3A, %dma_start3A_242, %dma_start3A_243] : memref<2x128x8xf32, #tpu.memory_space<vmem>> -> memref<1x128x8xf32, #tpu.memory_space<vmem>>
        %dma_start3A_245 = tpu.memref_squeeze %dma_start3A_244 : memref<1x128x8xf32, #tpu.memory_space<vmem>> -> memref<128x8xf32, #tpu.memory_space<vmem>>
        %dma_start3A_246 = arith.constant 0 : i32
        %dma_start3A_247 = tpu.memref_slice %arg10[%add3A_241, %dma_start3A_246] : memref<40x128xi32, #tpu.memory_space<vmem>> -> memref<1x128xi32, #tpu.memory_space<vmem>>
        %dma_start3A_248 = tpu.memref_squeeze %dma_start3A_247 : memref<1x128xi32, #tpu.memory_space<vmem>> -> memref<128xi32, #tpu.memory_space<vmem>>
        %dma_start3A_249 = arith.constant 0 : i32
        %dma_start3A_250 = arith.constant 0 : i32
        %dma_start3A_251 = tpu.memref_slice %arg4[%dma_start3A_249, %dma_start3A_250] : memref<10000x8xf32, #tpu.memory_space<hbm>> -> memref<10000x8xf32, #tpu.memory_space<hbm>>
        tpu.enqueue_indirect_dma source(%dma_start3A_251 : memref<10000x8xf32, #tpu.memory_space<hbm>>) target(%dma_start3A_245 : memref<128x8xf32, #tpu.memory_space<vmem>>) offsets(%dma_start3A_248 : memref<128xi32, #tpu.memory_space<vmem>>) semaphore(%arg18 : memref<!tpu.dma_semaphore, #tpu.memory_space<semaphore_mem>>)
        %add3A_252 = arith.addi %add3A_87, %add3A_241 : i32
        %mul3A_253 = arith.constant 128 : i32
        %mul3A_254 = arith.muli %add3A_252, %mul3A_253 : i32
        %dma_start3A_255 = arith.constant 0 : i32
        %dma_start3A_256 = arith.constant 0 : i32
        %dma_start3A_257 = arith.constant 0 : i32
        %dma_start3A_258 = tpu.memref_slice %arg13[%dma_start3A_255, %dma_start3A_256, %dma_start3A_257] : memref<2x128x8xf32, #tpu.memory_space<vmem>> -> memref<1x128x8xf32, #tpu.memory_space<vmem>>
        %dma_start3A_259 = tpu.memref_squeeze %dma_start3A_258 : memref<1x128x8xf32, #tpu.memory_space<vmem>> -> memref<128x8xf32, #tpu.memory_space<vmem>>
        %dma_start3A_260 = arith.constant 0 : i32
        %dma_start3A_261 = tpu.memref_slice %arg5[%mul3A_254, %dma_start3A_260] : memref<163840x8xf32, #tpu.memory_space<hbm>> -> memref<128x8xf32, #tpu.memory_space<hbm>>
        %dma_start3A_262 = arith.constant 0 : i32
        %dma_start3A_263 = arith.constant 0 : i32
        %dma_start3A_264 = tpu.memref_slice %arg13[%dma_start3A_255, %dma_start3A_262, %dma_start3A_263] : memref<2x128x8xf32, #tpu.memory_space<vmem>> -> memref<1x128x8xf32, #tpu.memory_space<vmem>>
        %dma_start3A_265 = tpu.memref_squeeze %dma_start3A_264 : memref<1x128x8xf32, #tpu.memory_space<vmem>> -> memref<128x8xf32, #tpu.memory_space<vmem>>
        %dma_start3A_266 = arith.constant 0 : i32
        %dma_start3A_267 = tpu.memref_slice %arg5[%mul3A_254, %dma_start3A_266] : memref<163840x8xf32, #tpu.memory_space<hbm>> -> memref<128x8xf32, #tpu.memory_space<hbm>>
        tpu.enqueue_dma source(%dma_start3A_267 : memref<128x8xf32, #tpu.memory_space<hbm>>) target(%dma_start3A_265 : memref<128x8xf32, #tpu.memory_space<vmem>>) target_semaphore(%arg18 : memref<!tpu.dma_semaphore, #tpu.memory_space<semaphore_mem>>)
      } else {
      }
      %mul3A_201 = arith.constant 2 : i32
      %mul3A_202 = arith.muli %while3A_164, %mul3A_201 : i32
      %add3A_203 = arith.constant 1 : i32
      %add3A_204 = arith.addi %mul3A_202, %add3A_203 : i32
      %dma_wait3A_205 = arith.constant 1 : i32
      %dma_wait3A_206 = arith.constant 0 : i32
      %dma_wait3A_207 = arith.constant 0 : i32
      %dma_wait3A_208 = tpu.memref_slice %arg12[%dma_wait3A_205, %dma_wait3A_206, %dma_wait3A_207] : memref<2x128x8xf32, #tpu.memory_space<vmem>> -> memref<1x128x8xf32, #tpu.memory_space<vmem>>
      %dma_wait3A_209 = tpu.memref_squeeze %dma_wait3A_208 : memref<1x128x8xf32, #tpu.memory_space<vmem>> -> memref<128x8xf32, #tpu.memory_space<vmem>>
      %dma_wait3A_210 = arith.constant 0 : i32
      %dma_wait3A_211 = tpu.memref_slice %arg10[%add3A_204, %dma_wait3A_210] : memref<40x128xi32, #tpu.memory_space<vmem>> -> memref<1x128xi32, #tpu.memory_space<vmem>>
      %dma_wait3A_212 = tpu.memref_squeeze %dma_wait3A_211 : memref<1x128xi32, #tpu.memory_space<vmem>> -> memref<128xi32, #tpu.memory_space<vmem>>
      %dma_wait3A_213 = arith.constant 0 : i32
      %dma_wait3A_214 = arith.constant 0 : i32
      %dma_wait3A_215 = tpu.memref_slice %arg4[%dma_wait3A_213, %dma_wait3A_214] : memref<10000x8xf32, #tpu.memory_space<hbm>> -> memref<10000x8xf32, #tpu.memory_space<hbm>>
      tpu.wait_indirect_dma semaphore(%arg18 : memref<!tpu.dma_semaphore, #tpu.memory_space<semaphore_mem>>) src(%dma_wait3A_215 : memref<10000x8xf32, #tpu.memory_space<hbm>>) dst(%dma_wait3A_209 : memref<128x8xf32, #tpu.memory_space<vmem>>)
      %add3A_216 = arith.addi %add3A_87, %add3A_204 : i32
      %mul3A_217 = arith.constant 128 : i32
      %mul3A_218 = arith.muli %add3A_216, %mul3A_217 : i32
      %dma_wait3A_219 = arith.constant 1 : i32
      %dma_wait3A_220 = arith.constant 0 : i32
      %dma_wait3A_221 = arith.constant 0 : i32
      %dma_wait3A_222 = tpu.memref_slice %arg13[%dma_wait3A_219, %dma_wait3A_220, %dma_wait3A_221] : memref<2x128x8xf32, #tpu.memory_space<vmem>> -> memref<1x128x8xf32, #tpu.memory_space<vmem>>
      %dma_wait3A_223 = tpu.memref_squeeze %dma_wait3A_222 : memref<1x128x8xf32, #tpu.memory_space<vmem>> -> memref<128x8xf32, #tpu.memory_space<vmem>>
      %dma_wait3A_224 = arith.constant 0 : i32
      %dma_wait3A_225 = tpu.memref_slice %arg5[%mul3A_218, %dma_wait3A_224] : memref<163840x8xf32, #tpu.memory_space<hbm>> -> memref<128x8xf32, #tpu.memory_space<hbm>>
      %dma_wait3A_226 = arith.constant 0 : i32
      %dma_wait3A_227 = arith.constant 0 : i32
      %dma_wait3A_228 = tpu.memref_slice %arg13[%dma_wait3A_219, %dma_wait3A_226, %dma_wait3A_227] : memref<2x128x8xf32, #tpu.memory_space<vmem>> -> memref<1x128x8xf32, #tpu.memory_space<vmem>>
      %dma_wait3A_229 = tpu.memref_squeeze %dma_wait3A_228 : memref<1x128x8xf32, #tpu.memory_space<vmem>> -> memref<128x8xf32, #tpu.memory_space<vmem>>
      %dma_wait3A_230 = arith.constant 0 : i32
      %dma_wait3A_231 = tpu.memref_slice %arg5[%mul3A_218, %dma_wait3A_230] : memref<163840x8xf32, #tpu.memory_space<hbm>> -> memref<128x8xf32, #tpu.memory_space<hbm>>
      tpu.wait_dma2 semaphore(%arg18 : memref<!tpu.dma_semaphore, #tpu.memory_space<semaphore_mem>>) src(%dma_wait3A_231 : memref<128x8xf32, #tpu.memory_space<hbm>>) dst(%dma_wait3A_229 : memref<128x8xf32, #tpu.memory_space<vmem>>)
      %run_scoped3A_232 = arith.constant 1 : i32
      "tpu.region"() ({
        %run_scoped3A_240 = tpu.sem_alloc : memref<!tpu.dma_semaphore, #tpu.memory_space<semaphore_mem>>
        %dma_start3A = arith.constant 0 : i32
        %dma_start3A_241 = arith.constant 0 : i32
        %dma_start3A_242 = tpu.memref_slice %arg12[%run_scoped3A_232, %dma_start3A, %dma_start3A_241] : memref<2x128x8xf32, #tpu.memory_space<vmem>> -> memref<1x128x8xf32, #tpu.memory_space<vmem>>
        %dma_start3A_243 = tpu.memref_squeeze %dma_start3A_242 : memref<1x128x8xf32, #tpu.memory_space<vmem>> -> memref<128x8xf32, #tpu.memory_space<vmem>>
        %dma_start3A_244 = arith.constant 0 : i32
        %dma_start3A_245 = tpu.memref_slice %arg11[%add3A_204, %dma_start3A_244] : memref<40x128xi32, #tpu.memory_space<vmem>> -> memref<1x128xi32, #tpu.memory_space<vmem>>
        %dma_start3A_246 = tpu.memref_squeeze %dma_start3A_245 : memref<1x128xi32, #tpu.memory_space<vmem>> -> memref<128xi32, #tpu.memory_space<vmem>>
        %dma_start3A_247 = arith.constant 0 : i32
        %dma_start3A_248 = arith.constant 0 : i32
        %dma_start3A_249 = tpu.memref_slice %arg16[%dma_start3A_247, %dma_start3A_248] : memref<10240x8xf32, #tpu.memory_space<vmem_shared>> -> memref<10240x8xf32, #tpu.memory_space<vmem_shared>>
        tpu.enqueue_indirect_dma source(%dma_start3A_243 : memref<128x8xf32, #tpu.memory_space<vmem>>) target(%dma_start3A_249 : memref<10240x8xf32, #tpu.memory_space<vmem_shared>>) offsets(%dma_start3A_246 : memref<128xi32, #tpu.memory_space<vmem>>) semaphore(%run_scoped3A_240 : memref<!tpu.dma_semaphore, #tpu.memory_space<semaphore_mem>>) {add = true}
        %dma_wait3A_250 = arith.constant 0 : i32
        %dma_wait3A_251 = arith.constant 0 : i32
        %dma_wait3A_252 = tpu.memref_slice %arg12[%run_scoped3A_232, %dma_wait3A_250, %dma_wait3A_251] : memref<2x128x8xf32, #tpu.memory_space<vmem>> -> memref<1x128x8xf32, #tpu.memory_space<vmem>>
        %dma_wait3A_253 = tpu.memref_squeeze %dma_wait3A_252 : memref<1x128x8xf32, #tpu.memory_space<vmem>> -> memref<128x8xf32, #tpu.memory_space<vmem>>
        %dma_wait3A_254 = arith.constant 0 : i32
        %dma_wait3A_255 = tpu.memref_slice %arg11[%add3A_204, %dma_wait3A_254] : memref<40x128xi32, #tpu.memory_space<vmem>> -> memref<1x128xi32, #tpu.memory_space<vmem>>
        %dma_wait3A_256 = tpu.memref_squeeze %dma_wait3A_255 : memref<1x128xi32, #tpu.memory_space<vmem>> -> memref<128xi32, #tpu.memory_space<vmem>>
        %dma_wait3A_257 = arith.constant 0 : i32
        %dma_wait3A_258 = arith.constant 0 : i32
        %dma_wait3A_259 = tpu.memref_slice %arg16[%dma_wait3A_257, %dma_wait3A_258] : memref<10240x8xf32, #tpu.memory_space<vmem_shared>> -> memref<10240x8xf32, #tpu.memory_space<vmem_shared>>
        tpu.wait_indirect_dma semaphore(%run_scoped3A_240 : memref<!tpu.dma_semaphore, #tpu.memory_space<semaphore_mem>>) src(%dma_wait3A_253 : memref<128x8xf32, #tpu.memory_space<vmem>>) dst(%dma_wait3A_259 : memref<10240x8xf32, #tpu.memory_space<vmem_shared>>)
        tpu.yield
      }) : () -> ()
      %run_scoped3A_233 = arith.constant 1 : i32
      "tpu.region"() ({
        %run_scoped3A_240 = tpu.sem_alloc : memref<!tpu.dma_semaphore, #tpu.memory_space<semaphore_mem>>
        %dma_start3A = arith.constant 0 : i32
        %dma_start3A_241 = arith.constant 0 : i32
        %dma_start3A_242 = tpu.memref_slice %arg13[%run_scoped3A_233, %dma_start3A, %dma_start3A_241] : memref<2x128x8xf32, #tpu.memory_space<vmem>> -> memref<1x128x8xf32, #tpu.memory_space<vmem>>
        %dma_start3A_243 = tpu.memref_squeeze %dma_start3A_242 : memref<1x128x8xf32, #tpu.memory_space<vmem>> -> memref<128x8xf32, #tpu.memory_space<vmem>>
        %dma_start3A_244 = arith.constant 0 : i32
        %dma_start3A_245 = tpu.memref_slice %arg11[%add3A_204, %dma_start3A_244] : memref<40x128xi32, #tpu.memory_space<vmem>> -> memref<1x128xi32, #tpu.memory_space<vmem>>
        %dma_start3A_246 = tpu.memref_squeeze %dma_start3A_245 : memref<1x128xi32, #tpu.memory_space<vmem>> -> memref<128xi32, #tpu.memory_space<vmem>>
        %dma_start3A_247 = arith.constant 0 : i32
        %dma_start3A_248 = arith.constant 0 : i32
        %dma_start3A_249 = tpu.memref_slice %arg17[%dma_start3A_247, %dma_start3A_248] : memref<10240x8xf32, #tpu.memory_space<vmem_shared>> -> memref<10240x8xf32, #tpu.memory_space<vmem_shared>>
        tpu.enqueue_indirect_dma source(%dma_start3A_243 : memref<128x8xf32, #tpu.memory_space<vmem>>) target(%dma_start3A_249 : memref<10240x8xf32, #tpu.memory_space<vmem_shared>>) offsets(%dma_start3A_246 : memref<128xi32, #tpu.memory_space<vmem>>) semaphore(%run_scoped3A_240 : memref<!tpu.dma_semaphore, #tpu.memory_space<semaphore_mem>>) {add = true}
        %dma_wait3A_250 = arith.constant 0 : i32
        %dma_wait3A_251 = arith.constant 0 : i32
        %dma_wait3A_252 = tpu.memref_slice %arg13[%run_scoped3A_233, %dma_wait3A_250, %dma_wait3A_251] : memref<2x128x8xf32, #tpu.memory_space<vmem>> -> memref<1x128x8xf32, #tpu.memory_space<vmem>>
        %dma_wait3A_253 = tpu.memref_squeeze %dma_wait3A_252 : memref<1x128x8xf32, #tpu.memory_space<vmem>> -> memref<128x8xf32, #tpu.memory_space<vmem>>
        %dma_wait3A_254 = arith.constant 0 : i32
        %dma_wait3A_255 = tpu.memref_slice %arg11[%add3A_204, %dma_wait3A_254] : memref<40x128xi32, #tpu.memory_space<vmem>> -> memref<1x128xi32, #tpu.memory_space<vmem>>
        %dma_wait3A_256 = tpu.memref_squeeze %dma_wait3A_255 : memref<1x128xi32, #tpu.memory_space<vmem>> -> memref<128xi32, #tpu.memory_space<vmem>>
        %dma_wait3A_257 = arith.constant 0 : i32
        %dma_wait3A_258 = arith.constant 0 : i32
        %dma_wait3A_259 = tpu.memref_slice %arg17[%dma_wait3A_257, %dma_wait3A_258] : memref<10240x8xf32, #tpu.memory_space<vmem_shared>> -> memref<10240x8xf32, #tpu.memory_space<vmem_shared>>
        tpu.wait_indirect_dma semaphore(%run_scoped3A_240 : memref<!tpu.dma_semaphore, #tpu.memory_space<semaphore_mem>>) src(%dma_wait3A_253 : memref<128x8xf32, #tpu.memory_space<vmem>>) dst(%dma_wait3A_259 : memref<10240x8xf32, #tpu.memory_space<vmem_shared>>)
        tpu.yield
      }) : () -> ()
      %add3A_234 = arith.constant 2 : i32
      %add3A_235 = arith.addi %add3A_204, %add3A_234 : i32
      %lt3A_236 = arith.cmpi slt, %add3A_235, %min3A_93 : i32
      %convert_element_type3A_237 = arith.extui %lt3A_236 : i1 to i32
      %cond3A_238 = arith.constant 0 : i32
      %cond3A_239 = arith.cmpi ne, %convert_element_type3A_237, %cond3A_238 : i32
      scf.if %cond3A_239 {
        %add3A_240 = arith.constant 2 : i32
        %add3A_241 = arith.addi %add3A_204, %add3A_240 : i32
        %dma_start3A = arith.constant 1 : i32
        %dma_start3A_242 = arith.constant 0 : i32
        %dma_start3A_243 = arith.constant 0 : i32
        %dma_start3A_244 = tpu.memref_slice %arg12[%dma_start3A, %dma_start3A_242, %dma_start3A_243] : memref<2x128x8xf32, #tpu.memory_space<vmem>> -> memref<1x128x8xf32, #tpu.memory_space<vmem>>
        %dma_start3A_245 = tpu.memref_squeeze %dma_start3A_244 : memref<1x128x8xf32, #tpu.memory_space<vmem>> -> memref<128x8xf32, #tpu.memory_space<vmem>>
        %dma_start3A_246 = arith.constant 0 : i32
        %dma_start3A_247 = tpu.memref_slice %arg10[%add3A_241, %dma_start3A_246] : memref<40x128xi32, #tpu.memory_space<vmem>> -> memref<1x128xi32, #tpu.memory_space<vmem>>
        %dma_start3A_248 = tpu.memref_squeeze %dma_start3A_247 : memref<1x128xi32, #tpu.memory_space<vmem>> -> memref<128xi32, #tpu.memory_space<vmem>>
        %dma_start3A_249 = arith.constant 0 : i32
        %dma_start3A_250 = arith.constant 0 : i32
        %dma_start3A_251 = tpu.memref_slice %arg4[%dma_start3A_249, %dma_start3A_250] : memref<10000x8xf32, #tpu.memory_space<hbm>> -> memref<10000x8xf32, #tpu.memory_space<hbm>>
        tpu.enqueue_indirect_dma source(%dma_start3A_251 : memref<10000x8xf32, #tpu.memory_space<hbm>>) target(%dma_start3A_245 : memref<128x8xf32, #tpu.memory_space<vmem>>) offsets(%dma_start3A_248 : memref<128xi32, #tpu.memory_space<vmem>>) semaphore(%arg18 : memref<!tpu.dma_semaphore, #tpu.memory_space<semaphore_mem>>)
        %add3A_252 = arith.addi %add3A_87, %add3A_241 : i32
        %mul3A_253 = arith.constant 128 : i32
        %mul3A_254 = arith.muli %add3A_252, %mul3A_253 : i32
        %dma_start3A_255 = arith.constant 1 : i32
        %dma_start3A_256 = arith.constant 0 : i32
        %dma_start3A_257 = arith.constant 0 : i32
        %dma_start3A_258 = tpu.memref_slice %arg13[%dma_start3A_255, %dma_start3A_256, %dma_start3A_257] : memref<2x128x8xf32, #tpu.memory_space<vmem>> -> memref<1x128x8xf32, #tpu.memory_space<vmem>>
        %dma_start3A_259 = tpu.memref_squeeze %dma_start3A_258 : memref<1x128x8xf32, #tpu.memory_space<vmem>> -> memref<128x8xf32, #tpu.memory_space<vmem>>
        %dma_start3A_260 = arith.constant 0 : i32
        %dma_start3A_261 = tpu.memref_slice %arg5[%mul3A_254, %dma_start3A_260] : memref<163840x8xf32, #tpu.memory_space<hbm>> -> memref<128x8xf32, #tpu.memory_space<hbm>>
        %dma_start3A_262 = arith.constant 0 : i32
        %dma_start3A_263 = arith.constant 0 : i32
        %dma_start3A_264 = tpu.memref_slice %arg13[%dma_start3A_255, %dma_start3A_262, %dma_start3A_263] : memref<2x128x8xf32, #tpu.memory_space<vmem>> -> memref<1x128x8xf32, #tpu.memory_space<vmem>>
        %dma_start3A_265 = tpu.memref_squeeze %dma_start3A_264 : memref<1x128x8xf32, #tpu.memory_space<vmem>> -> memref<128x8xf32, #tpu.memory_space<vmem>>
        %dma_start3A_266 = arith.constant 0 : i32
        %dma_start3A_267 = tpu.memref_slice %arg5[%mul3A_254, %dma_start3A_266] : memref<163840x8xf32, #tpu.memory_space<hbm>> -> memref<128x8xf32, #tpu.memory_space<hbm>>
        tpu.enqueue_dma source(%dma_start3A_267 : memref<128x8xf32, #tpu.memory_space<hbm>>) target(%dma_start3A_265 : memref<128x8xf32, #tpu.memory_space<vmem>>) target_semaphore(%arg18 : memref<!tpu.dma_semaphore, #tpu.memory_space<semaphore_mem>>)
      } else {
      }
    }
    %barrier3A_158 = arith.constant 0 : index
    tpu.barrier barrier_id(%barrier3A_158)
    %gt3A_159 = arith.constant 0 : i32
    %gt3A_160 = arith.cmpi sgt, %select_n3A, %gt3A_159 : i32
    %convert_element_type3A_161 = arith.extui %gt3A_160 : i1 to i32
    %cond3A_162 = arith.constant 0 : i32
    %cond3A_163 = arith.cmpi ne, %convert_element_type3A_161, %cond3A_162 : i32
    scf.if %cond3A_163 {
      %mul3A_164 = arith.constant 5 : i32
      %mul3A_165 = arith.muli %arg1, %mul3A_164 : i32
      %add3A_166 = arith.constant 0 : i32
      %add3A_167 = arith.addi %mul3A_165, %add3A_166 : i32
      %mul3A_168 = arith.constant 128 : i32
      %mul3A_169 = arith.muli %add3A_167, %mul3A_168 : i32
      %run_scoped3A = arith.constant 0 : i32
      "tpu.region"() ({
        %run_scoped3A_213 = tpu.sem_alloc : memref<!tpu.dma_semaphore, #tpu.memory_space<semaphore_mem>>
        %dma_start3A = arith.constant 0 : i32
        %dma_start3A_214 = arith.constant 0 : i32
        %dma_start3A_215 = tpu.memref_slice %arg12[%run_scoped3A, %dma_start3A, %dma_start3A_214] : memref<2x128x8xf32, #tpu.memory_space<vmem>> -> memref<1x128x8xf32, #tpu.memory_space<vmem>>
        %dma_start3A_216 = tpu.memref_squeeze %dma_start3A_215 : memref<1x128x8xf32, #tpu.memory_space<vmem>> -> memref<128x8xf32, #tpu.memory_space<vmem>>
        %dma_start3A_217 = arith.constant 0 : i32
        %dma_start3A_218 = tpu.memref_slice %arg16[%mul3A_169, %dma_start3A_217] : memref<10240x8xf32, #tpu.memory_space<vmem_shared>> -> memref<128x8xf32, #tpu.memory_space<vmem_shared>>
        %dma_start3A_219 = arith.constant 0 : i32
        %dma_start3A_220 = arith.constant 0 : i32
        %dma_start3A_221 = tpu.memref_slice %arg12[%run_scoped3A, %dma_start3A_219, %dma_start3A_220] : memref<2x128x8xf32, #tpu.memory_space<vmem>> -> memref<1x128x8xf32, #tpu.memory_space<vmem>>
        %dma_start3A_222 = tpu.memref_squeeze %dma_start3A_221 : memref<1x128x8xf32, #tpu.memory_space<vmem>> -> memref<128x8xf32, #tpu.memory_space<vmem>>
        %dma_start3A_223 = arith.constant 0 : i32
        %dma_start3A_224 = tpu.memref_slice %arg16[%mul3A_169, %dma_start3A_223] : memref<10240x8xf32, #tpu.memory_space<vmem_shared>> -> memref<128x8xf32, #tpu.memory_space<vmem_shared>>
        tpu.enqueue_dma source(%dma_start3A_224 : memref<128x8xf32, #tpu.memory_space<vmem_shared>>) target(%dma_start3A_222 : memref<128x8xf32, #tpu.memory_space<vmem>>) target_semaphore(%run_scoped3A_213 : memref<!tpu.dma_semaphore, #tpu.memory_space<semaphore_mem>>)
        %dma_wait3A = arith.constant 0 : i32
        %dma_wait3A_225 = arith.constant 0 : i32
        %dma_wait3A_226 = tpu.memref_slice %arg12[%run_scoped3A, %dma_wait3A, %dma_wait3A_225] : memref<2x128x8xf32, #tpu.memory_space<vmem>> -> memref<1x128x8xf32, #tpu.memory_space<vmem>>
        %dma_wait3A_227 = tpu.memref_squeeze %dma_wait3A_226 : memref<1x128x8xf32, #tpu.memory_space<vmem>> -> memref<128x8xf32, #tpu.memory_space<vmem>>
        %dma_wait3A_228 = arith.constant 0 : i32
        %dma_wait3A_229 = tpu.memref_slice %arg16[%mul3A_169, %dma_wait3A_228] : memref<10240x8xf32, #tpu.memory_space<vmem_shared>> -> memref<128x8xf32, #tpu.memory_space<vmem_shared>>
        %dma_wait3A_230 = arith.constant 0 : i32
        %dma_wait3A_231 = arith.constant 0 : i32
        %dma_wait3A_232 = tpu.memref_slice %arg12[%run_scoped3A, %dma_wait3A_230, %dma_wait3A_231] : memref<2x128x8xf32, #tpu.memory_space<vmem>> -> memref<1x128x8xf32, #tpu.memory_space<vmem>>
        %dma_wait3A_233 = tpu.memref_squeeze %dma_wait3A_232 : memref<1x128x8xf32, #tpu.memory_space<vmem>> -> memref<128x8xf32, #tpu.memory_space<vmem>>
        %dma_wait3A_234 = arith.constant 0 : i32
        %dma_wait3A_235 = tpu.memref_slice %arg16[%mul3A_169, %dma_wait3A_234] : memref<10240x8xf32, #tpu.memory_space<vmem_shared>> -> memref<128x8xf32, #tpu.memory_space<vmem_shared>>
        tpu.wait_dma2 semaphore(%run_scoped3A_213 : memref<!tpu.dma_semaphore, #tpu.memory_space<semaphore_mem>>) src(%dma_wait3A_235 : memref<128x8xf32, #tpu.memory_space<vmem_shared>>) dst(%dma_wait3A_233 : memref<128x8xf32, #tpu.memory_space<vmem>>)
        tpu.yield
      }) : () -> ()
      %run_scoped3A_170 = arith.constant 0 : i32
      "tpu.region"() ({
        %run_scoped3A_213 = tpu.sem_alloc : memref<!tpu.dma_semaphore, #tpu.memory_space<semaphore_mem>>
        %dma_start3A = arith.constant 0 : i32
        %dma_start3A_214 = arith.constant 0 : i32
        %dma_start3A_215 = tpu.memref_slice %arg12[%run_scoped3A_170, %dma_start3A, %dma_start3A_214] : memref<2x128x8xf32, #tpu.memory_space<vmem>> -> memref<1x128x8xf32, #tpu.memory_space<vmem>>
        %dma_start3A_216 = tpu.memref_squeeze %dma_start3A_215 : memref<1x128x8xf32, #tpu.memory_space<vmem>> -> memref<128x8xf32, #tpu.memory_space<vmem>>
        %dma_start3A_217 = arith.constant 0 : i32
        %dma_start3A_218 = tpu.memref_slice %arg8[%arg0, %mul3A_169, %dma_start3A_217] : memref<2x10240x8xf32, #tpu.memory_space<hbm>> -> memref<1x128x8xf32, #tpu.memory_space<hbm>>
        %dma_start3A_219 = tpu.memref_squeeze %dma_start3A_218 : memref<1x128x8xf32, #tpu.memory_space<hbm>> -> memref<128x8xf32, #tpu.memory_space<hbm>>
        %dma_start3A_220 = arith.constant 0 : i32
        %dma_start3A_221 = tpu.memref_slice %arg8[%arg0, %mul3A_169, %dma_start3A_220] : memref<2x10240x8xf32, #tpu.memory_space<hbm>> -> memref<1x128x8xf32, #tpu.memory_space<hbm>>
        %dma_start3A_222 = tpu.memref_squeeze %dma_start3A_221 : memref<1x128x8xf32, #tpu.memory_space<hbm>> -> memref<128x8xf32, #tpu.memory_space<hbm>>
        %dma_start3A_223 = arith.constant 0 : i32
        %dma_start3A_224 = arith.constant 0 : i32
        %dma_start3A_225 = tpu.memref_slice %arg12[%run_scoped3A_170, %dma_start3A_223, %dma_start3A_224] : memref<2x128x8xf32, #tpu.memory_space<vmem>> -> memref<1x128x8xf32, #tpu.memory_space<vmem>>
        %dma_start3A_226 = tpu.memref_squeeze %dma_start3A_225 : memref<1x128x8xf32, #tpu.memory_space<vmem>> -> memref<128x8xf32, #tpu.memory_space<vmem>>
        tpu.enqueue_dma source(%dma_start3A_226 : memref<128x8xf32, #tpu.memory_space<vmem>>) target(%dma_start3A_222 : memref<128x8xf32, #tpu.memory_space<hbm>>) target_semaphore(%run_scoped3A_213 : memref<!tpu.dma_semaphore, #tpu.memory_space<semaphore_mem>>)
        %dma_wait3A = arith.constant 0 : i32
        %dma_wait3A_227 = arith.constant 0 : i32
        %dma_wait3A_228 = tpu.memref_slice %arg12[%run_scoped3A_170, %dma_wait3A, %dma_wait3A_227] : memref<2x128x8xf32, #tpu.memory_space<vmem>> -> memref<1x128x8xf32, #tpu.memory_space<vmem>>
        %dma_wait3A_229 = tpu.memref_squeeze %dma_wait3A_228 : memref<1x128x8xf32, #tpu.memory_space<vmem>> -> memref<128x8xf32, #tpu.memory_space<vmem>>
        %dma_wait3A_230 = arith.constant 0 : i32
        %dma_wait3A_231 = tpu.memref_slice %arg8[%arg0, %mul3A_169, %dma_wait3A_230] : memref<2x10240x8xf32, #tpu.memory_space<hbm>> -> memref<1x128x8xf32, #tpu.memory_space<hbm>>
        %dma_wait3A_232 = tpu.memref_squeeze %dma_wait3A_231 : memref<1x128x8xf32, #tpu.memory_space<hbm>> -> memref<128x8xf32, #tpu.memory_space<hbm>>
        %dma_wait3A_233 = arith.constant 0 : i32
        %dma_wait3A_234 = tpu.memref_slice %arg8[%arg0, %mul3A_169, %dma_wait3A_233] : memref<2x10240x8xf32, #tpu.memory_space<hbm>> -> memref<1x128x8xf32, #tpu.memory_space<hbm>>
        %dma_wait3A_235 = tpu.memref_squeeze %dma_wait3A_234 : memref<1x128x8xf32, #tpu.memory_space<hbm>> -> memref<128x8xf32, #tpu.memory_space<hbm>>
        %dma_wait3A_236 = arith.constant 0 : i32
        %dma_wait3A_237 = arith.constant 0 : i32
        %dma_wait3A_238 = tpu.memref_slice %arg12[%run_scoped3A_170, %dma_wait3A_236, %dma_wait3A_237] : memref<2x128x8xf32, #tpu.memory_space<vmem>> -> memref<1x128x8xf32, #tpu.memory_space<vmem>>
        %dma_wait3A_239 = tpu.memref_squeeze %dma_wait3A_238 : memref<1x128x8xf32, #tpu.memory_space<vmem>> -> memref<128x8xf32, #tpu.memory_space<vmem>>
        tpu.wait_dma2 semaphore(%run_scoped3A_213 : memref<!tpu.dma_semaphore, #tpu.memory_space<semaphore_mem>>) src(%dma_wait3A_239 : memref<128x8xf32, #tpu.memory_space<vmem>>) dst(%dma_wait3A_235 : memref<128x8xf32, #tpu.memory_space<hbm>>)
        tpu.yield
      }) : () -> ()
      %run_scoped3A_171 = arith.constant 0 : i32
      "tpu.region"() ({
        %run_scoped3A_213 = tpu.sem_alloc : memref<!tpu.dma_semaphore, #tpu.memory_space<semaphore_mem>>
        %dma_start3A = arith.constant 0 : i32
        %dma_start3A_214 = arith.constant 0 : i32
        %dma_start3A_215 = tpu.memref_slice %arg13[%run_scoped3A_171, %dma_start3A, %dma_start3A_214] : memref<2x128x8xf32, #tpu.memory_space<vmem>> -> memref<1x128x8xf32, #tpu.memory_space<vmem>>
        %dma_start3A_216 = tpu.memref_squeeze %dma_start3A_215 : memref<1x128x8xf32, #tpu.memory_space<vmem>> -> memref<128x8xf32, #tpu.memory_space<vmem>>
        %dma_start3A_217 = arith.constant 0 : i32
        %dma_start3A_218 = tpu.memref_slice %arg17[%mul3A_169, %dma_start3A_217] : memref<10240x8xf32, #tpu.memory_space<vmem_shared>> -> memref<128x8xf32, #tpu.memory_space<vmem_shared>>
        %dma_start3A_219 = arith.constant 0 : i32
        %dma_start3A_220 = arith.constant 0 : i32
        %dma_start3A_221 = tpu.memref_slice %arg13[%run_scoped3A_171, %dma_start3A_219, %dma_start3A_220] : memref<2x128x8xf32, #tpu.memory_space<vmem>> -> memref<1x128x8xf32, #tpu.memory_space<vmem>>
        %dma_start3A_222 = tpu.memref_squeeze %dma_start3A_221 : memref<1x128x8xf32, #tpu.memory_space<vmem>> -> memref<128x8xf32, #tpu.memory_space<vmem>>
        %dma_start3A_223 = arith.constant 0 : i32
        %dma_start3A_224 = tpu.memref_slice %arg17[%mul3A_169, %dma_start3A_223] : memref<10240x8xf32, #tpu.memory_space<vmem_shared>> -> memref<128x8xf32, #tpu.memory_space<vmem_shared>>
        tpu.enqueue_dma source(%dma_start3A_224 : memref<128x8xf32, #tpu.memory_space<vmem_shared>>) target(%dma_start3A_222 : memref<128x8xf32, #tpu.memory_space<vmem>>) target_semaphore(%run_scoped3A_213 : memref<!tpu.dma_semaphore, #tpu.memory_space<semaphore_mem>>)
        %dma_wait3A = arith.constant 0 : i32
        %dma_wait3A_225 = arith.constant 0 : i32
        %dma_wait3A_226 = tpu.memref_slice %arg13[%run_scoped3A_171, %dma_wait3A, %dma_wait3A_225] : memref<2x128x8xf32, #tpu.memory_space<vmem>> -> memref<1x128x8xf32, #tpu.memory_space<vmem>>
        %dma_wait3A_227 = tpu.memref_squeeze %dma_wait3A_226 : memref<1x128x8xf32, #tpu.memory_space<vmem>> -> memref<128x8xf32, #tpu.memory_space<vmem>>
        %dma_wait3A_228 = arith.constant 0 : i32
        %dma_wait3A_229 = tpu.memref_slice %arg17[%mul3A_169, %dma_wait3A_228] : memref<10240x8xf32, #tpu.memory_space<vmem_shared>> -> memref<128x8xf32, #tpu.memory_space<vmem_shared>>
        %dma_wait3A_230 = arith.constant 0 : i32
        %dma_wait3A_231 = arith.constant 0 : i32
        %dma_wait3A_232 = tpu.memref_slice %arg13[%run_scoped3A_171, %dma_wait3A_230, %dma_wait3A_231] : memref<2x128x8xf32, #tpu.memory_space<vmem>> -> memref<1x128x8xf32, #tpu.memory_space<vmem>>
        %dma_wait3A_233 = tpu.memref_squeeze %dma_wait3A_232 : memref<1x128x8xf32, #tpu.memory_space<vmem>> -> memref<128x8xf32, #tpu.memory_space<vmem>>
        %dma_wait3A_234 = arith.constant 0 : i32
        %dma_wait3A_235 = tpu.memref_slice %arg17[%mul3A_169, %dma_wait3A_234] : memref<10240x8xf32, #tpu.memory_space<vmem_shared>> -> memref<128x8xf32, #tpu.memory_space<vmem_shared>>
        tpu.wait_dma2 semaphore(%run_scoped3A_213 : memref<!tpu.dma_semaphore, #tpu.memory_space<semaphore_mem>>) src(%dma_wait3A_235 : memref<128x8xf32, #tpu.memory_space<vmem_shared>>) dst(%dma_wait3A_233 : memref<128x8xf32, #tpu.memory_space<vmem>>)
        tpu.yield
      }) : () -> ()
      %run_scoped3A_172 = arith.constant 0 : i32
      "tpu.region"() ({
        %run_scoped3A_213 = tpu.sem_alloc : memref<!tpu.dma_semaphore, #tpu.memory_space<semaphore_mem>>
        %dma_start3A = arith.constant 0 : i32
        %dma_start3A_214 = arith.constant 0 : i32
        %dma_start3A_215 = tpu.memref_slice %arg13[%run_scoped3A_172, %dma_start3A, %dma_start3A_214] : memref<2x128x8xf32, #tpu.memory_space<vmem>> -> memref<1x128x8xf32, #tpu.memory_space<vmem>>
        %dma_start3A_216 = tpu.memref_squeeze %dma_start3A_215 : memref<1x128x8xf32, #tpu.memory_space<vmem>> -> memref<128x8xf32, #tpu.memory_space<vmem>>
        %dma_start3A_217 = arith.constant 0 : i32
        %dma_start3A_218 = tpu.memref_slice %arg9[%arg0, %mul3A_169, %dma_start3A_217] : memref<2x10240x8xf32, #tpu.memory_space<hbm>> -> memref<1x128x8xf32, #tpu.memory_space<hbm>>
        %dma_start3A_219 = tpu.memref_squeeze %dma_start3A_218 : memref<1x128x8xf32, #tpu.memory_space<hbm>> -> memref<128x8xf32, #tpu.memory_space<hbm>>
        %dma_start3A_220 = arith.constant 0 : i32
        %dma_start3A_221 = tpu.memref_slice %arg9[%arg0, %mul3A_169, %dma_start3A_220] : memref<2x10240x8xf32, #tpu.memory_space<hbm>> -> memref<1x128x8xf32, #tpu.memory_space<hbm>>
        %dma_start3A_222 = tpu.memref_squeeze %dma_start3A_221 : memref<1x128x8xf32, #tpu.memory_space<hbm>> -> memref<128x8xf32, #tpu.memory_space<hbm>>
        %dma_start3A_223 = arith.constant 0 : i32
        %dma_start3A_224 = arith.constant 0 : i32
        %dma_start3A_225 = tpu.memref_slice %arg13[%run_scoped3A_172, %dma_start3A_223, %dma_start3A_224] : memref<2x128x8xf32, #tpu.memory_space<vmem>> -> memref<1x128x8xf32, #tpu.memory_space<vmem>>
        %dma_start3A_226 = tpu.memref_squeeze %dma_start3A_225 : memref<1x128x8xf32, #tpu.memory_space<vmem>> -> memref<128x8xf32, #tpu.memory_space<vmem>>
        tpu.enqueue_dma source(%dma_start3A_226 : memref<128x8xf32, #tpu.memory_space<vmem>>) target(%dma_start3A_222 : memref<128x8xf32, #tpu.memory_space<hbm>>) target_semaphore(%run_scoped3A_213 : memref<!tpu.dma_semaphore, #tpu.memory_space<semaphore_mem>>)
        %dma_wait3A = arith.constant 0 : i32
        %dma_wait3A_227 = arith.constant 0 : i32
        %dma_wait3A_228 = tpu.memref_slice %arg13[%run_scoped3A_172, %dma_wait3A, %dma_wait3A_227] : memref<2x128x8xf32, #tpu.memory_space<vmem>> -> memref<1x128x8xf32, #tpu.memory_space<vmem>>
        %dma_wait3A_229 = tpu.memref_squeeze %dma_wait3A_228 : memref<1x128x8xf32, #tpu.memory_space<vmem>> -> memref<128x8xf32, #tpu.memory_space<vmem>>
        %dma_wait3A_230 = arith.constant 0 : i32
        %dma_wait3A_231 = tpu.memref_slice %arg9[%arg0, %mul3A_169, %dma_wait3A_230] : memref<2x10240x8xf32, #tpu.memory_space<hbm>> -> memref<1x128x8xf32, #tpu.memory_space<hbm>>
        %dma_wait3A_232 = tpu.memref_squeeze %dma_wait3A_231 : memref<1x128x8xf32, #tpu.memory_space<hbm>> -> memref<128x8xf32, #tpu.memory_space<hbm>>
        %dma_wait3A_233 = arith.constant 0 : i32
        %dma_wait3A_234 = tpu.memref_slice %arg9[%arg0, %mul3A_169, %dma_wait3A_233] : memref<2x10240x8xf32, #tpu.memory_space<hbm>> -> memref<1x128x8xf32, #tpu.memory_space<hbm>>
        %dma_wait3A_235 = tpu.memref_squeeze %dma_wait3A_234 : memref<1x128x8xf32, #tpu.memory_space<hbm>> -> memref<128x8xf32, #tpu.memory_space<hbm>>
        %dma_wait3A_236 = arith.constant 0 : i32
        %dma_wait3A_237 = arith.constant 0 : i32
        %dma_wait3A_238 = tpu.memref_slice %arg13[%run_scoped3A_172, %dma_wait3A_236, %dma_wait3A_237] : memref<2x128x8xf32, #tpu.memory_space<vmem>> -> memref<1x128x8xf32, #tpu.memory_space<vmem>>
        %dma_wait3A_239 = tpu.memref_squeeze %dma_wait3A_238 : memref<1x128x8xf32, #tpu.memory_space<vmem>> -> memref<128x8xf32, #tpu.memory_space<vmem>>
        tpu.wait_dma2 semaphore(%run_scoped3A_213 : memref<!tpu.dma_semaphore, #tpu.memory_space<semaphore_mem>>) src(%dma_wait3A_239 : memref<128x8xf32, #tpu.memory_space<vmem>>) dst(%dma_wait3A_235 : memref<128x8xf32, #tpu.memory_space<hbm>>)
        tpu.yield
      }) : () -> ()
      %mul3A_173 = arith.constant 5 : i32
      %mul3A_174 = arith.muli %arg1, %mul3A_173 : i32
      %add3A_175 = arith.constant 1 : i32
      %add3A_176 = arith.addi %mul3A_174, %add3A_175 : i32
      %mul3A_177 = arith.constant 128 : i32
      %mul3A_178 = arith.muli %add3A_176, %mul3A_177 : i32
      %run_scoped3A_179 = arith.constant 0 : i32
      "tpu.region"() ({
        %run_scoped3A_213 = tpu.sem_alloc : memref<!tpu.dma_semaphore, #tpu.memory_space<semaphore_mem>>
        %dma_start3A = arith.constant 0 : i32
        %dma_start3A_214 = arith.constant 0 : i32
        %dma_start3A_215 = tpu.memref_slice %arg12[%run_scoped3A_179, %dma_start3A, %dma_start3A_214] : memref<2x128x8xf32, #tpu.memory_space<vmem>> -> memref<1x128x8xf32, #tpu.memory_space<vmem>>
        %dma_start3A_216 = tpu.memref_squeeze %dma_start3A_215 : memref<1x128x8xf32, #tpu.memory_space<vmem>> -> memref<128x8xf32, #tpu.memory_space<vmem>>
        %dma_start3A_217 = arith.constant 0 : i32
        %dma_start3A_218 = tpu.memref_slice %arg16[%mul3A_178, %dma_start3A_217] : memref<10240x8xf32, #tpu.memory_space<vmem_shared>> -> memref<128x8xf32, #tpu.memory_space<vmem_shared>>
        %dma_start3A_219 = arith.constant 0 : i32
        %dma_start3A_220 = arith.constant 0 : i32
        %dma_start3A_221 = tpu.memref_slice %arg12[%run_scoped3A_179, %dma_start3A_219, %dma_start3A_220] : memref<2x128x8xf32, #tpu.memory_space<vmem>> -> memref<1x128x8xf32, #tpu.memory_space<vmem>>
        %dma_start3A_222 = tpu.memref_squeeze %dma_start3A_221 : memref<1x128x8xf32, #tpu.memory_space<vmem>> -> memref<128x8xf32, #tpu.memory_space<vmem>>
        %dma_start3A_223 = arith.constant 0 : i32
        %dma_start3A_224 = tpu.memref_slice %arg16[%mul3A_178, %dma_start3A_223] : memref<10240x8xf32, #tpu.memory_space<vmem_shared>> -> memref<128x8xf32, #tpu.memory_space<vmem_shared>>
        tpu.enqueue_dma source(%dma_start3A_224 : memref<128x8xf32, #tpu.memory_space<vmem_shared>>) target(%dma_start3A_222 : memref<128x8xf32, #tpu.memory_space<vmem>>) target_semaphore(%run_scoped3A_213 : memref<!tpu.dma_semaphore, #tpu.memory_space<semaphore_mem>>)
        %dma_wait3A = arith.constant 0 : i32
        %dma_wait3A_225 = arith.constant 0 : i32
        %dma_wait3A_226 = tpu.memref_slice %arg12[%run_scoped3A_179, %dma_wait3A, %dma_wait3A_225] : memref<2x128x8xf32, #tpu.memory_space<vmem>> -> memref<1x128x8xf32, #tpu.memory_space<vmem>>
        %dma_wait3A_227 = tpu.memref_squeeze %dma_wait3A_226 : memref<1x128x8xf32, #tpu.memory_space<vmem>> -> memref<128x8xf32, #tpu.memory_space<vmem>>
        %dma_wait3A_228 = arith.constant 0 : i32
        %dma_wait3A_229 = tpu.memref_slice %arg16[%mul3A_178, %dma_wait3A_228] : memref<10240x8xf32, #tpu.memory_space<vmem_shared>> -> memref<128x8xf32, #tpu.memory_space<vmem_shared>>
        %dma_wait3A_230 = arith.constant 0 : i32
        %dma_wait3A_231 = arith.constant 0 : i32
        %dma_wait3A_232 = tpu.memref_slice %arg12[%run_scoped3A_179, %dma_wait3A_230, %dma_wait3A_231] : memref<2x128x8xf32, #tpu.memory_space<vmem>> -> memref<1x128x8xf32, #tpu.memory_space<vmem>>
        %dma_wait3A_233 = tpu.memref_squeeze %dma_wait3A_232 : memref<1x128x8xf32, #tpu.memory_space<vmem>> -> memref<128x8xf32, #tpu.memory_space<vmem>>
        %dma_wait3A_234 = arith.constant 0 : i32
        %dma_wait3A_235 = tpu.memref_slice %arg16[%mul3A_178, %dma_wait3A_234] : memref<10240x8xf32, #tpu.memory_space<vmem_shared>> -> memref<128x8xf32, #tpu.memory_space<vmem_shared>>
        tpu.wait_dma2 semaphore(%run_scoped3A_213 : memref<!tpu.dma_semaphore, #tpu.memory_space<semaphore_mem>>) src(%dma_wait3A_235 : memref<128x8xf32, #tpu.memory_space<vmem_shared>>) dst(%dma_wait3A_233 : memref<128x8xf32, #tpu.memory_space<vmem>>)
        tpu.yield
      }) : () -> ()
      %run_scoped3A_180 = arith.constant 0 : i32
      "tpu.region"() ({
        %run_scoped3A_213 = tpu.sem_alloc : memref<!tpu.dma_semaphore, #tpu.memory_space<semaphore_mem>>
        %dma_start3A = arith.constant 0 : i32
        %dma_start3A_214 = arith.constant 0 : i32
        %dma_start3A_215 = tpu.memref_slice %arg12[%run_scoped3A_180, %dma_start3A, %dma_start3A_214] : memref<2x128x8xf32, #tpu.memory_space<vmem>> -> memref<1x128x8xf32, #tpu.memory_space<vmem>>
        %dma_start3A_216 = tpu.memref_squeeze %dma_start3A_215 : memref<1x128x8xf32, #tpu.memory_space<vmem>> -> memref<128x8xf32, #tpu.memory_space<vmem>>
        %dma_start3A_217 = arith.constant 0 : i32
        %dma_start3A_218 = tpu.memref_slice %arg8[%arg0, %mul3A_178, %dma_start3A_217] : memref<2x10240x8xf32, #tpu.memory_space<hbm>> -> memref<1x128x8xf32, #tpu.memory_space<hbm>>
        %dma_start3A_219 = tpu.memref_squeeze %dma_start3A_218 : memref<1x128x8xf32, #tpu.memory_space<hbm>> -> memref<128x8xf32, #tpu.memory_space<hbm>>
        %dma_start3A_220 = arith.constant 0 : i32
        %dma_start3A_221 = tpu.memref_slice %arg8[%arg0, %mul3A_178, %dma_start3A_220] : memref<2x10240x8xf32, #tpu.memory_space<hbm>> -> memref<1x128x8xf32, #tpu.memory_space<hbm>>
        %dma_start3A_222 = tpu.memref_squeeze %dma_start3A_221 : memref<1x128x8xf32, #tpu.memory_space<hbm>> -> memref<128x8xf32, #tpu.memory_space<hbm>>
        %dma_start3A_223 = arith.constant 0 : i32
        %dma_start3A_224 = arith.constant 0 : i32
        %dma_start3A_225 = tpu.memref_slice %arg12[%run_scoped3A_180, %dma_start3A_223, %dma_start3A_224] : memref<2x128x8xf32, #tpu.memory_space<vmem>> -> memref<1x128x8xf32, #tpu.memory_space<vmem>>
        %dma_start3A_226 = tpu.memref_squeeze %dma_start3A_225 : memref<1x128x8xf32, #tpu.memory_space<vmem>> -> memref<128x8xf32, #tpu.memory_space<vmem>>
        tpu.enqueue_dma source(%dma_start3A_226 : memref<128x8xf32, #tpu.memory_space<vmem>>) target(%dma_start3A_222 : memref<128x8xf32, #tpu.memory_space<hbm>>) target_semaphore(%run_scoped3A_213 : memref<!tpu.dma_semaphore, #tpu.memory_space<semaphore_mem>>)
        %dma_wait3A = arith.constant 0 : i32
        %dma_wait3A_227 = arith.constant 0 : i32
        %dma_wait3A_228 = tpu.memref_slice %arg12[%run_scoped3A_180, %dma_wait3A, %dma_wait3A_227] : memref<2x128x8xf32, #tpu.memory_space<vmem>> -> memref<1x128x8xf32, #tpu.memory_space<vmem>>
        %dma_wait3A_229 = tpu.memref_squeeze %dma_wait3A_228 : memref<1x128x8xf32, #tpu.memory_space<vmem>> -> memref<128x8xf32, #tpu.memory_space<vmem>>
        %dma_wait3A_230 = arith.constant 0 : i32
        %dma_wait3A_231 = tpu.memref_slice %arg8[%arg0, %mul3A_178, %dma_wait3A_230] : memref<2x10240x8xf32, #tpu.memory_space<hbm>> -> memref<1x128x8xf32, #tpu.memory_space<hbm>>
        %dma_wait3A_232 = tpu.memref_squeeze %dma_wait3A_231 : memref<1x128x8xf32, #tpu.memory_space<hbm>> -> memref<128x8xf32, #tpu.memory_space<hbm>>
        %dma_wait3A_233 = arith.constant 0 : i32
        %dma_wait3A_234 = tpu.memref_slice %arg8[%arg0, %mul3A_178, %dma_wait3A_233] : memref<2x10240x8xf32, #tpu.memory_space<hbm>> -> memref<1x128x8xf32, #tpu.memory_space<hbm>>
        %dma_wait3A_235 = tpu.memref_squeeze %dma_wait3A_234 : memref<1x128x8xf32, #tpu.memory_space<hbm>> -> memref<128x8xf32, #tpu.memory_space<hbm>>
        %dma_wait3A_236 = arith.constant 0 : i32
        %dma_wait3A_237 = arith.constant 0 : i32
        %dma_wait3A_238 = tpu.memref_slice %arg12[%run_scoped3A_180, %dma_wait3A_236, %dma_wait3A_237] : memref<2x128x8xf32, #tpu.memory_space<vmem>> -> memref<1x128x8xf32, #tpu.memory_space<vmem>>
        %dma_wait3A_239 = tpu.memref_squeeze %dma_wait3A_238 : memref<1x128x8xf32, #tpu.memory_space<vmem>> -> memref<128x8xf32, #tpu.memory_space<vmem>>
        tpu.wait_dma2 semaphore(%run_scoped3A_213 : memref<!tpu.dma_semaphore, #tpu.memory_space<semaphore_mem>>) src(%dma_wait3A_239 : memref<128x8xf32, #tpu.memory_space<vmem>>) dst(%dma_wait3A_235 : memref<128x8xf32, #tpu.memory_space<hbm>>)
        tpu.yield
      }) : () -> ()
      %run_scoped3A_181 = arith.constant 0 : i32
      "tpu.region"() ({
        %run_scoped3A_213 = tpu.sem_alloc : memref<!tpu.dma_semaphore, #tpu.memory_space<semaphore_mem>>
        %dma_start3A = arith.constant 0 : i32
        %dma_start3A_214 = arith.constant 0 : i32
        %dma_start3A_215 = tpu.memref_slice %arg13[%run_scoped3A_181, %dma_start3A, %dma_start3A_214] : memref<2x128x8xf32, #tpu.memory_space<vmem>> -> memref<1x128x8xf32, #tpu.memory_space<vmem>>
        %dma_start3A_216 = tpu.memref_squeeze %dma_start3A_215 : memref<1x128x8xf32, #tpu.memory_space<vmem>> -> memref<128x8xf32, #tpu.memory_space<vmem>>
        %dma_start3A_217 = arith.constant 0 : i32
        %dma_start3A_218 = tpu.memref_slice %arg17[%mul3A_178, %dma_start3A_217] : memref<10240x8xf32, #tpu.memory_space<vmem_shared>> -> memref<128x8xf32, #tpu.memory_space<vmem_shared>>
        %dma_start3A_219 = arith.constant 0 : i32
        %dma_start3A_220 = arith.constant 0 : i32
        %dma_start3A_221 = tpu.memref_slice %arg13[%run_scoped3A_181, %dma_start3A_219, %dma_start3A_220] : memref<2x128x8xf32, #tpu.memory_space<vmem>> -> memref<1x128x8xf32, #tpu.memory_space<vmem>>
        %dma_start3A_222 = tpu.memref_squeeze %dma_start3A_221 : memref<1x128x8xf32, #tpu.memory_space<vmem>> -> memref<128x8xf32, #tpu.memory_space<vmem>>
        %dma_start3A_223 = arith.constant 0 : i32
        %dma_start3A_224 = tpu.memref_slice %arg17[%mul3A_178, %dma_start3A_223] : memref<10240x8xf32, #tpu.memory_space<vmem_shared>> -> memref<128x8xf32, #tpu.memory_space<vmem_shared>>
        tpu.enqueue_dma source(%dma_start3A_224 : memref<128x8xf32, #tpu.memory_space<vmem_shared>>) target(%dma_start3A_222 : memref<128x8xf32, #tpu.memory_space<vmem>>) target_semaphore(%run_scoped3A_213 : memref<!tpu.dma_semaphore, #tpu.memory_space<semaphore_mem>>)
        %dma_wait3A = arith.constant 0 : i32
        %dma_wait3A_225 = arith.constant 0 : i32
        %dma_wait3A_226 = tpu.memref_slice %arg13[%run_scoped3A_181, %dma_wait3A, %dma_wait3A_225] : memref<2x128x8xf32, #tpu.memory_space<vmem>> -> memref<1x128x8xf32, #tpu.memory_space<vmem>>
        %dma_wait3A_227 = tpu.memref_squeeze %dma_wait3A_226 : memref<1x128x8xf32, #tpu.memory_space<vmem>> -> memref<128x8xf32, #tpu.memory_space<vmem>>
        %dma_wait3A_228 = arith.constant 0 : i32
        %dma_wait3A_229 = tpu.memref_slice %arg17[%mul3A_178, %dma_wait3A_228] : memref<10240x8xf32, #tpu.memory_space<vmem_shared>> -> memref<128x8xf32, #tpu.memory_space<vmem_shared>>
        %dma_wait3A_230 = arith.constant 0 : i32
        %dma_wait3A_231 = arith.constant 0 : i32
        %dma_wait3A_232 = tpu.memref_slice %arg13[%run_scoped3A_181, %dma_wait3A_230, %dma_wait3A_231] : memref<2x128x8xf32, #tpu.memory_space<vmem>> -> memref<1x128x8xf32, #tpu.memory_space<vmem>>
        %dma_wait3A_233 = tpu.memref_squeeze %dma_wait3A_232 : memref<1x128x8xf32, #tpu.memory_space<vmem>> -> memref<128x8xf32, #tpu.memory_space<vmem>>
        %dma_wait3A_234 = arith.constant 0 : i32
        %dma_wait3A_235 = tpu.memref_slice %arg17[%mul3A_178, %dma_wait3A_234] : memref<10240x8xf32, #tpu.memory_space<vmem_shared>> -> memref<128x8xf32, #tpu.memory_space<vmem_shared>>
        tpu.wait_dma2 semaphore(%run_scoped3A_213 : memref<!tpu.dma_semaphore, #tpu.memory_space<semaphore_mem>>) src(%dma_wait3A_235 : memref<128x8xf32, #tpu.memory_space<vmem_shared>>) dst(%dma_wait3A_233 : memref<128x8xf32, #tpu.memory_space<vmem>>)
        tpu.yield
      }) : () -> ()
      %run_scoped3A_182 = arith.constant 0 : i32
      "tpu.region"() ({
        %run_scoped3A_213 = tpu.sem_alloc : memref<!tpu.dma_semaphore, #tpu.memory_space<semaphore_mem>>
        %dma_start3A = arith.constant 0 : i32
        %dma_start3A_214 = arith.constant 0 : i32
        %dma_start3A_215 = tpu.memref_slice %arg13[%run_scoped3A_182, %dma_start3A, %dma_start3A_214] : memref<2x128x8xf32, #tpu.memory_space<vmem>> -> memref<1x128x8xf32, #tpu.memory_space<vmem>>
        %dma_start3A_216 = tpu.memref_squeeze %dma_start3A_215 : memref<1x128x8xf32, #tpu.memory_space<vmem>> -> memref<128x8xf32, #tpu.memory_space<vmem>>
        %dma_start3A_217 = arith.constant 0 : i32
        %dma_start3A_218 = tpu.memref_slice %arg9[%arg0, %mul3A_178, %dma_start3A_217] : memref<2x10240x8xf32, #tpu.memory_space<hbm>> -> memref<1x128x8xf32, #tpu.memory_space<hbm>>
        %dma_start3A_219 = tpu.memref_squeeze %dma_start3A_218 : memref<1x128x8xf32, #tpu.memory_space<hbm>> -> memref<128x8xf32, #tpu.memory_space<hbm>>
        %dma_start3A_220 = arith.constant 0 : i32
        %dma_start3A_221 = tpu.memref_slice %arg9[%arg0, %mul3A_178, %dma_start3A_220] : memref<2x10240x8xf32, #tpu.memory_space<hbm>> -> memref<1x128x8xf32, #tpu.memory_space<hbm>>
        %dma_start3A_222 = tpu.memref_squeeze %dma_start3A_221 : memref<1x128x8xf32, #tpu.memory_space<hbm>> -> memref<128x8xf32, #tpu.memory_space<hbm>>
        %dma_start3A_223 = arith.constant 0 : i32
        %dma_start3A_224 = arith.constant 0 : i32
        %dma_start3A_225 = tpu.memref_slice %arg13[%run_scoped3A_182, %dma_start3A_223, %dma_start3A_224] : memref<2x128x8xf32, #tpu.memory_space<vmem>> -> memref<1x128x8xf32, #tpu.memory_space<vmem>>
        %dma_start3A_226 = tpu.memref_squeeze %dma_start3A_225 : memref<1x128x8xf32, #tpu.memory_space<vmem>> -> memref<128x8xf32, #tpu.memory_space<vmem>>
        tpu.enqueue_dma source(%dma_start3A_226 : memref<128x8xf32, #tpu.memory_space<vmem>>) target(%dma_start3A_222 : memref<128x8xf32, #tpu.memory_space<hbm>>) target_semaphore(%run_scoped3A_213 : memref<!tpu.dma_semaphore, #tpu.memory_space<semaphore_mem>>)
        %dma_wait3A = arith.constant 0 : i32
        %dma_wait3A_227 = arith.constant 0 : i32
        %dma_wait3A_228 = tpu.memref_slice %arg13[%run_scoped3A_182, %dma_wait3A, %dma_wait3A_227] : memref<2x128x8xf32, #tpu.memory_space<vmem>> -> memref<1x128x8xf32, #tpu.memory_space<vmem>>
        %dma_wait3A_229 = tpu.memref_squeeze %dma_wait3A_228 : memref<1x128x8xf32, #tpu.memory_space<vmem>> -> memref<128x8xf32, #tpu.memory_space<vmem>>
        %dma_wait3A_230 = arith.constant 0 : i32
        %dma_wait3A_231 = tpu.memref_slice %arg9[%arg0, %mul3A_178, %dma_wait3A_230] : memref<2x10240x8xf32, #tpu.memory_space<hbm>> -> memref<1x128x8xf32, #tpu.memory_space<hbm>>
        %dma_wait3A_232 = tpu.memref_squeeze %dma_wait3A_231 : memref<1x128x8xf32, #tpu.memory_space<hbm>> -> memref<128x8xf32, #tpu.memory_space<hbm>>
        %dma_wait3A_233 = arith.constant 0 : i32
        %dma_wait3A_234 = tpu.memref_slice %arg9[%arg0, %mul3A_178, %dma_wait3A_233] : memref<2x10240x8xf32, #tpu.memory_space<hbm>> -> memref<1x128x8xf32, #tpu.memory_space<hbm>>
        %dma_wait3A_235 = tpu.memref_squeeze %dma_wait3A_234 : memref<1x128x8xf32, #tpu.memory_space<hbm>> -> memref<128x8xf32, #tpu.memory_space<hbm>>
        %dma_wait3A_236 = arith.constant 0 : i32
        %dma_wait3A_237 = arith.constant 0 : i32
        %dma_wait3A_238 = tpu.memref_slice %arg13[%run_scoped3A_182, %dma_wait3A_236, %dma_wait3A_237] : memref<2x128x8xf32, #tpu.memory_space<vmem>> -> memref<1x128x8xf32, #tpu.memory_space<vmem>>
        %dma_wait3A_239 = tpu.memref_squeeze %dma_wait3A_238 : memref<1x128x8xf32, #tpu.memory_space<vmem>> -> memref<128x8xf32, #tpu.memory_space<vmem>>
        tpu.wait_dma2 semaphore(%run_scoped3A_213 : memref<!tpu.dma_semaphore, #tpu.memory_space<semaphore_mem>>) src(%dma_wait3A_239 : memref<128x8xf32, #tpu.memory_space<vmem>>) dst(%dma_wait3A_235 : memref<128x8xf32, #tpu.memory_space<hbm>>)
        tpu.yield
      }) : () -> ()
      %mul3A_183 = arith.constant 5 : i32
      %mul3A_184 = arith.muli %arg1, %mul3A_183 : i32
      %add3A_185 = arith.constant 2 : i32
      %add3A_186 = arith.addi %mul3A_184, %add3A_185 : i32
      %mul3A_187 = arith.constant 128 : i32
      %mul3A_188 = arith.muli %add3A_186, %mul3A_187 : i32
      %run_scoped3A_189 = arith.constant 0 : i32
      "tpu.region"() ({
        %run_scoped3A_213 = tpu.sem_alloc : memref<!tpu.dma_semaphore, #tpu.memory_space<semaphore_mem>>
        %dma_start3A = arith.constant 0 : i32
        %dma_start3A_214 = arith.constant 0 : i32
        %dma_start3A_215 = tpu.memref_slice %arg12[%run_scoped3A_189, %dma_start3A, %dma_start3A_214] : memref<2x128x8xf32, #tpu.memory_space<vmem>> -> memref<1x128x8xf32, #tpu.memory_space<vmem>>
        %dma_start3A_216 = tpu.memref_squeeze %dma_start3A_215 : memref<1x128x8xf32, #tpu.memory_space<vmem>> -> memref<128x8xf32, #tpu.memory_space<vmem>>
        %dma_start3A_217 = arith.constant 0 : i32
        %dma_start3A_218 = tpu.memref_slice %arg16[%mul3A_188, %dma_start3A_217] : memref<10240x8xf32, #tpu.memory_space<vmem_shared>> -> memref<128x8xf32, #tpu.memory_space<vmem_shared>>
        %dma_start3A_219 = arith.constant 0 : i32
        %dma_start3A_220 = arith.constant 0 : i32
        %dma_start3A_221 = tpu.memref_slice %arg12[%run_scoped3A_189, %dma_start3A_219, %dma_start3A_220] : memref<2x128x8xf32, #tpu.memory_space<vmem>> -> memref<1x128x8xf32, #tpu.memory_space<vmem>>
        %dma_start3A_222 = tpu.memref_squeeze %dma_start3A_221 : memref<1x128x8xf32, #tpu.memory_space<vmem>> -> memref<128x8xf32, #tpu.memory_space<vmem>>
        %dma_start3A_223 = arith.constant 0 : i32
        %dma_start3A_224 = tpu.memref_slice %arg16[%mul3A_188, %dma_start3A_223] : memref<10240x8xf32, #tpu.memory_space<vmem_shared>> -> memref<128x8xf32, #tpu.memory_space<vmem_shared>>
        tpu.enqueue_dma source(%dma_start3A_224 : memref<128x8xf32, #tpu.memory_space<vmem_shared>>) target(%dma_start3A_222 : memref<128x8xf32, #tpu.memory_space<vmem>>) target_semaphore(%run_scoped3A_213 : memref<!tpu.dma_semaphore, #tpu.memory_space<semaphore_mem>>)
        %dma_wait3A = arith.constant 0 : i32
        %dma_wait3A_225 = arith.constant 0 : i32
        %dma_wait3A_226 = tpu.memref_slice %arg12[%run_scoped3A_189, %dma_wait3A, %dma_wait3A_225] : memref<2x128x8xf32, #tpu.memory_space<vmem>> -> memref<1x128x8xf32, #tpu.memory_space<vmem>>
        %dma_wait3A_227 = tpu.memref_squeeze %dma_wait3A_226 : memref<1x128x8xf32, #tpu.memory_space<vmem>> -> memref<128x8xf32, #tpu.memory_space<vmem>>
        %dma_wait3A_228 = arith.constant 0 : i32
        %dma_wait3A_229 = tpu.memref_slice %arg16[%mul3A_188, %dma_wait3A_228] : memref<10240x8xf32, #tpu.memory_space<vmem_shared>> -> memref<128x8xf32, #tpu.memory_space<vmem_shared>>
        %dma_wait3A_230 = arith.constant 0 : i32
        %dma_wait3A_231 = arith.constant 0 : i32
        %dma_wait3A_232 = tpu.memref_slice %arg12[%run_scoped3A_189, %dma_wait3A_230, %dma_wait3A_231] : memref<2x128x8xf32, #tpu.memory_space<vmem>> -> memref<1x128x8xf32, #tpu.memory_space<vmem>>
        %dma_wait3A_233 = tpu.memref_squeeze %dma_wait3A_232 : memref<1x128x8xf32, #tpu.memory_space<vmem>> -> memref<128x8xf32, #tpu.memory_space<vmem>>
        %dma_wait3A_234 = arith.constant 0 : i32
        %dma_wait3A_235 = tpu.memref_slice %arg16[%mul3A_188, %dma_wait3A_234] : memref<10240x8xf32, #tpu.memory_space<vmem_shared>> -> memref<128x8xf32, #tpu.memory_space<vmem_shared>>
        tpu.wait_dma2 semaphore(%run_scoped3A_213 : memref<!tpu.dma_semaphore, #tpu.memory_space<semaphore_mem>>) src(%dma_wait3A_235 : memref<128x8xf32, #tpu.memory_space<vmem_shared>>) dst(%dma_wait3A_233 : memref<128x8xf32, #tpu.memory_space<vmem>>)
        tpu.yield
      }) : () -> ()
      %run_scoped3A_190 = arith.constant 0 : i32
      "tpu.region"() ({
        %run_scoped3A_213 = tpu.sem_alloc : memref<!tpu.dma_semaphore, #tpu.memory_space<semaphore_mem>>
        %dma_start3A = arith.constant 0 : i32
        %dma_start3A_214 = arith.constant 0 : i32
        %dma_start3A_215 = tpu.memref_slice %arg12[%run_scoped3A_190, %dma_start3A, %dma_start3A_214] : memref<2x128x8xf32, #tpu.memory_space<vmem>> -> memref<1x128x8xf32, #tpu.memory_space<vmem>>
        %dma_start3A_216 = tpu.memref_squeeze %dma_start3A_215 : memref<1x128x8xf32, #tpu.memory_space<vmem>> -> memref<128x8xf32, #tpu.memory_space<vmem>>
        %dma_start3A_217 = arith.constant 0 : i32
        %dma_start3A_218 = tpu.memref_slice %arg8[%arg0, %mul3A_188, %dma_start3A_217] : memref<2x10240x8xf32, #tpu.memory_space<hbm>> -> memref<1x128x8xf32, #tpu.memory_space<hbm>>
        %dma_start3A_219 = tpu.memref_squeeze %dma_start3A_218 : memref<1x128x8xf32, #tpu.memory_space<hbm>> -> memref<128x8xf32, #tpu.memory_space<hbm>>
        %dma_start3A_220 = arith.constant 0 : i32
        %dma_start3A_221 = tpu.memref_slice %arg8[%arg0, %mul3A_188, %dma_start3A_220] : memref<2x10240x8xf32, #tpu.memory_space<hbm>> -> memref<1x128x8xf32, #tpu.memory_space<hbm>>
        %dma_start3A_222 = tpu.memref_squeeze %dma_start3A_221 : memref<1x128x8xf32, #tpu.memory_space<hbm>> -> memref<128x8xf32, #tpu.memory_space<hbm>>
        %dma_start3A_223 = arith.constant 0 : i32
        %dma_start3A_224 = arith.constant 0 : i32
        %dma_start3A_225 = tpu.memref_slice %arg12[%run_scoped3A_190, %dma_start3A_223, %dma_start3A_224] : memref<2x128x8xf32, #tpu.memory_space<vmem>> -> memref<1x128x8xf32, #tpu.memory_space<vmem>>
        %dma_start3A_226 = tpu.memref_squeeze %dma_start3A_225 : memref<1x128x8xf32, #tpu.memory_space<vmem>> -> memref<128x8xf32, #tpu.memory_space<vmem>>
        tpu.enqueue_dma source(%dma_start3A_226 : memref<128x8xf32, #tpu.memory_space<vmem>>) target(%dma_start3A_222 : memref<128x8xf32, #tpu.memory_space<hbm>>) target_semaphore(%run_scoped3A_213 : memref<!tpu.dma_semaphore, #tpu.memory_space<semaphore_mem>>)
        %dma_wait3A = arith.constant 0 : i32
        %dma_wait3A_227 = arith.constant 0 : i32
        %dma_wait3A_228 = tpu.memref_slice %arg12[%run_scoped3A_190, %dma_wait3A, %dma_wait3A_227] : memref<2x128x8xf32, #tpu.memory_space<vmem>> -> memref<1x128x8xf32, #tpu.memory_space<vmem>>
        %dma_wait3A_229 = tpu.memref_squeeze %dma_wait3A_228 : memref<1x128x8xf32, #tpu.memory_space<vmem>> -> memref<128x8xf32, #tpu.memory_space<vmem>>
        %dma_wait3A_230 = arith.constant 0 : i32
        %dma_wait3A_231 = tpu.memref_slice %arg8[%arg0, %mul3A_188, %dma_wait3A_230] : memref<2x10240x8xf32, #tpu.memory_space<hbm>> -> memref<1x128x8xf32, #tpu.memory_space<hbm>>
        %dma_wait3A_232 = tpu.memref_squeeze %dma_wait3A_231 : memref<1x128x8xf32, #tpu.memory_space<hbm>> -> memref<128x8xf32, #tpu.memory_space<hbm>>
        %dma_wait3A_233 = arith.constant 0 : i32
        %dma_wait3A_234 = tpu.memref_slice %arg8[%arg0, %mul3A_188, %dma_wait3A_233] : memref<2x10240x8xf32, #tpu.memory_space<hbm>> -> memref<1x128x8xf32, #tpu.memory_space<hbm>>
        %dma_wait3A_235 = tpu.memref_squeeze %dma_wait3A_234 : memref<1x128x8xf32, #tpu.memory_space<hbm>> -> memref<128x8xf32, #tpu.memory_space<hbm>>
        %dma_wait3A_236 = arith.constant 0 : i32
        %dma_wait3A_237 = arith.constant 0 : i32
        %dma_wait3A_238 = tpu.memref_slice %arg12[%run_scoped3A_190, %dma_wait3A_236, %dma_wait3A_237] : memref<2x128x8xf32, #tpu.memory_space<vmem>> -> memref<1x128x8xf32, #tpu.memory_space<vmem>>
        %dma_wait3A_239 = tpu.memref_squeeze %dma_wait3A_238 : memref<1x128x8xf32, #tpu.memory_space<vmem>> -> memref<128x8xf32, #tpu.memory_space<vmem>>
        tpu.wait_dma2 semaphore(%run_scoped3A_213 : memref<!tpu.dma_semaphore, #tpu.memory_space<semaphore_mem>>) src(%dma_wait3A_239 : memref<128x8xf32, #tpu.memory_space<vmem>>) dst(%dma_wait3A_235 : memref<128x8xf32, #tpu.memory_space<hbm>>)
        tpu.yield
      }) : () -> ()
      %run_scoped3A_191 = arith.constant 0 : i32
      "tpu.region"() ({
        %run_scoped3A_213 = tpu.sem_alloc : memref<!tpu.dma_semaphore, #tpu.memory_space<semaphore_mem>>
        %dma_start3A = arith.constant 0 : i32
        %dma_start3A_214 = arith.constant 0 : i32
        %dma_start3A_215 = tpu.memref_slice %arg13[%run_scoped3A_191, %dma_start3A, %dma_start3A_214] : memref<2x128x8xf32, #tpu.memory_space<vmem>> -> memref<1x128x8xf32, #tpu.memory_space<vmem>>
        %dma_start3A_216 = tpu.memref_squeeze %dma_start3A_215 : memref<1x128x8xf32, #tpu.memory_space<vmem>> -> memref<128x8xf32, #tpu.memory_space<vmem>>
        %dma_start3A_217 = arith.constant 0 : i32
        %dma_start3A_218 = tpu.memref_slice %arg17[%mul3A_188, %dma_start3A_217] : memref<10240x8xf32, #tpu.memory_space<vmem_shared>> -> memref<128x8xf32, #tpu.memory_space<vmem_shared>>
        %dma_start3A_219 = arith.constant 0 : i32
        %dma_start3A_220 = arith.constant 0 : i32
        %dma_start3A_221 = tpu.memref_slice %arg13[%run_scoped3A_191, %dma_start3A_219, %dma_start3A_220] : memref<2x128x8xf32, #tpu.memory_space<vmem>> -> memref<1x128x8xf32, #tpu.memory_space<vmem>>
        %dma_start3A_222 = tpu.memref_squeeze %dma_start3A_221 : memref<1x128x8xf32, #tpu.memory_space<vmem>> -> memref<128x8xf32, #tpu.memory_space<vmem>>
        %dma_start3A_223 = arith.constant 0 : i32
        %dma_start3A_224 = tpu.memref_slice %arg17[%mul3A_188, %dma_start3A_223] : memref<10240x8xf32, #tpu.memory_space<vmem_shared>> -> memref<128x8xf32, #tpu.memory_space<vmem_shared>>
        tpu.enqueue_dma source(%dma_start3A_224 : memref<128x8xf32, #tpu.memory_space<vmem_shared>>) target(%dma_start3A_222 : memref<128x8xf32, #tpu.memory_space<vmem>>) target_semaphore(%run_scoped3A_213 : memref<!tpu.dma_semaphore, #tpu.memory_space<semaphore_mem>>)
        %dma_wait3A = arith.constant 0 : i32
        %dma_wait3A_225 = arith.constant 0 : i32
        %dma_wait3A_226 = tpu.memref_slice %arg13[%run_scoped3A_191, %dma_wait3A, %dma_wait3A_225] : memref<2x128x8xf32, #tpu.memory_space<vmem>> -> memref<1x128x8xf32, #tpu.memory_space<vmem>>
        %dma_wait3A_227 = tpu.memref_squeeze %dma_wait3A_226 : memref<1x128x8xf32, #tpu.memory_space<vmem>> -> memref<128x8xf32, #tpu.memory_space<vmem>>
        %dma_wait3A_228 = arith.constant 0 : i32
        %dma_wait3A_229 = tpu.memref_slice %arg17[%mul3A_188, %dma_wait3A_228] : memref<10240x8xf32, #tpu.memory_space<vmem_shared>> -> memref<128x8xf32, #tpu.memory_space<vmem_shared>>
        %dma_wait3A_230 = arith.constant 0 : i32
        %dma_wait3A_231 = arith.constant 0 : i32
        %dma_wait3A_232 = tpu.memref_slice %arg13[%run_scoped3A_191, %dma_wait3A_230, %dma_wait3A_231] : memref<2x128x8xf32, #tpu.memory_space<vmem>> -> memref<1x128x8xf32, #tpu.memory_space<vmem>>
        %dma_wait3A_233 = tpu.memref_squeeze %dma_wait3A_232 : memref<1x128x8xf32, #tpu.memory_space<vmem>> -> memref<128x8xf32, #tpu.memory_space<vmem>>
        %dma_wait3A_234 = arith.constant 0 : i32
        %dma_wait3A_235 = tpu.memref_slice %arg17[%mul3A_188, %dma_wait3A_234] : memref<10240x8xf32, #tpu.memory_space<vmem_shared>> -> memref<128x8xf32, #tpu.memory_space<vmem_shared>>
        tpu.wait_dma2 semaphore(%run_scoped3A_213 : memref<!tpu.dma_semaphore, #tpu.memory_space<semaphore_mem>>) src(%dma_wait3A_235 : memref<128x8xf32, #tpu.memory_space<vmem_shared>>) dst(%dma_wait3A_233 : memref<128x8xf32, #tpu.memory_space<vmem>>)
        tpu.yield
      }) : () -> ()
      %run_scoped3A_192 = arith.constant 0 : i32
      "tpu.region"() ({
        %run_scoped3A_213 = tpu.sem_alloc : memref<!tpu.dma_semaphore, #tpu.memory_space<semaphore_mem>>
        %dma_start3A = arith.constant 0 : i32
        %dma_start3A_214 = arith.constant 0 : i32
        %dma_start3A_215 = tpu.memref_slice %arg13[%run_scoped3A_192, %dma_start3A, %dma_start3A_214] : memref<2x128x8xf32, #tpu.memory_space<vmem>> -> memref<1x128x8xf32, #tpu.memory_space<vmem>>
        %dma_start3A_216 = tpu.memref_squeeze %dma_start3A_215 : memref<1x128x8xf32, #tpu.memory_space<vmem>> -> memref<128x8xf32, #tpu.memory_space<vmem>>
        %dma_start3A_217 = arith.constant 0 : i32
        %dma_start3A_218 = tpu.memref_slice %arg9[%arg0, %mul3A_188, %dma_start3A_217] : memref<2x10240x8xf32, #tpu.memory_space<hbm>> -> memref<1x128x8xf32, #tpu.memory_space<hbm>>
        %dma_start3A_219 = tpu.memref_squeeze %dma_start3A_218 : memref<1x128x8xf32, #tpu.memory_space<hbm>> -> memref<128x8xf32, #tpu.memory_space<hbm>>
        %dma_start3A_220 = arith.constant 0 : i32
        %dma_start3A_221 = tpu.memref_slice %arg9[%arg0, %mul3A_188, %dma_start3A_220] : memref<2x10240x8xf32, #tpu.memory_space<hbm>> -> memref<1x128x8xf32, #tpu.memory_space<hbm>>
        %dma_start3A_222 = tpu.memref_squeeze %dma_start3A_221 : memref<1x128x8xf32, #tpu.memory_space<hbm>> -> memref<128x8xf32, #tpu.memory_space<hbm>>
        %dma_start3A_223 = arith.constant 0 : i32
        %dma_start3A_224 = arith.constant 0 : i32
        %dma_start3A_225 = tpu.memref_slice %arg13[%run_scoped3A_192, %dma_start3A_223, %dma_start3A_224] : memref<2x128x8xf32, #tpu.memory_space<vmem>> -> memref<1x128x8xf32, #tpu.memory_space<vmem>>
        %dma_start3A_226 = tpu.memref_squeeze %dma_start3A_225 : memref<1x128x8xf32, #tpu.memory_space<vmem>> -> memref<128x8xf32, #tpu.memory_space<vmem>>
        tpu.enqueue_dma source(%dma_start3A_226 : memref<128x8xf32, #tpu.memory_space<vmem>>) target(%dma_start3A_222 : memref<128x8xf32, #tpu.memory_space<hbm>>) target_semaphore(%run_scoped3A_213 : memref<!tpu.dma_semaphore, #tpu.memory_space<semaphore_mem>>)
        %dma_wait3A = arith.constant 0 : i32
        %dma_wait3A_227 = arith.constant 0 : i32
        %dma_wait3A_228 = tpu.memref_slice %arg13[%run_scoped3A_192, %dma_wait3A, %dma_wait3A_227] : memref<2x128x8xf32, #tpu.memory_space<vmem>> -> memref<1x128x8xf32, #tpu.memory_space<vmem>>
        %dma_wait3A_229 = tpu.memref_squeeze %dma_wait3A_228 : memref<1x128x8xf32, #tpu.memory_space<vmem>> -> memref<128x8xf32, #tpu.memory_space<vmem>>
        %dma_wait3A_230 = arith.constant 0 : i32
        %dma_wait3A_231 = tpu.memref_slice %arg9[%arg0, %mul3A_188, %dma_wait3A_230] : memref<2x10240x8xf32, #tpu.memory_space<hbm>> -> memref<1x128x8xf32, #tpu.memory_space<hbm>>
        %dma_wait3A_232 = tpu.memref_squeeze %dma_wait3A_231 : memref<1x128x8xf32, #tpu.memory_space<hbm>> -> memref<128x8xf32, #tpu.memory_space<hbm>>
        %dma_wait3A_233 = arith.constant 0 : i32
        %dma_wait3A_234 = tpu.memref_slice %arg9[%arg0, %mul3A_188, %dma_wait3A_233] : memref<2x10240x8xf32, #tpu.memory_space<hbm>> -> memref<1x128x8xf32, #tpu.memory_space<hbm>>
        %dma_wait3A_235 = tpu.memref_squeeze %dma_wait3A_234 : memref<1x128x8xf32, #tpu.memory_space<hbm>> -> memref<128x8xf32, #tpu.memory_space<hbm>>
        %dma_wait3A_236 = arith.constant 0 : i32
        %dma_wait3A_237 = arith.constant 0 : i32
        %dma_wait3A_238 = tpu.memref_slice %arg13[%run_scoped3A_192, %dma_wait3A_236, %dma_wait3A_237] : memref<2x128x8xf32, #tpu.memory_space<vmem>> -> memref<1x128x8xf32, #tpu.memory_space<vmem>>
        %dma_wait3A_239 = tpu.memref_squeeze %dma_wait3A_238 : memref<1x128x8xf32, #tpu.memory_space<vmem>> -> memref<128x8xf32, #tpu.memory_space<vmem>>
        tpu.wait_dma2 semaphore(%run_scoped3A_213 : memref<!tpu.dma_semaphore, #tpu.memory_space<semaphore_mem>>) src(%dma_wait3A_239 : memref<128x8xf32, #tpu.memory_space<vmem>>) dst(%dma_wait3A_235 : memref<128x8xf32, #tpu.memory_space<hbm>>)
        tpu.yield
      }) : () -> ()
      %mul3A_193 = arith.constant 5 : i32
      %mul3A_194 = arith.muli %arg1, %mul3A_193 : i32
      %add3A_195 = arith.constant 3 : i32
      %add3A_196 = arith.addi %mul3A_194, %add3A_195 : i32
      %mul3A_197 = arith.constant 128 : i32
      %mul3A_198 = arith.muli %add3A_196, %mul3A_197 : i32
      %run_scoped3A_199 = arith.constant 0 : i32
      "tpu.region"() ({
        %run_scoped3A_213 = tpu.sem_alloc : memref<!tpu.dma_semaphore, #tpu.memory_space<semaphore_mem>>
        %dma_start3A = arith.constant 0 : i32
        %dma_start3A_214 = arith.constant 0 : i32
        %dma_start3A_215 = tpu.memref_slice %arg12[%run_scoped3A_199, %dma_start3A, %dma_start3A_214] : memref<2x128x8xf32, #tpu.memory_space<vmem>> -> memref<1x128x8xf32, #tpu.memory_space<vmem>>
        %dma_start3A_216 = tpu.memref_squeeze %dma_start3A_215 : memref<1x128x8xf32, #tpu.memory_space<vmem>> -> memref<128x8xf32, #tpu.memory_space<vmem>>
        %dma_start3A_217 = arith.constant 0 : i32
        %dma_start3A_218 = tpu.memref_slice %arg16[%mul3A_198, %dma_start3A_217] : memref<10240x8xf32, #tpu.memory_space<vmem_shared>> -> memref<128x8xf32, #tpu.memory_space<vmem_shared>>
        %dma_start3A_219 = arith.constant 0 : i32
        %dma_start3A_220 = arith.constant 0 : i32
        %dma_start3A_221 = tpu.memref_slice %arg12[%run_scoped3A_199, %dma_start3A_219, %dma_start3A_220] : memref<2x128x8xf32, #tpu.memory_space<vmem>> -> memref<1x128x8xf32, #tpu.memory_space<vmem>>
        %dma_start3A_222 = tpu.memref_squeeze %dma_start3A_221 : memref<1x128x8xf32, #tpu.memory_space<vmem>> -> memref<128x8xf32, #tpu.memory_space<vmem>>
        %dma_start3A_223 = arith.constant 0 : i32
        %dma_start3A_224 = tpu.memref_slice %arg16[%mul3A_198, %dma_start3A_223] : memref<10240x8xf32, #tpu.memory_space<vmem_shared>> -> memref<128x8xf32, #tpu.memory_space<vmem_shared>>
        tpu.enqueue_dma source(%dma_start3A_224 : memref<128x8xf32, #tpu.memory_space<vmem_shared>>) target(%dma_start3A_222 : memref<128x8xf32, #tpu.memory_space<vmem>>) target_semaphore(%run_scoped3A_213 : memref<!tpu.dma_semaphore, #tpu.memory_space<semaphore_mem>>)
        %dma_wait3A = arith.constant 0 : i32
        %dma_wait3A_225 = arith.constant 0 : i32
        %dma_wait3A_226 = tpu.memref_slice %arg12[%run_scoped3A_199, %dma_wait3A, %dma_wait3A_225] : memref<2x128x8xf32, #tpu.memory_space<vmem>> -> memref<1x128x8xf32, #tpu.memory_space<vmem>>
        %dma_wait3A_227 = tpu.memref_squeeze %dma_wait3A_226 : memref<1x128x8xf32, #tpu.memory_space<vmem>> -> memref<128x8xf32, #tpu.memory_space<vmem>>
        %dma_wait3A_228 = arith.constant 0 : i32
        %dma_wait3A_229 = tpu.memref_slice %arg16[%mul3A_198, %dma_wait3A_228] : memref<10240x8xf32, #tpu.memory_space<vmem_shared>> -> memref<128x8xf32, #tpu.memory_space<vmem_shared>>
        %dma_wait3A_230 = arith.constant 0 : i32
        %dma_wait3A_231 = arith.constant 0 : i32
        %dma_wait3A_232 = tpu.memref_slice %arg12[%run_scoped3A_199, %dma_wait3A_230, %dma_wait3A_231] : memref<2x128x8xf32, #tpu.memory_space<vmem>> -> memref<1x128x8xf32, #tpu.memory_space<vmem>>
        %dma_wait3A_233 = tpu.memref_squeeze %dma_wait3A_232 : memref<1x128x8xf32, #tpu.memory_space<vmem>> -> memref<128x8xf32, #tpu.memory_space<vmem>>
        %dma_wait3A_234 = arith.constant 0 : i32
        %dma_wait3A_235 = tpu.memref_slice %arg16[%mul3A_198, %dma_wait3A_234] : memref<10240x8xf32, #tpu.memory_space<vmem_shared>> -> memref<128x8xf32, #tpu.memory_space<vmem_shared>>
        tpu.wait_dma2 semaphore(%run_scoped3A_213 : memref<!tpu.dma_semaphore, #tpu.memory_space<semaphore_mem>>) src(%dma_wait3A_235 : memref<128x8xf32, #tpu.memory_space<vmem_shared>>) dst(%dma_wait3A_233 : memref<128x8xf32, #tpu.memory_space<vmem>>)
        tpu.yield
      }) : () -> ()
      %run_scoped3A_200 = arith.constant 0 : i32
      "tpu.region"() ({
        %run_scoped3A_213 = tpu.sem_alloc : memref<!tpu.dma_semaphore, #tpu.memory_space<semaphore_mem>>
        %dma_start3A = arith.constant 0 : i32
        %dma_start3A_214 = arith.constant 0 : i32
        %dma_start3A_215 = tpu.memref_slice %arg12[%run_scoped3A_200, %dma_start3A, %dma_start3A_214] : memref<2x128x8xf32, #tpu.memory_space<vmem>> -> memref<1x128x8xf32, #tpu.memory_space<vmem>>
        %dma_start3A_216 = tpu.memref_squeeze %dma_start3A_215 : memref<1x128x8xf32, #tpu.memory_space<vmem>> -> memref<128x8xf32, #tpu.memory_space<vmem>>
        %dma_start3A_217 = arith.constant 0 : i32
        %dma_start3A_218 = tpu.memref_slice %arg8[%arg0, %mul3A_198, %dma_start3A_217] : memref<2x10240x8xf32, #tpu.memory_space<hbm>> -> memref<1x128x8xf32, #tpu.memory_space<hbm>>
        %dma_start3A_219 = tpu.memref_squeeze %dma_start3A_218 : memref<1x128x8xf32, #tpu.memory_space<hbm>> -> memref<128x8xf32, #tpu.memory_space<hbm>>
        %dma_start3A_220 = arith.constant 0 : i32
        %dma_start3A_221 = tpu.memref_slice %arg8[%arg0, %mul3A_198, %dma_start3A_220] : memref<2x10240x8xf32, #tpu.memory_space<hbm>> -> memref<1x128x8xf32, #tpu.memory_space<hbm>>
        %dma_start3A_222 = tpu.memref_squeeze %dma_start3A_221 : memref<1x128x8xf32, #tpu.memory_space<hbm>> -> memref<128x8xf32, #tpu.memory_space<hbm>>
        %dma_start3A_223 = arith.constant 0 : i32
        %dma_start3A_224 = arith.constant 0 : i32
        %dma_start3A_225 = tpu.memref_slice %arg12[%run_scoped3A_200, %dma_start3A_223, %dma_start3A_224] : memref<2x128x8xf32, #tpu.memory_space<vmem>> -> memref<1x128x8xf32, #tpu.memory_space<vmem>>
        %dma_start3A_226 = tpu.memref_squeeze %dma_start3A_225 : memref<1x128x8xf32, #tpu.memory_space<vmem>> -> memref<128x8xf32, #tpu.memory_space<vmem>>
        tpu.enqueue_dma source(%dma_start3A_226 : memref<128x8xf32, #tpu.memory_space<vmem>>) target(%dma_start3A_222 : memref<128x8xf32, #tpu.memory_space<hbm>>) target_semaphore(%run_scoped3A_213 : memref<!tpu.dma_semaphore, #tpu.memory_space<semaphore_mem>>)
        %dma_wait3A = arith.constant 0 : i32
        %dma_wait3A_227 = arith.constant 0 : i32
        %dma_wait3A_228 = tpu.memref_slice %arg12[%run_scoped3A_200, %dma_wait3A, %dma_wait3A_227] : memref<2x128x8xf32, #tpu.memory_space<vmem>> -> memref<1x128x8xf32, #tpu.memory_space<vmem>>
        %dma_wait3A_229 = tpu.memref_squeeze %dma_wait3A_228 : memref<1x128x8xf32, #tpu.memory_space<vmem>> -> memref<128x8xf32, #tpu.memory_space<vmem>>
        %dma_wait3A_230 = arith.constant 0 : i32
        %dma_wait3A_231 = tpu.memref_slice %arg8[%arg0, %mul3A_198, %dma_wait3A_230] : memref<2x10240x8xf32, #tpu.memory_space<hbm>> -> memref<1x128x8xf32, #tpu.memory_space<hbm>>
        %dma_wait3A_232 = tpu.memref_squeeze %dma_wait3A_231 : memref<1x128x8xf32, #tpu.memory_space<hbm>> -> memref<128x8xf32, #tpu.memory_space<hbm>>
        %dma_wait3A_233 = arith.constant 0 : i32
        %dma_wait3A_234 = tpu.memref_slice %arg8[%arg0, %mul3A_198, %dma_wait3A_233] : memref<2x10240x8xf32, #tpu.memory_space<hbm>> -> memref<1x128x8xf32, #tpu.memory_space<hbm>>
        %dma_wait3A_235 = tpu.memref_squeeze %dma_wait3A_234 : memref<1x128x8xf32, #tpu.memory_space<hbm>> -> memref<128x8xf32, #tpu.memory_space<hbm>>
        %dma_wait3A_236 = arith.constant 0 : i32
        %dma_wait3A_237 = arith.constant 0 : i32
        %dma_wait3A_238 = tpu.memref_slice %arg12[%run_scoped3A_200, %dma_wait3A_236, %dma_wait3A_237] : memref<2x128x8xf32, #tpu.memory_space<vmem>> -> memref<1x128x8xf32, #tpu.memory_space<vmem>>
        %dma_wait3A_239 = tpu.memref_squeeze %dma_wait3A_238 : memref<1x128x8xf32, #tpu.memory_space<vmem>> -> memref<128x8xf32, #tpu.memory_space<vmem>>
        tpu.wait_dma2 semaphore(%run_scoped3A_213 : memref<!tpu.dma_semaphore, #tpu.memory_space<semaphore_mem>>) src(%dma_wait3A_239 : memref<128x8xf32, #tpu.memory_space<vmem>>) dst(%dma_wait3A_235 : memref<128x8xf32, #tpu.memory_space<hbm>>)
        tpu.yield
      }) : () -> ()
      %run_scoped3A_201 = arith.constant 0 : i32
      "tpu.region"() ({
        %run_scoped3A_213 = tpu.sem_alloc : memref<!tpu.dma_semaphore, #tpu.memory_space<semaphore_mem>>
        %dma_start3A = arith.constant 0 : i32
        %dma_start3A_214 = arith.constant 0 : i32
        %dma_start3A_215 = tpu.memref_slice %arg13[%run_scoped3A_201, %dma_start3A, %dma_start3A_214] : memref<2x128x8xf32, #tpu.memory_space<vmem>> -> memref<1x128x8xf32, #tpu.memory_space<vmem>>
        %dma_start3A_216 = tpu.memref_squeeze %dma_start3A_215 : memref<1x128x8xf32, #tpu.memory_space<vmem>> -> memref<128x8xf32, #tpu.memory_space<vmem>>
        %dma_start3A_217 = arith.constant 0 : i32
        %dma_start3A_218 = tpu.memref_slice %arg17[%mul3A_198, %dma_start3A_217] : memref<10240x8xf32, #tpu.memory_space<vmem_shared>> -> memref<128x8xf32, #tpu.memory_space<vmem_shared>>
        %dma_start3A_219 = arith.constant 0 : i32
        %dma_start3A_220 = arith.constant 0 : i32
        %dma_start3A_221 = tpu.memref_slice %arg13[%run_scoped3A_201, %dma_start3A_219, %dma_start3A_220] : memref<2x128x8xf32, #tpu.memory_space<vmem>> -> memref<1x128x8xf32, #tpu.memory_space<vmem>>
        %dma_start3A_222 = tpu.memref_squeeze %dma_start3A_221 : memref<1x128x8xf32, #tpu.memory_space<vmem>> -> memref<128x8xf32, #tpu.memory_space<vmem>>
        %dma_start3A_223 = arith.constant 0 : i32
        %dma_start3A_224 = tpu.memref_slice %arg17[%mul3A_198, %dma_start3A_223] : memref<10240x8xf32, #tpu.memory_space<vmem_shared>> -> memref<128x8xf32, #tpu.memory_space<vmem_shared>>
        tpu.enqueue_dma source(%dma_start3A_224 : memref<128x8xf32, #tpu.memory_space<vmem_shared>>) target(%dma_start3A_222 : memref<128x8xf32, #tpu.memory_space<vmem>>) target_semaphore(%run_scoped3A_213 : memref<!tpu.dma_semaphore, #tpu.memory_space<semaphore_mem>>)
        %dma_wait3A = arith.constant 0 : i32
        %dma_wait3A_225 = arith.constant 0 : i32
        %dma_wait3A_226 = tpu.memref_slice %arg13[%run_scoped3A_201, %dma_wait3A, %dma_wait3A_225] : memref<2x128x8xf32, #tpu.memory_space<vmem>> -> memref<1x128x8xf32, #tpu.memory_space<vmem>>
        %dma_wait3A_227 = tpu.memref_squeeze %dma_wait3A_226 : memref<1x128x8xf32, #tpu.memory_space<vmem>> -> memref<128x8xf32, #tpu.memory_space<vmem>>
        %dma_wait3A_228 = arith.constant 0 : i32
        %dma_wait3A_229 = tpu.memref_slice %arg17[%mul3A_198, %dma_wait3A_228] : memref<10240x8xf32, #tpu.memory_space<vmem_shared>> -> memref<128x8xf32, #tpu.memory_space<vmem_shared>>
        %dma_wait3A_230 = arith.constant 0 : i32
        %dma_wait3A_231 = arith.constant 0 : i32
        %dma_wait3A_232 = tpu.memref_slice %arg13[%run_scoped3A_201, %dma_wait3A_230, %dma_wait3A_231] : memref<2x128x8xf32, #tpu.memory_space<vmem>> -> memref<1x128x8xf32, #tpu.memory_space<vmem>>
        %dma_wait3A_233 = tpu.memref_squeeze %dma_wait3A_232 : memref<1x128x8xf32, #tpu.memory_space<vmem>> -> memref<128x8xf32, #tpu.memory_space<vmem>>
        %dma_wait3A_234 = arith.constant 0 : i32
        %dma_wait3A_235 = tpu.memref_slice %arg17[%mul3A_198, %dma_wait3A_234] : memref<10240x8xf32, #tpu.memory_space<vmem_shared>> -> memref<128x8xf32, #tpu.memory_space<vmem_shared>>
        tpu.wait_dma2 semaphore(%run_scoped3A_213 : memref<!tpu.dma_semaphore, #tpu.memory_space<semaphore_mem>>) src(%dma_wait3A_235 : memref<128x8xf32, #tpu.memory_space<vmem_shared>>) dst(%dma_wait3A_233 : memref<128x8xf32, #tpu.memory_space<vmem>>)
        tpu.yield
      }) : () -> ()
      %run_scoped3A_202 = arith.constant 0 : i32
      "tpu.region"() ({
        %run_scoped3A_213 = tpu.sem_alloc : memref<!tpu.dma_semaphore, #tpu.memory_space<semaphore_mem>>
        %dma_start3A = arith.constant 0 : i32
        %dma_start3A_214 = arith.constant 0 : i32
        %dma_start3A_215 = tpu.memref_slice %arg13[%run_scoped3A_202, %dma_start3A, %dma_start3A_214] : memref<2x128x8xf32, #tpu.memory_space<vmem>> -> memref<1x128x8xf32, #tpu.memory_space<vmem>>
        %dma_start3A_216 = tpu.memref_squeeze %dma_start3A_215 : memref<1x128x8xf32, #tpu.memory_space<vmem>> -> memref<128x8xf32, #tpu.memory_space<vmem>>
        %dma_start3A_217 = arith.constant 0 : i32
        %dma_start3A_218 = tpu.memref_slice %arg9[%arg0, %mul3A_198, %dma_start3A_217] : memref<2x10240x8xf32, #tpu.memory_space<hbm>> -> memref<1x128x8xf32, #tpu.memory_space<hbm>>
        %dma_start3A_219 = tpu.memref_squeeze %dma_start3A_218 : memref<1x128x8xf32, #tpu.memory_space<hbm>> -> memref<128x8xf32, #tpu.memory_space<hbm>>
        %dma_start3A_220 = arith.constant 0 : i32
        %dma_start3A_221 = tpu.memref_slice %arg9[%arg0, %mul3A_198, %dma_start3A_220] : memref<2x10240x8xf32, #tpu.memory_space<hbm>> -> memref<1x128x8xf32, #tpu.memory_space<hbm>>
        %dma_start3A_222 = tpu.memref_squeeze %dma_start3A_221 : memref<1x128x8xf32, #tpu.memory_space<hbm>> -> memref<128x8xf32, #tpu.memory_space<hbm>>
        %dma_start3A_223 = arith.constant 0 : i32
        %dma_start3A_224 = arith.constant 0 : i32
        %dma_start3A_225 = tpu.memref_slice %arg13[%run_scoped3A_202, %dma_start3A_223, %dma_start3A_224] : memref<2x128x8xf32, #tpu.memory_space<vmem>> -> memref<1x128x8xf32, #tpu.memory_space<vmem>>
        %dma_start3A_226 = tpu.memref_squeeze %dma_start3A_225 : memref<1x128x8xf32, #tpu.memory_space<vmem>> -> memref<128x8xf32, #tpu.memory_space<vmem>>
        tpu.enqueue_dma source(%dma_start3A_226 : memref<128x8xf32, #tpu.memory_space<vmem>>) target(%dma_start3A_222 : memref<128x8xf32, #tpu.memory_space<hbm>>) target_semaphore(%run_scoped3A_213 : memref<!tpu.dma_semaphore, #tpu.memory_space<semaphore_mem>>)
        %dma_wait3A = arith.constant 0 : i32
        %dma_wait3A_227 = arith.constant 0 : i32
        %dma_wait3A_228 = tpu.memref_slice %arg13[%run_scoped3A_202, %dma_wait3A, %dma_wait3A_227] : memref<2x128x8xf32, #tpu.memory_space<vmem>> -> memref<1x128x8xf32, #tpu.memory_space<vmem>>
        %dma_wait3A_229 = tpu.memref_squeeze %dma_wait3A_228 : memref<1x128x8xf32, #tpu.memory_space<vmem>> -> memref<128x8xf32, #tpu.memory_space<vmem>>
        %dma_wait3A_230 = arith.constant 0 : i32
        %dma_wait3A_231 = tpu.memref_slice %arg9[%arg0, %mul3A_198, %dma_wait3A_230] : memref<2x10240x8xf32, #tpu.memory_space<hbm>> -> memref<1x128x8xf32, #tpu.memory_space<hbm>>
        %dma_wait3A_232 = tpu.memref_squeeze %dma_wait3A_231 : memref<1x128x8xf32, #tpu.memory_space<hbm>> -> memref<128x8xf32, #tpu.memory_space<hbm>>
        %dma_wait3A_233 = arith.constant 0 : i32
        %dma_wait3A_234 = tpu.memref_slice %arg9[%arg0, %mul3A_198, %dma_wait3A_233] : memref<2x10240x8xf32, #tpu.memory_space<hbm>> -> memref<1x128x8xf32, #tpu.memory_space<hbm>>
        %dma_wait3A_235 = tpu.memref_squeeze %dma_wait3A_234 : memref<1x128x8xf32, #tpu.memory_space<hbm>> -> memref<128x8xf32, #tpu.memory_space<hbm>>
        %dma_wait3A_236 = arith.constant 0 : i32
        %dma_wait3A_237 = arith.constant 0 : i32
        %dma_wait3A_238 = tpu.memref_slice %arg13[%run_scoped3A_202, %dma_wait3A_236, %dma_wait3A_237] : memref<2x128x8xf32, #tpu.memory_space<vmem>> -> memref<1x128x8xf32, #tpu.memory_space<vmem>>
        %dma_wait3A_239 = tpu.memref_squeeze %dma_wait3A_238 : memref<1x128x8xf32, #tpu.memory_space<vmem>> -> memref<128x8xf32, #tpu.memory_space<vmem>>
        tpu.wait_dma2 semaphore(%run_scoped3A_213 : memref<!tpu.dma_semaphore, #tpu.memory_space<semaphore_mem>>) src(%dma_wait3A_239 : memref<128x8xf32, #tpu.memory_space<vmem>>) dst(%dma_wait3A_235 : memref<128x8xf32, #tpu.memory_space<hbm>>)
        tpu.yield
      }) : () -> ()
      %mul3A_203 = arith.constant 5 : i32
      %mul3A_204 = arith.muli %arg1, %mul3A_203 : i32
      %add3A_205 = arith.constant 4 : i32
      %add3A_206 = arith.addi %mul3A_204, %add3A_205 : i32
      %mul3A_207 = arith.constant 128 : i32
      %mul3A_208 = arith.muli %add3A_206, %mul3A_207 : i32
      %run_scoped3A_209 = arith.constant 0 : i32
      "tpu.region"() ({
        %run_scoped3A_213 = tpu.sem_alloc : memref<!tpu.dma_semaphore, #tpu.memory_space<semaphore_mem>>
        %dma_start3A = arith.constant 0 : i32
        %dma_start3A_214 = arith.constant 0 : i32
        %dma_start3A_215 = tpu.memref_slice %arg12[%run_scoped3A_209, %dma_start3A, %dma_start3A_214] : memref<2x128x8xf32, #tpu.memory_space<vmem>> -> memref<1x128x8xf32, #tpu.memory_space<vmem>>
        %dma_start3A_216 = tpu.memref_squeeze %dma_start3A_215 : memref<1x128x8xf32, #tpu.memory_space<vmem>> -> memref<128x8xf32, #tpu.memory_space<vmem>>
        %dma_start3A_217 = arith.constant 0 : i32
        %dma_start3A_218 = tpu.memref_slice %arg16[%mul3A_208, %dma_start3A_217] : memref<10240x8xf32, #tpu.memory_space<vmem_shared>> -> memref<128x8xf32, #tpu.memory_space<vmem_shared>>
        %dma_start3A_219 = arith.constant 0 : i32
        %dma_start3A_220 = arith.constant 0 : i32
        %dma_start3A_221 = tpu.memref_slice %arg12[%run_scoped3A_209, %dma_start3A_219, %dma_start3A_220] : memref<2x128x8xf32, #tpu.memory_space<vmem>> -> memref<1x128x8xf32, #tpu.memory_space<vmem>>
        %dma_start3A_222 = tpu.memref_squeeze %dma_start3A_221 : memref<1x128x8xf32, #tpu.memory_space<vmem>> -> memref<128x8xf32, #tpu.memory_space<vmem>>
        %dma_start3A_223 = arith.constant 0 : i32
        %dma_start3A_224 = tpu.memref_slice %arg16[%mul3A_208, %dma_start3A_223] : memref<10240x8xf32, #tpu.memory_space<vmem_shared>> -> memref<128x8xf32, #tpu.memory_space<vmem_shared>>
        tpu.enqueue_dma source(%dma_start3A_224 : memref<128x8xf32, #tpu.memory_space<vmem_shared>>) target(%dma_start3A_222 : memref<128x8xf32, #tpu.memory_space<vmem>>) target_semaphore(%run_scoped3A_213 : memref<!tpu.dma_semaphore, #tpu.memory_space<semaphore_mem>>)
        %dma_wait3A = arith.constant 0 : i32
        %dma_wait3A_225 = arith.constant 0 : i32
        %dma_wait3A_226 = tpu.memref_slice %arg12[%run_scoped3A_209, %dma_wait3A, %dma_wait3A_225] : memref<2x128x8xf32, #tpu.memory_space<vmem>> -> memref<1x128x8xf32, #tpu.memory_space<vmem>>
        %dma_wait3A_227 = tpu.memref_squeeze %dma_wait3A_226 : memref<1x128x8xf32, #tpu.memory_space<vmem>> -> memref<128x8xf32, #tpu.memory_space<vmem>>
        %dma_wait3A_228 = arith.constant 0 : i32
        %dma_wait3A_229 = tpu.memref_slice %arg16[%mul3A_208, %dma_wait3A_228] : memref<10240x8xf32, #tpu.memory_space<vmem_shared>> -> memref<128x8xf32, #tpu.memory_space<vmem_shared>>
        %dma_wait3A_230 = arith.constant 0 : i32
        %dma_wait3A_231 = arith.constant 0 : i32
        %dma_wait3A_232 = tpu.memref_slice %arg12[%run_scoped3A_209, %dma_wait3A_230, %dma_wait3A_231] : memref<2x128x8xf32, #tpu.memory_space<vmem>> -> memref<1x128x8xf32, #tpu.memory_space<vmem>>
        %dma_wait3A_233 = tpu.memref_squeeze %dma_wait3A_232 : memref<1x128x8xf32, #tpu.memory_space<vmem>> -> memref<128x8xf32, #tpu.memory_space<vmem>>
        %dma_wait3A_234 = arith.constant 0 : i32
        %dma_wait3A_235 = tpu.memref_slice %arg16[%mul3A_208, %dma_wait3A_234] : memref<10240x8xf32, #tpu.memory_space<vmem_shared>> -> memref<128x8xf32, #tpu.memory_space<vmem_shared>>
        tpu.wait_dma2 semaphore(%run_scoped3A_213 : memref<!tpu.dma_semaphore, #tpu.memory_space<semaphore_mem>>) src(%dma_wait3A_235 : memref<128x8xf32, #tpu.memory_space<vmem_shared>>) dst(%dma_wait3A_233 : memref<128x8xf32, #tpu.memory_space<vmem>>)
        tpu.yield
      }) : () -> ()
      %run_scoped3A_210 = arith.constant 0 : i32
      "tpu.region"() ({
        %run_scoped3A_213 = tpu.sem_alloc : memref<!tpu.dma_semaphore, #tpu.memory_space<semaphore_mem>>
        %dma_start3A = arith.constant 0 : i32
        %dma_start3A_214 = arith.constant 0 : i32
        %dma_start3A_215 = tpu.memref_slice %arg12[%run_scoped3A_210, %dma_start3A, %dma_start3A_214] : memref<2x128x8xf32, #tpu.memory_space<vmem>> -> memref<1x128x8xf32, #tpu.memory_space<vmem>>
        %dma_start3A_216 = tpu.memref_squeeze %dma_start3A_215 : memref<1x128x8xf32, #tpu.memory_space<vmem>> -> memref<128x8xf32, #tpu.memory_space<vmem>>
        %dma_start3A_217 = arith.constant 0 : i32
        %dma_start3A_218 = tpu.memref_slice %arg8[%arg0, %mul3A_208, %dma_start3A_217] : memref<2x10240x8xf32, #tpu.memory_space<hbm>> -> memref<1x128x8xf32, #tpu.memory_space<hbm>>
        %dma_start3A_219 = tpu.memref_squeeze %dma_start3A_218 : memref<1x128x8xf32, #tpu.memory_space<hbm>> -> memref<128x8xf32, #tpu.memory_space<hbm>>
        %dma_start3A_220 = arith.constant 0 : i32
        %dma_start3A_221 = tpu.memref_slice %arg8[%arg0, %mul3A_208, %dma_start3A_220] : memref<2x10240x8xf32, #tpu.memory_space<hbm>> -> memref<1x128x8xf32, #tpu.memory_space<hbm>>
        %dma_start3A_222 = tpu.memref_squeeze %dma_start3A_221 : memref<1x128x8xf32, #tpu.memory_space<hbm>> -> memref<128x8xf32, #tpu.memory_space<hbm>>
        %dma_start3A_223 = arith.constant 0 : i32
        %dma_start3A_224 = arith.constant 0 : i32
        %dma_start3A_225 = tpu.memref_slice %arg12[%run_scoped3A_210, %dma_start3A_223, %dma_start3A_224] : memref<2x128x8xf32, #tpu.memory_space<vmem>> -> memref<1x128x8xf32, #tpu.memory_space<vmem>>
        %dma_start3A_226 = tpu.memref_squeeze %dma_start3A_225 : memref<1x128x8xf32, #tpu.memory_space<vmem>> -> memref<128x8xf32, #tpu.memory_space<vmem>>
        tpu.enqueue_dma source(%dma_start3A_226 : memref<128x8xf32, #tpu.memory_space<vmem>>) target(%dma_start3A_222 : memref<128x8xf32, #tpu.memory_space<hbm>>) target_semaphore(%run_scoped3A_213 : memref<!tpu.dma_semaphore, #tpu.memory_space<semaphore_mem>>)
        %dma_wait3A = arith.constant 0 : i32
        %dma_wait3A_227 = arith.constant 0 : i32
        %dma_wait3A_228 = tpu.memref_slice %arg12[%run_scoped3A_210, %dma_wait3A, %dma_wait3A_227] : memref<2x128x8xf32, #tpu.memory_space<vmem>> -> memref<1x128x8xf32, #tpu.memory_space<vmem>>
        %dma_wait3A_229 = tpu.memref_squeeze %dma_wait3A_228 : memref<1x128x8xf32, #tpu.memory_space<vmem>> -> memref<128x8xf32, #tpu.memory_space<vmem>>
        %dma_wait3A_230 = arith.constant 0 : i32
        %dma_wait3A_231 = tpu.memref_slice %arg8[%arg0, %mul3A_208, %dma_wait3A_230] : memref<2x10240x8xf32, #tpu.memory_space<hbm>> -> memref<1x128x8xf32, #tpu.memory_space<hbm>>
        %dma_wait3A_232 = tpu.memref_squeeze %dma_wait3A_231 : memref<1x128x8xf32, #tpu.memory_space<hbm>> -> memref<128x8xf32, #tpu.memory_space<hbm>>
        %dma_wait3A_233 = arith.constant 0 : i32
        %dma_wait3A_234 = tpu.memref_slice %arg8[%arg0, %mul3A_208, %dma_wait3A_233] : memref<2x10240x8xf32, #tpu.memory_space<hbm>> -> memref<1x128x8xf32, #tpu.memory_space<hbm>>
        %dma_wait3A_235 = tpu.memref_squeeze %dma_wait3A_234 : memref<1x128x8xf32, #tpu.memory_space<hbm>> -> memref<128x8xf32, #tpu.memory_space<hbm>>
        %dma_wait3A_236 = arith.constant 0 : i32
        %dma_wait3A_237 = arith.constant 0 : i32
        %dma_wait3A_238 = tpu.memref_slice %arg12[%run_scoped3A_210, %dma_wait3A_236, %dma_wait3A_237] : memref<2x128x8xf32, #tpu.memory_space<vmem>> -> memref<1x128x8xf32, #tpu.memory_space<vmem>>
        %dma_wait3A_239 = tpu.memref_squeeze %dma_wait3A_238 : memref<1x128x8xf32, #tpu.memory_space<vmem>> -> memref<128x8xf32, #tpu.memory_space<vmem>>
        tpu.wait_dma2 semaphore(%run_scoped3A_213 : memref<!tpu.dma_semaphore, #tpu.memory_space<semaphore_mem>>) src(%dma_wait3A_239 : memref<128x8xf32, #tpu.memory_space<vmem>>) dst(%dma_wait3A_235 : memref<128x8xf32, #tpu.memory_space<hbm>>)
        tpu.yield
      }) : () -> ()
      %run_scoped3A_211 = arith.constant 0 : i32
      "tpu.region"() ({
        %run_scoped3A_213 = tpu.sem_alloc : memref<!tpu.dma_semaphore, #tpu.memory_space<semaphore_mem>>
        %dma_start3A = arith.constant 0 : i32
        %dma_start3A_214 = arith.constant 0 : i32
        %dma_start3A_215 = tpu.memref_slice %arg13[%run_scoped3A_211, %dma_start3A, %dma_start3A_214] : memref<2x128x8xf32, #tpu.memory_space<vmem>> -> memref<1x128x8xf32, #tpu.memory_space<vmem>>
        %dma_start3A_216 = tpu.memref_squeeze %dma_start3A_215 : memref<1x128x8xf32, #tpu.memory_space<vmem>> -> memref<128x8xf32, #tpu.memory_space<vmem>>
        %dma_start3A_217 = arith.constant 0 : i32
        %dma_start3A_218 = tpu.memref_slice %arg17[%mul3A_208, %dma_start3A_217] : memref<10240x8xf32, #tpu.memory_space<vmem_shared>> -> memref<128x8xf32, #tpu.memory_space<vmem_shared>>
        %dma_start3A_219 = arith.constant 0 : i32
        %dma_start3A_220 = arith.constant 0 : i32
        %dma_start3A_221 = tpu.memref_slice %arg13[%run_scoped3A_211, %dma_start3A_219, %dma_start3A_220] : memref<2x128x8xf32, #tpu.memory_space<vmem>> -> memref<1x128x8xf32, #tpu.memory_space<vmem>>
        %dma_start3A_222 = tpu.memref_squeeze %dma_start3A_221 : memref<1x128x8xf32, #tpu.memory_space<vmem>> -> memref<128x8xf32, #tpu.memory_space<vmem>>
        %dma_start3A_223 = arith.constant 0 : i32
        %dma_start3A_224 = tpu.memref_slice %arg17[%mul3A_208, %dma_start3A_223] : memref<10240x8xf32, #tpu.memory_space<vmem_shared>> -> memref<128x8xf32, #tpu.memory_space<vmem_shared>>
        tpu.enqueue_dma source(%dma_start3A_224 : memref<128x8xf32, #tpu.memory_space<vmem_shared>>) target(%dma_start3A_222 : memref<128x8xf32, #tpu.memory_space<vmem>>) target_semaphore(%run_scoped3A_213 : memref<!tpu.dma_semaphore, #tpu.memory_space<semaphore_mem>>)
        %dma_wait3A = arith.constant 0 : i32
        %dma_wait3A_225 = arith.constant 0 : i32
        %dma_wait3A_226 = tpu.memref_slice %arg13[%run_scoped3A_211, %dma_wait3A, %dma_wait3A_225] : memref<2x128x8xf32, #tpu.memory_space<vmem>> -> memref<1x128x8xf32, #tpu.memory_space<vmem>>
        %dma_wait3A_227 = tpu.memref_squeeze %dma_wait3A_226 : memref<1x128x8xf32, #tpu.memory_space<vmem>> -> memref<128x8xf32, #tpu.memory_space<vmem>>
        %dma_wait3A_228 = arith.constant 0 : i32
        %dma_wait3A_229 = tpu.memref_slice %arg17[%mul3A_208, %dma_wait3A_228] : memref<10240x8xf32, #tpu.memory_space<vmem_shared>> -> memref<128x8xf32, #tpu.memory_space<vmem_shared>>
        %dma_wait3A_230 = arith.constant 0 : i32
        %dma_wait3A_231 = arith.constant 0 : i32
        %dma_wait3A_232 = tpu.memref_slice %arg13[%run_scoped3A_211, %dma_wait3A_230, %dma_wait3A_231] : memref<2x128x8xf32, #tpu.memory_space<vmem>> -> memref<1x128x8xf32, #tpu.memory_space<vmem>>
        %dma_wait3A_233 = tpu.memref_squeeze %dma_wait3A_232 : memref<1x128x8xf32, #tpu.memory_space<vmem>> -> memref<128x8xf32, #tpu.memory_space<vmem>>
        %dma_wait3A_234 = arith.constant 0 : i32
        %dma_wait3A_235 = tpu.memref_slice %arg17[%mul3A_208, %dma_wait3A_234] : memref<10240x8xf32, #tpu.memory_space<vmem_shared>> -> memref<128x8xf32, #tpu.memory_space<vmem_shared>>
        tpu.wait_dma2 semaphore(%run_scoped3A_213 : memref<!tpu.dma_semaphore, #tpu.memory_space<semaphore_mem>>) src(%dma_wait3A_235 : memref<128x8xf32, #tpu.memory_space<vmem_shared>>) dst(%dma_wait3A_233 : memref<128x8xf32, #tpu.memory_space<vmem>>)
        tpu.yield
      }) : () -> ()
      %run_scoped3A_212 = arith.constant 0 : i32
      "tpu.region"() ({
        %run_scoped3A_213 = tpu.sem_alloc : memref<!tpu.dma_semaphore, #tpu.memory_space<semaphore_mem>>
        %dma_start3A = arith.constant 0 : i32
        %dma_start3A_214 = arith.constant 0 : i32
        %dma_start3A_215 = tpu.memref_slice %arg13[%run_scoped3A_212, %dma_start3A, %dma_start3A_214] : memref<2x128x8xf32, #tpu.memory_space<vmem>> -> memref<1x128x8xf32, #tpu.memory_space<vmem>>
        %dma_start3A_216 = tpu.memref_squeeze %dma_start3A_215 : memref<1x128x8xf32, #tpu.memory_space<vmem>> -> memref<128x8xf32, #tpu.memory_space<vmem>>
        %dma_start3A_217 = arith.constant 0 : i32
        %dma_start3A_218 = tpu.memref_slice %arg9[%arg0, %mul3A_208, %dma_start3A_217] : memref<2x10240x8xf32, #tpu.memory_space<hbm>> -> memref<1x128x8xf32, #tpu.memory_space<hbm>>
        %dma_start3A_219 = tpu.memref_squeeze %dma_start3A_218 : memref<1x128x8xf32, #tpu.memory_space<hbm>> -> memref<128x8xf32, #tpu.memory_space<hbm>>
        %dma_start3A_220 = arith.constant 0 : i32
        %dma_start3A_221 = tpu.memref_slice %arg9[%arg0, %mul3A_208, %dma_start3A_220] : memref<2x10240x8xf32, #tpu.memory_space<hbm>> -> memref<1x128x8xf32, #tpu.memory_space<hbm>>
        %dma_start3A_222 = tpu.memref_squeeze %dma_start3A_221 : memref<1x128x8xf32, #tpu.memory_space<hbm>> -> memref<128x8xf32, #tpu.memory_space<hbm>>
        %dma_start3A_223 = arith.constant 0 : i32
        %dma_start3A_224 = arith.constant 0 : i32
        %dma_start3A_225 = tpu.memref_slice %arg13[%run_scoped3A_212, %dma_start3A_223, %dma_start3A_224] : memref<2x128x8xf32, #tpu.memory_space<vmem>> -> memref<1x128x8xf32, #tpu.memory_space<vmem>>
        %dma_start3A_226 = tpu.memref_squeeze %dma_start3A_225 : memref<1x128x8xf32, #tpu.memory_space<vmem>> -> memref<128x8xf32, #tpu.memory_space<vmem>>
        tpu.enqueue_dma source(%dma_start3A_226 : memref<128x8xf32, #tpu.memory_space<vmem>>) target(%dma_start3A_222 : memref<128x8xf32, #tpu.memory_space<hbm>>) target_semaphore(%run_scoped3A_213 : memref<!tpu.dma_semaphore, #tpu.memory_space<semaphore_mem>>)
        %dma_wait3A = arith.constant 0 : i32
        %dma_wait3A_227 = arith.constant 0 : i32
        %dma_wait3A_228 = tpu.memref_slice %arg13[%run_scoped3A_212, %dma_wait3A, %dma_wait3A_227] : memref<2x128x8xf32, #tpu.memory_space<vmem>> -> memref<1x128x8xf32, #tpu.memory_space<vmem>>
        %dma_wait3A_229 = tpu.memref_squeeze %dma_wait3A_228 : memref<1x128x8xf32, #tpu.memory_space<vmem>> -> memref<128x8xf32, #tpu.memory_space<vmem>>
        %dma_wait3A_230 = arith.constant 0 : i32
        %dma_wait3A_231 = tpu.memref_slice %arg9[%arg0, %mul3A_208, %dma_wait3A_230] : memref<2x10240x8xf32, #tpu.memory_space<hbm>> -> memref<1x128x8xf32, #tpu.memory_space<hbm>>
        %dma_wait3A_232 = tpu.memref_squeeze %dma_wait3A_231 : memref<1x128x8xf32, #tpu.memory_space<hbm>> -> memref<128x8xf32, #tpu.memory_space<hbm>>
        %dma_wait3A_233 = arith.constant 0 : i32
        %dma_wait3A_234 = tpu.memref_slice %arg9[%arg0, %mul3A_208, %dma_wait3A_233] : memref<2x10240x8xf32, #tpu.memory_space<hbm>> -> memref<1x128x8xf32, #tpu.memory_space<hbm>>
        %dma_wait3A_235 = tpu.memref_squeeze %dma_wait3A_234 : memref<1x128x8xf32, #tpu.memory_space<hbm>> -> memref<128x8xf32, #tpu.memory_space<hbm>>
        %dma_wait3A_236 = arith.constant 0 : i32
        %dma_wait3A_237 = arith.constant 0 : i32
        %dma_wait3A_238 = tpu.memref_slice %arg13[%run_scoped3A_212, %dma_wait3A_236, %dma_wait3A_237] : memref<2x128x8xf32, #tpu.memory_space<vmem>> -> memref<1x128x8xf32, #tpu.memory_space<vmem>>
        %dma_wait3A_239 = tpu.memref_squeeze %dma_wait3A_238 : memref<1x128x8xf32, #tpu.memory_space<vmem>> -> memref<128x8xf32, #tpu.memory_space<vmem>>
        tpu.wait_dma2 semaphore(%run_scoped3A_213 : memref<!tpu.dma_semaphore, #tpu.memory_space<semaphore_mem>>) src(%dma_wait3A_239 : memref<128x8xf32, #tpu.memory_space<vmem>>) dst(%dma_wait3A_235 : memref<128x8xf32, #tpu.memory_space<hbm>>)
        tpu.yield
      }) : () -> ()
    } else {
    }
    return
  }
}

#map = affine_map<(d0, d1) -> (0)>
#map1 = affine_map<(d0, d1) -> (0, 0)>
#map2 = affine_map<(d0, d1) -> (0, 0, 0)>
module attributes {stable_mosaic.version = 14 : i64} {
  func.func @kern(%arg0: i32, %arg1: i32, %arg2: memref<163840xi32, #tpu.memory_space<hbm>>, %arg3: memref<163840xi32, #tpu.memory_space<hbm>>, %arg4: memref<10000x112xf32, #tpu.memory_space<hbm>>, %arg5: memref<128x112xf32, #tpu.memory_space<hbm>>, %arg6: memref<2x10240x112xf32, #tpu.memory_space<hbm>>, %arg7: memref<40x128xi32, #tpu.memory_space<vmem>>, %arg8: memref<40x128xi32, #tpu.memory_space<vmem>>, %arg9: memref<2x128x112xf32, #tpu.memory_space<vmem>>, %arg10: memref<128x112xf32, #tpu.memory_space<vmem>>, %arg11: memref<10240x112xf32, #tpu.memory_space<vmem_shared>>, %arg12: memref<!tpu.dma_semaphore, #tpu.memory_space<semaphore_mem>>, %arg13: memref<!tpu.dma_semaphore, #tpu.memory_space<semaphore_mem>>) attributes {dimension_semantics = [#tpu.dimension_semantics<core_parallel>, #tpu.dimension_semantics<subcore_parallel>], iteration_bounds = array<i64: 2, 16>, scalar_prefetch = 0 : i64, scratch_operands = 7 : i64, tpu.core_type = #tpu.core_type<sc_vector_subcore>, window_params = [{transform_indices = #map}, {transform_indices = #map}, {transform_indices = #map1}, {transform_indices = #map1}, {transform_indices = #map2}]} {
    %eq3A = arith.constant 0 : i32
    %eq3A_0 = arith.cmpi eq, %arg0, %eq3A : i32
    %jit3A = arith.constant 60 : i32
    %jit3A_1 = arith.constant 20 : i32
    %select_n3A = arith.select %eq3A_0, %jit3A, %jit3A_1 : i32
    %mul3A = arith.constant 80 : i32
    %mul3A_2 = arith.muli %arg1, %mul3A : i32
    %mul3A_3 = arith.constant 60 : i32
    %mul3A_4 = arith.muli %arg0, %mul3A_3 : i32
    %add3A = arith.addi %mul3A_2, %mul3A_4 : i32
    %add3A_5 = arith.constant 0 : i32
    %add3A_6 = arith.addi %add3A, %add3A_5 : i32
    %sub3A = arith.constant 0 : i32
    %sub3A_7 = arith.subi %select_n3A, %sub3A : i32
    %jit3A_8 = arith.constant 0 : i32
    %jit3A_9 = arith.constant 40 : i32
    %max3A = arith.maxsi %jit3A_8, %sub3A_7 : i32
    %min3A = arith.minsi %jit3A_9, %max3A : i32
    %while3A = arith.constant 0 : i32
    %while3A_10 = arith.constant 0 : i32
    %while3A_11 = arith.subi %min3A, %while3A_10 : i32
    %while3A_12 = arith.addi %while3A_10, %while3A_11 : i32
    %while3A_13 = arith.constant 1 : i32
    %while3A_14 = arith.divsi %while3A_11, %while3A_13 : i32
    %while3A_15 = arith.muli %while3A_14, %while3A_13 : i32
    %while3A_16 = arith.addi %while3A_10, %while3A_15 : i32
    %while3A_17 = arith.constant 1 : i32
    scf.for %while3A_164 = %while3A_10 to %while3A_16 step %while3A_17  : i32 {
      %add3A_165 = arith.addi %add3A_6, %while3A_164 : i32
      %mul3A_166 = arith.constant 128 : i32
      %mul3A_167 = arith.muli %add3A_165, %mul3A_166 : i32
      %dma_start3A = arith.constant 0 : i32
      %dma_start3A_168 = tpu.memref_slice %arg7[%while3A_164, %dma_start3A] : memref<40x128xi32, #tpu.memory_space<vmem>> -> memref<1x128xi32, #tpu.memory_space<vmem>>
      %dma_start3A_169 = tpu.memref_squeeze %dma_start3A_168 : memref<1x128xi32, #tpu.memory_space<vmem>> -> memref<128xi32, #tpu.memory_space<vmem>>
      %dma_start3A_170 = tpu.memref_slice %arg2[%mul3A_167] : memref<163840xi32, #tpu.memory_space<hbm>> -> memref<128xi32, #tpu.memory_space<hbm>>
      %dma_start3A_171 = arith.constant 0 : i32
      %dma_start3A_172 = tpu.memref_slice %arg7[%while3A_164, %dma_start3A_171] : memref<40x128xi32, #tpu.memory_space<vmem>> -> memref<1x128xi32, #tpu.memory_space<vmem>>
      %dma_start3A_173 = tpu.memref_squeeze %dma_start3A_172 : memref<1x128xi32, #tpu.memory_space<vmem>> -> memref<128xi32, #tpu.memory_space<vmem>>
      %dma_start3A_174 = tpu.memref_slice %arg2[%mul3A_167] : memref<163840xi32, #tpu.memory_space<hbm>> -> memref<128xi32, #tpu.memory_space<hbm>>
      tpu.enqueue_dma source(%dma_start3A_174 : memref<128xi32, #tpu.memory_space<hbm>>) target(%dma_start3A_173 : memref<128xi32, #tpu.memory_space<vmem>>) target_semaphore(%arg13 : memref<!tpu.dma_semaphore, #tpu.memory_space<semaphore_mem>>)
      %dma_start3A_175 = arith.constant 0 : i32
      %dma_start3A_176 = tpu.memref_slice %arg8[%while3A_164, %dma_start3A_175] : memref<40x128xi32, #tpu.memory_space<vmem>> -> memref<1x128xi32, #tpu.memory_space<vmem>>
      %dma_start3A_177 = tpu.memref_squeeze %dma_start3A_176 : memref<1x128xi32, #tpu.memory_space<vmem>> -> memref<128xi32, #tpu.memory_space<vmem>>
      %dma_start3A_178 = tpu.memref_slice %arg3[%mul3A_167] : memref<163840xi32, #tpu.memory_space<hbm>> -> memref<128xi32, #tpu.memory_space<hbm>>
      %dma_start3A_179 = arith.constant 0 : i32
      %dma_start3A_180 = tpu.memref_slice %arg8[%while3A_164, %dma_start3A_179] : memref<40x128xi32, #tpu.memory_space<vmem>> -> memref<1x128xi32, #tpu.memory_space<vmem>>
      %dma_start3A_181 = tpu.memref_squeeze %dma_start3A_180 : memref<1x128xi32, #tpu.memory_space<vmem>> -> memref<128xi32, #tpu.memory_space<vmem>>
      %dma_start3A_182 = tpu.memref_slice %arg3[%mul3A_167] : memref<163840xi32, #tpu.memory_space<hbm>> -> memref<128xi32, #tpu.memory_space<hbm>>
      tpu.enqueue_dma source(%dma_start3A_182 : memref<128xi32, #tpu.memory_space<hbm>>) target(%dma_start3A_181 : memref<128xi32, #tpu.memory_space<vmem>>) target_semaphore(%arg13 : memref<!tpu.dma_semaphore, #tpu.memory_space<semaphore_mem>>)
    }
    %while3A_18 = arith.constant 1 : i32
    scf.for %while3A_164 = %while3A_16 to %while3A_12 step %while3A_18  : i32 {
      %add3A_165 = arith.addi %add3A_6, %while3A_164 : i32
      %mul3A_166 = arith.constant 128 : i32
      %mul3A_167 = arith.muli %add3A_165, %mul3A_166 : i32
      %dma_start3A = arith.constant 0 : i32
      %dma_start3A_168 = tpu.memref_slice %arg7[%while3A_164, %dma_start3A] : memref<40x128xi32, #tpu.memory_space<vmem>> -> memref<1x128xi32, #tpu.memory_space<vmem>>
      %dma_start3A_169 = tpu.memref_squeeze %dma_start3A_168 : memref<1x128xi32, #tpu.memory_space<vmem>> -> memref<128xi32, #tpu.memory_space<vmem>>
      %dma_start3A_170 = tpu.memref_slice %arg2[%mul3A_167] : memref<163840xi32, #tpu.memory_space<hbm>> -> memref<128xi32, #tpu.memory_space<hbm>>
      %dma_start3A_171 = arith.constant 0 : i32
      %dma_start3A_172 = tpu.memref_slice %arg7[%while3A_164, %dma_start3A_171] : memref<40x128xi32, #tpu.memory_space<vmem>> -> memref<1x128xi32, #tpu.memory_space<vmem>>
      %dma_start3A_173 = tpu.memref_squeeze %dma_start3A_172 : memref<1x128xi32, #tpu.memory_space<vmem>> -> memref<128xi32, #tpu.memory_space<vmem>>
      %dma_start3A_174 = tpu.memref_slice %arg2[%mul3A_167] : memref<163840xi32, #tpu.memory_space<hbm>> -> memref<128xi32, #tpu.memory_space<hbm>>
      tpu.enqueue_dma source(%dma_start3A_174 : memref<128xi32, #tpu.memory_space<hbm>>) target(%dma_start3A_173 : memref<128xi32, #tpu.memory_space<vmem>>) target_semaphore(%arg13 : memref<!tpu.dma_semaphore, #tpu.memory_space<semaphore_mem>>)
      %dma_start3A_175 = arith.constant 0 : i32
      %dma_start3A_176 = tpu.memref_slice %arg8[%while3A_164, %dma_start3A_175] : memref<40x128xi32, #tpu.memory_space<vmem>> -> memref<1x128xi32, #tpu.memory_space<vmem>>
      %dma_start3A_177 = tpu.memref_squeeze %dma_start3A_176 : memref<1x128xi32, #tpu.memory_space<vmem>> -> memref<128xi32, #tpu.memory_space<vmem>>
      %dma_start3A_178 = tpu.memref_slice %arg3[%mul3A_167] : memref<163840xi32, #tpu.memory_space<hbm>> -> memref<128xi32, #tpu.memory_space<hbm>>
      %dma_start3A_179 = arith.constant 0 : i32
      %dma_start3A_180 = tpu.memref_slice %arg8[%while3A_164, %dma_start3A_179] : memref<40x128xi32, #tpu.memory_space<vmem>> -> memref<1x128xi32, #tpu.memory_space<vmem>>
      %dma_start3A_181 = tpu.memref_squeeze %dma_start3A_180 : memref<1x128xi32, #tpu.memory_space<vmem>> -> memref<128xi32, #tpu.memory_space<vmem>>
      %dma_start3A_182 = tpu.memref_slice %arg3[%mul3A_167] : memref<163840xi32, #tpu.memory_space<hbm>> -> memref<128xi32, #tpu.memory_space<hbm>>
      tpu.enqueue_dma source(%dma_start3A_182 : memref<128xi32, #tpu.memory_space<hbm>>) target(%dma_start3A_181 : memref<128xi32, #tpu.memory_space<vmem>>) target_semaphore(%arg13 : memref<!tpu.dma_semaphore, #tpu.memory_space<semaphore_mem>>)
    }
    %gt3A = arith.constant 0 : i32
    %gt3A_19 = arith.cmpi sgt, %select_n3A, %gt3A : i32
    %convert_element_type3A = arith.extui %gt3A_19 : i1 to i32
    %cond3A = arith.constant 0 : i32
    %cond3A_20 = arith.cmpi ne, %convert_element_type3A, %cond3A : i32
    scf.if %cond3A_20 {
      "tpu.region"() ({
        %run_scoped3A = tpu.sem_alloc : memref<!tpu.dma_semaphore, #tpu.memory_space<semaphore_mem>>
        tpu.enqueue_dma source(%arg5 : memref<128x112xf32, #tpu.memory_space<hbm>>) target(%arg10 : memref<128x112xf32, #tpu.memory_space<vmem>>) target_semaphore(%run_scoped3A : memref<!tpu.dma_semaphore, #tpu.memory_space<semaphore_mem>>)
        tpu.wait_dma2 semaphore(%run_scoped3A : memref<!tpu.dma_semaphore, #tpu.memory_space<semaphore_mem>>) src(%arg5 : memref<128x112xf32, #tpu.memory_space<hbm>>) dst(%arg10 : memref<128x112xf32, #tpu.memory_space<vmem>>)
        tpu.yield
      }) : () -> ()
      %mul3A_164 = arith.constant 5 : i32
      %mul3A_165 = arith.muli %arg1, %mul3A_164 : i32
      %add3A_166 = arith.constant 0 : i32
      %add3A_167 = arith.addi %mul3A_165, %add3A_166 : i32
      %mul3A_168 = arith.constant 128 : i32
      %mul3A_169 = arith.muli %add3A_167, %mul3A_168 : i32
      "tpu.region"() ({
        %run_scoped3A = tpu.sem_alloc : memref<!tpu.dma_semaphore, #tpu.memory_space<semaphore_mem>>
        %dma_start3A = arith.constant 0 : i32
        %dma_start3A_194 = tpu.memref_slice %arg11[%mul3A_169, %dma_start3A] : memref<10240x112xf32, #tpu.memory_space<vmem_shared>> -> memref<128x112xf32, #tpu.memory_space<vmem_shared>>
        %dma_start3A_195 = arith.constant 0 : i32
        %dma_start3A_196 = tpu.memref_slice %arg11[%mul3A_169, %dma_start3A_195] : memref<10240x112xf32, #tpu.memory_space<vmem_shared>> -> memref<128x112xf32, #tpu.memory_space<vmem_shared>>
        tpu.enqueue_dma source(%arg10 : memref<128x112xf32, #tpu.memory_space<vmem>>) target(%dma_start3A_196 : memref<128x112xf32, #tpu.memory_space<vmem_shared>>) target_semaphore(%run_scoped3A : memref<!tpu.dma_semaphore, #tpu.memory_space<semaphore_mem>>)
        %dma_wait3A = arith.constant 0 : i32
        %dma_wait3A_197 = tpu.memref_slice %arg11[%mul3A_169, %dma_wait3A] : memref<10240x112xf32, #tpu.memory_space<vmem_shared>> -> memref<128x112xf32, #tpu.memory_space<vmem_shared>>
        %dma_wait3A_198 = arith.constant 0 : i32
        %dma_wait3A_199 = tpu.memref_slice %arg11[%mul3A_169, %dma_wait3A_198] : memref<10240x112xf32, #tpu.memory_space<vmem_shared>> -> memref<128x112xf32, #tpu.memory_space<vmem_shared>>
        tpu.wait_dma2 semaphore(%run_scoped3A : memref<!tpu.dma_semaphore, #tpu.memory_space<semaphore_mem>>) src(%arg10 : memref<128x112xf32, #tpu.memory_space<vmem>>) dst(%dma_wait3A_199 : memref<128x112xf32, #tpu.memory_space<vmem_shared>>)
        tpu.yield
      }) : () -> ()
      %mul3A_170 = arith.constant 5 : i32
      %mul3A_171 = arith.muli %arg1, %mul3A_170 : i32
      %add3A_172 = arith.constant 1 : i32
      %add3A_173 = arith.addi %mul3A_171, %add3A_172 : i32
      %mul3A_174 = arith.constant 128 : i32
      %mul3A_175 = arith.muli %add3A_173, %mul3A_174 : i32
      "tpu.region"() ({
        %run_scoped3A = tpu.sem_alloc : memref<!tpu.dma_semaphore, #tpu.memory_space<semaphore_mem>>
        %dma_start3A = arith.constant 0 : i32
        %dma_start3A_194 = tpu.memref_slice %arg11[%mul3A_175, %dma_start3A] : memref<10240x112xf32, #tpu.memory_space<vmem_shared>> -> memref<128x112xf32, #tpu.memory_space<vmem_shared>>
        %dma_start3A_195 = arith.constant 0 : i32
        %dma_start3A_196 = tpu.memref_slice %arg11[%mul3A_175, %dma_start3A_195] : memref<10240x112xf32, #tpu.memory_space<vmem_shared>> -> memref<128x112xf32, #tpu.memory_space<vmem_shared>>
        tpu.enqueue_dma source(%arg10 : memref<128x112xf32, #tpu.memory_space<vmem>>) target(%dma_start3A_196 : memref<128x112xf32, #tpu.memory_space<vmem_shared>>) target_semaphore(%run_scoped3A : memref<!tpu.dma_semaphore, #tpu.memory_space<semaphore_mem>>)
        %dma_wait3A = arith.constant 0 : i32
        %dma_wait3A_197 = tpu.memref_slice %arg11[%mul3A_175, %dma_wait3A] : memref<10240x112xf32, #tpu.memory_space<vmem_shared>> -> memref<128x112xf32, #tpu.memory_space<vmem_shared>>
        %dma_wait3A_198 = arith.constant 0 : i32
        %dma_wait3A_199 = tpu.memref_slice %arg11[%mul3A_175, %dma_wait3A_198] : memref<10240x112xf32, #tpu.memory_space<vmem_shared>> -> memref<128x112xf32, #tpu.memory_space<vmem_shared>>
        tpu.wait_dma2 semaphore(%run_scoped3A : memref<!tpu.dma_semaphore, #tpu.memory_space<semaphore_mem>>) src(%arg10 : memref<128x112xf32, #tpu.memory_space<vmem>>) dst(%dma_wait3A_199 : memref<128x112xf32, #tpu.memory_space<vmem_shared>>)
        tpu.yield
      }) : () -> ()
      %mul3A_176 = arith.constant 5 : i32
      %mul3A_177 = arith.muli %arg1, %mul3A_176 : i32
      %add3A_178 = arith.constant 2 : i32
      %add3A_179 = arith.addi %mul3A_177, %add3A_178 : i32
      %mul3A_180 = arith.constant 128 : i32
      %mul3A_181 = arith.muli %add3A_179, %mul3A_180 : i32
      "tpu.region"() ({
        %run_scoped3A = tpu.sem_alloc : memref<!tpu.dma_semaphore, #tpu.memory_space<semaphore_mem>>
        %dma_start3A = arith.constant 0 : i32
        %dma_start3A_194 = tpu.memref_slice %arg11[%mul3A_181, %dma_start3A] : memref<10240x112xf32, #tpu.memory_space<vmem_shared>> -> memref<128x112xf32, #tpu.memory_space<vmem_shared>>
        %dma_start3A_195 = arith.constant 0 : i32
        %dma_start3A_196 = tpu.memref_slice %arg11[%mul3A_181, %dma_start3A_195] : memref<10240x112xf32, #tpu.memory_space<vmem_shared>> -> memref<128x112xf32, #tpu.memory_space<vmem_shared>>
        tpu.enqueue_dma source(%arg10 : memref<128x112xf32, #tpu.memory_space<vmem>>) target(%dma_start3A_196 : memref<128x112xf32, #tpu.memory_space<vmem_shared>>) target_semaphore(%run_scoped3A : memref<!tpu.dma_semaphore, #tpu.memory_space<semaphore_mem>>)
        %dma_wait3A = arith.constant 0 : i32
        %dma_wait3A_197 = tpu.memref_slice %arg11[%mul3A_181, %dma_wait3A] : memref<10240x112xf32, #tpu.memory_space<vmem_shared>> -> memref<128x112xf32, #tpu.memory_space<vmem_shared>>
        %dma_wait3A_198 = arith.constant 0 : i32
        %dma_wait3A_199 = tpu.memref_slice %arg11[%mul3A_181, %dma_wait3A_198] : memref<10240x112xf32, #tpu.memory_space<vmem_shared>> -> memref<128x112xf32, #tpu.memory_space<vmem_shared>>
        tpu.wait_dma2 semaphore(%run_scoped3A : memref<!tpu.dma_semaphore, #tpu.memory_space<semaphore_mem>>) src(%arg10 : memref<128x112xf32, #tpu.memory_space<vmem>>) dst(%dma_wait3A_199 : memref<128x112xf32, #tpu.memory_space<vmem_shared>>)
        tpu.yield
      }) : () -> ()
      %mul3A_182 = arith.constant 5 : i32
      %mul3A_183 = arith.muli %arg1, %mul3A_182 : i32
      %add3A_184 = arith.constant 3 : i32
      %add3A_185 = arith.addi %mul3A_183, %add3A_184 : i32
      %mul3A_186 = arith.constant 128 : i32
      %mul3A_187 = arith.muli %add3A_185, %mul3A_186 : i32
      "tpu.region"() ({
        %run_scoped3A = tpu.sem_alloc : memref<!tpu.dma_semaphore, #tpu.memory_space<semaphore_mem>>
        %dma_start3A = arith.constant 0 : i32
        %dma_start3A_194 = tpu.memref_slice %arg11[%mul3A_187, %dma_start3A] : memref<10240x112xf32, #tpu.memory_space<vmem_shared>> -> memref<128x112xf32, #tpu.memory_space<vmem_shared>>
        %dma_start3A_195 = arith.constant 0 : i32
        %dma_start3A_196 = tpu.memref_slice %arg11[%mul3A_187, %dma_start3A_195] : memref<10240x112xf32, #tpu.memory_space<vmem_shared>> -> memref<128x112xf32, #tpu.memory_space<vmem_shared>>
        tpu.enqueue_dma source(%arg10 : memref<128x112xf32, #tpu.memory_space<vmem>>) target(%dma_start3A_196 : memref<128x112xf32, #tpu.memory_space<vmem_shared>>) target_semaphore(%run_scoped3A : memref<!tpu.dma_semaphore, #tpu.memory_space<semaphore_mem>>)
        %dma_wait3A = arith.constant 0 : i32
        %dma_wait3A_197 = tpu.memref_slice %arg11[%mul3A_187, %dma_wait3A] : memref<10240x112xf32, #tpu.memory_space<vmem_shared>> -> memref<128x112xf32, #tpu.memory_space<vmem_shared>>
        %dma_wait3A_198 = arith.constant 0 : i32
        %dma_wait3A_199 = tpu.memref_slice %arg11[%mul3A_187, %dma_wait3A_198] : memref<10240x112xf32, #tpu.memory_space<vmem_shared>> -> memref<128x112xf32, #tpu.memory_space<vmem_shared>>
        tpu.wait_dma2 semaphore(%run_scoped3A : memref<!tpu.dma_semaphore, #tpu.memory_space<semaphore_mem>>) src(%arg10 : memref<128x112xf32, #tpu.memory_space<vmem>>) dst(%dma_wait3A_199 : memref<128x112xf32, #tpu.memory_space<vmem_shared>>)
        tpu.yield
      }) : () -> ()
      %mul3A_188 = arith.constant 5 : i32
      %mul3A_189 = arith.muli %arg1, %mul3A_188 : i32
      %add3A_190 = arith.constant 4 : i32
      %add3A_191 = arith.addi %mul3A_189, %add3A_190 : i32
      %mul3A_192 = arith.constant 128 : i32
      %mul3A_193 = arith.muli %add3A_191, %mul3A_192 : i32
      "tpu.region"() ({
        %run_scoped3A = tpu.sem_alloc : memref<!tpu.dma_semaphore, #tpu.memory_space<semaphore_mem>>
        %dma_start3A = arith.constant 0 : i32
        %dma_start3A_194 = tpu.memref_slice %arg11[%mul3A_193, %dma_start3A] : memref<10240x112xf32, #tpu.memory_space<vmem_shared>> -> memref<128x112xf32, #tpu.memory_space<vmem_shared>>
        %dma_start3A_195 = arith.constant 0 : i32
        %dma_start3A_196 = tpu.memref_slice %arg11[%mul3A_193, %dma_start3A_195] : memref<10240x112xf32, #tpu.memory_space<vmem_shared>> -> memref<128x112xf32, #tpu.memory_space<vmem_shared>>
        tpu.enqueue_dma source(%arg10 : memref<128x112xf32, #tpu.memory_space<vmem>>) target(%dma_start3A_196 : memref<128x112xf32, #tpu.memory_space<vmem_shared>>) target_semaphore(%run_scoped3A : memref<!tpu.dma_semaphore, #tpu.memory_space<semaphore_mem>>)
        %dma_wait3A = arith.constant 0 : i32
        %dma_wait3A_197 = tpu.memref_slice %arg11[%mul3A_193, %dma_wait3A] : memref<10240x112xf32, #tpu.memory_space<vmem_shared>> -> memref<128x112xf32, #tpu.memory_space<vmem_shared>>
        %dma_wait3A_198 = arith.constant 0 : i32
        %dma_wait3A_199 = tpu.memref_slice %arg11[%mul3A_193, %dma_wait3A_198] : memref<10240x112xf32, #tpu.memory_space<vmem_shared>> -> memref<128x112xf32, #tpu.memory_space<vmem_shared>>
        tpu.wait_dma2 semaphore(%run_scoped3A : memref<!tpu.dma_semaphore, #tpu.memory_space<semaphore_mem>>) src(%arg10 : memref<128x112xf32, #tpu.memory_space<vmem>>) dst(%dma_wait3A_199 : memref<128x112xf32, #tpu.memory_space<vmem_shared>>)
        tpu.yield
      }) : () -> ()
    } else {
    }
    %add3A_21 = arith.constant 0 : i32
    %add3A_22 = arith.addi %add3A, %add3A_21 : i32
    %sub3A_23 = arith.constant 0 : i32
    %sub3A_24 = arith.subi %select_n3A, %sub3A_23 : i32
    %jit3A_25 = arith.constant 0 : i32
    %jit3A_26 = arith.constant 40 : i32
    %max3A_27 = arith.maxsi %jit3A_25, %sub3A_24 : i32
    %min3A_28 = arith.minsi %jit3A_26, %max3A_27 : i32
    %while3A_29 = arith.constant 0 : i32
    %while3A_30 = arith.constant 0 : i32
    %while3A_31 = arith.subi %min3A_28, %while3A_30 : i32
    %while3A_32 = arith.addi %while3A_30, %while3A_31 : i32
    %while3A_33 = arith.constant 1 : i32
    %while3A_34 = arith.divsi %while3A_31, %while3A_33 : i32
    %while3A_35 = arith.muli %while3A_34, %while3A_33 : i32
    %while3A_36 = arith.addi %while3A_30, %while3A_35 : i32
    %while3A_37 = arith.constant 1 : i32
    scf.for %while3A_164 = %while3A_30 to %while3A_36 step %while3A_37  : i32 {
      %add3A_165 = arith.addi %add3A_22, %while3A_164 : i32
      %mul3A_166 = arith.constant 128 : i32
      %mul3A_167 = arith.muli %add3A_165, %mul3A_166 : i32
      %dma_wait3A = arith.constant 0 : i32
      %dma_wait3A_168 = tpu.memref_slice %arg7[%while3A_164, %dma_wait3A] : memref<40x128xi32, #tpu.memory_space<vmem>> -> memref<1x128xi32, #tpu.memory_space<vmem>>
      %dma_wait3A_169 = tpu.memref_squeeze %dma_wait3A_168 : memref<1x128xi32, #tpu.memory_space<vmem>> -> memref<128xi32, #tpu.memory_space<vmem>>
      %dma_wait3A_170 = tpu.memref_slice %arg2[%mul3A_167] : memref<163840xi32, #tpu.memory_space<hbm>> -> memref<128xi32, #tpu.memory_space<hbm>>
      %dma_wait3A_171 = arith.constant 0 : i32
      %dma_wait3A_172 = tpu.memref_slice %arg7[%while3A_164, %dma_wait3A_171] : memref<40x128xi32, #tpu.memory_space<vmem>> -> memref<1x128xi32, #tpu.memory_space<vmem>>
      %dma_wait3A_173 = tpu.memref_squeeze %dma_wait3A_172 : memref<1x128xi32, #tpu.memory_space<vmem>> -> memref<128xi32, #tpu.memory_space<vmem>>
      %dma_wait3A_174 = tpu.memref_slice %arg2[%mul3A_167] : memref<163840xi32, #tpu.memory_space<hbm>> -> memref<128xi32, #tpu.memory_space<hbm>>
      tpu.wait_dma2 semaphore(%arg13 : memref<!tpu.dma_semaphore, #tpu.memory_space<semaphore_mem>>) src(%dma_wait3A_174 : memref<128xi32, #tpu.memory_space<hbm>>) dst(%dma_wait3A_173 : memref<128xi32, #tpu.memory_space<vmem>>)
      %dma_wait3A_175 = arith.constant 0 : i32
      %dma_wait3A_176 = tpu.memref_slice %arg8[%while3A_164, %dma_wait3A_175] : memref<40x128xi32, #tpu.memory_space<vmem>> -> memref<1x128xi32, #tpu.memory_space<vmem>>
      %dma_wait3A_177 = tpu.memref_squeeze %dma_wait3A_176 : memref<1x128xi32, #tpu.memory_space<vmem>> -> memref<128xi32, #tpu.memory_space<vmem>>
      %dma_wait3A_178 = tpu.memref_slice %arg3[%mul3A_167] : memref<163840xi32, #tpu.memory_space<hbm>> -> memref<128xi32, #tpu.memory_space<hbm>>
      %dma_wait3A_179 = arith.constant 0 : i32
      %dma_wait3A_180 = tpu.memref_slice %arg8[%while3A_164, %dma_wait3A_179] : memref<40x128xi32, #tpu.memory_space<vmem>> -> memref<1x128xi32, #tpu.memory_space<vmem>>
      %dma_wait3A_181 = tpu.memref_squeeze %dma_wait3A_180 : memref<1x128xi32, #tpu.memory_space<vmem>> -> memref<128xi32, #tpu.memory_space<vmem>>
      %dma_wait3A_182 = tpu.memref_slice %arg3[%mul3A_167] : memref<163840xi32, #tpu.memory_space<hbm>> -> memref<128xi32, #tpu.memory_space<hbm>>
      tpu.wait_dma2 semaphore(%arg13 : memref<!tpu.dma_semaphore, #tpu.memory_space<semaphore_mem>>) src(%dma_wait3A_182 : memref<128xi32, #tpu.memory_space<hbm>>) dst(%dma_wait3A_181 : memref<128xi32, #tpu.memory_space<vmem>>)
    }
    %while3A_38 = arith.constant 1 : i32
    scf.for %while3A_164 = %while3A_36 to %while3A_32 step %while3A_38  : i32 {
      %add3A_165 = arith.addi %add3A_22, %while3A_164 : i32
      %mul3A_166 = arith.constant 128 : i32
      %mul3A_167 = arith.muli %add3A_165, %mul3A_166 : i32
      %dma_wait3A = arith.constant 0 : i32
      %dma_wait3A_168 = tpu.memref_slice %arg7[%while3A_164, %dma_wait3A] : memref<40x128xi32, #tpu.memory_space<vmem>> -> memref<1x128xi32, #tpu.memory_space<vmem>>
      %dma_wait3A_169 = tpu.memref_squeeze %dma_wait3A_168 : memref<1x128xi32, #tpu.memory_space<vmem>> -> memref<128xi32, #tpu.memory_space<vmem>>
      %dma_wait3A_170 = tpu.memref_slice %arg2[%mul3A_167] : memref<163840xi32, #tpu.memory_space<hbm>> -> memref<128xi32, #tpu.memory_space<hbm>>
      %dma_wait3A_171 = arith.constant 0 : i32
      %dma_wait3A_172 = tpu.memref_slice %arg7[%while3A_164, %dma_wait3A_171] : memref<40x128xi32, #tpu.memory_space<vmem>> -> memref<1x128xi32, #tpu.memory_space<vmem>>
      %dma_wait3A_173 = tpu.memref_squeeze %dma_wait3A_172 : memref<1x128xi32, #tpu.memory_space<vmem>> -> memref<128xi32, #tpu.memory_space<vmem>>
      %dma_wait3A_174 = tpu.memref_slice %arg2[%mul3A_167] : memref<163840xi32, #tpu.memory_space<hbm>> -> memref<128xi32, #tpu.memory_space<hbm>>
      tpu.wait_dma2 semaphore(%arg13 : memref<!tpu.dma_semaphore, #tpu.memory_space<semaphore_mem>>) src(%dma_wait3A_174 : memref<128xi32, #tpu.memory_space<hbm>>) dst(%dma_wait3A_173 : memref<128xi32, #tpu.memory_space<vmem>>)
      %dma_wait3A_175 = arith.constant 0 : i32
      %dma_wait3A_176 = tpu.memref_slice %arg8[%while3A_164, %dma_wait3A_175] : memref<40x128xi32, #tpu.memory_space<vmem>> -> memref<1x128xi32, #tpu.memory_space<vmem>>
      %dma_wait3A_177 = tpu.memref_squeeze %dma_wait3A_176 : memref<1x128xi32, #tpu.memory_space<vmem>> -> memref<128xi32, #tpu.memory_space<vmem>>
      %dma_wait3A_178 = tpu.memref_slice %arg3[%mul3A_167] : memref<163840xi32, #tpu.memory_space<hbm>> -> memref<128xi32, #tpu.memory_space<hbm>>
      %dma_wait3A_179 = arith.constant 0 : i32
      %dma_wait3A_180 = tpu.memref_slice %arg8[%while3A_164, %dma_wait3A_179] : memref<40x128xi32, #tpu.memory_space<vmem>> -> memref<1x128xi32, #tpu.memory_space<vmem>>
      %dma_wait3A_181 = tpu.memref_squeeze %dma_wait3A_180 : memref<1x128xi32, #tpu.memory_space<vmem>> -> memref<128xi32, #tpu.memory_space<vmem>>
      %dma_wait3A_182 = tpu.memref_slice %arg3[%mul3A_167] : memref<163840xi32, #tpu.memory_space<hbm>> -> memref<128xi32, #tpu.memory_space<hbm>>
      tpu.wait_dma2 semaphore(%arg13 : memref<!tpu.dma_semaphore, #tpu.memory_space<semaphore_mem>>) src(%dma_wait3A_182 : memref<128xi32, #tpu.memory_space<hbm>>) dst(%dma_wait3A_181 : memref<128xi32, #tpu.memory_space<vmem>>)
    }
    %barrier3A = arith.constant 0 : index
    tpu.barrier barrier_id(%barrier3A)
    %add3A_39 = arith.constant 0 : i32
    %add3A_40 = arith.addi %add3A, %add3A_39 : i32
    %sub3A_41 = arith.constant 0 : i32
    %sub3A_42 = arith.subi %select_n3A, %sub3A_41 : i32
    %jit3A_43 = arith.constant 0 : i32
    %jit3A_44 = arith.constant 40 : i32
    %max3A_45 = arith.maxsi %jit3A_43, %sub3A_42 : i32
    %min3A_46 = arith.minsi %jit3A_44, %max3A_45 : i32
    %gt3A_47 = arith.constant 0 : i32
    %gt3A_48 = arith.cmpi sgt, %min3A_46, %gt3A_47 : i32
    %convert_element_type3A_49 = arith.extui %gt3A_48 : i1 to i32
    %cond3A_50 = arith.constant 0 : i32
    %cond3A_51 = arith.cmpi ne, %convert_element_type3A_49, %cond3A_50 : i32
    scf.if %cond3A_51 {
      %dma_start3A = arith.constant 0 : i32
      %dma_start3A_164 = arith.constant 0 : i32
      %dma_start3A_165 = arith.constant 0 : i32
      %dma_start3A_166 = arith.constant 0 : i32
      %dma_start3A_167 = tpu.memref_slice %arg9[%dma_start3A_164, %dma_start3A_165, %dma_start3A_166] : memref<2x128x112xf32, #tpu.memory_space<vmem>> -> memref<1x128x112xf32, #tpu.memory_space<vmem>>
      %dma_start3A_168 = tpu.memref_squeeze %dma_start3A_167 : memref<1x128x112xf32, #tpu.memory_space<vmem>> -> memref<128x112xf32, #tpu.memory_space<vmem>>
      %dma_start3A_169 = arith.constant 0 : i32
      %dma_start3A_170 = tpu.memref_slice %arg7[%dma_start3A, %dma_start3A_169] : memref<40x128xi32, #tpu.memory_space<vmem>> -> memref<1x128xi32, #tpu.memory_space<vmem>>
      %dma_start3A_171 = tpu.memref_squeeze %dma_start3A_170 : memref<1x128xi32, #tpu.memory_space<vmem>> -> memref<128xi32, #tpu.memory_space<vmem>>
      %dma_start3A_172 = arith.constant 0 : i32
      %dma_start3A_173 = arith.constant 0 : i32
      %dma_start3A_174 = tpu.memref_slice %arg4[%dma_start3A_172, %dma_start3A_173] : memref<10000x112xf32, #tpu.memory_space<hbm>> -> memref<10000x112xf32, #tpu.memory_space<hbm>>
      tpu.enqueue_indirect_dma source(%dma_start3A_174 : memref<10000x112xf32, #tpu.memory_space<hbm>>) target(%dma_start3A_168 : memref<128x112xf32, #tpu.memory_space<vmem>>) offsets(%dma_start3A_171 : memref<128xi32, #tpu.memory_space<vmem>>) semaphore(%arg12 : memref<!tpu.dma_semaphore, #tpu.memory_space<semaphore_mem>>)
    } else {
    }
    %gt3A_52 = arith.constant 1 : i32
    %gt3A_53 = arith.cmpi sgt, %min3A_46, %gt3A_52 : i32
    %convert_element_type3A_54 = arith.extui %gt3A_53 : i1 to i32
    %cond3A_55 = arith.constant 0 : i32
    %cond3A_56 = arith.cmpi ne, %convert_element_type3A_54, %cond3A_55 : i32
    scf.if %cond3A_56 {
      %dma_start3A = arith.constant 1 : i32
      %dma_start3A_164 = arith.constant 1 : i32
      %dma_start3A_165 = arith.constant 0 : i32
      %dma_start3A_166 = arith.constant 0 : i32
      %dma_start3A_167 = tpu.memref_slice %arg9[%dma_start3A_164, %dma_start3A_165, %dma_start3A_166] : memref<2x128x112xf32, #tpu.memory_space<vmem>> -> memref<1x128x112xf32, #tpu.memory_space<vmem>>
      %dma_start3A_168 = tpu.memref_squeeze %dma_start3A_167 : memref<1x128x112xf32, #tpu.memory_space<vmem>> -> memref<128x112xf32, #tpu.memory_space<vmem>>
      %dma_start3A_169 = arith.constant 0 : i32
      %dma_start3A_170 = tpu.memref_slice %arg7[%dma_start3A, %dma_start3A_169] : memref<40x128xi32, #tpu.memory_space<vmem>> -> memref<1x128xi32, #tpu.memory_space<vmem>>
      %dma_start3A_171 = tpu.memref_squeeze %dma_start3A_170 : memref<1x128xi32, #tpu.memory_space<vmem>> -> memref<128xi32, #tpu.memory_space<vmem>>
      %dma_start3A_172 = arith.constant 0 : i32
      %dma_start3A_173 = arith.constant 0 : i32
      %dma_start3A_174 = tpu.memref_slice %arg4[%dma_start3A_172, %dma_start3A_173] : memref<10000x112xf32, #tpu.memory_space<hbm>> -> memref<10000x112xf32, #tpu.memory_space<hbm>>
      tpu.enqueue_indirect_dma source(%dma_start3A_174 : memref<10000x112xf32, #tpu.memory_space<hbm>>) target(%dma_start3A_168 : memref<128x112xf32, #tpu.memory_space<vmem>>) offsets(%dma_start3A_171 : memref<128xi32, #tpu.memory_space<vmem>>) semaphore(%arg12 : memref<!tpu.dma_semaphore, #tpu.memory_space<semaphore_mem>>)
    } else {
    }
    %jit3A_57 = arith.constant 2 : i32
    %div3A = arith.divsi %min3A_46, %jit3A_57 : i32
    %sign3A = arith.constant 0 : i32
    %sign3A_58 = arith.cmpi sgt, %min3A_46, %sign3A : i32
    %sign3A_59 = arith.extui %sign3A_58 : i1 to i32
    %sign3A_60 = arith.constant 0 : i32
    %sign3A_61 = arith.cmpi slt, %min3A_46, %sign3A_60 : i32
    %sign3A_62 = arith.extui %sign3A_61 : i1 to i32
    %sign3A_63 = arith.subi %sign3A_59, %sign3A_62 : i32
    %sign3A_64 = arith.constant 0 : i32
    %sign3A_65 = arith.cmpi sgt, %jit3A_57, %sign3A_64 : i32
    %sign3A_66 = arith.extui %sign3A_65 : i1 to i32
    %sign3A_67 = arith.constant 0 : i32
    %sign3A_68 = arith.cmpi slt, %jit3A_57, %sign3A_67 : i32
    %sign3A_69 = arith.extui %sign3A_68 : i1 to i32
    %sign3A_70 = arith.subi %sign3A_66, %sign3A_69 : i32
    %ne3A = arith.cmpi ne, %sign3A_63, %sign3A_70 : i32
    %rem3A = arith.remsi %min3A_46, %jit3A_57 : i32
    %ne3A_71 = arith.constant 0 : i32
    %ne3A_72 = arith.cmpi ne, %rem3A, %ne3A_71 : i32
    %and3A = arith.andi %ne3A, %ne3A_72 : i1
    %sub3A_73 = arith.constant 1 : i32
    %sub3A_74 = arith.subi %div3A, %sub3A_73 : i32
    %select_n3A_75 = arith.select %and3A, %sub3A_74, %div3A : i32
    %while3A_76 = arith.constant 0 : i32
    %while3A_77 = arith.constant 0 : i32
    %while3A_78 = arith.subi %select_n3A_75, %while3A_77 : i32
    %while3A_79 = arith.addi %while3A_77, %while3A_78 : i32
    %while3A_80 = arith.constant 1 : i32
    %while3A_81 = arith.divsi %while3A_78, %while3A_80 : i32
    %while3A_82 = arith.muli %while3A_81, %while3A_80 : i32
    %while3A_83 = arith.addi %while3A_77, %while3A_82 : i32
    %while3A_84 = arith.constant 1 : i32
    scf.for %while3A_164 = %while3A_77 to %while3A_83 step %while3A_84  : i32 {
      %mul3A_165 = arith.constant 2 : i32
      %mul3A_166 = arith.muli %while3A_164, %mul3A_165 : i32
      %add3A_167 = arith.constant 0 : i32
      %add3A_168 = arith.addi %mul3A_166, %add3A_167 : i32
      %dma_wait3A = arith.constant 0 : i32
      %dma_wait3A_169 = arith.constant 0 : i32
      %dma_wait3A_170 = arith.constant 0 : i32
      %dma_wait3A_171 = tpu.memref_slice %arg9[%dma_wait3A, %dma_wait3A_169, %dma_wait3A_170] : memref<2x128x112xf32, #tpu.memory_space<vmem>> -> memref<1x128x112xf32, #tpu.memory_space<vmem>>
      %dma_wait3A_172 = tpu.memref_squeeze %dma_wait3A_171 : memref<1x128x112xf32, #tpu.memory_space<vmem>> -> memref<128x112xf32, #tpu.memory_space<vmem>>
      %dma_wait3A_173 = arith.constant 0 : i32
      %dma_wait3A_174 = tpu.memref_slice %arg7[%add3A_168, %dma_wait3A_173] : memref<40x128xi32, #tpu.memory_space<vmem>> -> memref<1x128xi32, #tpu.memory_space<vmem>>
      %dma_wait3A_175 = tpu.memref_squeeze %dma_wait3A_174 : memref<1x128xi32, #tpu.memory_space<vmem>> -> memref<128xi32, #tpu.memory_space<vmem>>
      %dma_wait3A_176 = arith.constant 0 : i32
      %dma_wait3A_177 = arith.constant 0 : i32
      %dma_wait3A_178 = tpu.memref_slice %arg4[%dma_wait3A_176, %dma_wait3A_177] : memref<10000x112xf32, #tpu.memory_space<hbm>> -> memref<10000x112xf32, #tpu.memory_space<hbm>>
      tpu.wait_indirect_dma semaphore(%arg12 : memref<!tpu.dma_semaphore, #tpu.memory_space<semaphore_mem>>) src(%dma_wait3A_178 : memref<10000x112xf32, #tpu.memory_space<hbm>>) dst(%dma_wait3A_172 : memref<128x112xf32, #tpu.memory_space<vmem>>)
      %run_scoped3A = arith.constant 0 : i32
      "tpu.region"() ({
        %run_scoped3A_206 = tpu.sem_alloc : memref<!tpu.dma_semaphore, #tpu.memory_space<semaphore_mem>>
        %dma_start3A = arith.constant 0 : i32
        %dma_start3A_207 = arith.constant 0 : i32
        %dma_start3A_208 = tpu.memref_slice %arg9[%run_scoped3A, %dma_start3A, %dma_start3A_207] : memref<2x128x112xf32, #tpu.memory_space<vmem>> -> memref<1x128x112xf32, #tpu.memory_space<vmem>>
        %dma_start3A_209 = tpu.memref_squeeze %dma_start3A_208 : memref<1x128x112xf32, #tpu.memory_space<vmem>> -> memref<128x112xf32, #tpu.memory_space<vmem>>
        %dma_start3A_210 = arith.constant 0 : i32
        %dma_start3A_211 = tpu.memref_slice %arg8[%add3A_168, %dma_start3A_210] : memref<40x128xi32, #tpu.memory_space<vmem>> -> memref<1x128xi32, #tpu.memory_space<vmem>>
        %dma_start3A_212 = tpu.memref_squeeze %dma_start3A_211 : memref<1x128xi32, #tpu.memory_space<vmem>> -> memref<128xi32, #tpu.memory_space<vmem>>
        %dma_start3A_213 = arith.constant 0 : i32
        %dma_start3A_214 = arith.constant 0 : i32
        %dma_start3A_215 = tpu.memref_slice %arg11[%dma_start3A_213, %dma_start3A_214] : memref<10240x112xf32, #tpu.memory_space<vmem_shared>> -> memref<10240x112xf32, #tpu.memory_space<vmem_shared>>
        tpu.enqueue_indirect_dma source(%dma_start3A_209 : memref<128x112xf32, #tpu.memory_space<vmem>>) target(%dma_start3A_215 : memref<10240x112xf32, #tpu.memory_space<vmem_shared>>) offsets(%dma_start3A_212 : memref<128xi32, #tpu.memory_space<vmem>>) semaphore(%run_scoped3A_206 : memref<!tpu.dma_semaphore, #tpu.memory_space<semaphore_mem>>) {add = true}
        %dma_wait3A_216 = arith.constant 0 : i32
        %dma_wait3A_217 = arith.constant 0 : i32
        %dma_wait3A_218 = tpu.memref_slice %arg9[%run_scoped3A, %dma_wait3A_216, %dma_wait3A_217] : memref<2x128x112xf32, #tpu.memory_space<vmem>> -> memref<1x128x112xf32, #tpu.memory_space<vmem>>
        %dma_wait3A_219 = tpu.memref_squeeze %dma_wait3A_218 : memref<1x128x112xf32, #tpu.memory_space<vmem>> -> memref<128x112xf32, #tpu.memory_space<vmem>>
        %dma_wait3A_220 = arith.constant 0 : i32
        %dma_wait3A_221 = tpu.memref_slice %arg8[%add3A_168, %dma_wait3A_220] : memref<40x128xi32, #tpu.memory_space<vmem>> -> memref<1x128xi32, #tpu.memory_space<vmem>>
        %dma_wait3A_222 = tpu.memref_squeeze %dma_wait3A_221 : memref<1x128xi32, #tpu.memory_space<vmem>> -> memref<128xi32, #tpu.memory_space<vmem>>
        %dma_wait3A_223 = arith.constant 0 : i32
        %dma_wait3A_224 = arith.constant 0 : i32
        %dma_wait3A_225 = tpu.memref_slice %arg11[%dma_wait3A_223, %dma_wait3A_224] : memref<10240x112xf32, #tpu.memory_space<vmem_shared>> -> memref<10240x112xf32, #tpu.memory_space<vmem_shared>>
        tpu.wait_indirect_dma semaphore(%run_scoped3A_206 : memref<!tpu.dma_semaphore, #tpu.memory_space<semaphore_mem>>) src(%dma_wait3A_219 : memref<128x112xf32, #tpu.memory_space<vmem>>) dst(%dma_wait3A_225 : memref<10240x112xf32, #tpu.memory_space<vmem_shared>>)
        tpu.yield
      }) : () -> ()
      %add3A_179 = arith.constant 2 : i32
      %add3A_180 = arith.addi %add3A_168, %add3A_179 : i32
      %lt3A = arith.cmpi slt, %add3A_180, %min3A_46 : i32
      %convert_element_type3A_181 = arith.extui %lt3A : i1 to i32
      %cond3A_182 = arith.constant 0 : i32
      %cond3A_183 = arith.cmpi ne, %convert_element_type3A_181, %cond3A_182 : i32
      scf.if %cond3A_183 {
        %add3A_206 = arith.constant 2 : i32
        %add3A_207 = arith.addi %add3A_168, %add3A_206 : i32
        %dma_start3A = arith.constant 0 : i32
        %dma_start3A_208 = arith.constant 0 : i32
        %dma_start3A_209 = arith.constant 0 : i32
        %dma_start3A_210 = tpu.memref_slice %arg9[%dma_start3A, %dma_start3A_208, %dma_start3A_209] : memref<2x128x112xf32, #tpu.memory_space<vmem>> -> memref<1x128x112xf32, #tpu.memory_space<vmem>>
        %dma_start3A_211 = tpu.memref_squeeze %dma_start3A_210 : memref<1x128x112xf32, #tpu.memory_space<vmem>> -> memref<128x112xf32, #tpu.memory_space<vmem>>
        %dma_start3A_212 = arith.constant 0 : i32
        %dma_start3A_213 = tpu.memref_slice %arg7[%add3A_207, %dma_start3A_212] : memref<40x128xi32, #tpu.memory_space<vmem>> -> memref<1x128xi32, #tpu.memory_space<vmem>>
        %dma_start3A_214 = tpu.memref_squeeze %dma_start3A_213 : memref<1x128xi32, #tpu.memory_space<vmem>> -> memref<128xi32, #tpu.memory_space<vmem>>
        %dma_start3A_215 = arith.constant 0 : i32
        %dma_start3A_216 = arith.constant 0 : i32
        %dma_start3A_217 = tpu.memref_slice %arg4[%dma_start3A_215, %dma_start3A_216] : memref<10000x112xf32, #tpu.memory_space<hbm>> -> memref<10000x112xf32, #tpu.memory_space<hbm>>
        tpu.enqueue_indirect_dma source(%dma_start3A_217 : memref<10000x112xf32, #tpu.memory_space<hbm>>) target(%dma_start3A_211 : memref<128x112xf32, #tpu.memory_space<vmem>>) offsets(%dma_start3A_214 : memref<128xi32, #tpu.memory_space<vmem>>) semaphore(%arg12 : memref<!tpu.dma_semaphore, #tpu.memory_space<semaphore_mem>>)
      } else {
      }
      %mul3A_184 = arith.constant 2 : i32
      %mul3A_185 = arith.muli %while3A_164, %mul3A_184 : i32
      %add3A_186 = arith.constant 1 : i32
      %add3A_187 = arith.addi %mul3A_185, %add3A_186 : i32
      %dma_wait3A_188 = arith.constant 1 : i32
      %dma_wait3A_189 = arith.constant 0 : i32
      %dma_wait3A_190 = arith.constant 0 : i32
      %dma_wait3A_191 = tpu.memref_slice %arg9[%dma_wait3A_188, %dma_wait3A_189, %dma_wait3A_190] : memref<2x128x112xf32, #tpu.memory_space<vmem>> -> memref<1x128x112xf32, #tpu.memory_space<vmem>>
      %dma_wait3A_192 = tpu.memref_squeeze %dma_wait3A_191 : memref<1x128x112xf32, #tpu.memory_space<vmem>> -> memref<128x112xf32, #tpu.memory_space<vmem>>
      %dma_wait3A_193 = arith.constant 0 : i32
      %dma_wait3A_194 = tpu.memref_slice %arg7[%add3A_187, %dma_wait3A_193] : memref<40x128xi32, #tpu.memory_space<vmem>> -> memref<1x128xi32, #tpu.memory_space<vmem>>
      %dma_wait3A_195 = tpu.memref_squeeze %dma_wait3A_194 : memref<1x128xi32, #tpu.memory_space<vmem>> -> memref<128xi32, #tpu.memory_space<vmem>>
      %dma_wait3A_196 = arith.constant 0 : i32
      %dma_wait3A_197 = arith.constant 0 : i32
      %dma_wait3A_198 = tpu.memref_slice %arg4[%dma_wait3A_196, %dma_wait3A_197] : memref<10000x112xf32, #tpu.memory_space<hbm>> -> memref<10000x112xf32, #tpu.memory_space<hbm>>
      tpu.wait_indirect_dma semaphore(%arg12 : memref<!tpu.dma_semaphore, #tpu.memory_space<semaphore_mem>>) src(%dma_wait3A_198 : memref<10000x112xf32, #tpu.memory_space<hbm>>) dst(%dma_wait3A_192 : memref<128x112xf32, #tpu.memory_space<vmem>>)
      %run_scoped3A_199 = arith.constant 1 : i32
      "tpu.region"() ({
        %run_scoped3A_206 = tpu.sem_alloc : memref<!tpu.dma_semaphore, #tpu.memory_space<semaphore_mem>>
        %dma_start3A = arith.constant 0 : i32
        %dma_start3A_207 = arith.constant 0 : i32
        %dma_start3A_208 = tpu.memref_slice %arg9[%run_scoped3A_199, %dma_start3A, %dma_start3A_207] : memref<2x128x112xf32, #tpu.memory_space<vmem>> -> memref<1x128x112xf32, #tpu.memory_space<vmem>>
        %dma_start3A_209 = tpu.memref_squeeze %dma_start3A_208 : memref<1x128x112xf32, #tpu.memory_space<vmem>> -> memref<128x112xf32, #tpu.memory_space<vmem>>
        %dma_start3A_210 = arith.constant 0 : i32
        %dma_start3A_211 = tpu.memref_slice %arg8[%add3A_187, %dma_start3A_210] : memref<40x128xi32, #tpu.memory_space<vmem>> -> memref<1x128xi32, #tpu.memory_space<vmem>>
        %dma_start3A_212 = tpu.memref_squeeze %dma_start3A_211 : memref<1x128xi32, #tpu.memory_space<vmem>> -> memref<128xi32, #tpu.memory_space<vmem>>
        %dma_start3A_213 = arith.constant 0 : i32
        %dma_start3A_214 = arith.constant 0 : i32
        %dma_start3A_215 = tpu.memref_slice %arg11[%dma_start3A_213, %dma_start3A_214] : memref<10240x112xf32, #tpu.memory_space<vmem_shared>> -> memref<10240x112xf32, #tpu.memory_space<vmem_shared>>
        tpu.enqueue_indirect_dma source(%dma_start3A_209 : memref<128x112xf32, #tpu.memory_space<vmem>>) target(%dma_start3A_215 : memref<10240x112xf32, #tpu.memory_space<vmem_shared>>) offsets(%dma_start3A_212 : memref<128xi32, #tpu.memory_space<vmem>>) semaphore(%run_scoped3A_206 : memref<!tpu.dma_semaphore, #tpu.memory_space<semaphore_mem>>) {add = true}
        %dma_wait3A_216 = arith.constant 0 : i32
        %dma_wait3A_217 = arith.constant 0 : i32
        %dma_wait3A_218 = tpu.memref_slice %arg9[%run_scoped3A_199, %dma_wait3A_216, %dma_wait3A_217] : memref<2x128x112xf32, #tpu.memory_space<vmem>> -> memref<1x128x112xf32, #tpu.memory_space<vmem>>
        %dma_wait3A_219 = tpu.memref_squeeze %dma_wait3A_218 : memref<1x128x112xf32, #tpu.memory_space<vmem>> -> memref<128x112xf32, #tpu.memory_space<vmem>>
        %dma_wait3A_220 = arith.constant 0 : i32
        %dma_wait3A_221 = tpu.memref_slice %arg8[%add3A_187, %dma_wait3A_220] : memref<40x128xi32, #tpu.memory_space<vmem>> -> memref<1x128xi32, #tpu.memory_space<vmem>>
        %dma_wait3A_222 = tpu.memref_squeeze %dma_wait3A_221 : memref<1x128xi32, #tpu.memory_space<vmem>> -> memref<128xi32, #tpu.memory_space<vmem>>
        %dma_wait3A_223 = arith.constant 0 : i32
        %dma_wait3A_224 = arith.constant 0 : i32
        %dma_wait3A_225 = tpu.memref_slice %arg11[%dma_wait3A_223, %dma_wait3A_224] : memref<10240x112xf32, #tpu.memory_space<vmem_shared>> -> memref<10240x112xf32, #tpu.memory_space<vmem_shared>>
        tpu.wait_indirect_dma semaphore(%run_scoped3A_206 : memref<!tpu.dma_semaphore, #tpu.memory_space<semaphore_mem>>) src(%dma_wait3A_219 : memref<128x112xf32, #tpu.memory_space<vmem>>) dst(%dma_wait3A_225 : memref<10240x112xf32, #tpu.memory_space<vmem_shared>>)
        tpu.yield
      }) : () -> ()
      %add3A_200 = arith.constant 2 : i32
      %add3A_201 = arith.addi %add3A_187, %add3A_200 : i32
      %lt3A_202 = arith.cmpi slt, %add3A_201, %min3A_46 : i32
      %convert_element_type3A_203 = arith.extui %lt3A_202 : i1 to i32
      %cond3A_204 = arith.constant 0 : i32
      %cond3A_205 = arith.cmpi ne, %convert_element_type3A_203, %cond3A_204 : i32
      scf.if %cond3A_205 {
        %add3A_206 = arith.constant 2 : i32
        %add3A_207 = arith.addi %add3A_187, %add3A_206 : i32
        %dma_start3A = arith.constant 1 : i32
        %dma_start3A_208 = arith.constant 0 : i32
        %dma_start3A_209 = arith.constant 0 : i32
        %dma_start3A_210 = tpu.memref_slice %arg9[%dma_start3A, %dma_start3A_208, %dma_start3A_209] : memref<2x128x112xf32, #tpu.memory_space<vmem>> -> memref<1x128x112xf32, #tpu.memory_space<vmem>>
        %dma_start3A_211 = tpu.memref_squeeze %dma_start3A_210 : memref<1x128x112xf32, #tpu.memory_space<vmem>> -> memref<128x112xf32, #tpu.memory_space<vmem>>
        %dma_start3A_212 = arith.constant 0 : i32
        %dma_start3A_213 = tpu.memref_slice %arg7[%add3A_207, %dma_start3A_212] : memref<40x128xi32, #tpu.memory_space<vmem>> -> memref<1x128xi32, #tpu.memory_space<vmem>>
        %dma_start3A_214 = tpu.memref_squeeze %dma_start3A_213 : memref<1x128xi32, #tpu.memory_space<vmem>> -> memref<128xi32, #tpu.memory_space<vmem>>
        %dma_start3A_215 = arith.constant 0 : i32
        %dma_start3A_216 = arith.constant 0 : i32
        %dma_start3A_217 = tpu.memref_slice %arg4[%dma_start3A_215, %dma_start3A_216] : memref<10000x112xf32, #tpu.memory_space<hbm>> -> memref<10000x112xf32, #tpu.memory_space<hbm>>
        tpu.enqueue_indirect_dma source(%dma_start3A_217 : memref<10000x112xf32, #tpu.memory_space<hbm>>) target(%dma_start3A_211 : memref<128x112xf32, #tpu.memory_space<vmem>>) offsets(%dma_start3A_214 : memref<128xi32, #tpu.memory_space<vmem>>) semaphore(%arg12 : memref<!tpu.dma_semaphore, #tpu.memory_space<semaphore_mem>>)
      } else {
      }
    }
    %while3A_85 = arith.constant 1 : i32
    scf.for %while3A_164 = %while3A_83 to %while3A_79 step %while3A_85  : i32 {
      %mul3A_165 = arith.constant 2 : i32
      %mul3A_166 = arith.muli %while3A_164, %mul3A_165 : i32
      %add3A_167 = arith.constant 0 : i32
      %add3A_168 = arith.addi %mul3A_166, %add3A_167 : i32
      %dma_wait3A = arith.constant 0 : i32
      %dma_wait3A_169 = arith.constant 0 : i32
      %dma_wait3A_170 = arith.constant 0 : i32
      %dma_wait3A_171 = tpu.memref_slice %arg9[%dma_wait3A, %dma_wait3A_169, %dma_wait3A_170] : memref<2x128x112xf32, #tpu.memory_space<vmem>> -> memref<1x128x112xf32, #tpu.memory_space<vmem>>
      %dma_wait3A_172 = tpu.memref_squeeze %dma_wait3A_171 : memref<1x128x112xf32, #tpu.memory_space<vmem>> -> memref<128x112xf32, #tpu.memory_space<vmem>>
      %dma_wait3A_173 = arith.constant 0 : i32
      %dma_wait3A_174 = tpu.memref_slice %arg7[%add3A_168, %dma_wait3A_173] : memref<40x128xi32, #tpu.memory_space<vmem>> -> memref<1x128xi32, #tpu.memory_space<vmem>>
      %dma_wait3A_175 = tpu.memref_squeeze %dma_wait3A_174 : memref<1x128xi32, #tpu.memory_space<vmem>> -> memref<128xi32, #tpu.memory_space<vmem>>
      %dma_wait3A_176 = arith.constant 0 : i32
      %dma_wait3A_177 = arith.constant 0 : i32
      %dma_wait3A_178 = tpu.memref_slice %arg4[%dma_wait3A_176, %dma_wait3A_177] : memref<10000x112xf32, #tpu.memory_space<hbm>> -> memref<10000x112xf32, #tpu.memory_space<hbm>>
      tpu.wait_indirect_dma semaphore(%arg12 : memref<!tpu.dma_semaphore, #tpu.memory_space<semaphore_mem>>) src(%dma_wait3A_178 : memref<10000x112xf32, #tpu.memory_space<hbm>>) dst(%dma_wait3A_172 : memref<128x112xf32, #tpu.memory_space<vmem>>)
      %run_scoped3A = arith.constant 0 : i32
      "tpu.region"() ({
        %run_scoped3A_206 = tpu.sem_alloc : memref<!tpu.dma_semaphore, #tpu.memory_space<semaphore_mem>>
        %dma_start3A = arith.constant 0 : i32
        %dma_start3A_207 = arith.constant 0 : i32
        %dma_start3A_208 = tpu.memref_slice %arg9[%run_scoped3A, %dma_start3A, %dma_start3A_207] : memref<2x128x112xf32, #tpu.memory_space<vmem>> -> memref<1x128x112xf32, #tpu.memory_space<vmem>>
        %dma_start3A_209 = tpu.memref_squeeze %dma_start3A_208 : memref<1x128x112xf32, #tpu.memory_space<vmem>> -> memref<128x112xf32, #tpu.memory_space<vmem>>
        %dma_start3A_210 = arith.constant 0 : i32
        %dma_start3A_211 = tpu.memref_slice %arg8[%add3A_168, %dma_start3A_210] : memref<40x128xi32, #tpu.memory_space<vmem>> -> memref<1x128xi32, #tpu.memory_space<vmem>>
        %dma_start3A_212 = tpu.memref_squeeze %dma_start3A_211 : memref<1x128xi32, #tpu.memory_space<vmem>> -> memref<128xi32, #tpu.memory_space<vmem>>
        %dma_start3A_213 = arith.constant 0 : i32
        %dma_start3A_214 = arith.constant 0 : i32
        %dma_start3A_215 = tpu.memref_slice %arg11[%dma_start3A_213, %dma_start3A_214] : memref<10240x112xf32, #tpu.memory_space<vmem_shared>> -> memref<10240x112xf32, #tpu.memory_space<vmem_shared>>
        tpu.enqueue_indirect_dma source(%dma_start3A_209 : memref<128x112xf32, #tpu.memory_space<vmem>>) target(%dma_start3A_215 : memref<10240x112xf32, #tpu.memory_space<vmem_shared>>) offsets(%dma_start3A_212 : memref<128xi32, #tpu.memory_space<vmem>>) semaphore(%run_scoped3A_206 : memref<!tpu.dma_semaphore, #tpu.memory_space<semaphore_mem>>) {add = true}
        %dma_wait3A_216 = arith.constant 0 : i32
        %dma_wait3A_217 = arith.constant 0 : i32
        %dma_wait3A_218 = tpu.memref_slice %arg9[%run_scoped3A, %dma_wait3A_216, %dma_wait3A_217] : memref<2x128x112xf32, #tpu.memory_space<vmem>> -> memref<1x128x112xf32, #tpu.memory_space<vmem>>
        %dma_wait3A_219 = tpu.memref_squeeze %dma_wait3A_218 : memref<1x128x112xf32, #tpu.memory_space<vmem>> -> memref<128x112xf32, #tpu.memory_space<vmem>>
        %dma_wait3A_220 = arith.constant 0 : i32
        %dma_wait3A_221 = tpu.memref_slice %arg8[%add3A_168, %dma_wait3A_220] : memref<40x128xi32, #tpu.memory_space<vmem>> -> memref<1x128xi32, #tpu.memory_space<vmem>>
        %dma_wait3A_222 = tpu.memref_squeeze %dma_wait3A_221 : memref<1x128xi32, #tpu.memory_space<vmem>> -> memref<128xi32, #tpu.memory_space<vmem>>
        %dma_wait3A_223 = arith.constant 0 : i32
        %dma_wait3A_224 = arith.constant 0 : i32
        %dma_wait3A_225 = tpu.memref_slice %arg11[%dma_wait3A_223, %dma_wait3A_224] : memref<10240x112xf32, #tpu.memory_space<vmem_shared>> -> memref<10240x112xf32, #tpu.memory_space<vmem_shared>>
        tpu.wait_indirect_dma semaphore(%run_scoped3A_206 : memref<!tpu.dma_semaphore, #tpu.memory_space<semaphore_mem>>) src(%dma_wait3A_219 : memref<128x112xf32, #tpu.memory_space<vmem>>) dst(%dma_wait3A_225 : memref<10240x112xf32, #tpu.memory_space<vmem_shared>>)
        tpu.yield
      }) : () -> ()
      %add3A_179 = arith.constant 2 : i32
      %add3A_180 = arith.addi %add3A_168, %add3A_179 : i32
      %lt3A = arith.cmpi slt, %add3A_180, %min3A_46 : i32
      %convert_element_type3A_181 = arith.extui %lt3A : i1 to i32
      %cond3A_182 = arith.constant 0 : i32
      %cond3A_183 = arith.cmpi ne, %convert_element_type3A_181, %cond3A_182 : i32
      scf.if %cond3A_183 {
        %add3A_206 = arith.constant 2 : i32
        %add3A_207 = arith.addi %add3A_168, %add3A_206 : i32
        %dma_start3A = arith.constant 0 : i32
        %dma_start3A_208 = arith.constant 0 : i32
        %dma_start3A_209 = arith.constant 0 : i32
        %dma_start3A_210 = tpu.memref_slice %arg9[%dma_start3A, %dma_start3A_208, %dma_start3A_209] : memref<2x128x112xf32, #tpu.memory_space<vmem>> -> memref<1x128x112xf32, #tpu.memory_space<vmem>>
        %dma_start3A_211 = tpu.memref_squeeze %dma_start3A_210 : memref<1x128x112xf32, #tpu.memory_space<vmem>> -> memref<128x112xf32, #tpu.memory_space<vmem>>
        %dma_start3A_212 = arith.constant 0 : i32
        %dma_start3A_213 = tpu.memref_slice %arg7[%add3A_207, %dma_start3A_212] : memref<40x128xi32, #tpu.memory_space<vmem>> -> memref<1x128xi32, #tpu.memory_space<vmem>>
        %dma_start3A_214 = tpu.memref_squeeze %dma_start3A_213 : memref<1x128xi32, #tpu.memory_space<vmem>> -> memref<128xi32, #tpu.memory_space<vmem>>
        %dma_start3A_215 = arith.constant 0 : i32
        %dma_start3A_216 = arith.constant 0 : i32
        %dma_start3A_217 = tpu.memref_slice %arg4[%dma_start3A_215, %dma_start3A_216] : memref<10000x112xf32, #tpu.memory_space<hbm>> -> memref<10000x112xf32, #tpu.memory_space<hbm>>
        tpu.enqueue_indirect_dma source(%dma_start3A_217 : memref<10000x112xf32, #tpu.memory_space<hbm>>) target(%dma_start3A_211 : memref<128x112xf32, #tpu.memory_space<vmem>>) offsets(%dma_start3A_214 : memref<128xi32, #tpu.memory_space<vmem>>) semaphore(%arg12 : memref<!tpu.dma_semaphore, #tpu.memory_space<semaphore_mem>>)
      } else {
      }
      %mul3A_184 = arith.constant 2 : i32
      %mul3A_185 = arith.muli %while3A_164, %mul3A_184 : i32
      %add3A_186 = arith.constant 1 : i32
      %add3A_187 = arith.addi %mul3A_185, %add3A_186 : i32
      %dma_wait3A_188 = arith.constant 1 : i32
      %dma_wait3A_189 = arith.constant 0 : i32
      %dma_wait3A_190 = arith.constant 0 : i32
      %dma_wait3A_191 = tpu.memref_slice %arg9[%dma_wait3A_188, %dma_wait3A_189, %dma_wait3A_190] : memref<2x128x112xf32, #tpu.memory_space<vmem>> -> memref<1x128x112xf32, #tpu.memory_space<vmem>>
      %dma_wait3A_192 = tpu.memref_squeeze %dma_wait3A_191 : memref<1x128x112xf32, #tpu.memory_space<vmem>> -> memref<128x112xf32, #tpu.memory_space<vmem>>
      %dma_wait3A_193 = arith.constant 0 : i32
      %dma_wait3A_194 = tpu.memref_slice %arg7[%add3A_187, %dma_wait3A_193] : memref<40x128xi32, #tpu.memory_space<vmem>> -> memref<1x128xi32, #tpu.memory_space<vmem>>
      %dma_wait3A_195 = tpu.memref_squeeze %dma_wait3A_194 : memref<1x128xi32, #tpu.memory_space<vmem>> -> memref<128xi32, #tpu.memory_space<vmem>>
      %dma_wait3A_196 = arith.constant 0 : i32
      %dma_wait3A_197 = arith.constant 0 : i32
      %dma_wait3A_198 = tpu.memref_slice %arg4[%dma_wait3A_196, %dma_wait3A_197] : memref<10000x112xf32, #tpu.memory_space<hbm>> -> memref<10000x112xf32, #tpu.memory_space<hbm>>
      tpu.wait_indirect_dma semaphore(%arg12 : memref<!tpu.dma_semaphore, #tpu.memory_space<semaphore_mem>>) src(%dma_wait3A_198 : memref<10000x112xf32, #tpu.memory_space<hbm>>) dst(%dma_wait3A_192 : memref<128x112xf32, #tpu.memory_space<vmem>>)
      %run_scoped3A_199 = arith.constant 1 : i32
      "tpu.region"() ({
        %run_scoped3A_206 = tpu.sem_alloc : memref<!tpu.dma_semaphore, #tpu.memory_space<semaphore_mem>>
        %dma_start3A = arith.constant 0 : i32
        %dma_start3A_207 = arith.constant 0 : i32
        %dma_start3A_208 = tpu.memref_slice %arg9[%run_scoped3A_199, %dma_start3A, %dma_start3A_207] : memref<2x128x112xf32, #tpu.memory_space<vmem>> -> memref<1x128x112xf32, #tpu.memory_space<vmem>>
        %dma_start3A_209 = tpu.memref_squeeze %dma_start3A_208 : memref<1x128x112xf32, #tpu.memory_space<vmem>> -> memref<128x112xf32, #tpu.memory_space<vmem>>
        %dma_start3A_210 = arith.constant 0 : i32
        %dma_start3A_211 = tpu.memref_slice %arg8[%add3A_187, %dma_start3A_210] : memref<40x128xi32, #tpu.memory_space<vmem>> -> memref<1x128xi32, #tpu.memory_space<vmem>>
        %dma_start3A_212 = tpu.memref_squeeze %dma_start3A_211 : memref<1x128xi32, #tpu.memory_space<vmem>> -> memref<128xi32, #tpu.memory_space<vmem>>
        %dma_start3A_213 = arith.constant 0 : i32
        %dma_start3A_214 = arith.constant 0 : i32
        %dma_start3A_215 = tpu.memref_slice %arg11[%dma_start3A_213, %dma_start3A_214] : memref<10240x112xf32, #tpu.memory_space<vmem_shared>> -> memref<10240x112xf32, #tpu.memory_space<vmem_shared>>
        tpu.enqueue_indirect_dma source(%dma_start3A_209 : memref<128x112xf32, #tpu.memory_space<vmem>>) target(%dma_start3A_215 : memref<10240x112xf32, #tpu.memory_space<vmem_shared>>) offsets(%dma_start3A_212 : memref<128xi32, #tpu.memory_space<vmem>>) semaphore(%run_scoped3A_206 : memref<!tpu.dma_semaphore, #tpu.memory_space<semaphore_mem>>) {add = true}
        %dma_wait3A_216 = arith.constant 0 : i32
        %dma_wait3A_217 = arith.constant 0 : i32
        %dma_wait3A_218 = tpu.memref_slice %arg9[%run_scoped3A_199, %dma_wait3A_216, %dma_wait3A_217] : memref<2x128x112xf32, #tpu.memory_space<vmem>> -> memref<1x128x112xf32, #tpu.memory_space<vmem>>
        %dma_wait3A_219 = tpu.memref_squeeze %dma_wait3A_218 : memref<1x128x112xf32, #tpu.memory_space<vmem>> -> memref<128x112xf32, #tpu.memory_space<vmem>>
        %dma_wait3A_220 = arith.constant 0 : i32
        %dma_wait3A_221 = tpu.memref_slice %arg8[%add3A_187, %dma_wait3A_220] : memref<40x128xi32, #tpu.memory_space<vmem>> -> memref<1x128xi32, #tpu.memory_space<vmem>>
        %dma_wait3A_222 = tpu.memref_squeeze %dma_wait3A_221 : memref<1x128xi32, #tpu.memory_space<vmem>> -> memref<128xi32, #tpu.memory_space<vmem>>
        %dma_wait3A_223 = arith.constant 0 : i32
        %dma_wait3A_224 = arith.constant 0 : i32
        %dma_wait3A_225 = tpu.memref_slice %arg11[%dma_wait3A_223, %dma_wait3A_224] : memref<10240x112xf32, #tpu.memory_space<vmem_shared>> -> memref<10240x112xf32, #tpu.memory_space<vmem_shared>>
        tpu.wait_indirect_dma semaphore(%run_scoped3A_206 : memref<!tpu.dma_semaphore, #tpu.memory_space<semaphore_mem>>) src(%dma_wait3A_219 : memref<128x112xf32, #tpu.memory_space<vmem>>) dst(%dma_wait3A_225 : memref<10240x112xf32, #tpu.memory_space<vmem_shared>>)
        tpu.yield
      }) : () -> ()
      %add3A_200 = arith.constant 2 : i32
      %add3A_201 = arith.addi %add3A_187, %add3A_200 : i32
      %lt3A_202 = arith.cmpi slt, %add3A_201, %min3A_46 : i32
      %convert_element_type3A_203 = arith.extui %lt3A_202 : i1 to i32
      %cond3A_204 = arith.constant 0 : i32
      %cond3A_205 = arith.cmpi ne, %convert_element_type3A_203, %cond3A_204 : i32
      scf.if %cond3A_205 {
        %add3A_206 = arith.constant 2 : i32
        %add3A_207 = arith.addi %add3A_187, %add3A_206 : i32
        %dma_start3A = arith.constant 1 : i32
        %dma_start3A_208 = arith.constant 0 : i32
        %dma_start3A_209 = arith.constant 0 : i32
        %dma_start3A_210 = tpu.memref_slice %arg9[%dma_start3A, %dma_start3A_208, %dma_start3A_209] : memref<2x128x112xf32, #tpu.memory_space<vmem>> -> memref<1x128x112xf32, #tpu.memory_space<vmem>>
        %dma_start3A_211 = tpu.memref_squeeze %dma_start3A_210 : memref<1x128x112xf32, #tpu.memory_space<vmem>> -> memref<128x112xf32, #tpu.memory_space<vmem>>
        %dma_start3A_212 = arith.constant 0 : i32
        %dma_start3A_213 = tpu.memref_slice %arg7[%add3A_207, %dma_start3A_212] : memref<40x128xi32, #tpu.memory_space<vmem>> -> memref<1x128xi32, #tpu.memory_space<vmem>>
        %dma_start3A_214 = tpu.memref_squeeze %dma_start3A_213 : memref<1x128xi32, #tpu.memory_space<vmem>> -> memref<128xi32, #tpu.memory_space<vmem>>
        %dma_start3A_215 = arith.constant 0 : i32
        %dma_start3A_216 = arith.constant 0 : i32
        %dma_start3A_217 = tpu.memref_slice %arg4[%dma_start3A_215, %dma_start3A_216] : memref<10000x112xf32, #tpu.memory_space<hbm>> -> memref<10000x112xf32, #tpu.memory_space<hbm>>
        tpu.enqueue_indirect_dma source(%dma_start3A_217 : memref<10000x112xf32, #tpu.memory_space<hbm>>) target(%dma_start3A_211 : memref<128x112xf32, #tpu.memory_space<vmem>>) offsets(%dma_start3A_214 : memref<128xi32, #tpu.memory_space<vmem>>) semaphore(%arg12 : memref<!tpu.dma_semaphore, #tpu.memory_space<semaphore_mem>>)
      } else {
      }
    }
    %add3A_86 = arith.constant 40 : i32
    %add3A_87 = arith.addi %add3A, %add3A_86 : i32
    %sub3A_88 = arith.constant 40 : i32
    %sub3A_89 = arith.subi %select_n3A, %sub3A_88 : i32
    %jit3A_90 = arith.constant 0 : i32
    %jit3A_91 = arith.constant 40 : i32
    %max3A_92 = arith.maxsi %jit3A_90, %sub3A_89 : i32
    %min3A_93 = arith.minsi %jit3A_91, %max3A_92 : i32
    %while3A_94 = arith.constant 0 : i32
    %while3A_95 = arith.constant 0 : i32
    %while3A_96 = arith.subi %min3A_93, %while3A_95 : i32
    %while3A_97 = arith.addi %while3A_95, %while3A_96 : i32
    %while3A_98 = arith.constant 1 : i32
    %while3A_99 = arith.divsi %while3A_96, %while3A_98 : i32
    %while3A_100 = arith.muli %while3A_99, %while3A_98 : i32
    %while3A_101 = arith.addi %while3A_95, %while3A_100 : i32
    %while3A_102 = arith.constant 1 : i32
    scf.for %while3A_164 = %while3A_95 to %while3A_101 step %while3A_102  : i32 {
      %add3A_165 = arith.addi %add3A_87, %while3A_164 : i32
      %mul3A_166 = arith.constant 128 : i32
      %mul3A_167 = arith.muli %add3A_165, %mul3A_166 : i32
      %dma_start3A = arith.constant 0 : i32
      %dma_start3A_168 = tpu.memref_slice %arg7[%while3A_164, %dma_start3A] : memref<40x128xi32, #tpu.memory_space<vmem>> -> memref<1x128xi32, #tpu.memory_space<vmem>>
      %dma_start3A_169 = tpu.memref_squeeze %dma_start3A_168 : memref<1x128xi32, #tpu.memory_space<vmem>> -> memref<128xi32, #tpu.memory_space<vmem>>
      %dma_start3A_170 = tpu.memref_slice %arg2[%mul3A_167] : memref<163840xi32, #tpu.memory_space<hbm>> -> memref<128xi32, #tpu.memory_space<hbm>>
      %dma_start3A_171 = arith.constant 0 : i32
      %dma_start3A_172 = tpu.memref_slice %arg7[%while3A_164, %dma_start3A_171] : memref<40x128xi32, #tpu.memory_space<vmem>> -> memref<1x128xi32, #tpu.memory_space<vmem>>
      %dma_start3A_173 = tpu.memref_squeeze %dma_start3A_172 : memref<1x128xi32, #tpu.memory_space<vmem>> -> memref<128xi32, #tpu.memory_space<vmem>>
      %dma_start3A_174 = tpu.memref_slice %arg2[%mul3A_167] : memref<163840xi32, #tpu.memory_space<hbm>> -> memref<128xi32, #tpu.memory_space<hbm>>
      tpu.enqueue_dma source(%dma_start3A_174 : memref<128xi32, #tpu.memory_space<hbm>>) target(%dma_start3A_173 : memref<128xi32, #tpu.memory_space<vmem>>) target_semaphore(%arg13 : memref<!tpu.dma_semaphore, #tpu.memory_space<semaphore_mem>>)
      %dma_start3A_175 = arith.constant 0 : i32
      %dma_start3A_176 = tpu.memref_slice %arg8[%while3A_164, %dma_start3A_175] : memref<40x128xi32, #tpu.memory_space<vmem>> -> memref<1x128xi32, #tpu.memory_space<vmem>>
      %dma_start3A_177 = tpu.memref_squeeze %dma_start3A_176 : memref<1x128xi32, #tpu.memory_space<vmem>> -> memref<128xi32, #tpu.memory_space<vmem>>
      %dma_start3A_178 = tpu.memref_slice %arg3[%mul3A_167] : memref<163840xi32, #tpu.memory_space<hbm>> -> memref<128xi32, #tpu.memory_space<hbm>>
      %dma_start3A_179 = arith.constant 0 : i32
      %dma_start3A_180 = tpu.memref_slice %arg8[%while3A_164, %dma_start3A_179] : memref<40x128xi32, #tpu.memory_space<vmem>> -> memref<1x128xi32, #tpu.memory_space<vmem>>
      %dma_start3A_181 = tpu.memref_squeeze %dma_start3A_180 : memref<1x128xi32, #tpu.memory_space<vmem>> -> memref<128xi32, #tpu.memory_space<vmem>>
      %dma_start3A_182 = tpu.memref_slice %arg3[%mul3A_167] : memref<163840xi32, #tpu.memory_space<hbm>> -> memref<128xi32, #tpu.memory_space<hbm>>
      tpu.enqueue_dma source(%dma_start3A_182 : memref<128xi32, #tpu.memory_space<hbm>>) target(%dma_start3A_181 : memref<128xi32, #tpu.memory_space<vmem>>) target_semaphore(%arg13 : memref<!tpu.dma_semaphore, #tpu.memory_space<semaphore_mem>>)
    }
    %while3A_103 = arith.constant 1 : i32
    scf.for %while3A_164 = %while3A_101 to %while3A_97 step %while3A_103  : i32 {
      %add3A_165 = arith.addi %add3A_87, %while3A_164 : i32
      %mul3A_166 = arith.constant 128 : i32
      %mul3A_167 = arith.muli %add3A_165, %mul3A_166 : i32
      %dma_start3A = arith.constant 0 : i32
      %dma_start3A_168 = tpu.memref_slice %arg7[%while3A_164, %dma_start3A] : memref<40x128xi32, #tpu.memory_space<vmem>> -> memref<1x128xi32, #tpu.memory_space<vmem>>
      %dma_start3A_169 = tpu.memref_squeeze %dma_start3A_168 : memref<1x128xi32, #tpu.memory_space<vmem>> -> memref<128xi32, #tpu.memory_space<vmem>>
      %dma_start3A_170 = tpu.memref_slice %arg2[%mul3A_167] : memref<163840xi32, #tpu.memory_space<hbm>> -> memref<128xi32, #tpu.memory_space<hbm>>
      %dma_start3A_171 = arith.constant 0 : i32
      %dma_start3A_172 = tpu.memref_slice %arg7[%while3A_164, %dma_start3A_171] : memref<40x128xi32, #tpu.memory_space<vmem>> -> memref<1x128xi32, #tpu.memory_space<vmem>>
      %dma_start3A_173 = tpu.memref_squeeze %dma_start3A_172 : memref<1x128xi32, #tpu.memory_space<vmem>> -> memref<128xi32, #tpu.memory_space<vmem>>
      %dma_start3A_174 = tpu.memref_slice %arg2[%mul3A_167] : memref<163840xi32, #tpu.memory_space<hbm>> -> memref<128xi32, #tpu.memory_space<hbm>>
      tpu.enqueue_dma source(%dma_start3A_174 : memref<128xi32, #tpu.memory_space<hbm>>) target(%dma_start3A_173 : memref<128xi32, #tpu.memory_space<vmem>>) target_semaphore(%arg13 : memref<!tpu.dma_semaphore, #tpu.memory_space<semaphore_mem>>)
      %dma_start3A_175 = arith.constant 0 : i32
      %dma_start3A_176 = tpu.memref_slice %arg8[%while3A_164, %dma_start3A_175] : memref<40x128xi32, #tpu.memory_space<vmem>> -> memref<1x128xi32, #tpu.memory_space<vmem>>
      %dma_start3A_177 = tpu.memref_squeeze %dma_start3A_176 : memref<1x128xi32, #tpu.memory_space<vmem>> -> memref<128xi32, #tpu.memory_space<vmem>>
      %dma_start3A_178 = tpu.memref_slice %arg3[%mul3A_167] : memref<163840xi32, #tpu.memory_space<hbm>> -> memref<128xi32, #tpu.memory_space<hbm>>
      %dma_start3A_179 = arith.constant 0 : i32
      %dma_start3A_180 = tpu.memref_slice %arg8[%while3A_164, %dma_start3A_179] : memref<40x128xi32, #tpu.memory_space<vmem>> -> memref<1x128xi32, #tpu.memory_space<vmem>>
      %dma_start3A_181 = tpu.memref_squeeze %dma_start3A_180 : memref<1x128xi32, #tpu.memory_space<vmem>> -> memref<128xi32, #tpu.memory_space<vmem>>
      %dma_start3A_182 = tpu.memref_slice %arg3[%mul3A_167] : memref<163840xi32, #tpu.memory_space<hbm>> -> memref<128xi32, #tpu.memory_space<hbm>>
      tpu.enqueue_dma source(%dma_start3A_182 : memref<128xi32, #tpu.memory_space<hbm>>) target(%dma_start3A_181 : memref<128xi32, #tpu.memory_space<vmem>>) target_semaphore(%arg13 : memref<!tpu.dma_semaphore, #tpu.memory_space<semaphore_mem>>)
    }
    %while3A_104 = arith.constant 0 : i32
    %while3A_105 = arith.constant 0 : i32
    %while3A_106 = arith.subi %min3A_93, %while3A_105 : i32
    %while3A_107 = arith.addi %while3A_105, %while3A_106 : i32
    %while3A_108 = arith.constant 1 : i32
    %while3A_109 = arith.divsi %while3A_106, %while3A_108 : i32
    %while3A_110 = arith.muli %while3A_109, %while3A_108 : i32
    %while3A_111 = arith.addi %while3A_105, %while3A_110 : i32
    %while3A_112 = arith.constant 1 : i32
    scf.for %while3A_164 = %while3A_105 to %while3A_111 step %while3A_112  : i32 {
      %add3A_165 = arith.addi %add3A_87, %while3A_164 : i32
      %mul3A_166 = arith.constant 128 : i32
      %mul3A_167 = arith.muli %add3A_165, %mul3A_166 : i32
      %dma_wait3A = arith.constant 0 : i32
      %dma_wait3A_168 = tpu.memref_slice %arg7[%while3A_164, %dma_wait3A] : memref<40x128xi32, #tpu.memory_space<vmem>> -> memref<1x128xi32, #tpu.memory_space<vmem>>
      %dma_wait3A_169 = tpu.memref_squeeze %dma_wait3A_168 : memref<1x128xi32, #tpu.memory_space<vmem>> -> memref<128xi32, #tpu.memory_space<vmem>>
      %dma_wait3A_170 = tpu.memref_slice %arg2[%mul3A_167] : memref<163840xi32, #tpu.memory_space<hbm>> -> memref<128xi32, #tpu.memory_space<hbm>>
      %dma_wait3A_171 = arith.constant 0 : i32
      %dma_wait3A_172 = tpu.memref_slice %arg7[%while3A_164, %dma_wait3A_171] : memref<40x128xi32, #tpu.memory_space<vmem>> -> memref<1x128xi32, #tpu.memory_space<vmem>>
      %dma_wait3A_173 = tpu.memref_squeeze %dma_wait3A_172 : memref<1x128xi32, #tpu.memory_space<vmem>> -> memref<128xi32, #tpu.memory_space<vmem>>
      %dma_wait3A_174 = tpu.memref_slice %arg2[%mul3A_167] : memref<163840xi32, #tpu.memory_space<hbm>> -> memref<128xi32, #tpu.memory_space<hbm>>
      tpu.wait_dma2 semaphore(%arg13 : memref<!tpu.dma_semaphore, #tpu.memory_space<semaphore_mem>>) src(%dma_wait3A_174 : memref<128xi32, #tpu.memory_space<hbm>>) dst(%dma_wait3A_173 : memref<128xi32, #tpu.memory_space<vmem>>)
      %dma_wait3A_175 = arith.constant 0 : i32
      %dma_wait3A_176 = tpu.memref_slice %arg8[%while3A_164, %dma_wait3A_175] : memref<40x128xi32, #tpu.memory_space<vmem>> -> memref<1x128xi32, #tpu.memory_space<vmem>>
      %dma_wait3A_177 = tpu.memref_squeeze %dma_wait3A_176 : memref<1x128xi32, #tpu.memory_space<vmem>> -> memref<128xi32, #tpu.memory_space<vmem>>
      %dma_wait3A_178 = tpu.memref_slice %arg3[%mul3A_167] : memref<163840xi32, #tpu.memory_space<hbm>> -> memref<128xi32, #tpu.memory_space<hbm>>
      %dma_wait3A_179 = arith.constant 0 : i32
      %dma_wait3A_180 = tpu.memref_slice %arg8[%while3A_164, %dma_wait3A_179] : memref<40x128xi32, #tpu.memory_space<vmem>> -> memref<1x128xi32, #tpu.memory_space<vmem>>
      %dma_wait3A_181 = tpu.memref_squeeze %dma_wait3A_180 : memref<1x128xi32, #tpu.memory_space<vmem>> -> memref<128xi32, #tpu.memory_space<vmem>>
      %dma_wait3A_182 = tpu.memref_slice %arg3[%mul3A_167] : memref<163840xi32, #tpu.memory_space<hbm>> -> memref<128xi32, #tpu.memory_space<hbm>>
      tpu.wait_dma2 semaphore(%arg13 : memref<!tpu.dma_semaphore, #tpu.memory_space<semaphore_mem>>) src(%dma_wait3A_182 : memref<128xi32, #tpu.memory_space<hbm>>) dst(%dma_wait3A_181 : memref<128xi32, #tpu.memory_space<vmem>>)
    }
    %while3A_113 = arith.constant 1 : i32
    scf.for %while3A_164 = %while3A_111 to %while3A_107 step %while3A_113  : i32 {
      %add3A_165 = arith.addi %add3A_87, %while3A_164 : i32
      %mul3A_166 = arith.constant 128 : i32
      %mul3A_167 = arith.muli %add3A_165, %mul3A_166 : i32
      %dma_wait3A = arith.constant 0 : i32
      %dma_wait3A_168 = tpu.memref_slice %arg7[%while3A_164, %dma_wait3A] : memref<40x128xi32, #tpu.memory_space<vmem>> -> memref<1x128xi32, #tpu.memory_space<vmem>>
      %dma_wait3A_169 = tpu.memref_squeeze %dma_wait3A_168 : memref<1x128xi32, #tpu.memory_space<vmem>> -> memref<128xi32, #tpu.memory_space<vmem>>
      %dma_wait3A_170 = tpu.memref_slice %arg2[%mul3A_167] : memref<163840xi32, #tpu.memory_space<hbm>> -> memref<128xi32, #tpu.memory_space<hbm>>
      %dma_wait3A_171 = arith.constant 0 : i32
      %dma_wait3A_172 = tpu.memref_slice %arg7[%while3A_164, %dma_wait3A_171] : memref<40x128xi32, #tpu.memory_space<vmem>> -> memref<1x128xi32, #tpu.memory_space<vmem>>
      %dma_wait3A_173 = tpu.memref_squeeze %dma_wait3A_172 : memref<1x128xi32, #tpu.memory_space<vmem>> -> memref<128xi32, #tpu.memory_space<vmem>>
      %dma_wait3A_174 = tpu.memref_slice %arg2[%mul3A_167] : memref<163840xi32, #tpu.memory_space<hbm>> -> memref<128xi32, #tpu.memory_space<hbm>>
      tpu.wait_dma2 semaphore(%arg13 : memref<!tpu.dma_semaphore, #tpu.memory_space<semaphore_mem>>) src(%dma_wait3A_174 : memref<128xi32, #tpu.memory_space<hbm>>) dst(%dma_wait3A_173 : memref<128xi32, #tpu.memory_space<vmem>>)
      %dma_wait3A_175 = arith.constant 0 : i32
      %dma_wait3A_176 = tpu.memref_slice %arg8[%while3A_164, %dma_wait3A_175] : memref<40x128xi32, #tpu.memory_space<vmem>> -> memref<1x128xi32, #tpu.memory_space<vmem>>
      %dma_wait3A_177 = tpu.memref_squeeze %dma_wait3A_176 : memref<1x128xi32, #tpu.memory_space<vmem>> -> memref<128xi32, #tpu.memory_space<vmem>>
      %dma_wait3A_178 = tpu.memref_slice %arg3[%mul3A_167] : memref<163840xi32, #tpu.memory_space<hbm>> -> memref<128xi32, #tpu.memory_space<hbm>>
      %dma_wait3A_179 = arith.constant 0 : i32
      %dma_wait3A_180 = tpu.memref_slice %arg8[%while3A_164, %dma_wait3A_179] : memref<40x128xi32, #tpu.memory_space<vmem>> -> memref<1x128xi32, #tpu.memory_space<vmem>>
      %dma_wait3A_181 = tpu.memref_squeeze %dma_wait3A_180 : memref<1x128xi32, #tpu.memory_space<vmem>> -> memref<128xi32, #tpu.memory_space<vmem>>
      %dma_wait3A_182 = tpu.memref_slice %arg3[%mul3A_167] : memref<163840xi32, #tpu.memory_space<hbm>> -> memref<128xi32, #tpu.memory_space<hbm>>
      tpu.wait_dma2 semaphore(%arg13 : memref<!tpu.dma_semaphore, #tpu.memory_space<semaphore_mem>>) src(%dma_wait3A_182 : memref<128xi32, #tpu.memory_space<hbm>>) dst(%dma_wait3A_181 : memref<128xi32, #tpu.memory_space<vmem>>)
    }
    %gt3A_114 = arith.constant 0 : i32
    %gt3A_115 = arith.cmpi sgt, %min3A_93, %gt3A_114 : i32
    %convert_element_type3A_116 = arith.extui %gt3A_115 : i1 to i32
    %cond3A_117 = arith.constant 0 : i32
    %cond3A_118 = arith.cmpi ne, %convert_element_type3A_116, %cond3A_117 : i32
    scf.if %cond3A_118 {
      %dma_start3A = arith.constant 0 : i32
      %dma_start3A_164 = arith.constant 0 : i32
      %dma_start3A_165 = arith.constant 0 : i32
      %dma_start3A_166 = arith.constant 0 : i32
      %dma_start3A_167 = tpu.memref_slice %arg9[%dma_start3A_164, %dma_start3A_165, %dma_start3A_166] : memref<2x128x112xf32, #tpu.memory_space<vmem>> -> memref<1x128x112xf32, #tpu.memory_space<vmem>>
      %dma_start3A_168 = tpu.memref_squeeze %dma_start3A_167 : memref<1x128x112xf32, #tpu.memory_space<vmem>> -> memref<128x112xf32, #tpu.memory_space<vmem>>
      %dma_start3A_169 = arith.constant 0 : i32
      %dma_start3A_170 = tpu.memref_slice %arg7[%dma_start3A, %dma_start3A_169] : memref<40x128xi32, #tpu.memory_space<vmem>> -> memref<1x128xi32, #tpu.memory_space<vmem>>
      %dma_start3A_171 = tpu.memref_squeeze %dma_start3A_170 : memref<1x128xi32, #tpu.memory_space<vmem>> -> memref<128xi32, #tpu.memory_space<vmem>>
      %dma_start3A_172 = arith.constant 0 : i32
      %dma_start3A_173 = arith.constant 0 : i32
      %dma_start3A_174 = tpu.memref_slice %arg4[%dma_start3A_172, %dma_start3A_173] : memref<10000x112xf32, #tpu.memory_space<hbm>> -> memref<10000x112xf32, #tpu.memory_space<hbm>>
      tpu.enqueue_indirect_dma source(%dma_start3A_174 : memref<10000x112xf32, #tpu.memory_space<hbm>>) target(%dma_start3A_168 : memref<128x112xf32, #tpu.memory_space<vmem>>) offsets(%dma_start3A_171 : memref<128xi32, #tpu.memory_space<vmem>>) semaphore(%arg12 : memref<!tpu.dma_semaphore, #tpu.memory_space<semaphore_mem>>)
    } else {
    }
    %gt3A_119 = arith.constant 1 : i32
    %gt3A_120 = arith.cmpi sgt, %min3A_93, %gt3A_119 : i32
    %convert_element_type3A_121 = arith.extui %gt3A_120 : i1 to i32
    %cond3A_122 = arith.constant 0 : i32
    %cond3A_123 = arith.cmpi ne, %convert_element_type3A_121, %cond3A_122 : i32
    scf.if %cond3A_123 {
      %dma_start3A = arith.constant 1 : i32
      %dma_start3A_164 = arith.constant 1 : i32
      %dma_start3A_165 = arith.constant 0 : i32
      %dma_start3A_166 = arith.constant 0 : i32
      %dma_start3A_167 = tpu.memref_slice %arg9[%dma_start3A_164, %dma_start3A_165, %dma_start3A_166] : memref<2x128x112xf32, #tpu.memory_space<vmem>> -> memref<1x128x112xf32, #tpu.memory_space<vmem>>
      %dma_start3A_168 = tpu.memref_squeeze %dma_start3A_167 : memref<1x128x112xf32, #tpu.memory_space<vmem>> -> memref<128x112xf32, #tpu.memory_space<vmem>>
      %dma_start3A_169 = arith.constant 0 : i32
      %dma_start3A_170 = tpu.memref_slice %arg7[%dma_start3A, %dma_start3A_169] : memref<40x128xi32, #tpu.memory_space<vmem>> -> memref<1x128xi32, #tpu.memory_space<vmem>>
      %dma_start3A_171 = tpu.memref_squeeze %dma_start3A_170 : memref<1x128xi32, #tpu.memory_space<vmem>> -> memref<128xi32, #tpu.memory_space<vmem>>
      %dma_start3A_172 = arith.constant 0 : i32
      %dma_start3A_173 = arith.constant 0 : i32
      %dma_start3A_174 = tpu.memref_slice %arg4[%dma_start3A_172, %dma_start3A_173] : memref<10000x112xf32, #tpu.memory_space<hbm>> -> memref<10000x112xf32, #tpu.memory_space<hbm>>
      tpu.enqueue_indirect_dma source(%dma_start3A_174 : memref<10000x112xf32, #tpu.memory_space<hbm>>) target(%dma_start3A_168 : memref<128x112xf32, #tpu.memory_space<vmem>>) offsets(%dma_start3A_171 : memref<128xi32, #tpu.memory_space<vmem>>) semaphore(%arg12 : memref<!tpu.dma_semaphore, #tpu.memory_space<semaphore_mem>>)
    } else {
    }
    %jit3A_124 = arith.constant 2 : i32
    %div3A_125 = arith.divsi %min3A_93, %jit3A_124 : i32
    %sign3A_126 = arith.constant 0 : i32
    %sign3A_127 = arith.cmpi sgt, %min3A_93, %sign3A_126 : i32
    %sign3A_128 = arith.extui %sign3A_127 : i1 to i32
    %sign3A_129 = arith.constant 0 : i32
    %sign3A_130 = arith.cmpi slt, %min3A_93, %sign3A_129 : i32
    %sign3A_131 = arith.extui %sign3A_130 : i1 to i32
    %sign3A_132 = arith.subi %sign3A_128, %sign3A_131 : i32
    %sign3A_133 = arith.constant 0 : i32
    %sign3A_134 = arith.cmpi sgt, %jit3A_124, %sign3A_133 : i32
    %sign3A_135 = arith.extui %sign3A_134 : i1 to i32
    %sign3A_136 = arith.constant 0 : i32
    %sign3A_137 = arith.cmpi slt, %jit3A_124, %sign3A_136 : i32
    %sign3A_138 = arith.extui %sign3A_137 : i1 to i32
    %sign3A_139 = arith.subi %sign3A_135, %sign3A_138 : i32
    %ne3A_140 = arith.cmpi ne, %sign3A_132, %sign3A_139 : i32
    %rem3A_141 = arith.remsi %min3A_93, %jit3A_124 : i32
    %ne3A_142 = arith.constant 0 : i32
    %ne3A_143 = arith.cmpi ne, %rem3A_141, %ne3A_142 : i32
    %and3A_144 = arith.andi %ne3A_140, %ne3A_143 : i1
    %sub3A_145 = arith.constant 1 : i32
    %sub3A_146 = arith.subi %div3A_125, %sub3A_145 : i32
    %select_n3A_147 = arith.select %and3A_144, %sub3A_146, %div3A_125 : i32
    %while3A_148 = arith.constant 0 : i32
    %while3A_149 = arith.constant 0 : i32
    %while3A_150 = arith.subi %select_n3A_147, %while3A_149 : i32
    %while3A_151 = arith.addi %while3A_149, %while3A_150 : i32
    %while3A_152 = arith.constant 1 : i32
    %while3A_153 = arith.divsi %while3A_150, %while3A_152 : i32
    %while3A_154 = arith.muli %while3A_153, %while3A_152 : i32
    %while3A_155 = arith.addi %while3A_149, %while3A_154 : i32
    %while3A_156 = arith.constant 1 : i32
    scf.for %while3A_164 = %while3A_149 to %while3A_155 step %while3A_156  : i32 {
      %mul3A_165 = arith.constant 2 : i32
      %mul3A_166 = arith.muli %while3A_164, %mul3A_165 : i32
      %add3A_167 = arith.constant 0 : i32
      %add3A_168 = arith.addi %mul3A_166, %add3A_167 : i32
      %dma_wait3A = arith.constant 0 : i32
      %dma_wait3A_169 = arith.constant 0 : i32
      %dma_wait3A_170 = arith.constant 0 : i32
      %dma_wait3A_171 = tpu.memref_slice %arg9[%dma_wait3A, %dma_wait3A_169, %dma_wait3A_170] : memref<2x128x112xf32, #tpu.memory_space<vmem>> -> memref<1x128x112xf32, #tpu.memory_space<vmem>>
      %dma_wait3A_172 = tpu.memref_squeeze %dma_wait3A_171 : memref<1x128x112xf32, #tpu.memory_space<vmem>> -> memref<128x112xf32, #tpu.memory_space<vmem>>
      %dma_wait3A_173 = arith.constant 0 : i32
      %dma_wait3A_174 = tpu.memref_slice %arg7[%add3A_168, %dma_wait3A_173] : memref<40x128xi32, #tpu.memory_space<vmem>> -> memref<1x128xi32, #tpu.memory_space<vmem>>
      %dma_wait3A_175 = tpu.memref_squeeze %dma_wait3A_174 : memref<1x128xi32, #tpu.memory_space<vmem>> -> memref<128xi32, #tpu.memory_space<vmem>>
      %dma_wait3A_176 = arith.constant 0 : i32
      %dma_wait3A_177 = arith.constant 0 : i32
      %dma_wait3A_178 = tpu.memref_slice %arg4[%dma_wait3A_176, %dma_wait3A_177] : memref<10000x112xf32, #tpu.memory_space<hbm>> -> memref<10000x112xf32, #tpu.memory_space<hbm>>
      tpu.wait_indirect_dma semaphore(%arg12 : memref<!tpu.dma_semaphore, #tpu.memory_space<semaphore_mem>>) src(%dma_wait3A_178 : memref<10000x112xf32, #tpu.memory_space<hbm>>) dst(%dma_wait3A_172 : memref<128x112xf32, #tpu.memory_space<vmem>>)
      %run_scoped3A = arith.constant 0 : i32
      "tpu.region"() ({
        %run_scoped3A_206 = tpu.sem_alloc : memref<!tpu.dma_semaphore, #tpu.memory_space<semaphore_mem>>
        %dma_start3A = arith.constant 0 : i32
        %dma_start3A_207 = arith.constant 0 : i32
        %dma_start3A_208 = tpu.memref_slice %arg9[%run_scoped3A, %dma_start3A, %dma_start3A_207] : memref<2x128x112xf32, #tpu.memory_space<vmem>> -> memref<1x128x112xf32, #tpu.memory_space<vmem>>
        %dma_start3A_209 = tpu.memref_squeeze %dma_start3A_208 : memref<1x128x112xf32, #tpu.memory_space<vmem>> -> memref<128x112xf32, #tpu.memory_space<vmem>>
        %dma_start3A_210 = arith.constant 0 : i32
        %dma_start3A_211 = tpu.memref_slice %arg8[%add3A_168, %dma_start3A_210] : memref<40x128xi32, #tpu.memory_space<vmem>> -> memref<1x128xi32, #tpu.memory_space<vmem>>
        %dma_start3A_212 = tpu.memref_squeeze %dma_start3A_211 : memref<1x128xi32, #tpu.memory_space<vmem>> -> memref<128xi32, #tpu.memory_space<vmem>>
        %dma_start3A_213 = arith.constant 0 : i32
        %dma_start3A_214 = arith.constant 0 : i32
        %dma_start3A_215 = tpu.memref_slice %arg11[%dma_start3A_213, %dma_start3A_214] : memref<10240x112xf32, #tpu.memory_space<vmem_shared>> -> memref<10240x112xf32, #tpu.memory_space<vmem_shared>>
        tpu.enqueue_indirect_dma source(%dma_start3A_209 : memref<128x112xf32, #tpu.memory_space<vmem>>) target(%dma_start3A_215 : memref<10240x112xf32, #tpu.memory_space<vmem_shared>>) offsets(%dma_start3A_212 : memref<128xi32, #tpu.memory_space<vmem>>) semaphore(%run_scoped3A_206 : memref<!tpu.dma_semaphore, #tpu.memory_space<semaphore_mem>>) {add = true}
        %dma_wait3A_216 = arith.constant 0 : i32
        %dma_wait3A_217 = arith.constant 0 : i32
        %dma_wait3A_218 = tpu.memref_slice %arg9[%run_scoped3A, %dma_wait3A_216, %dma_wait3A_217] : memref<2x128x112xf32, #tpu.memory_space<vmem>> -> memref<1x128x112xf32, #tpu.memory_space<vmem>>
        %dma_wait3A_219 = tpu.memref_squeeze %dma_wait3A_218 : memref<1x128x112xf32, #tpu.memory_space<vmem>> -> memref<128x112xf32, #tpu.memory_space<vmem>>
        %dma_wait3A_220 = arith.constant 0 : i32
        %dma_wait3A_221 = tpu.memref_slice %arg8[%add3A_168, %dma_wait3A_220] : memref<40x128xi32, #tpu.memory_space<vmem>> -> memref<1x128xi32, #tpu.memory_space<vmem>>
        %dma_wait3A_222 = tpu.memref_squeeze %dma_wait3A_221 : memref<1x128xi32, #tpu.memory_space<vmem>> -> memref<128xi32, #tpu.memory_space<vmem>>
        %dma_wait3A_223 = arith.constant 0 : i32
        %dma_wait3A_224 = arith.constant 0 : i32
        %dma_wait3A_225 = tpu.memref_slice %arg11[%dma_wait3A_223, %dma_wait3A_224] : memref<10240x112xf32, #tpu.memory_space<vmem_shared>> -> memref<10240x112xf32, #tpu.memory_space<vmem_shared>>
        tpu.wait_indirect_dma semaphore(%run_scoped3A_206 : memref<!tpu.dma_semaphore, #tpu.memory_space<semaphore_mem>>) src(%dma_wait3A_219 : memref<128x112xf32, #tpu.memory_space<vmem>>) dst(%dma_wait3A_225 : memref<10240x112xf32, #tpu.memory_space<vmem_shared>>)
        tpu.yield
      }) : () -> ()
      %add3A_179 = arith.constant 2 : i32
      %add3A_180 = arith.addi %add3A_168, %add3A_179 : i32
      %lt3A = arith.cmpi slt, %add3A_180, %min3A_93 : i32
      %convert_element_type3A_181 = arith.extui %lt3A : i1 to i32
      %cond3A_182 = arith.constant 0 : i32
      %cond3A_183 = arith.cmpi ne, %convert_element_type3A_181, %cond3A_182 : i32
      scf.if %cond3A_183 {
        %add3A_206 = arith.constant 2 : i32
        %add3A_207 = arith.addi %add3A_168, %add3A_206 : i32
        %dma_start3A = arith.constant 0 : i32
        %dma_start3A_208 = arith.constant 0 : i32
        %dma_start3A_209 = arith.constant 0 : i32
        %dma_start3A_210 = tpu.memref_slice %arg9[%dma_start3A, %dma_start3A_208, %dma_start3A_209] : memref<2x128x112xf32, #tpu.memory_space<vmem>> -> memref<1x128x112xf32, #tpu.memory_space<vmem>>
        %dma_start3A_211 = tpu.memref_squeeze %dma_start3A_210 : memref<1x128x112xf32, #tpu.memory_space<vmem>> -> memref<128x112xf32, #tpu.memory_space<vmem>>
        %dma_start3A_212 = arith.constant 0 : i32
        %dma_start3A_213 = tpu.memref_slice %arg7[%add3A_207, %dma_start3A_212] : memref<40x128xi32, #tpu.memory_space<vmem>> -> memref<1x128xi32, #tpu.memory_space<vmem>>
        %dma_start3A_214 = tpu.memref_squeeze %dma_start3A_213 : memref<1x128xi32, #tpu.memory_space<vmem>> -> memref<128xi32, #tpu.memory_space<vmem>>
        %dma_start3A_215 = arith.constant 0 : i32
        %dma_start3A_216 = arith.constant 0 : i32
        %dma_start3A_217 = tpu.memref_slice %arg4[%dma_start3A_215, %dma_start3A_216] : memref<10000x112xf32, #tpu.memory_space<hbm>> -> memref<10000x112xf32, #tpu.memory_space<hbm>>
        tpu.enqueue_indirect_dma source(%dma_start3A_217 : memref<10000x112xf32, #tpu.memory_space<hbm>>) target(%dma_start3A_211 : memref<128x112xf32, #tpu.memory_space<vmem>>) offsets(%dma_start3A_214 : memref<128xi32, #tpu.memory_space<vmem>>) semaphore(%arg12 : memref<!tpu.dma_semaphore, #tpu.memory_space<semaphore_mem>>)
      } else {
      }
      %mul3A_184 = arith.constant 2 : i32
      %mul3A_185 = arith.muli %while3A_164, %mul3A_184 : i32
      %add3A_186 = arith.constant 1 : i32
      %add3A_187 = arith.addi %mul3A_185, %add3A_186 : i32
      %dma_wait3A_188 = arith.constant 1 : i32
      %dma_wait3A_189 = arith.constant 0 : i32
      %dma_wait3A_190 = arith.constant 0 : i32
      %dma_wait3A_191 = tpu.memref_slice %arg9[%dma_wait3A_188, %dma_wait3A_189, %dma_wait3A_190] : memref<2x128x112xf32, #tpu.memory_space<vmem>> -> memref<1x128x112xf32, #tpu.memory_space<vmem>>
      %dma_wait3A_192 = tpu.memref_squeeze %dma_wait3A_191 : memref<1x128x112xf32, #tpu.memory_space<vmem>> -> memref<128x112xf32, #tpu.memory_space<vmem>>
      %dma_wait3A_193 = arith.constant 0 : i32
      %dma_wait3A_194 = tpu.memref_slice %arg7[%add3A_187, %dma_wait3A_193] : memref<40x128xi32, #tpu.memory_space<vmem>> -> memref<1x128xi32, #tpu.memory_space<vmem>>
      %dma_wait3A_195 = tpu.memref_squeeze %dma_wait3A_194 : memref<1x128xi32, #tpu.memory_space<vmem>> -> memref<128xi32, #tpu.memory_space<vmem>>
      %dma_wait3A_196 = arith.constant 0 : i32
      %dma_wait3A_197 = arith.constant 0 : i32
      %dma_wait3A_198 = tpu.memref_slice %arg4[%dma_wait3A_196, %dma_wait3A_197] : memref<10000x112xf32, #tpu.memory_space<hbm>> -> memref<10000x112xf32, #tpu.memory_space<hbm>>
      tpu.wait_indirect_dma semaphore(%arg12 : memref<!tpu.dma_semaphore, #tpu.memory_space<semaphore_mem>>) src(%dma_wait3A_198 : memref<10000x112xf32, #tpu.memory_space<hbm>>) dst(%dma_wait3A_192 : memref<128x112xf32, #tpu.memory_space<vmem>>)
      %run_scoped3A_199 = arith.constant 1 : i32
      "tpu.region"() ({
        %run_scoped3A_206 = tpu.sem_alloc : memref<!tpu.dma_semaphore, #tpu.memory_space<semaphore_mem>>
        %dma_start3A = arith.constant 0 : i32
        %dma_start3A_207 = arith.constant 0 : i32
        %dma_start3A_208 = tpu.memref_slice %arg9[%run_scoped3A_199, %dma_start3A, %dma_start3A_207] : memref<2x128x112xf32, #tpu.memory_space<vmem>> -> memref<1x128x112xf32, #tpu.memory_space<vmem>>
        %dma_start3A_209 = tpu.memref_squeeze %dma_start3A_208 : memref<1x128x112xf32, #tpu.memory_space<vmem>> -> memref<128x112xf32, #tpu.memory_space<vmem>>
        %dma_start3A_210 = arith.constant 0 : i32
        %dma_start3A_211 = tpu.memref_slice %arg8[%add3A_187, %dma_start3A_210] : memref<40x128xi32, #tpu.memory_space<vmem>> -> memref<1x128xi32, #tpu.memory_space<vmem>>
        %dma_start3A_212 = tpu.memref_squeeze %dma_start3A_211 : memref<1x128xi32, #tpu.memory_space<vmem>> -> memref<128xi32, #tpu.memory_space<vmem>>
        %dma_start3A_213 = arith.constant 0 : i32
        %dma_start3A_214 = arith.constant 0 : i32
        %dma_start3A_215 = tpu.memref_slice %arg11[%dma_start3A_213, %dma_start3A_214] : memref<10240x112xf32, #tpu.memory_space<vmem_shared>> -> memref<10240x112xf32, #tpu.memory_space<vmem_shared>>
        tpu.enqueue_indirect_dma source(%dma_start3A_209 : memref<128x112xf32, #tpu.memory_space<vmem>>) target(%dma_start3A_215 : memref<10240x112xf32, #tpu.memory_space<vmem_shared>>) offsets(%dma_start3A_212 : memref<128xi32, #tpu.memory_space<vmem>>) semaphore(%run_scoped3A_206 : memref<!tpu.dma_semaphore, #tpu.memory_space<semaphore_mem>>) {add = true}
        %dma_wait3A_216 = arith.constant 0 : i32
        %dma_wait3A_217 = arith.constant 0 : i32
        %dma_wait3A_218 = tpu.memref_slice %arg9[%run_scoped3A_199, %dma_wait3A_216, %dma_wait3A_217] : memref<2x128x112xf32, #tpu.memory_space<vmem>> -> memref<1x128x112xf32, #tpu.memory_space<vmem>>
        %dma_wait3A_219 = tpu.memref_squeeze %dma_wait3A_218 : memref<1x128x112xf32, #tpu.memory_space<vmem>> -> memref<128x112xf32, #tpu.memory_space<vmem>>
        %dma_wait3A_220 = arith.constant 0 : i32
        %dma_wait3A_221 = tpu.memref_slice %arg8[%add3A_187, %dma_wait3A_220] : memref<40x128xi32, #tpu.memory_space<vmem>> -> memref<1x128xi32, #tpu.memory_space<vmem>>
        %dma_wait3A_222 = tpu.memref_squeeze %dma_wait3A_221 : memref<1x128xi32, #tpu.memory_space<vmem>> -> memref<128xi32, #tpu.memory_space<vmem>>
        %dma_wait3A_223 = arith.constant 0 : i32
        %dma_wait3A_224 = arith.constant 0 : i32
        %dma_wait3A_225 = tpu.memref_slice %arg11[%dma_wait3A_223, %dma_wait3A_224] : memref<10240x112xf32, #tpu.memory_space<vmem_shared>> -> memref<10240x112xf32, #tpu.memory_space<vmem_shared>>
        tpu.wait_indirect_dma semaphore(%run_scoped3A_206 : memref<!tpu.dma_semaphore, #tpu.memory_space<semaphore_mem>>) src(%dma_wait3A_219 : memref<128x112xf32, #tpu.memory_space<vmem>>) dst(%dma_wait3A_225 : memref<10240x112xf32, #tpu.memory_space<vmem_shared>>)
        tpu.yield
      }) : () -> ()
      %add3A_200 = arith.constant 2 : i32
      %add3A_201 = arith.addi %add3A_187, %add3A_200 : i32
      %lt3A_202 = arith.cmpi slt, %add3A_201, %min3A_93 : i32
      %convert_element_type3A_203 = arith.extui %lt3A_202 : i1 to i32
      %cond3A_204 = arith.constant 0 : i32
      %cond3A_205 = arith.cmpi ne, %convert_element_type3A_203, %cond3A_204 : i32
      scf.if %cond3A_205 {
        %add3A_206 = arith.constant 2 : i32
        %add3A_207 = arith.addi %add3A_187, %add3A_206 : i32
        %dma_start3A = arith.constant 1 : i32
        %dma_start3A_208 = arith.constant 0 : i32
        %dma_start3A_209 = arith.constant 0 : i32
        %dma_start3A_210 = tpu.memref_slice %arg9[%dma_start3A, %dma_start3A_208, %dma_start3A_209] : memref<2x128x112xf32, #tpu.memory_space<vmem>> -> memref<1x128x112xf32, #tpu.memory_space<vmem>>
        %dma_start3A_211 = tpu.memref_squeeze %dma_start3A_210 : memref<1x128x112xf32, #tpu.memory_space<vmem>> -> memref<128x112xf32, #tpu.memory_space<vmem>>
        %dma_start3A_212 = arith.constant 0 : i32
        %dma_start3A_213 = tpu.memref_slice %arg7[%add3A_207, %dma_start3A_212] : memref<40x128xi32, #tpu.memory_space<vmem>> -> memref<1x128xi32, #tpu.memory_space<vmem>>
        %dma_start3A_214 = tpu.memref_squeeze %dma_start3A_213 : memref<1x128xi32, #tpu.memory_space<vmem>> -> memref<128xi32, #tpu.memory_space<vmem>>
        %dma_start3A_215 = arith.constant 0 : i32
        %dma_start3A_216 = arith.constant 0 : i32
        %dma_start3A_217 = tpu.memref_slice %arg4[%dma_start3A_215, %dma_start3A_216] : memref<10000x112xf32, #tpu.memory_space<hbm>> -> memref<10000x112xf32, #tpu.memory_space<hbm>>
        tpu.enqueue_indirect_dma source(%dma_start3A_217 : memref<10000x112xf32, #tpu.memory_space<hbm>>) target(%dma_start3A_211 : memref<128x112xf32, #tpu.memory_space<vmem>>) offsets(%dma_start3A_214 : memref<128xi32, #tpu.memory_space<vmem>>) semaphore(%arg12 : memref<!tpu.dma_semaphore, #tpu.memory_space<semaphore_mem>>)
      } else {
      }
    }
    %while3A_157 = arith.constant 1 : i32
    scf.for %while3A_164 = %while3A_155 to %while3A_151 step %while3A_157  : i32 {
      %mul3A_165 = arith.constant 2 : i32
      %mul3A_166 = arith.muli %while3A_164, %mul3A_165 : i32
      %add3A_167 = arith.constant 0 : i32
      %add3A_168 = arith.addi %mul3A_166, %add3A_167 : i32
      %dma_wait3A = arith.constant 0 : i32
      %dma_wait3A_169 = arith.constant 0 : i32
      %dma_wait3A_170 = arith.constant 0 : i32
      %dma_wait3A_171 = tpu.memref_slice %arg9[%dma_wait3A, %dma_wait3A_169, %dma_wait3A_170] : memref<2x128x112xf32, #tpu.memory_space<vmem>> -> memref<1x128x112xf32, #tpu.memory_space<vmem>>
      %dma_wait3A_172 = tpu.memref_squeeze %dma_wait3A_171 : memref<1x128x112xf32, #tpu.memory_space<vmem>> -> memref<128x112xf32, #tpu.memory_space<vmem>>
      %dma_wait3A_173 = arith.constant 0 : i32
      %dma_wait3A_174 = tpu.memref_slice %arg7[%add3A_168, %dma_wait3A_173] : memref<40x128xi32, #tpu.memory_space<vmem>> -> memref<1x128xi32, #tpu.memory_space<vmem>>
      %dma_wait3A_175 = tpu.memref_squeeze %dma_wait3A_174 : memref<1x128xi32, #tpu.memory_space<vmem>> -> memref<128xi32, #tpu.memory_space<vmem>>
      %dma_wait3A_176 = arith.constant 0 : i32
      %dma_wait3A_177 = arith.constant 0 : i32
      %dma_wait3A_178 = tpu.memref_slice %arg4[%dma_wait3A_176, %dma_wait3A_177] : memref<10000x112xf32, #tpu.memory_space<hbm>> -> memref<10000x112xf32, #tpu.memory_space<hbm>>
      tpu.wait_indirect_dma semaphore(%arg12 : memref<!tpu.dma_semaphore, #tpu.memory_space<semaphore_mem>>) src(%dma_wait3A_178 : memref<10000x112xf32, #tpu.memory_space<hbm>>) dst(%dma_wait3A_172 : memref<128x112xf32, #tpu.memory_space<vmem>>)
      %run_scoped3A = arith.constant 0 : i32
      "tpu.region"() ({
        %run_scoped3A_206 = tpu.sem_alloc : memref<!tpu.dma_semaphore, #tpu.memory_space<semaphore_mem>>
        %dma_start3A = arith.constant 0 : i32
        %dma_start3A_207 = arith.constant 0 : i32
        %dma_start3A_208 = tpu.memref_slice %arg9[%run_scoped3A, %dma_start3A, %dma_start3A_207] : memref<2x128x112xf32, #tpu.memory_space<vmem>> -> memref<1x128x112xf32, #tpu.memory_space<vmem>>
        %dma_start3A_209 = tpu.memref_squeeze %dma_start3A_208 : memref<1x128x112xf32, #tpu.memory_space<vmem>> -> memref<128x112xf32, #tpu.memory_space<vmem>>
        %dma_start3A_210 = arith.constant 0 : i32
        %dma_start3A_211 = tpu.memref_slice %arg8[%add3A_168, %dma_start3A_210] : memref<40x128xi32, #tpu.memory_space<vmem>> -> memref<1x128xi32, #tpu.memory_space<vmem>>
        %dma_start3A_212 = tpu.memref_squeeze %dma_start3A_211 : memref<1x128xi32, #tpu.memory_space<vmem>> -> memref<128xi32, #tpu.memory_space<vmem>>
        %dma_start3A_213 = arith.constant 0 : i32
        %dma_start3A_214 = arith.constant 0 : i32
        %dma_start3A_215 = tpu.memref_slice %arg11[%dma_start3A_213, %dma_start3A_214] : memref<10240x112xf32, #tpu.memory_space<vmem_shared>> -> memref<10240x112xf32, #tpu.memory_space<vmem_shared>>
        tpu.enqueue_indirect_dma source(%dma_start3A_209 : memref<128x112xf32, #tpu.memory_space<vmem>>) target(%dma_start3A_215 : memref<10240x112xf32, #tpu.memory_space<vmem_shared>>) offsets(%dma_start3A_212 : memref<128xi32, #tpu.memory_space<vmem>>) semaphore(%run_scoped3A_206 : memref<!tpu.dma_semaphore, #tpu.memory_space<semaphore_mem>>) {add = true}
        %dma_wait3A_216 = arith.constant 0 : i32
        %dma_wait3A_217 = arith.constant 0 : i32
        %dma_wait3A_218 = tpu.memref_slice %arg9[%run_scoped3A, %dma_wait3A_216, %dma_wait3A_217] : memref<2x128x112xf32, #tpu.memory_space<vmem>> -> memref<1x128x112xf32, #tpu.memory_space<vmem>>
        %dma_wait3A_219 = tpu.memref_squeeze %dma_wait3A_218 : memref<1x128x112xf32, #tpu.memory_space<vmem>> -> memref<128x112xf32, #tpu.memory_space<vmem>>
        %dma_wait3A_220 = arith.constant 0 : i32
        %dma_wait3A_221 = tpu.memref_slice %arg8[%add3A_168, %dma_wait3A_220] : memref<40x128xi32, #tpu.memory_space<vmem>> -> memref<1x128xi32, #tpu.memory_space<vmem>>
        %dma_wait3A_222 = tpu.memref_squeeze %dma_wait3A_221 : memref<1x128xi32, #tpu.memory_space<vmem>> -> memref<128xi32, #tpu.memory_space<vmem>>
        %dma_wait3A_223 = arith.constant 0 : i32
        %dma_wait3A_224 = arith.constant 0 : i32
        %dma_wait3A_225 = tpu.memref_slice %arg11[%dma_wait3A_223, %dma_wait3A_224] : memref<10240x112xf32, #tpu.memory_space<vmem_shared>> -> memref<10240x112xf32, #tpu.memory_space<vmem_shared>>
        tpu.wait_indirect_dma semaphore(%run_scoped3A_206 : memref<!tpu.dma_semaphore, #tpu.memory_space<semaphore_mem>>) src(%dma_wait3A_219 : memref<128x112xf32, #tpu.memory_space<vmem>>) dst(%dma_wait3A_225 : memref<10240x112xf32, #tpu.memory_space<vmem_shared>>)
        tpu.yield
      }) : () -> ()
      %add3A_179 = arith.constant 2 : i32
      %add3A_180 = arith.addi %add3A_168, %add3A_179 : i32
      %lt3A = arith.cmpi slt, %add3A_180, %min3A_93 : i32
      %convert_element_type3A_181 = arith.extui %lt3A : i1 to i32
      %cond3A_182 = arith.constant 0 : i32
      %cond3A_183 = arith.cmpi ne, %convert_element_type3A_181, %cond3A_182 : i32
      scf.if %cond3A_183 {
        %add3A_206 = arith.constant 2 : i32
        %add3A_207 = arith.addi %add3A_168, %add3A_206 : i32
        %dma_start3A = arith.constant 0 : i32
        %dma_start3A_208 = arith.constant 0 : i32
        %dma_start3A_209 = arith.constant 0 : i32
        %dma_start3A_210 = tpu.memref_slice %arg9[%dma_start3A, %dma_start3A_208, %dma_start3A_209] : memref<2x128x112xf32, #tpu.memory_space<vmem>> -> memref<1x128x112xf32, #tpu.memory_space<vmem>>
        %dma_start3A_211 = tpu.memref_squeeze %dma_start3A_210 : memref<1x128x112xf32, #tpu.memory_space<vmem>> -> memref<128x112xf32, #tpu.memory_space<vmem>>
        %dma_start3A_212 = arith.constant 0 : i32
        %dma_start3A_213 = tpu.memref_slice %arg7[%add3A_207, %dma_start3A_212] : memref<40x128xi32, #tpu.memory_space<vmem>> -> memref<1x128xi32, #tpu.memory_space<vmem>>
        %dma_start3A_214 = tpu.memref_squeeze %dma_start3A_213 : memref<1x128xi32, #tpu.memory_space<vmem>> -> memref<128xi32, #tpu.memory_space<vmem>>
        %dma_start3A_215 = arith.constant 0 : i32
        %dma_start3A_216 = arith.constant 0 : i32
        %dma_start3A_217 = tpu.memref_slice %arg4[%dma_start3A_215, %dma_start3A_216] : memref<10000x112xf32, #tpu.memory_space<hbm>> -> memref<10000x112xf32, #tpu.memory_space<hbm>>
        tpu.enqueue_indirect_dma source(%dma_start3A_217 : memref<10000x112xf32, #tpu.memory_space<hbm>>) target(%dma_start3A_211 : memref<128x112xf32, #tpu.memory_space<vmem>>) offsets(%dma_start3A_214 : memref<128xi32, #tpu.memory_space<vmem>>) semaphore(%arg12 : memref<!tpu.dma_semaphore, #tpu.memory_space<semaphore_mem>>)
      } else {
      }
      %mul3A_184 = arith.constant 2 : i32
      %mul3A_185 = arith.muli %while3A_164, %mul3A_184 : i32
      %add3A_186 = arith.constant 1 : i32
      %add3A_187 = arith.addi %mul3A_185, %add3A_186 : i32
      %dma_wait3A_188 = arith.constant 1 : i32
      %dma_wait3A_189 = arith.constant 0 : i32
      %dma_wait3A_190 = arith.constant 0 : i32
      %dma_wait3A_191 = tpu.memref_slice %arg9[%dma_wait3A_188, %dma_wait3A_189, %dma_wait3A_190] : memref<2x128x112xf32, #tpu.memory_space<vmem>> -> memref<1x128x112xf32, #tpu.memory_space<vmem>>
      %dma_wait3A_192 = tpu.memref_squeeze %dma_wait3A_191 : memref<1x128x112xf32, #tpu.memory_space<vmem>> -> memref<128x112xf32, #tpu.memory_space<vmem>>
      %dma_wait3A_193 = arith.constant 0 : i32
      %dma_wait3A_194 = tpu.memref_slice %arg7[%add3A_187, %dma_wait3A_193] : memref<40x128xi32, #tpu.memory_space<vmem>> -> memref<1x128xi32, #tpu.memory_space<vmem>>
      %dma_wait3A_195 = tpu.memref_squeeze %dma_wait3A_194 : memref<1x128xi32, #tpu.memory_space<vmem>> -> memref<128xi32, #tpu.memory_space<vmem>>
      %dma_wait3A_196 = arith.constant 0 : i32
      %dma_wait3A_197 = arith.constant 0 : i32
      %dma_wait3A_198 = tpu.memref_slice %arg4[%dma_wait3A_196, %dma_wait3A_197] : memref<10000x112xf32, #tpu.memory_space<hbm>> -> memref<10000x112xf32, #tpu.memory_space<hbm>>
      tpu.wait_indirect_dma semaphore(%arg12 : memref<!tpu.dma_semaphore, #tpu.memory_space<semaphore_mem>>) src(%dma_wait3A_198 : memref<10000x112xf32, #tpu.memory_space<hbm>>) dst(%dma_wait3A_192 : memref<128x112xf32, #tpu.memory_space<vmem>>)
      %run_scoped3A_199 = arith.constant 1 : i32
      "tpu.region"() ({
        %run_scoped3A_206 = tpu.sem_alloc : memref<!tpu.dma_semaphore, #tpu.memory_space<semaphore_mem>>
        %dma_start3A = arith.constant 0 : i32
        %dma_start3A_207 = arith.constant 0 : i32
        %dma_start3A_208 = tpu.memref_slice %arg9[%run_scoped3A_199, %dma_start3A, %dma_start3A_207] : memref<2x128x112xf32, #tpu.memory_space<vmem>> -> memref<1x128x112xf32, #tpu.memory_space<vmem>>
        %dma_start3A_209 = tpu.memref_squeeze %dma_start3A_208 : memref<1x128x112xf32, #tpu.memory_space<vmem>> -> memref<128x112xf32, #tpu.memory_space<vmem>>
        %dma_start3A_210 = arith.constant 0 : i32
        %dma_start3A_211 = tpu.memref_slice %arg8[%add3A_187, %dma_start3A_210] : memref<40x128xi32, #tpu.memory_space<vmem>> -> memref<1x128xi32, #tpu.memory_space<vmem>>
        %dma_start3A_212 = tpu.memref_squeeze %dma_start3A_211 : memref<1x128xi32, #tpu.memory_space<vmem>> -> memref<128xi32, #tpu.memory_space<vmem>>
        %dma_start3A_213 = arith.constant 0 : i32
        %dma_start3A_214 = arith.constant 0 : i32
        %dma_start3A_215 = tpu.memref_slice %arg11[%dma_start3A_213, %dma_start3A_214] : memref<10240x112xf32, #tpu.memory_space<vmem_shared>> -> memref<10240x112xf32, #tpu.memory_space<vmem_shared>>
        tpu.enqueue_indirect_dma source(%dma_start3A_209 : memref<128x112xf32, #tpu.memory_space<vmem>>) target(%dma_start3A_215 : memref<10240x112xf32, #tpu.memory_space<vmem_shared>>) offsets(%dma_start3A_212 : memref<128xi32, #tpu.memory_space<vmem>>) semaphore(%run_scoped3A_206 : memref<!tpu.dma_semaphore, #tpu.memory_space<semaphore_mem>>) {add = true}
        %dma_wait3A_216 = arith.constant 0 : i32
        %dma_wait3A_217 = arith.constant 0 : i32
        %dma_wait3A_218 = tpu.memref_slice %arg9[%run_scoped3A_199, %dma_wait3A_216, %dma_wait3A_217] : memref<2x128x112xf32, #tpu.memory_space<vmem>> -> memref<1x128x112xf32, #tpu.memory_space<vmem>>
        %dma_wait3A_219 = tpu.memref_squeeze %dma_wait3A_218 : memref<1x128x112xf32, #tpu.memory_space<vmem>> -> memref<128x112xf32, #tpu.memory_space<vmem>>
        %dma_wait3A_220 = arith.constant 0 : i32
        %dma_wait3A_221 = tpu.memref_slice %arg8[%add3A_187, %dma_wait3A_220] : memref<40x128xi32, #tpu.memory_space<vmem>> -> memref<1x128xi32, #tpu.memory_space<vmem>>
        %dma_wait3A_222 = tpu.memref_squeeze %dma_wait3A_221 : memref<1x128xi32, #tpu.memory_space<vmem>> -> memref<128xi32, #tpu.memory_space<vmem>>
        %dma_wait3A_223 = arith.constant 0 : i32
        %dma_wait3A_224 = arith.constant 0 : i32
        %dma_wait3A_225 = tpu.memref_slice %arg11[%dma_wait3A_223, %dma_wait3A_224] : memref<10240x112xf32, #tpu.memory_space<vmem_shared>> -> memref<10240x112xf32, #tpu.memory_space<vmem_shared>>
        tpu.wait_indirect_dma semaphore(%run_scoped3A_206 : memref<!tpu.dma_semaphore, #tpu.memory_space<semaphore_mem>>) src(%dma_wait3A_219 : memref<128x112xf32, #tpu.memory_space<vmem>>) dst(%dma_wait3A_225 : memref<10240x112xf32, #tpu.memory_space<vmem_shared>>)
        tpu.yield
      }) : () -> ()
      %add3A_200 = arith.constant 2 : i32
      %add3A_201 = arith.addi %add3A_187, %add3A_200 : i32
      %lt3A_202 = arith.cmpi slt, %add3A_201, %min3A_93 : i32
      %convert_element_type3A_203 = arith.extui %lt3A_202 : i1 to i32
      %cond3A_204 = arith.constant 0 : i32
      %cond3A_205 = arith.cmpi ne, %convert_element_type3A_203, %cond3A_204 : i32
      scf.if %cond3A_205 {
        %add3A_206 = arith.constant 2 : i32
        %add3A_207 = arith.addi %add3A_187, %add3A_206 : i32
        %dma_start3A = arith.constant 1 : i32
        %dma_start3A_208 = arith.constant 0 : i32
        %dma_start3A_209 = arith.constant 0 : i32
        %dma_start3A_210 = tpu.memref_slice %arg9[%dma_start3A, %dma_start3A_208, %dma_start3A_209] : memref<2x128x112xf32, #tpu.memory_space<vmem>> -> memref<1x128x112xf32, #tpu.memory_space<vmem>>
        %dma_start3A_211 = tpu.memref_squeeze %dma_start3A_210 : memref<1x128x112xf32, #tpu.memory_space<vmem>> -> memref<128x112xf32, #tpu.memory_space<vmem>>
        %dma_start3A_212 = arith.constant 0 : i32
        %dma_start3A_213 = tpu.memref_slice %arg7[%add3A_207, %dma_start3A_212] : memref<40x128xi32, #tpu.memory_space<vmem>> -> memref<1x128xi32, #tpu.memory_space<vmem>>
        %dma_start3A_214 = tpu.memref_squeeze %dma_start3A_213 : memref<1x128xi32, #tpu.memory_space<vmem>> -> memref<128xi32, #tpu.memory_space<vmem>>
        %dma_start3A_215 = arith.constant 0 : i32
        %dma_start3A_216 = arith.constant 0 : i32
        %dma_start3A_217 = tpu.memref_slice %arg4[%dma_start3A_215, %dma_start3A_216] : memref<10000x112xf32, #tpu.memory_space<hbm>> -> memref<10000x112xf32, #tpu.memory_space<hbm>>
        tpu.enqueue_indirect_dma source(%dma_start3A_217 : memref<10000x112xf32, #tpu.memory_space<hbm>>) target(%dma_start3A_211 : memref<128x112xf32, #tpu.memory_space<vmem>>) offsets(%dma_start3A_214 : memref<128xi32, #tpu.memory_space<vmem>>) semaphore(%arg12 : memref<!tpu.dma_semaphore, #tpu.memory_space<semaphore_mem>>)
      } else {
      }
    }
    %barrier3A_158 = arith.constant 0 : index
    tpu.barrier barrier_id(%barrier3A_158)
    %gt3A_159 = arith.constant 0 : i32
    %gt3A_160 = arith.cmpi sgt, %select_n3A, %gt3A_159 : i32
    %convert_element_type3A_161 = arith.extui %gt3A_160 : i1 to i32
    %cond3A_162 = arith.constant 0 : i32
    %cond3A_163 = arith.cmpi ne, %convert_element_type3A_161, %cond3A_162 : i32
    scf.if %cond3A_163 {
      %mul3A_164 = arith.constant 5 : i32
      %mul3A_165 = arith.muli %arg1, %mul3A_164 : i32
      %add3A_166 = arith.constant 0 : i32
      %add3A_167 = arith.addi %mul3A_165, %add3A_166 : i32
      %mul3A_168 = arith.constant 128 : i32
      %mul3A_169 = arith.muli %add3A_167, %mul3A_168 : i32
      %run_scoped3A = arith.constant 0 : i32
      "tpu.region"() ({
        %run_scoped3A_203 = tpu.sem_alloc : memref<!tpu.dma_semaphore, #tpu.memory_space<semaphore_mem>>
        %dma_start3A = arith.constant 0 : i32
        %dma_start3A_204 = arith.constant 0 : i32
        %dma_start3A_205 = tpu.memref_slice %arg9[%run_scoped3A, %dma_start3A, %dma_start3A_204] : memref<2x128x112xf32, #tpu.memory_space<vmem>> -> memref<1x128x112xf32, #tpu.memory_space<vmem>>
        %dma_start3A_206 = tpu.memref_squeeze %dma_start3A_205 : memref<1x128x112xf32, #tpu.memory_space<vmem>> -> memref<128x112xf32, #tpu.memory_space<vmem>>
        %dma_start3A_207 = arith.constant 0 : i32
        %dma_start3A_208 = tpu.memref_slice %arg11[%mul3A_169, %dma_start3A_207] : memref<10240x112xf32, #tpu.memory_space<vmem_shared>> -> memref<128x112xf32, #tpu.memory_space<vmem_shared>>
        %dma_start3A_209 = arith.constant 0 : i32
        %dma_start3A_210 = arith.constant 0 : i32
        %dma_start3A_211 = tpu.memref_slice %arg9[%run_scoped3A, %dma_start3A_209, %dma_start3A_210] : memref<2x128x112xf32, #tpu.memory_space<vmem>> -> memref<1x128x112xf32, #tpu.memory_space<vmem>>
        %dma_start3A_212 = tpu.memref_squeeze %dma_start3A_211 : memref<1x128x112xf32, #tpu.memory_space<vmem>> -> memref<128x112xf32, #tpu.memory_space<vmem>>
        %dma_start3A_213 = arith.constant 0 : i32
        %dma_start3A_214 = tpu.memref_slice %arg11[%mul3A_169, %dma_start3A_213] : memref<10240x112xf32, #tpu.memory_space<vmem_shared>> -> memref<128x112xf32, #tpu.memory_space<vmem_shared>>
        tpu.enqueue_dma source(%dma_start3A_214 : memref<128x112xf32, #tpu.memory_space<vmem_shared>>) target(%dma_start3A_212 : memref<128x112xf32, #tpu.memory_space<vmem>>) target_semaphore(%run_scoped3A_203 : memref<!tpu.dma_semaphore, #tpu.memory_space<semaphore_mem>>)
        %dma_wait3A = arith.constant 0 : i32
        %dma_wait3A_215 = arith.constant 0 : i32
        %dma_wait3A_216 = tpu.memref_slice %arg9[%run_scoped3A, %dma_wait3A, %dma_wait3A_215] : memref<2x128x112xf32, #tpu.memory_space<vmem>> -> memref<1x128x112xf32, #tpu.memory_space<vmem>>
        %dma_wait3A_217 = tpu.memref_squeeze %dma_wait3A_216 : memref<1x128x112xf32, #tpu.memory_space<vmem>> -> memref<128x112xf32, #tpu.memory_space<vmem>>
        %dma_wait3A_218 = arith.constant 0 : i32
        %dma_wait3A_219 = tpu.memref_slice %arg11[%mul3A_169, %dma_wait3A_218] : memref<10240x112xf32, #tpu.memory_space<vmem_shared>> -> memref<128x112xf32, #tpu.memory_space<vmem_shared>>
        %dma_wait3A_220 = arith.constant 0 : i32
        %dma_wait3A_221 = arith.constant 0 : i32
        %dma_wait3A_222 = tpu.memref_slice %arg9[%run_scoped3A, %dma_wait3A_220, %dma_wait3A_221] : memref<2x128x112xf32, #tpu.memory_space<vmem>> -> memref<1x128x112xf32, #tpu.memory_space<vmem>>
        %dma_wait3A_223 = tpu.memref_squeeze %dma_wait3A_222 : memref<1x128x112xf32, #tpu.memory_space<vmem>> -> memref<128x112xf32, #tpu.memory_space<vmem>>
        %dma_wait3A_224 = arith.constant 0 : i32
        %dma_wait3A_225 = tpu.memref_slice %arg11[%mul3A_169, %dma_wait3A_224] : memref<10240x112xf32, #tpu.memory_space<vmem_shared>> -> memref<128x112xf32, #tpu.memory_space<vmem_shared>>
        tpu.wait_dma2 semaphore(%run_scoped3A_203 : memref<!tpu.dma_semaphore, #tpu.memory_space<semaphore_mem>>) src(%dma_wait3A_225 : memref<128x112xf32, #tpu.memory_space<vmem_shared>>) dst(%dma_wait3A_223 : memref<128x112xf32, #tpu.memory_space<vmem>>)
        tpu.yield
      }) : () -> ()
      %run_scoped3A_170 = arith.constant 0 : i32
      "tpu.region"() ({
        %run_scoped3A_203 = tpu.sem_alloc : memref<!tpu.dma_semaphore, #tpu.memory_space<semaphore_mem>>
        %dma_start3A = arith.constant 0 : i32
        %dma_start3A_204 = arith.constant 0 : i32
        %dma_start3A_205 = tpu.memref_slice %arg9[%run_scoped3A_170, %dma_start3A, %dma_start3A_204] : memref<2x128x112xf32, #tpu.memory_space<vmem>> -> memref<1x128x112xf32, #tpu.memory_space<vmem>>
        %dma_start3A_206 = tpu.memref_squeeze %dma_start3A_205 : memref<1x128x112xf32, #tpu.memory_space<vmem>> -> memref<128x112xf32, #tpu.memory_space<vmem>>
        %dma_start3A_207 = arith.constant 0 : i32
        %dma_start3A_208 = tpu.memref_slice %arg6[%arg0, %mul3A_169, %dma_start3A_207] : memref<2x10240x112xf32, #tpu.memory_space<hbm>> -> memref<1x128x112xf32, #tpu.memory_space<hbm>>
        %dma_start3A_209 = tpu.memref_squeeze %dma_start3A_208 : memref<1x128x112xf32, #tpu.memory_space<hbm>> -> memref<128x112xf32, #tpu.memory_space<hbm>>
        %dma_start3A_210 = arith.constant 0 : i32
        %dma_start3A_211 = tpu.memref_slice %arg6[%arg0, %mul3A_169, %dma_start3A_210] : memref<2x10240x112xf32, #tpu.memory_space<hbm>> -> memref<1x128x112xf32, #tpu.memory_space<hbm>>
        %dma_start3A_212 = tpu.memref_squeeze %dma_start3A_211 : memref<1x128x112xf32, #tpu.memory_space<hbm>> -> memref<128x112xf32, #tpu.memory_space<hbm>>
        %dma_start3A_213 = arith.constant 0 : i32
        %dma_start3A_214 = arith.constant 0 : i32
        %dma_start3A_215 = tpu.memref_slice %arg9[%run_scoped3A_170, %dma_start3A_213, %dma_start3A_214] : memref<2x128x112xf32, #tpu.memory_space<vmem>> -> memref<1x128x112xf32, #tpu.memory_space<vmem>>
        %dma_start3A_216 = tpu.memref_squeeze %dma_start3A_215 : memref<1x128x112xf32, #tpu.memory_space<vmem>> -> memref<128x112xf32, #tpu.memory_space<vmem>>
        tpu.enqueue_dma source(%dma_start3A_216 : memref<128x112xf32, #tpu.memory_space<vmem>>) target(%dma_start3A_212 : memref<128x112xf32, #tpu.memory_space<hbm>>) target_semaphore(%run_scoped3A_203 : memref<!tpu.dma_semaphore, #tpu.memory_space<semaphore_mem>>)
        %dma_wait3A = arith.constant 0 : i32
        %dma_wait3A_217 = arith.constant 0 : i32
        %dma_wait3A_218 = tpu.memref_slice %arg9[%run_scoped3A_170, %dma_wait3A, %dma_wait3A_217] : memref<2x128x112xf32, #tpu.memory_space<vmem>> -> memref<1x128x112xf32, #tpu.memory_space<vmem>>
        %dma_wait3A_219 = tpu.memref_squeeze %dma_wait3A_218 : memref<1x128x112xf32, #tpu.memory_space<vmem>> -> memref<128x112xf32, #tpu.memory_space<vmem>>
        %dma_wait3A_220 = arith.constant 0 : i32
        %dma_wait3A_221 = tpu.memref_slice %arg6[%arg0, %mul3A_169, %dma_wait3A_220] : memref<2x10240x112xf32, #tpu.memory_space<hbm>> -> memref<1x128x112xf32, #tpu.memory_space<hbm>>
        %dma_wait3A_222 = tpu.memref_squeeze %dma_wait3A_221 : memref<1x128x112xf32, #tpu.memory_space<hbm>> -> memref<128x112xf32, #tpu.memory_space<hbm>>
        %dma_wait3A_223 = arith.constant 0 : i32
        %dma_wait3A_224 = tpu.memref_slice %arg6[%arg0, %mul3A_169, %dma_wait3A_223] : memref<2x10240x112xf32, #tpu.memory_space<hbm>> -> memref<1x128x112xf32, #tpu.memory_space<hbm>>
        %dma_wait3A_225 = tpu.memref_squeeze %dma_wait3A_224 : memref<1x128x112xf32, #tpu.memory_space<hbm>> -> memref<128x112xf32, #tpu.memory_space<hbm>>
        %dma_wait3A_226 = arith.constant 0 : i32
        %dma_wait3A_227 = arith.constant 0 : i32
        %dma_wait3A_228 = tpu.memref_slice %arg9[%run_scoped3A_170, %dma_wait3A_226, %dma_wait3A_227] : memref<2x128x112xf32, #tpu.memory_space<vmem>> -> memref<1x128x112xf32, #tpu.memory_space<vmem>>
        %dma_wait3A_229 = tpu.memref_squeeze %dma_wait3A_228 : memref<1x128x112xf32, #tpu.memory_space<vmem>> -> memref<128x112xf32, #tpu.memory_space<vmem>>
        tpu.wait_dma2 semaphore(%run_scoped3A_203 : memref<!tpu.dma_semaphore, #tpu.memory_space<semaphore_mem>>) src(%dma_wait3A_229 : memref<128x112xf32, #tpu.memory_space<vmem>>) dst(%dma_wait3A_225 : memref<128x112xf32, #tpu.memory_space<hbm>>)
        tpu.yield
      }) : () -> ()
      %mul3A_171 = arith.constant 5 : i32
      %mul3A_172 = arith.muli %arg1, %mul3A_171 : i32
      %add3A_173 = arith.constant 1 : i32
      %add3A_174 = arith.addi %mul3A_172, %add3A_173 : i32
      %mul3A_175 = arith.constant 128 : i32
      %mul3A_176 = arith.muli %add3A_174, %mul3A_175 : i32
      %run_scoped3A_177 = arith.constant 0 : i32
      "tpu.region"() ({
        %run_scoped3A_203 = tpu.sem_alloc : memref<!tpu.dma_semaphore, #tpu.memory_space<semaphore_mem>>
        %dma_start3A = arith.constant 0 : i32
        %dma_start3A_204 = arith.constant 0 : i32
        %dma_start3A_205 = tpu.memref_slice %arg9[%run_scoped3A_177, %dma_start3A, %dma_start3A_204] : memref<2x128x112xf32, #tpu.memory_space<vmem>> -> memref<1x128x112xf32, #tpu.memory_space<vmem>>
        %dma_start3A_206 = tpu.memref_squeeze %dma_start3A_205 : memref<1x128x112xf32, #tpu.memory_space<vmem>> -> memref<128x112xf32, #tpu.memory_space<vmem>>
        %dma_start3A_207 = arith.constant 0 : i32
        %dma_start3A_208 = tpu.memref_slice %arg11[%mul3A_176, %dma_start3A_207] : memref<10240x112xf32, #tpu.memory_space<vmem_shared>> -> memref<128x112xf32, #tpu.memory_space<vmem_shared>>
        %dma_start3A_209 = arith.constant 0 : i32
        %dma_start3A_210 = arith.constant 0 : i32
        %dma_start3A_211 = tpu.memref_slice %arg9[%run_scoped3A_177, %dma_start3A_209, %dma_start3A_210] : memref<2x128x112xf32, #tpu.memory_space<vmem>> -> memref<1x128x112xf32, #tpu.memory_space<vmem>>
        %dma_start3A_212 = tpu.memref_squeeze %dma_start3A_211 : memref<1x128x112xf32, #tpu.memory_space<vmem>> -> memref<128x112xf32, #tpu.memory_space<vmem>>
        %dma_start3A_213 = arith.constant 0 : i32
        %dma_start3A_214 = tpu.memref_slice %arg11[%mul3A_176, %dma_start3A_213] : memref<10240x112xf32, #tpu.memory_space<vmem_shared>> -> memref<128x112xf32, #tpu.memory_space<vmem_shared>>
        tpu.enqueue_dma source(%dma_start3A_214 : memref<128x112xf32, #tpu.memory_space<vmem_shared>>) target(%dma_start3A_212 : memref<128x112xf32, #tpu.memory_space<vmem>>) target_semaphore(%run_scoped3A_203 : memref<!tpu.dma_semaphore, #tpu.memory_space<semaphore_mem>>)
        %dma_wait3A = arith.constant 0 : i32
        %dma_wait3A_215 = arith.constant 0 : i32
        %dma_wait3A_216 = tpu.memref_slice %arg9[%run_scoped3A_177, %dma_wait3A, %dma_wait3A_215] : memref<2x128x112xf32, #tpu.memory_space<vmem>> -> memref<1x128x112xf32, #tpu.memory_space<vmem>>
        %dma_wait3A_217 = tpu.memref_squeeze %dma_wait3A_216 : memref<1x128x112xf32, #tpu.memory_space<vmem>> -> memref<128x112xf32, #tpu.memory_space<vmem>>
        %dma_wait3A_218 = arith.constant 0 : i32
        %dma_wait3A_219 = tpu.memref_slice %arg11[%mul3A_176, %dma_wait3A_218] : memref<10240x112xf32, #tpu.memory_space<vmem_shared>> -> memref<128x112xf32, #tpu.memory_space<vmem_shared>>
        %dma_wait3A_220 = arith.constant 0 : i32
        %dma_wait3A_221 = arith.constant 0 : i32
        %dma_wait3A_222 = tpu.memref_slice %arg9[%run_scoped3A_177, %dma_wait3A_220, %dma_wait3A_221] : memref<2x128x112xf32, #tpu.memory_space<vmem>> -> memref<1x128x112xf32, #tpu.memory_space<vmem>>
        %dma_wait3A_223 = tpu.memref_squeeze %dma_wait3A_222 : memref<1x128x112xf32, #tpu.memory_space<vmem>> -> memref<128x112xf32, #tpu.memory_space<vmem>>
        %dma_wait3A_224 = arith.constant 0 : i32
        %dma_wait3A_225 = tpu.memref_slice %arg11[%mul3A_176, %dma_wait3A_224] : memref<10240x112xf32, #tpu.memory_space<vmem_shared>> -> memref<128x112xf32, #tpu.memory_space<vmem_shared>>
        tpu.wait_dma2 semaphore(%run_scoped3A_203 : memref<!tpu.dma_semaphore, #tpu.memory_space<semaphore_mem>>) src(%dma_wait3A_225 : memref<128x112xf32, #tpu.memory_space<vmem_shared>>) dst(%dma_wait3A_223 : memref<128x112xf32, #tpu.memory_space<vmem>>)
        tpu.yield
      }) : () -> ()
      %run_scoped3A_178 = arith.constant 0 : i32
      "tpu.region"() ({
        %run_scoped3A_203 = tpu.sem_alloc : memref<!tpu.dma_semaphore, #tpu.memory_space<semaphore_mem>>
        %dma_start3A = arith.constant 0 : i32
        %dma_start3A_204 = arith.constant 0 : i32
        %dma_start3A_205 = tpu.memref_slice %arg9[%run_scoped3A_178, %dma_start3A, %dma_start3A_204] : memref<2x128x112xf32, #tpu.memory_space<vmem>> -> memref<1x128x112xf32, #tpu.memory_space<vmem>>
        %dma_start3A_206 = tpu.memref_squeeze %dma_start3A_205 : memref<1x128x112xf32, #tpu.memory_space<vmem>> -> memref<128x112xf32, #tpu.memory_space<vmem>>
        %dma_start3A_207 = arith.constant 0 : i32
        %dma_start3A_208 = tpu.memref_slice %arg6[%arg0, %mul3A_176, %dma_start3A_207] : memref<2x10240x112xf32, #tpu.memory_space<hbm>> -> memref<1x128x112xf32, #tpu.memory_space<hbm>>
        %dma_start3A_209 = tpu.memref_squeeze %dma_start3A_208 : memref<1x128x112xf32, #tpu.memory_space<hbm>> -> memref<128x112xf32, #tpu.memory_space<hbm>>
        %dma_start3A_210 = arith.constant 0 : i32
        %dma_start3A_211 = tpu.memref_slice %arg6[%arg0, %mul3A_176, %dma_start3A_210] : memref<2x10240x112xf32, #tpu.memory_space<hbm>> -> memref<1x128x112xf32, #tpu.memory_space<hbm>>
        %dma_start3A_212 = tpu.memref_squeeze %dma_start3A_211 : memref<1x128x112xf32, #tpu.memory_space<hbm>> -> memref<128x112xf32, #tpu.memory_space<hbm>>
        %dma_start3A_213 = arith.constant 0 : i32
        %dma_start3A_214 = arith.constant 0 : i32
        %dma_start3A_215 = tpu.memref_slice %arg9[%run_scoped3A_178, %dma_start3A_213, %dma_start3A_214] : memref<2x128x112xf32, #tpu.memory_space<vmem>> -> memref<1x128x112xf32, #tpu.memory_space<vmem>>
        %dma_start3A_216 = tpu.memref_squeeze %dma_start3A_215 : memref<1x128x112xf32, #tpu.memory_space<vmem>> -> memref<128x112xf32, #tpu.memory_space<vmem>>
        tpu.enqueue_dma source(%dma_start3A_216 : memref<128x112xf32, #tpu.memory_space<vmem>>) target(%dma_start3A_212 : memref<128x112xf32, #tpu.memory_space<hbm>>) target_semaphore(%run_scoped3A_203 : memref<!tpu.dma_semaphore, #tpu.memory_space<semaphore_mem>>)
        %dma_wait3A = arith.constant 0 : i32
        %dma_wait3A_217 = arith.constant 0 : i32
        %dma_wait3A_218 = tpu.memref_slice %arg9[%run_scoped3A_178, %dma_wait3A, %dma_wait3A_217] : memref<2x128x112xf32, #tpu.memory_space<vmem>> -> memref<1x128x112xf32, #tpu.memory_space<vmem>>
        %dma_wait3A_219 = tpu.memref_squeeze %dma_wait3A_218 : memref<1x128x112xf32, #tpu.memory_space<vmem>> -> memref<128x112xf32, #tpu.memory_space<vmem>>
        %dma_wait3A_220 = arith.constant 0 : i32
        %dma_wait3A_221 = tpu.memref_slice %arg6[%arg0, %mul3A_176, %dma_wait3A_220] : memref<2x10240x112xf32, #tpu.memory_space<hbm>> -> memref<1x128x112xf32, #tpu.memory_space<hbm>>
        %dma_wait3A_222 = tpu.memref_squeeze %dma_wait3A_221 : memref<1x128x112xf32, #tpu.memory_space<hbm>> -> memref<128x112xf32, #tpu.memory_space<hbm>>
        %dma_wait3A_223 = arith.constant 0 : i32
        %dma_wait3A_224 = tpu.memref_slice %arg6[%arg0, %mul3A_176, %dma_wait3A_223] : memref<2x10240x112xf32, #tpu.memory_space<hbm>> -> memref<1x128x112xf32, #tpu.memory_space<hbm>>
        %dma_wait3A_225 = tpu.memref_squeeze %dma_wait3A_224 : memref<1x128x112xf32, #tpu.memory_space<hbm>> -> memref<128x112xf32, #tpu.memory_space<hbm>>
        %dma_wait3A_226 = arith.constant 0 : i32
        %dma_wait3A_227 = arith.constant 0 : i32
        %dma_wait3A_228 = tpu.memref_slice %arg9[%run_scoped3A_178, %dma_wait3A_226, %dma_wait3A_227] : memref<2x128x112xf32, #tpu.memory_space<vmem>> -> memref<1x128x112xf32, #tpu.memory_space<vmem>>
        %dma_wait3A_229 = tpu.memref_squeeze %dma_wait3A_228 : memref<1x128x112xf32, #tpu.memory_space<vmem>> -> memref<128x112xf32, #tpu.memory_space<vmem>>
        tpu.wait_dma2 semaphore(%run_scoped3A_203 : memref<!tpu.dma_semaphore, #tpu.memory_space<semaphore_mem>>) src(%dma_wait3A_229 : memref<128x112xf32, #tpu.memory_space<vmem>>) dst(%dma_wait3A_225 : memref<128x112xf32, #tpu.memory_space<hbm>>)
        tpu.yield
      }) : () -> ()
      %mul3A_179 = arith.constant 5 : i32
      %mul3A_180 = arith.muli %arg1, %mul3A_179 : i32
      %add3A_181 = arith.constant 2 : i32
      %add3A_182 = arith.addi %mul3A_180, %add3A_181 : i32
      %mul3A_183 = arith.constant 128 : i32
      %mul3A_184 = arith.muli %add3A_182, %mul3A_183 : i32
      %run_scoped3A_185 = arith.constant 0 : i32
      "tpu.region"() ({
        %run_scoped3A_203 = tpu.sem_alloc : memref<!tpu.dma_semaphore, #tpu.memory_space<semaphore_mem>>
        %dma_start3A = arith.constant 0 : i32
        %dma_start3A_204 = arith.constant 0 : i32
        %dma_start3A_205 = tpu.memref_slice %arg9[%run_scoped3A_185, %dma_start3A, %dma_start3A_204] : memref<2x128x112xf32, #tpu.memory_space<vmem>> -> memref<1x128x112xf32, #tpu.memory_space<vmem>>
        %dma_start3A_206 = tpu.memref_squeeze %dma_start3A_205 : memref<1x128x112xf32, #tpu.memory_space<vmem>> -> memref<128x112xf32, #tpu.memory_space<vmem>>
        %dma_start3A_207 = arith.constant 0 : i32
        %dma_start3A_208 = tpu.memref_slice %arg11[%mul3A_184, %dma_start3A_207] : memref<10240x112xf32, #tpu.memory_space<vmem_shared>> -> memref<128x112xf32, #tpu.memory_space<vmem_shared>>
        %dma_start3A_209 = arith.constant 0 : i32
        %dma_start3A_210 = arith.constant 0 : i32
        %dma_start3A_211 = tpu.memref_slice %arg9[%run_scoped3A_185, %dma_start3A_209, %dma_start3A_210] : memref<2x128x112xf32, #tpu.memory_space<vmem>> -> memref<1x128x112xf32, #tpu.memory_space<vmem>>
        %dma_start3A_212 = tpu.memref_squeeze %dma_start3A_211 : memref<1x128x112xf32, #tpu.memory_space<vmem>> -> memref<128x112xf32, #tpu.memory_space<vmem>>
        %dma_start3A_213 = arith.constant 0 : i32
        %dma_start3A_214 = tpu.memref_slice %arg11[%mul3A_184, %dma_start3A_213] : memref<10240x112xf32, #tpu.memory_space<vmem_shared>> -> memref<128x112xf32, #tpu.memory_space<vmem_shared>>
        tpu.enqueue_dma source(%dma_start3A_214 : memref<128x112xf32, #tpu.memory_space<vmem_shared>>) target(%dma_start3A_212 : memref<128x112xf32, #tpu.memory_space<vmem>>) target_semaphore(%run_scoped3A_203 : memref<!tpu.dma_semaphore, #tpu.memory_space<semaphore_mem>>)
        %dma_wait3A = arith.constant 0 : i32
        %dma_wait3A_215 = arith.constant 0 : i32
        %dma_wait3A_216 = tpu.memref_slice %arg9[%run_scoped3A_185, %dma_wait3A, %dma_wait3A_215] : memref<2x128x112xf32, #tpu.memory_space<vmem>> -> memref<1x128x112xf32, #tpu.memory_space<vmem>>
        %dma_wait3A_217 = tpu.memref_squeeze %dma_wait3A_216 : memref<1x128x112xf32, #tpu.memory_space<vmem>> -> memref<128x112xf32, #tpu.memory_space<vmem>>
        %dma_wait3A_218 = arith.constant 0 : i32
        %dma_wait3A_219 = tpu.memref_slice %arg11[%mul3A_184, %dma_wait3A_218] : memref<10240x112xf32, #tpu.memory_space<vmem_shared>> -> memref<128x112xf32, #tpu.memory_space<vmem_shared>>
        %dma_wait3A_220 = arith.constant 0 : i32
        %dma_wait3A_221 = arith.constant 0 : i32
        %dma_wait3A_222 = tpu.memref_slice %arg9[%run_scoped3A_185, %dma_wait3A_220, %dma_wait3A_221] : memref<2x128x112xf32, #tpu.memory_space<vmem>> -> memref<1x128x112xf32, #tpu.memory_space<vmem>>
        %dma_wait3A_223 = tpu.memref_squeeze %dma_wait3A_222 : memref<1x128x112xf32, #tpu.memory_space<vmem>> -> memref<128x112xf32, #tpu.memory_space<vmem>>
        %dma_wait3A_224 = arith.constant 0 : i32
        %dma_wait3A_225 = tpu.memref_slice %arg11[%mul3A_184, %dma_wait3A_224] : memref<10240x112xf32, #tpu.memory_space<vmem_shared>> -> memref<128x112xf32, #tpu.memory_space<vmem_shared>>
        tpu.wait_dma2 semaphore(%run_scoped3A_203 : memref<!tpu.dma_semaphore, #tpu.memory_space<semaphore_mem>>) src(%dma_wait3A_225 : memref<128x112xf32, #tpu.memory_space<vmem_shared>>) dst(%dma_wait3A_223 : memref<128x112xf32, #tpu.memory_space<vmem>>)
        tpu.yield
      }) : () -> ()
      %run_scoped3A_186 = arith.constant 0 : i32
      "tpu.region"() ({
        %run_scoped3A_203 = tpu.sem_alloc : memref<!tpu.dma_semaphore, #tpu.memory_space<semaphore_mem>>
        %dma_start3A = arith.constant 0 : i32
        %dma_start3A_204 = arith.constant 0 : i32
        %dma_start3A_205 = tpu.memref_slice %arg9[%run_scoped3A_186, %dma_start3A, %dma_start3A_204] : memref<2x128x112xf32, #tpu.memory_space<vmem>> -> memref<1x128x112xf32, #tpu.memory_space<vmem>>
        %dma_start3A_206 = tpu.memref_squeeze %dma_start3A_205 : memref<1x128x112xf32, #tpu.memory_space<vmem>> -> memref<128x112xf32, #tpu.memory_space<vmem>>
        %dma_start3A_207 = arith.constant 0 : i32
        %dma_start3A_208 = tpu.memref_slice %arg6[%arg0, %mul3A_184, %dma_start3A_207] : memref<2x10240x112xf32, #tpu.memory_space<hbm>> -> memref<1x128x112xf32, #tpu.memory_space<hbm>>
        %dma_start3A_209 = tpu.memref_squeeze %dma_start3A_208 : memref<1x128x112xf32, #tpu.memory_space<hbm>> -> memref<128x112xf32, #tpu.memory_space<hbm>>
        %dma_start3A_210 = arith.constant 0 : i32
        %dma_start3A_211 = tpu.memref_slice %arg6[%arg0, %mul3A_184, %dma_start3A_210] : memref<2x10240x112xf32, #tpu.memory_space<hbm>> -> memref<1x128x112xf32, #tpu.memory_space<hbm>>
        %dma_start3A_212 = tpu.memref_squeeze %dma_start3A_211 : memref<1x128x112xf32, #tpu.memory_space<hbm>> -> memref<128x112xf32, #tpu.memory_space<hbm>>
        %dma_start3A_213 = arith.constant 0 : i32
        %dma_start3A_214 = arith.constant 0 : i32
        %dma_start3A_215 = tpu.memref_slice %arg9[%run_scoped3A_186, %dma_start3A_213, %dma_start3A_214] : memref<2x128x112xf32, #tpu.memory_space<vmem>> -> memref<1x128x112xf32, #tpu.memory_space<vmem>>
        %dma_start3A_216 = tpu.memref_squeeze %dma_start3A_215 : memref<1x128x112xf32, #tpu.memory_space<vmem>> -> memref<128x112xf32, #tpu.memory_space<vmem>>
        tpu.enqueue_dma source(%dma_start3A_216 : memref<128x112xf32, #tpu.memory_space<vmem>>) target(%dma_start3A_212 : memref<128x112xf32, #tpu.memory_space<hbm>>) target_semaphore(%run_scoped3A_203 : memref<!tpu.dma_semaphore, #tpu.memory_space<semaphore_mem>>)
        %dma_wait3A = arith.constant 0 : i32
        %dma_wait3A_217 = arith.constant 0 : i32
        %dma_wait3A_218 = tpu.memref_slice %arg9[%run_scoped3A_186, %dma_wait3A, %dma_wait3A_217] : memref<2x128x112xf32, #tpu.memory_space<vmem>> -> memref<1x128x112xf32, #tpu.memory_space<vmem>>
        %dma_wait3A_219 = tpu.memref_squeeze %dma_wait3A_218 : memref<1x128x112xf32, #tpu.memory_space<vmem>> -> memref<128x112xf32, #tpu.memory_space<vmem>>
        %dma_wait3A_220 = arith.constant 0 : i32
        %dma_wait3A_221 = tpu.memref_slice %arg6[%arg0, %mul3A_184, %dma_wait3A_220] : memref<2x10240x112xf32, #tpu.memory_space<hbm>> -> memref<1x128x112xf32, #tpu.memory_space<hbm>>
        %dma_wait3A_222 = tpu.memref_squeeze %dma_wait3A_221 : memref<1x128x112xf32, #tpu.memory_space<hbm>> -> memref<128x112xf32, #tpu.memory_space<hbm>>
        %dma_wait3A_223 = arith.constant 0 : i32
        %dma_wait3A_224 = tpu.memref_slice %arg6[%arg0, %mul3A_184, %dma_wait3A_223] : memref<2x10240x112xf32, #tpu.memory_space<hbm>> -> memref<1x128x112xf32, #tpu.memory_space<hbm>>
        %dma_wait3A_225 = tpu.memref_squeeze %dma_wait3A_224 : memref<1x128x112xf32, #tpu.memory_space<hbm>> -> memref<128x112xf32, #tpu.memory_space<hbm>>
        %dma_wait3A_226 = arith.constant 0 : i32
        %dma_wait3A_227 = arith.constant 0 : i32
        %dma_wait3A_228 = tpu.memref_slice %arg9[%run_scoped3A_186, %dma_wait3A_226, %dma_wait3A_227] : memref<2x128x112xf32, #tpu.memory_space<vmem>> -> memref<1x128x112xf32, #tpu.memory_space<vmem>>
        %dma_wait3A_229 = tpu.memref_squeeze %dma_wait3A_228 : memref<1x128x112xf32, #tpu.memory_space<vmem>> -> memref<128x112xf32, #tpu.memory_space<vmem>>
        tpu.wait_dma2 semaphore(%run_scoped3A_203 : memref<!tpu.dma_semaphore, #tpu.memory_space<semaphore_mem>>) src(%dma_wait3A_229 : memref<128x112xf32, #tpu.memory_space<vmem>>) dst(%dma_wait3A_225 : memref<128x112xf32, #tpu.memory_space<hbm>>)
        tpu.yield
      }) : () -> ()
      %mul3A_187 = arith.constant 5 : i32
      %mul3A_188 = arith.muli %arg1, %mul3A_187 : i32
      %add3A_189 = arith.constant 3 : i32
      %add3A_190 = arith.addi %mul3A_188, %add3A_189 : i32
      %mul3A_191 = arith.constant 128 : i32
      %mul3A_192 = arith.muli %add3A_190, %mul3A_191 : i32
      %run_scoped3A_193 = arith.constant 0 : i32
      "tpu.region"() ({
        %run_scoped3A_203 = tpu.sem_alloc : memref<!tpu.dma_semaphore, #tpu.memory_space<semaphore_mem>>
        %dma_start3A = arith.constant 0 : i32
        %dma_start3A_204 = arith.constant 0 : i32
        %dma_start3A_205 = tpu.memref_slice %arg9[%run_scoped3A_193, %dma_start3A, %dma_start3A_204] : memref<2x128x112xf32, #tpu.memory_space<vmem>> -> memref<1x128x112xf32, #tpu.memory_space<vmem>>
        %dma_start3A_206 = tpu.memref_squeeze %dma_start3A_205 : memref<1x128x112xf32, #tpu.memory_space<vmem>> -> memref<128x112xf32, #tpu.memory_space<vmem>>
        %dma_start3A_207 = arith.constant 0 : i32
        %dma_start3A_208 = tpu.memref_slice %arg11[%mul3A_192, %dma_start3A_207] : memref<10240x112xf32, #tpu.memory_space<vmem_shared>> -> memref<128x112xf32, #tpu.memory_space<vmem_shared>>
        %dma_start3A_209 = arith.constant 0 : i32
        %dma_start3A_210 = arith.constant 0 : i32
        %dma_start3A_211 = tpu.memref_slice %arg9[%run_scoped3A_193, %dma_start3A_209, %dma_start3A_210] : memref<2x128x112xf32, #tpu.memory_space<vmem>> -> memref<1x128x112xf32, #tpu.memory_space<vmem>>
        %dma_start3A_212 = tpu.memref_squeeze %dma_start3A_211 : memref<1x128x112xf32, #tpu.memory_space<vmem>> -> memref<128x112xf32, #tpu.memory_space<vmem>>
        %dma_start3A_213 = arith.constant 0 : i32
        %dma_start3A_214 = tpu.memref_slice %arg11[%mul3A_192, %dma_start3A_213] : memref<10240x112xf32, #tpu.memory_space<vmem_shared>> -> memref<128x112xf32, #tpu.memory_space<vmem_shared>>
        tpu.enqueue_dma source(%dma_start3A_214 : memref<128x112xf32, #tpu.memory_space<vmem_shared>>) target(%dma_start3A_212 : memref<128x112xf32, #tpu.memory_space<vmem>>) target_semaphore(%run_scoped3A_203 : memref<!tpu.dma_semaphore, #tpu.memory_space<semaphore_mem>>)
        %dma_wait3A = arith.constant 0 : i32
        %dma_wait3A_215 = arith.constant 0 : i32
        %dma_wait3A_216 = tpu.memref_slice %arg9[%run_scoped3A_193, %dma_wait3A, %dma_wait3A_215] : memref<2x128x112xf32, #tpu.memory_space<vmem>> -> memref<1x128x112xf32, #tpu.memory_space<vmem>>
        %dma_wait3A_217 = tpu.memref_squeeze %dma_wait3A_216 : memref<1x128x112xf32, #tpu.memory_space<vmem>> -> memref<128x112xf32, #tpu.memory_space<vmem>>
        %dma_wait3A_218 = arith.constant 0 : i32
        %dma_wait3A_219 = tpu.memref_slice %arg11[%mul3A_192, %dma_wait3A_218] : memref<10240x112xf32, #tpu.memory_space<vmem_shared>> -> memref<128x112xf32, #tpu.memory_space<vmem_shared>>
        %dma_wait3A_220 = arith.constant 0 : i32
        %dma_wait3A_221 = arith.constant 0 : i32
        %dma_wait3A_222 = tpu.memref_slice %arg9[%run_scoped3A_193, %dma_wait3A_220, %dma_wait3A_221] : memref<2x128x112xf32, #tpu.memory_space<vmem>> -> memref<1x128x112xf32, #tpu.memory_space<vmem>>
        %dma_wait3A_223 = tpu.memref_squeeze %dma_wait3A_222 : memref<1x128x112xf32, #tpu.memory_space<vmem>> -> memref<128x112xf32, #tpu.memory_space<vmem>>
        %dma_wait3A_224 = arith.constant 0 : i32
        %dma_wait3A_225 = tpu.memref_slice %arg11[%mul3A_192, %dma_wait3A_224] : memref<10240x112xf32, #tpu.memory_space<vmem_shared>> -> memref<128x112xf32, #tpu.memory_space<vmem_shared>>
        tpu.wait_dma2 semaphore(%run_scoped3A_203 : memref<!tpu.dma_semaphore, #tpu.memory_space<semaphore_mem>>) src(%dma_wait3A_225 : memref<128x112xf32, #tpu.memory_space<vmem_shared>>) dst(%dma_wait3A_223 : memref<128x112xf32, #tpu.memory_space<vmem>>)
        tpu.yield
      }) : () -> ()
      %run_scoped3A_194 = arith.constant 0 : i32
      "tpu.region"() ({
        %run_scoped3A_203 = tpu.sem_alloc : memref<!tpu.dma_semaphore, #tpu.memory_space<semaphore_mem>>
        %dma_start3A = arith.constant 0 : i32
        %dma_start3A_204 = arith.constant 0 : i32
        %dma_start3A_205 = tpu.memref_slice %arg9[%run_scoped3A_194, %dma_start3A, %dma_start3A_204] : memref<2x128x112xf32, #tpu.memory_space<vmem>> -> memref<1x128x112xf32, #tpu.memory_space<vmem>>
        %dma_start3A_206 = tpu.memref_squeeze %dma_start3A_205 : memref<1x128x112xf32, #tpu.memory_space<vmem>> -> memref<128x112xf32, #tpu.memory_space<vmem>>
        %dma_start3A_207 = arith.constant 0 : i32
        %dma_start3A_208 = tpu.memref_slice %arg6[%arg0, %mul3A_192, %dma_start3A_207] : memref<2x10240x112xf32, #tpu.memory_space<hbm>> -> memref<1x128x112xf32, #tpu.memory_space<hbm>>
        %dma_start3A_209 = tpu.memref_squeeze %dma_start3A_208 : memref<1x128x112xf32, #tpu.memory_space<hbm>> -> memref<128x112xf32, #tpu.memory_space<hbm>>
        %dma_start3A_210 = arith.constant 0 : i32
        %dma_start3A_211 = tpu.memref_slice %arg6[%arg0, %mul3A_192, %dma_start3A_210] : memref<2x10240x112xf32, #tpu.memory_space<hbm>> -> memref<1x128x112xf32, #tpu.memory_space<hbm>>
        %dma_start3A_212 = tpu.memref_squeeze %dma_start3A_211 : memref<1x128x112xf32, #tpu.memory_space<hbm>> -> memref<128x112xf32, #tpu.memory_space<hbm>>
        %dma_start3A_213 = arith.constant 0 : i32
        %dma_start3A_214 = arith.constant 0 : i32
        %dma_start3A_215 = tpu.memref_slice %arg9[%run_scoped3A_194, %dma_start3A_213, %dma_start3A_214] : memref<2x128x112xf32, #tpu.memory_space<vmem>> -> memref<1x128x112xf32, #tpu.memory_space<vmem>>
        %dma_start3A_216 = tpu.memref_squeeze %dma_start3A_215 : memref<1x128x112xf32, #tpu.memory_space<vmem>> -> memref<128x112xf32, #tpu.memory_space<vmem>>
        tpu.enqueue_dma source(%dma_start3A_216 : memref<128x112xf32, #tpu.memory_space<vmem>>) target(%dma_start3A_212 : memref<128x112xf32, #tpu.memory_space<hbm>>) target_semaphore(%run_scoped3A_203 : memref<!tpu.dma_semaphore, #tpu.memory_space<semaphore_mem>>)
        %dma_wait3A = arith.constant 0 : i32
        %dma_wait3A_217 = arith.constant 0 : i32
        %dma_wait3A_218 = tpu.memref_slice %arg9[%run_scoped3A_194, %dma_wait3A, %dma_wait3A_217] : memref<2x128x112xf32, #tpu.memory_space<vmem>> -> memref<1x128x112xf32, #tpu.memory_space<vmem>>
        %dma_wait3A_219 = tpu.memref_squeeze %dma_wait3A_218 : memref<1x128x112xf32, #tpu.memory_space<vmem>> -> memref<128x112xf32, #tpu.memory_space<vmem>>
        %dma_wait3A_220 = arith.constant 0 : i32
        %dma_wait3A_221 = tpu.memref_slice %arg6[%arg0, %mul3A_192, %dma_wait3A_220] : memref<2x10240x112xf32, #tpu.memory_space<hbm>> -> memref<1x128x112xf32, #tpu.memory_space<hbm>>
        %dma_wait3A_222 = tpu.memref_squeeze %dma_wait3A_221 : memref<1x128x112xf32, #tpu.memory_space<hbm>> -> memref<128x112xf32, #tpu.memory_space<hbm>>
        %dma_wait3A_223 = arith.constant 0 : i32
        %dma_wait3A_224 = tpu.memref_slice %arg6[%arg0, %mul3A_192, %dma_wait3A_223] : memref<2x10240x112xf32, #tpu.memory_space<hbm>> -> memref<1x128x112xf32, #tpu.memory_space<hbm>>
        %dma_wait3A_225 = tpu.memref_squeeze %dma_wait3A_224 : memref<1x128x112xf32, #tpu.memory_space<hbm>> -> memref<128x112xf32, #tpu.memory_space<hbm>>
        %dma_wait3A_226 = arith.constant 0 : i32
        %dma_wait3A_227 = arith.constant 0 : i32
        %dma_wait3A_228 = tpu.memref_slice %arg9[%run_scoped3A_194, %dma_wait3A_226, %dma_wait3A_227] : memref<2x128x112xf32, #tpu.memory_space<vmem>> -> memref<1x128x112xf32, #tpu.memory_space<vmem>>
        %dma_wait3A_229 = tpu.memref_squeeze %dma_wait3A_228 : memref<1x128x112xf32, #tpu.memory_space<vmem>> -> memref<128x112xf32, #tpu.memory_space<vmem>>
        tpu.wait_dma2 semaphore(%run_scoped3A_203 : memref<!tpu.dma_semaphore, #tpu.memory_space<semaphore_mem>>) src(%dma_wait3A_229 : memref<128x112xf32, #tpu.memory_space<vmem>>) dst(%dma_wait3A_225 : memref<128x112xf32, #tpu.memory_space<hbm>>)
        tpu.yield
      }) : () -> ()
      %mul3A_195 = arith.constant 5 : i32
      %mul3A_196 = arith.muli %arg1, %mul3A_195 : i32
      %add3A_197 = arith.constant 4 : i32
      %add3A_198 = arith.addi %mul3A_196, %add3A_197 : i32
      %mul3A_199 = arith.constant 128 : i32
      %mul3A_200 = arith.muli %add3A_198, %mul3A_199 : i32
      %run_scoped3A_201 = arith.constant 0 : i32
      "tpu.region"() ({
        %run_scoped3A_203 = tpu.sem_alloc : memref<!tpu.dma_semaphore, #tpu.memory_space<semaphore_mem>>
        %dma_start3A = arith.constant 0 : i32
        %dma_start3A_204 = arith.constant 0 : i32
        %dma_start3A_205 = tpu.memref_slice %arg9[%run_scoped3A_201, %dma_start3A, %dma_start3A_204] : memref<2x128x112xf32, #tpu.memory_space<vmem>> -> memref<1x128x112xf32, #tpu.memory_space<vmem>>
        %dma_start3A_206 = tpu.memref_squeeze %dma_start3A_205 : memref<1x128x112xf32, #tpu.memory_space<vmem>> -> memref<128x112xf32, #tpu.memory_space<vmem>>
        %dma_start3A_207 = arith.constant 0 : i32
        %dma_start3A_208 = tpu.memref_slice %arg11[%mul3A_200, %dma_start3A_207] : memref<10240x112xf32, #tpu.memory_space<vmem_shared>> -> memref<128x112xf32, #tpu.memory_space<vmem_shared>>
        %dma_start3A_209 = arith.constant 0 : i32
        %dma_start3A_210 = arith.constant 0 : i32
        %dma_start3A_211 = tpu.memref_slice %arg9[%run_scoped3A_201, %dma_start3A_209, %dma_start3A_210] : memref<2x128x112xf32, #tpu.memory_space<vmem>> -> memref<1x128x112xf32, #tpu.memory_space<vmem>>
        %dma_start3A_212 = tpu.memref_squeeze %dma_start3A_211 : memref<1x128x112xf32, #tpu.memory_space<vmem>> -> memref<128x112xf32, #tpu.memory_space<vmem>>
        %dma_start3A_213 = arith.constant 0 : i32
        %dma_start3A_214 = tpu.memref_slice %arg11[%mul3A_200, %dma_start3A_213] : memref<10240x112xf32, #tpu.memory_space<vmem_shared>> -> memref<128x112xf32, #tpu.memory_space<vmem_shared>>
        tpu.enqueue_dma source(%dma_start3A_214 : memref<128x112xf32, #tpu.memory_space<vmem_shared>>) target(%dma_start3A_212 : memref<128x112xf32, #tpu.memory_space<vmem>>) target_semaphore(%run_scoped3A_203 : memref<!tpu.dma_semaphore, #tpu.memory_space<semaphore_mem>>)
        %dma_wait3A = arith.constant 0 : i32
        %dma_wait3A_215 = arith.constant 0 : i32
        %dma_wait3A_216 = tpu.memref_slice %arg9[%run_scoped3A_201, %dma_wait3A, %dma_wait3A_215] : memref<2x128x112xf32, #tpu.memory_space<vmem>> -> memref<1x128x112xf32, #tpu.memory_space<vmem>>
        %dma_wait3A_217 = tpu.memref_squeeze %dma_wait3A_216 : memref<1x128x112xf32, #tpu.memory_space<vmem>> -> memref<128x112xf32, #tpu.memory_space<vmem>>
        %dma_wait3A_218 = arith.constant 0 : i32
        %dma_wait3A_219 = tpu.memref_slice %arg11[%mul3A_200, %dma_wait3A_218] : memref<10240x112xf32, #tpu.memory_space<vmem_shared>> -> memref<128x112xf32, #tpu.memory_space<vmem_shared>>
        %dma_wait3A_220 = arith.constant 0 : i32
        %dma_wait3A_221 = arith.constant 0 : i32
        %dma_wait3A_222 = tpu.memref_slice %arg9[%run_scoped3A_201, %dma_wait3A_220, %dma_wait3A_221] : memref<2x128x112xf32, #tpu.memory_space<vmem>> -> memref<1x128x112xf32, #tpu.memory_space<vmem>>
        %dma_wait3A_223 = tpu.memref_squeeze %dma_wait3A_222 : memref<1x128x112xf32, #tpu.memory_space<vmem>> -> memref<128x112xf32, #tpu.memory_space<vmem>>
        %dma_wait3A_224 = arith.constant 0 : i32
        %dma_wait3A_225 = tpu.memref_slice %arg11[%mul3A_200, %dma_wait3A_224] : memref<10240x112xf32, #tpu.memory_space<vmem_shared>> -> memref<128x112xf32, #tpu.memory_space<vmem_shared>>
        tpu.wait_dma2 semaphore(%run_scoped3A_203 : memref<!tpu.dma_semaphore, #tpu.memory_space<semaphore_mem>>) src(%dma_wait3A_225 : memref<128x112xf32, #tpu.memory_space<vmem_shared>>) dst(%dma_wait3A_223 : memref<128x112xf32, #tpu.memory_space<vmem>>)
        tpu.yield
      }) : () -> ()
      %run_scoped3A_202 = arith.constant 0 : i32
      "tpu.region"() ({
        %run_scoped3A_203 = tpu.sem_alloc : memref<!tpu.dma_semaphore, #tpu.memory_space<semaphore_mem>>
        %dma_start3A = arith.constant 0 : i32
        %dma_start3A_204 = arith.constant 0 : i32
        %dma_start3A_205 = tpu.memref_slice %arg9[%run_scoped3A_202, %dma_start3A, %dma_start3A_204] : memref<2x128x112xf32, #tpu.memory_space<vmem>> -> memref<1x128x112xf32, #tpu.memory_space<vmem>>
        %dma_start3A_206 = tpu.memref_squeeze %dma_start3A_205 : memref<1x128x112xf32, #tpu.memory_space<vmem>> -> memref<128x112xf32, #tpu.memory_space<vmem>>
        %dma_start3A_207 = arith.constant 0 : i32
        %dma_start3A_208 = tpu.memref_slice %arg6[%arg0, %mul3A_200, %dma_start3A_207] : memref<2x10240x112xf32, #tpu.memory_space<hbm>> -> memref<1x128x112xf32, #tpu.memory_space<hbm>>
        %dma_start3A_209 = tpu.memref_squeeze %dma_start3A_208 : memref<1x128x112xf32, #tpu.memory_space<hbm>> -> memref<128x112xf32, #tpu.memory_space<hbm>>
        %dma_start3A_210 = arith.constant 0 : i32
        %dma_start3A_211 = tpu.memref_slice %arg6[%arg0, %mul3A_200, %dma_start3A_210] : memref<2x10240x112xf32, #tpu.memory_space<hbm>> -> memref<1x128x112xf32, #tpu.memory_space<hbm>>
        %dma_start3A_212 = tpu.memref_squeeze %dma_start3A_211 : memref<1x128x112xf32, #tpu.memory_space<hbm>> -> memref<128x112xf32, #tpu.memory_space<hbm>>
        %dma_start3A_213 = arith.constant 0 : i32
        %dma_start3A_214 = arith.constant 0 : i32
        %dma_start3A_215 = tpu.memref_slice %arg9[%run_scoped3A_202, %dma_start3A_213, %dma_start3A_214] : memref<2x128x112xf32, #tpu.memory_space<vmem>> -> memref<1x128x112xf32, #tpu.memory_space<vmem>>
        %dma_start3A_216 = tpu.memref_squeeze %dma_start3A_215 : memref<1x128x112xf32, #tpu.memory_space<vmem>> -> memref<128x112xf32, #tpu.memory_space<vmem>>
        tpu.enqueue_dma source(%dma_start3A_216 : memref<128x112xf32, #tpu.memory_space<vmem>>) target(%dma_start3A_212 : memref<128x112xf32, #tpu.memory_space<hbm>>) target_semaphore(%run_scoped3A_203 : memref<!tpu.dma_semaphore, #tpu.memory_space<semaphore_mem>>)
        %dma_wait3A = arith.constant 0 : i32
        %dma_wait3A_217 = arith.constant 0 : i32
        %dma_wait3A_218 = tpu.memref_slice %arg9[%run_scoped3A_202, %dma_wait3A, %dma_wait3A_217] : memref<2x128x112xf32, #tpu.memory_space<vmem>> -> memref<1x128x112xf32, #tpu.memory_space<vmem>>
        %dma_wait3A_219 = tpu.memref_squeeze %dma_wait3A_218 : memref<1x128x112xf32, #tpu.memory_space<vmem>> -> memref<128x112xf32, #tpu.memory_space<vmem>>
        %dma_wait3A_220 = arith.constant 0 : i32
        %dma_wait3A_221 = tpu.memref_slice %arg6[%arg0, %mul3A_200, %dma_wait3A_220] : memref<2x10240x112xf32, #tpu.memory_space<hbm>> -> memref<1x128x112xf32, #tpu.memory_space<hbm>>
        %dma_wait3A_222 = tpu.memref_squeeze %dma_wait3A_221 : memref<1x128x112xf32, #tpu.memory_space<hbm>> -> memref<128x112xf32, #tpu.memory_space<hbm>>
        %dma_wait3A_223 = arith.constant 0 : i32
        %dma_wait3A_224 = tpu.memref_slice %arg6[%arg0, %mul3A_200, %dma_wait3A_223] : memref<2x10240x112xf32, #tpu.memory_space<hbm>> -> memref<1x128x112xf32, #tpu.memory_space<hbm>>
        %dma_wait3A_225 = tpu.memref_squeeze %dma_wait3A_224 : memref<1x128x112xf32, #tpu.memory_space<hbm>> -> memref<128x112xf32, #tpu.memory_space<hbm>>
        %dma_wait3A_226 = arith.constant 0 : i32
        %dma_wait3A_227 = arith.constant 0 : i32
        %dma_wait3A_228 = tpu.memref_slice %arg9[%run_scoped3A_202, %dma_wait3A_226, %dma_wait3A_227] : memref<2x128x112xf32, #tpu.memory_space<vmem>> -> memref<1x128x112xf32, #tpu.memory_space<vmem>>
        %dma_wait3A_229 = tpu.memref_squeeze %dma_wait3A_228 : memref<1x128x112xf32, #tpu.memory_space<vmem>> -> memref<128x112xf32, #tpu.memory_space<vmem>>
        tpu.wait_dma2 semaphore(%run_scoped3A_203 : memref<!tpu.dma_semaphore, #tpu.memory_space<semaphore_mem>>) src(%dma_wait3A_229 : memref<128x112xf32, #tpu.memory_space<vmem>>) dst(%dma_wait3A_225 : memref<128x112xf32, #tpu.memory_space<hbm>>)
        tpu.yield
      }) : () -> ()
    } else {
    }
    return
  }
}

module attributes {stable_mosaic.version = 14 : i64} {
  func.func @_tc1_body(%arg0: i32, %arg1: memref<1000x3xf32, #tpu.memory_space<vmem>>, %arg2: memref<2x1000x8xf32, #tpu.memory_space<vmem>>, %arg3: memref<2x1000x8xf32, #tpu.memory_space<vmem>>, %arg4: memref<10x42xf32, #tpu.memory_space<vmem>>, %arg5: memref<1x42xf32, #tpu.memory_space<vmem>>, %arg6: memref<45x83xf32, #tpu.memory_space<vmem>>, %arg7: memref<1x83xf32, #tpu.memory_space<vmem>>, %arg8: memref<83x71xf32, #tpu.memory_space<vmem>>, %arg9: memref<1x71xf32, #tpu.memory_space<vmem>>, %arg10: memref<71x128xf32, #tpu.memory_space<vmem>>, %arg11: memref<1x128xf32, #tpu.memory_space<vmem>>, %arg12: memref<7x128xf32, #tpu.memory_space<vmem>>, %arg13: memref<1x128xf32, #tpu.memory_space<vmem>>, %arg14: memref<384x128xf32, #tpu.memory_space<vmem>>, %arg15: memref<1x128xf32, #tpu.memory_space<vmem>>, %arg16: memref<256x112xf32, #tpu.memory_space<vmem>>, %arg17: memref<1x112xf32, #tpu.memory_space<vmem>>, %arg18: memref<1000x128xf32, #tpu.memory_space<vmem>>, %arg19: memref<1000x112xf32, #tpu.memory_space<vmem>>, %arg20: memref<1000x112xf32, #tpu.memory_space<vmem>>, %arg21: memref<1000x1xf32, #tpu.memory_space<vmem>>) attributes {dimension_semantics = [#tpu.dimension_semantics<arbitrary>], iteration_bounds = array<i64: 10>, scalar_prefetch = 0 : i64, scratch_operands = 0 : i64, tpu.core_type = #tpu.core_type<tc>, window_params = [{transform_indices = @transform_0, window_bounds = array<i64: 1000, 3>}, {transform_indices = @transform_1, window_bounds = array<i64: 2, 1000, 8>}, {transform_indices = @transform_2, window_bounds = array<i64: 2, 1000, 8>}, {pipeline_mode = #tpu.pipeline_mode<synchronous>, transform_indices = @transform_3, window_bounds = array<i64: 10, 42>}, {pipeline_mode = #tpu.pipeline_mode<synchronous>, transform_indices = @transform_4, window_bounds = array<i64: 1, 42>}, {pipeline_mode = #tpu.pipeline_mode<synchronous>, transform_indices = @transform_5, window_bounds = array<i64: 45, 83>}, {pipeline_mode = #tpu.pipeline_mode<synchronous>, transform_indices = @transform_6, window_bounds = array<i64: 1, 83>}, {pipeline_mode = #tpu.pipeline_mode<synchronous>, transform_indices = @transform_7, window_bounds = array<i64: 83, 71>}, {pipeline_mode = #tpu.pipeline_mode<synchronous>, transform_indices = @transform_8, window_bounds = array<i64: 1, 71>}, {pipeline_mode = #tpu.pipeline_mode<synchronous>, transform_indices = @transform_9, window_bounds = array<i64: 71, 128>}, {pipeline_mode = #tpu.pipeline_mode<synchronous>, transform_indices = @transform_10, window_bounds = array<i64: 1, 128>}, {pipeline_mode = #tpu.pipeline_mode<synchronous>, transform_indices = @transform_11, window_bounds = array<i64: 7, 128>}, {pipeline_mode = #tpu.pipeline_mode<synchronous>, transform_indices = @transform_12, window_bounds = array<i64: 1, 128>}, {pipeline_mode = #tpu.pipeline_mode<synchronous>, transform_indices = @transform_13, window_bounds = array<i64: 384, 128>}, {pipeline_mode = #tpu.pipeline_mode<synchronous>, transform_indices = @transform_14, window_bounds = array<i64: 1, 128>}, {pipeline_mode = #tpu.pipeline_mode<synchronous>, transform_indices = @transform_15, window_bounds = array<i64: 256, 112>}, {pipeline_mode = #tpu.pipeline_mode<synchronous>, transform_indices = @transform_16, window_bounds = array<i64: 1, 112>}, {transform_indices = @transform_17, window_bounds = array<i64: 1000, 128>}, {transform_indices = @transform_18, window_bounds = array<i64: 1000, 112>}, {transform_indices = @transform_19, window_bounds = array<i64: 1000, 112>}, {transform_indices = @transform_20, window_bounds = array<i64: 1000, 1>}]} {
    %get3A = arith.constant 0 : index
    %get3A_0 = arith.constant 0 : index
    %get3A_1 = arith.constant 0 : index
    %get3A_2 = vector.load %arg3[%get3A, %get3A_0, %get3A_1] : memref<2x1000x8xf32, #tpu.memory_space<vmem>>, vector<1x1000x8xf32>
    %get3A_3 = vector.shape_cast %get3A_2 : vector<1x1000x8xf32> to vector<1000x8xf32>
    %get3A_4 = arith.constant 1 : index
    %get3A_5 = arith.constant 0 : index
    %get3A_6 = arith.constant 0 : index
    %get3A_7 = vector.load %arg3[%get3A_4, %get3A_5, %get3A_6] : memref<2x1000x8xf32, #tpu.memory_space<vmem>>, vector<1x1000x8xf32>
    %get3A_8 = vector.shape_cast %get3A_7 : vector<1x1000x8xf32> to vector<1000x8xf32>
    %add3A = arith.addf %get3A_3, %get3A_8 : vector<1000x8xf32>
    %slice3A = vector.extract_strided_slice %add3A {offsets = [0, 0], sizes = [1000, 7], strides = [1, 1]} : vector<1000x8xf32> to vector<1000x7xf32>
    %slice3A_9 = vector.extract_strided_slice %add3A {offsets = [0, 7], sizes = [1000, 1], strides = [1, 1]} : vector<1000x8xf32> to vector<1000x1xf32>
    %max3A = arith.constant 1.000000e+00 : f32
    %max3A_10 = vector.broadcast %max3A : f32 to vector<1000x1xf32>
    %max3A_11 = arith.maximumf %slice3A_9, %max3A_10 : vector<1000x1xf32>
    %div3A = arith.constant 1.000000e+00 : f32
    %div3A_12 = vector.broadcast %div3A : f32 to vector<1000x1xf32>
    %div3A_13 = arith.divf %div3A_12, %max3A_11 : vector<1000x1xf32>
    %get3A_14 = arith.constant 0 : index
    %get3A_15 = arith.constant 0 : index
    %get3A_16 = arith.constant 0 : index
    %get3A_17 = vector.load %arg2[%get3A_14, %get3A_15, %get3A_16] : memref<2x1000x8xf32, #tpu.memory_space<vmem>>, vector<1x1000x8xf32>
    %get3A_18 = vector.shape_cast %get3A_17 : vector<1x1000x8xf32> to vector<1000x8xf32>
    %get3A_19 = arith.constant 1 : index
    %get3A_20 = arith.constant 0 : index
    %get3A_21 = arith.constant 0 : index
    %get3A_22 = vector.load %arg2[%get3A_19, %get3A_20, %get3A_21] : memref<2x1000x8xf32, #tpu.memory_space<vmem>>, vector<1x1000x8xf32>
    %get3A_23 = vector.shape_cast %get3A_22 : vector<1x1000x8xf32> to vector<1000x8xf32>
    %add3A_24 = arith.addf %get3A_18, %get3A_23 : vector<1000x8xf32>
    %slice3A_25 = vector.extract_strided_slice %add3A_24 {offsets = [0, 0], sizes = [1000, 3], strides = [1, 1]} : vector<1000x8xf32> to vector<1000x3xf32>
    %get3A_26 = arith.constant 0 : index
    %get3A_27 = arith.constant 0 : index
    %get3A_28 = vector.load %arg4[%get3A_26, %get3A_27] : memref<10x42xf32, #tpu.memory_space<vmem>>, vector<3x42xf32>
    %dot_general3A = arith.constant dense<0.000000e+00> : vector<1000x42xf32>
    %dot_general3A_29 = tpu.matmul %slice3A_25, %get3A_28, %dot_general3A {dimension_numbers = #tpu.dot_dimension_numbers<[1], [0], [0], [1], [0, 0, 1, 1], [], []>, transpose_lhs_hint = false} : vector<1000x3xf32>, vector<3x42xf32>, vector<1000x42xf32> -> vector<1000x42xf32>
    %get3A_30 = arith.constant 3 : index
    %get3A_31 = arith.constant 0 : index
    %get3A_32 = vector.load %arg4[%get3A_30, %get3A_31] : memref<10x42xf32, #tpu.memory_space<vmem>>, vector<7x42xf32>
    %dot_general3A_33 = arith.constant dense<0.000000e+00> : vector<1000x42xf32>
    %dot_general3A_34 = tpu.matmul %slice3A, %get3A_32, %dot_general3A_33 {dimension_numbers = #tpu.dot_dimension_numbers<[1], [0], [0], [1], [0, 0, 1, 1], [], []>, transpose_lhs_hint = false} : vector<1000x7xf32>, vector<7x42xf32>, vector<1000x42xf32> -> vector<1000x42xf32>
    %add3A_35 = arith.addf %dot_general3A_29, %dot_general3A_34 : vector<1000x42xf32>
    %get3A_36 = arith.constant 0 : index
    %get3A_37 = arith.constant 0 : index
    %get3A_38 = vector.load %arg5[%get3A_36, %get3A_37] : memref<1x42xf32, #tpu.memory_space<vmem>>, vector<1x42xf32>
    %mul3A = vector.broadcast %slice3A_9 : vector<1000x1xf32> to vector<1000x42xf32>
    %mul3A_39 = vector.broadcast %get3A_38 : vector<1x42xf32> to vector<1000x42xf32>
    %mul3A_40 = arith.mulf %mul3A, %mul3A_39 : vector<1000x42xf32>
    %add3A_41 = arith.addf %add3A_35, %mul3A_40 : vector<1000x42xf32>
    %mul3A_42 = vector.broadcast %div3A_13 : vector<1000x1xf32> to vector<1000x42xf32>
    %mul3A_43 = arith.mulf %add3A_41, %mul3A_42 : vector<1000x42xf32>
    %get3A_44 = arith.constant 0 : index
    %get3A_45 = arith.constant 0 : index
    %get3A_46 = vector.load %arg1[%get3A_44, %get3A_45] : memref<1000x3xf32, #tpu.memory_space<vmem>>, vector<1000x3xf32>
    %get3A_47 = arith.constant 0 : index
    %get3A_48 = arith.constant 0 : index
    %get3A_49 = vector.load %arg6[%get3A_47, %get3A_48] : memref<45x83xf32, #tpu.memory_space<vmem>>, vector<3x83xf32>
    %dot_general3A_50 = arith.constant dense<0.000000e+00> : vector<1000x83xf32>
    %dot_general3A_51 = tpu.matmul %get3A_46, %get3A_49, %dot_general3A_50 {dimension_numbers = #tpu.dot_dimension_numbers<[1], [0], [0], [1], [0, 0, 1, 1], [], []>, transpose_lhs_hint = false} : vector<1000x3xf32>, vector<3x83xf32>, vector<1000x83xf32> -> vector<1000x83xf32>
    %get3A_52 = arith.constant 3 : index
    %get3A_53 = arith.constant 0 : index
    %get3A_54 = vector.load %arg6[%get3A_52, %get3A_53] : memref<45x83xf32, #tpu.memory_space<vmem>>, vector<42x83xf32>
    %dot_general3A_55 = arith.constant dense<0.000000e+00> : vector<1000x83xf32>
    %dot_general3A_56 = tpu.matmul %mul3A_43, %get3A_54, %dot_general3A_55 {dimension_numbers = #tpu.dot_dimension_numbers<[1], [0], [0], [1], [0, 0, 1, 1], [], []>, transpose_lhs_hint = false} : vector<1000x42xf32>, vector<42x83xf32>, vector<1000x83xf32> -> vector<1000x83xf32>
    %add3A_57 = arith.addf %dot_general3A_51, %dot_general3A_56 : vector<1000x83xf32>
    %get3A_58 = arith.constant 0 : index
    %get3A_59 = arith.constant 0 : index
    %get3A_60 = vector.load %arg7[%get3A_58, %get3A_59] : memref<1x83xf32, #tpu.memory_space<vmem>>, vector<1x83xf32>
    %add3A_61 = vector.broadcast %get3A_60 : vector<1x83xf32> to vector<1000x83xf32>
    %add3A_62 = arith.addf %add3A_57, %add3A_61 : vector<1000x83xf32>
    %max3A_63 = arith.constant 0.000000e+00 : f32
    %max3A_64 = vector.broadcast %max3A_63 : f32 to vector<1000x83xf32>
    %max3A_65 = arith.maximumf %add3A_62, %max3A_64 : vector<1000x83xf32>
    %get3A_66 = arith.constant 0 : index
    %get3A_67 = arith.constant 0 : index
    %get3A_68 = vector.load %arg8[%get3A_66, %get3A_67] : memref<83x71xf32, #tpu.memory_space<vmem>>, vector<83x71xf32>
    %dot_general3A_69 = arith.constant dense<0.000000e+00> : vector<1000x71xf32>
    %dot_general3A_70 = tpu.matmul %max3A_65, %get3A_68, %dot_general3A_69 {dimension_numbers = #tpu.dot_dimension_numbers<[1], [0], [0], [1], [0, 0, 1, 1], [], []>, transpose_lhs_hint = false} : vector<1000x83xf32>, vector<83x71xf32>, vector<1000x71xf32> -> vector<1000x71xf32>
    %get3A_71 = arith.constant 0 : index
    %get3A_72 = arith.constant 0 : index
    %get3A_73 = vector.load %arg9[%get3A_71, %get3A_72] : memref<1x71xf32, #tpu.memory_space<vmem>>, vector<1x71xf32>
    %add3A_74 = vector.broadcast %get3A_73 : vector<1x71xf32> to vector<1000x71xf32>
    %add3A_75 = arith.addf %dot_general3A_70, %add3A_74 : vector<1000x71xf32>
    %max3A_76 = arith.constant 0.000000e+00 : f32
    %max3A_77 = vector.broadcast %max3A_76 : f32 to vector<1000x71xf32>
    %max3A_78 = arith.maximumf %add3A_75, %max3A_77 : vector<1000x71xf32>
    %get3A_79 = arith.constant 0 : index
    %get3A_80 = arith.constant 0 : index
    %get3A_81 = vector.load %arg10[%get3A_79, %get3A_80] : memref<71x128xf32, #tpu.memory_space<vmem>>, vector<71x128xf32>
    %dot_general3A_82 = arith.constant dense<0.000000e+00> : vector<1000x128xf32>
    %dot_general3A_83 = tpu.matmul %max3A_78, %get3A_81, %dot_general3A_82 {dimension_numbers = #tpu.dot_dimension_numbers<[1], [0], [0], [1], [0, 0, 1, 1], [], []>, transpose_lhs_hint = false} : vector<1000x71xf32>, vector<71x128xf32>, vector<1000x128xf32> -> vector<1000x128xf32>
    %get3A_84 = arith.constant 0 : index
    %get3A_85 = arith.constant 0 : index
    %get3A_86 = vector.load %arg11[%get3A_84, %get3A_85] : memref<1x128xf32, #tpu.memory_space<vmem>>, vector<1x128xf32>
    %add3A_87 = vector.broadcast %get3A_86 : vector<1x128xf32> to vector<1000x128xf32>
    %add3A_88 = arith.addf %dot_general3A_83, %add3A_87 : vector<1000x128xf32>
    %get3A_89 = arith.constant 0 : index
    %get3A_90 = arith.constant 0 : index
    %get3A_91 = vector.load %arg14[%get3A_89, %get3A_90] : memref<384x128xf32, #tpu.memory_space<vmem>>, vector<128x128xf32>
    %get3A_92 = arith.constant 128 : index
    %get3A_93 = arith.constant 0 : index
    %get3A_94 = vector.load %arg14[%get3A_92, %get3A_93] : memref<384x128xf32, #tpu.memory_space<vmem>>, vector<128x128xf32>
    %get3A_95 = arith.constant 256 : index
    %get3A_96 = arith.constant 0 : index
    %get3A_97 = vector.load %arg14[%get3A_95, %get3A_96] : memref<384x128xf32, #tpu.memory_space<vmem>>, vector<128x128xf32>
    %get3A_98 = arith.constant 0 : index
    %get3A_99 = arith.constant 0 : index
    %get3A_100 = vector.load %arg16[%get3A_98, %get3A_99] : memref<256x112xf32, #tpu.memory_space<vmem>>, vector<128x112xf32>
    %get3A_101 = arith.constant 128 : index
    %get3A_102 = arith.constant 0 : index
    %get3A_103 = vector.load %arg16[%get3A_101, %get3A_102] : memref<256x112xf32, #tpu.memory_space<vmem>>, vector<128x112xf32>
    %dot_general3A_104 = arith.constant dense<0.000000e+00> : vector<128x112xf32>
    %dot_general3A_105 = tpu.matmul %get3A_91, %get3A_103, %dot_general3A_104 {dimension_numbers = #tpu.dot_dimension_numbers<[1], [0], [0], [1], [0, 0, 1, 1], [], []>, transpose_lhs_hint = false} : vector<128x128xf32>, vector<128x112xf32>, vector<128x112xf32> -> vector<128x112xf32>
    %add3A_106 = arith.addf %get3A_100, %dot_general3A_105 : vector<128x112xf32>
    %dot_general3A_107 = arith.constant dense<0.000000e+00> : vector<128x112xf32>
    %dot_general3A_108 = tpu.matmul %get3A_94, %get3A_103, %dot_general3A_107 {dimension_numbers = #tpu.dot_dimension_numbers<[1], [0], [0], [1], [0, 0, 1, 1], [], []>, transpose_lhs_hint = false} : vector<128x128xf32>, vector<128x112xf32>, vector<128x112xf32> -> vector<128x112xf32>
    %get3A_109 = arith.constant 0 : index
    %get3A_110 = arith.constant 0 : index
    %get3A_111 = vector.load %arg12[%get3A_109, %get3A_110] : memref<7x128xf32, #tpu.memory_space<vmem>>, vector<7x128xf32>
    %dot_general3A_112 = arith.constant dense<0.000000e+00> : vector<7x128xf32>
    %dot_general3A_113 = tpu.matmul %get3A_111, %get3A_97, %dot_general3A_112 {dimension_numbers = #tpu.dot_dimension_numbers<[1], [0], [0], [1], [0, 0, 1, 1], [], []>, transpose_lhs_hint = false} : vector<7x128xf32>, vector<128x128xf32>, vector<7x128xf32> -> vector<7x128xf32>
    %dot_general3A_114 = arith.constant dense<0.000000e+00> : vector<7x112xf32>
    %dot_general3A_115 = tpu.matmul %dot_general3A_113, %get3A_103, %dot_general3A_114 {dimension_numbers = #tpu.dot_dimension_numbers<[1], [0], [0], [1], [0, 0, 1, 1], [], []>, transpose_lhs_hint = false} : vector<7x128xf32>, vector<128x112xf32>, vector<7x112xf32> -> vector<7x112xf32>
    %get3A_116 = arith.constant 0 : index
    %get3A_117 = arith.constant 0 : index
    %get3A_118 = vector.load %arg13[%get3A_116, %get3A_117] : memref<1x128xf32, #tpu.memory_space<vmem>>, vector<1x128xf32>
    %dot_general3A_119 = arith.constant dense<0.000000e+00> : vector<1x128xf32>
    %dot_general3A_120 = tpu.matmul %get3A_118, %get3A_97, %dot_general3A_119 {dimension_numbers = #tpu.dot_dimension_numbers<[1], [0], [0], [1], [0, 0, 1, 1], [], []>, transpose_lhs_hint = false} : vector<1x128xf32>, vector<128x128xf32>, vector<1x128xf32> -> vector<1x128xf32>
    %get3A_121 = arith.constant 0 : index
    %get3A_122 = arith.constant 0 : index
    %get3A_123 = vector.load %arg15[%get3A_121, %get3A_122] : memref<1x128xf32, #tpu.memory_space<vmem>>, vector<1x128xf32>
    %add3A_124 = arith.addf %dot_general3A_120, %get3A_123 : vector<1x128xf32>
    %dot_general3A_125 = arith.constant dense<0.000000e+00> : vector<1x112xf32>
    %dot_general3A_126 = tpu.matmul %add3A_124, %get3A_103, %dot_general3A_125 {dimension_numbers = #tpu.dot_dimension_numbers<[1], [0], [0], [1], [0, 0, 1, 1], [], []>, transpose_lhs_hint = false} : vector<1x128xf32>, vector<128x112xf32>, vector<1x112xf32> -> vector<1x112xf32>
    %get3A_127 = arith.constant 0 : index
    %get3A_128 = arith.constant 0 : index
    %get3A_129 = vector.load %arg17[%get3A_127, %get3A_128] : memref<1x112xf32, #tpu.memory_space<vmem>>, vector<1x112xf32>
    %add3A_130 = arith.addf %dot_general3A_126, %get3A_129 : vector<1x112xf32>
    %dot_general3A_131 = arith.constant dense<0.000000e+00> : vector<1000x112xf32>
    %dot_general3A_132 = tpu.matmul %add3A_88, %add3A_106, %dot_general3A_131 {dimension_numbers = #tpu.dot_dimension_numbers<[1], [0], [0], [1], [0, 0, 1, 1], [], []>, transpose_lhs_hint = false} : vector<1000x128xf32>, vector<128x112xf32>, vector<1000x112xf32> -> vector<1000x112xf32>
    %dot_general3A_133 = arith.constant dense<0.000000e+00> : vector<1000x112xf32>
    %dot_general3A_134 = tpu.matmul %add3A_88, %dot_general3A_108, %dot_general3A_133 {dimension_numbers = #tpu.dot_dimension_numbers<[1], [0], [0], [1], [0, 0, 1, 1], [], []>, transpose_lhs_hint = false} : vector<1000x128xf32>, vector<128x112xf32>, vector<1000x112xf32> -> vector<1000x112xf32>
    %add3A_135 = vector.broadcast %add3A_130 : vector<1x112xf32> to vector<1000x112xf32>
    %add3A_136 = arith.addf %dot_general3A_134, %add3A_135 : vector<1000x112xf32>
    %mul3A_137 = vector.broadcast %slice3A_9 : vector<1000x1xf32> to vector<1000x112xf32>
    %mul3A_138 = arith.mulf %mul3A_137, %add3A_136 : vector<1000x112xf32>
    %dot_general3A_139 = arith.constant dense<0.000000e+00> : vector<1000x112xf32>
    %dot_general3A_140 = tpu.matmul %slice3A, %dot_general3A_115, %dot_general3A_139 {dimension_numbers = #tpu.dot_dimension_numbers<[1], [0], [0], [1], [0, 0, 1, 1], [], []>, transpose_lhs_hint = false} : vector<1000x7xf32>, vector<7x112xf32>, vector<1000x112xf32> -> vector<1000x112xf32>
    %add3A_141 = arith.addf %mul3A_138, %dot_general3A_140 : vector<1000x112xf32>
    %mul3A_142 = vector.broadcast %div3A_13 : vector<1000x1xf32> to vector<1000x112xf32>
    %mul3A_143 = arith.mulf %add3A_141, %mul3A_142 : vector<1000x112xf32>
    %swap3A = arith.constant 0 : index
    %swap3A_144 = arith.constant 0 : index
    %swap3A_145 = vector.load %arg18[%swap3A, %swap3A_144] : memref<1000x128xf32, #tpu.memory_space<vmem>>, vector<1000x128xf32>
    tpu.vector_store %arg18[%swap3A, %swap3A_144], %add3A_88 {strides = array<i32>} : memref<1000x128xf32, #tpu.memory_space<vmem>>, vector<1000x128xf32>,
    %swap3A_146 = arith.constant 0 : index
    %swap3A_147 = arith.constant 0 : index
    %swap3A_148 = vector.load %arg19[%swap3A_146, %swap3A_147] : memref<1000x112xf32, #tpu.memory_space<vmem>>, vector<1000x112xf32>
    tpu.vector_store %arg19[%swap3A_146, %swap3A_147], %dot_general3A_132 {strides = array<i32>} : memref<1000x112xf32, #tpu.memory_space<vmem>>, vector<1000x112xf32>,
    %swap3A_149 = arith.constant 0 : index
    %swap3A_150 = arith.constant 0 : index
    %swap3A_151 = vector.load %arg20[%swap3A_149, %swap3A_150] : memref<1000x112xf32, #tpu.memory_space<vmem>>, vector<1000x112xf32>
    tpu.vector_store %arg20[%swap3A_149, %swap3A_150], %mul3A_143 {strides = array<i32>} : memref<1000x112xf32, #tpu.memory_space<vmem>>, vector<1000x112xf32>,
    %swap3A_152 = arith.constant 0 : index
    %swap3A_153 = arith.constant 0 : index
    %swap3A_154 = vector.load %arg21[%swap3A_152, %swap3A_153] : memref<1000x1xf32, #tpu.memory_space<vmem>>, vector<1000x1xf32>
    tpu.vector_store %arg21[%swap3A_152, %swap3A_153], %div3A_13 {strides = array<i32>} : memref<1000x1xf32, #tpu.memory_space<vmem>>, vector<1000x1xf32>,
    return
  }
  func.func @transform_0(%arg0: i32) -> (i32, i32) {
    %c0_i32 = arith.constant 0 : i32
    %c0_i32_0 = arith.constant 0 : i32
    return %arg0, %c0_i32 : i32, i32
  }
  func.func @transform_1(%arg0: i32) -> (i32, i32, i32) {
    %c0_i32 = arith.constant 0 : i32
    %c0_i32_0 = arith.constant 0 : i32
    %c0_i32_1 = arith.constant 0 : i32
    return %c0_i32, %arg0, %c0_i32_0 : i32, i32, i32
  }
  func.func @transform_2(%arg0: i32) -> (i32, i32, i32) {
    %c0_i32 = arith.constant 0 : i32
    %c0_i32_0 = arith.constant 0 : i32
    %c0_i32_1 = arith.constant 0 : i32
    return %c0_i32, %arg0, %c0_i32_0 : i32, i32, i32
  }
  func.func @transform_3(%arg0: i32) -> (i32, i32) {
    %c0_i32 = arith.constant 0 : i32
    %c0_i32_0 = arith.constant 0 : i32
    %c0_i32_1 = arith.constant 0 : i32
    return %c0_i32, %c0_i32_0 : i32, i32
  }
  func.func @transform_4(%arg0: i32) -> (i32, i32) {
    %c0_i32 = arith.constant 0 : i32
    %c0_i32_0 = arith.constant 0 : i32
    %c0_i32_1 = arith.constant 0 : i32
    return %c0_i32, %c0_i32_0 : i32, i32
  }
  func.func @transform_5(%arg0: i32) -> (i32, i32) {
    %c0_i32 = arith.constant 0 : i32
    %c0_i32_0 = arith.constant 0 : i32
    %c0_i32_1 = arith.constant 0 : i32
    return %c0_i32, %c0_i32_0 : i32, i32
  }
  func.func @transform_6(%arg0: i32) -> (i32, i32) {
    %c0_i32 = arith.constant 0 : i32
    %c0_i32_0 = arith.constant 0 : i32
    %c0_i32_1 = arith.constant 0 : i32
    return %c0_i32, %c0_i32_0 : i32, i32
  }
  func.func @transform_7(%arg0: i32) -> (i32, i32) {
    %c0_i32 = arith.constant 0 : i32
    %c0_i32_0 = arith.constant 0 : i32
    %c0_i32_1 = arith.constant 0 : i32
    return %c0_i32, %c0_i32_0 : i32, i32
  }
  func.func @transform_8(%arg0: i32) -> (i32, i32) {
    %c0_i32 = arith.constant 0 : i32
    %c0_i32_0 = arith.constant 0 : i32
    %c0_i32_1 = arith.constant 0 : i32
    return %c0_i32, %c0_i32_0 : i32, i32
  }
  func.func @transform_9(%arg0: i32) -> (i32, i32) {
    %c0_i32 = arith.constant 0 : i32
    %c0_i32_0 = arith.constant 0 : i32
    %c0_i32_1 = arith.constant 0 : i32
    return %c0_i32, %c0_i32_0 : i32, i32
  }
  func.func @transform_10(%arg0: i32) -> (i32, i32) {
    %c0_i32 = arith.constant 0 : i32
    %c0_i32_0 = arith.constant 0 : i32
    %c0_i32_1 = arith.constant 0 : i32
    return %c0_i32, %c0_i32_0 : i32, i32
  }
  func.func @transform_11(%arg0: i32) -> (i32, i32) {
    %c0_i32 = arith.constant 0 : i32
    %c0_i32_0 = arith.constant 0 : i32
    %c0_i32_1 = arith.constant 0 : i32
    return %c0_i32, %c0_i32_0 : i32, i32
  }
  func.func @transform_12(%arg0: i32) -> (i32, i32) {
    %c0_i32 = arith.constant 0 : i32
    %c0_i32_0 = arith.constant 0 : i32
    %c0_i32_1 = arith.constant 0 : i32
    return %c0_i32, %c0_i32_0 : i32, i32
  }
  func.func @transform_13(%arg0: i32) -> (i32, i32) {
    %c0_i32 = arith.constant 0 : i32
    %c0_i32_0 = arith.constant 0 : i32
    %c0_i32_1 = arith.constant 0 : i32
    return %c0_i32, %c0_i32_0 : i32, i32
  }
  func.func @transform_14(%arg0: i32) -> (i32, i32) {
    %c0_i32 = arith.constant 0 : i32
    %c0_i32_0 = arith.constant 0 : i32
    %c0_i32_1 = arith.constant 0 : i32
    return %c0_i32, %c0_i32_0 : i32, i32
  }
  func.func @transform_15(%arg0: i32) -> (i32, i32) {
    %c0_i32 = arith.constant 0 : i32
    %c0_i32_0 = arith.constant 0 : i32
    %c0_i32_1 = arith.constant 0 : i32
    return %c0_i32, %c0_i32_0 : i32, i32
  }
  func.func @transform_16(%arg0: i32) -> (i32, i32) {
    %c0_i32 = arith.constant 0 : i32
    %c0_i32_0 = arith.constant 0 : i32
    %c0_i32_1 = arith.constant 0 : i32
    return %c0_i32, %c0_i32_0 : i32, i32
  }
  func.func @transform_17(%arg0: i32) -> (i32, i32) {
    %c0_i32 = arith.constant 0 : i32
    %c0_i32_0 = arith.constant 0 : i32
    return %arg0, %c0_i32 : i32, i32
  }
  func.func @transform_18(%arg0: i32) -> (i32, i32) {
    %c0_i32 = arith.constant 0 : i32
    %c0_i32_0 = arith.constant 0 : i32
    return %arg0, %c0_i32 : i32, i32
  }
  func.func @transform_19(%arg0: i32) -> (i32, i32) {
    %c0_i32 = arith.constant 0 : i32
    %c0_i32_0 = arith.constant 0 : i32
    return %arg0, %c0_i32 : i32, i32
  }
  func.func @transform_20(%arg0: i32) -> (i32, i32) {
    %c0_i32 = arith.constant 0 : i32
    %c0_i32_0 = arith.constant 0 : i32
    return %arg0, %c0_i32 : i32, i32
  }
}

module attributes {stable_mosaic.version = 14 : i64} {
  func.func @_tc2_body(%arg0: i32, %arg1: memref<1000x128xf32, #tpu.memory_space<vmem>>, %arg2: memref<2x1000x112xf32, #tpu.memory_space<vmem>>, %arg3: memref<1000x112xf32, #tpu.memory_space<vmem>>, %arg4: memref<1000x1xf32, #tpu.memory_space<vmem>>, %arg5: memref<240x184xf32, #tpu.memory_space<vmem>>, %arg6: memref<1x184xf32, #tpu.memory_space<vmem>>, %arg7: memref<184x80xf32, #tpu.memory_space<vmem>>, %arg8: memref<1x80xf32, #tpu.memory_space<vmem>>, %arg9: memref<80x264xf32, #tpu.memory_space<vmem>>, %arg10: memref<1x264xf32, #tpu.memory_space<vmem>>, %arg11: memref<1000x264xf32, #tpu.memory_space<vmem>>) attributes {dimension_semantics = [#tpu.dimension_semantics<arbitrary>], iteration_bounds = array<i64: 10>, scalar_prefetch = 0 : i64, scratch_operands = 0 : i64, tpu.core_type = #tpu.core_type<tc>, window_params = [{transform_indices = @transform_0, window_bounds = array<i64: 1000, 128>}, {transform_indices = @transform_1, window_bounds = array<i64: 2, 1000, 112>}, {transform_indices = @transform_2, window_bounds = array<i64: 1000, 112>}, {transform_indices = @transform_3, window_bounds = array<i64: 1000, 1>}, {pipeline_mode = #tpu.pipeline_mode<synchronous>, transform_indices = @transform_4, window_bounds = array<i64: 240, 184>}, {pipeline_mode = #tpu.pipeline_mode<synchronous>, transform_indices = @transform_5, window_bounds = array<i64: 1, 184>}, {pipeline_mode = #tpu.pipeline_mode<synchronous>, transform_indices = @transform_6, window_bounds = array<i64: 184, 80>}, {pipeline_mode = #tpu.pipeline_mode<synchronous>, transform_indices = @transform_7, window_bounds = array<i64: 1, 80>}, {pipeline_mode = #tpu.pipeline_mode<synchronous>, transform_indices = @transform_8, window_bounds = array<i64: 80, 264>}, {pipeline_mode = #tpu.pipeline_mode<synchronous>, transform_indices = @transform_9, window_bounds = array<i64: 1, 264>}, {transform_indices = @transform_10, window_bounds = array<i64: 1000, 264>}]} {
    %get3A = arith.constant 0 : index
    %get3A_0 = arith.constant 0 : index
    %get3A_1 = arith.constant 0 : index
    %get3A_2 = vector.load %arg2[%get3A, %get3A_0, %get3A_1] : memref<2x1000x112xf32, #tpu.memory_space<vmem>>, vector<1x1000x112xf32>
    %get3A_3 = vector.shape_cast %get3A_2 : vector<1x1000x112xf32> to vector<1000x112xf32>
    %get3A_4 = arith.constant 1 : index
    %get3A_5 = arith.constant 0 : index
    %get3A_6 = arith.constant 0 : index
    %get3A_7 = vector.load %arg2[%get3A_4, %get3A_5, %get3A_6] : memref<2x1000x112xf32, #tpu.memory_space<vmem>>, vector<1x1000x112xf32>
    %get3A_8 = vector.shape_cast %get3A_7 : vector<1x1000x112xf32> to vector<1000x112xf32>
    %add3A = arith.addf %get3A_3, %get3A_8 : vector<1000x112xf32>
    %get3A_9 = arith.constant 0 : index
    %get3A_10 = arith.constant 0 : index
    %get3A_11 = vector.load %arg4[%get3A_9, %get3A_10] : memref<1000x1xf32, #tpu.memory_space<vmem>>, vector<1000x1xf32>
    %mul3A = vector.broadcast %get3A_11 : vector<1000x1xf32> to vector<1000x112xf32>
    %mul3A_12 = arith.mulf %add3A, %mul3A : vector<1000x112xf32>
    %get3A_13 = arith.constant 0 : index
    %get3A_14 = arith.constant 0 : index
    %get3A_15 = vector.load %arg3[%get3A_13, %get3A_14] : memref<1000x112xf32, #tpu.memory_space<vmem>>, vector<1000x112xf32>
    %add3A_16 = arith.addf %mul3A_12, %get3A_15 : vector<1000x112xf32>
    %get3A_17 = arith.constant 0 : index
    %get3A_18 = arith.constant 0 : index
    %get3A_19 = vector.load %arg1[%get3A_17, %get3A_18] : memref<1000x128xf32, #tpu.memory_space<vmem>>, vector<1000x128xf32>
    %get3A_20 = arith.constant 0 : index
    %get3A_21 = arith.constant 0 : index
    %get3A_22 = vector.load %arg5[%get3A_20, %get3A_21] : memref<240x184xf32, #tpu.memory_space<vmem>>, vector<128x184xf32>
    %dot_general3A = arith.constant dense<0.000000e+00> : vector<1000x184xf32>
    %dot_general3A_23 = tpu.matmul %get3A_19, %get3A_22, %dot_general3A {dimension_numbers = #tpu.dot_dimension_numbers<[1], [0], [0], [1], [0, 0, 1, 1], [], []>, transpose_lhs_hint = false} : vector<1000x128xf32>, vector<128x184xf32>, vector<1000x184xf32> -> vector<1000x184xf32>
    %get3A_24 = arith.constant 128 : index
    %get3A_25 = arith.constant 0 : index
    %get3A_26 = vector.load %arg5[%get3A_24, %get3A_25] : memref<240x184xf32, #tpu.memory_space<vmem>>, vector<112x184xf32>
    %dot_general3A_27 = arith.constant dense<0.000000e+00> : vector<1000x184xf32>
    %dot_general3A_28 = tpu.matmul %add3A_16, %get3A_26, %dot_general3A_27 {dimension_numbers = #tpu.dot_dimension_numbers<[1], [0], [0], [1], [0, 0, 1, 1], [], []>, transpose_lhs_hint = false} : vector<1000x112xf32>, vector<112x184xf32>, vector<1000x184xf32> -> vector<1000x184xf32>
    %add3A_29 = arith.addf %dot_general3A_23, %dot_general3A_28 : vector<1000x184xf32>
    %get3A_30 = arith.constant 0 : index
    %get3A_31 = arith.constant 0 : index
    %get3A_32 = vector.load %arg6[%get3A_30, %get3A_31] : memref<1x184xf32, #tpu.memory_space<vmem>>, vector<1x184xf32>
    %add3A_33 = vector.broadcast %get3A_32 : vector<1x184xf32> to vector<1000x184xf32>
    %add3A_34 = arith.addf %add3A_29, %add3A_33 : vector<1000x184xf32>
    %max3A = arith.constant 0.000000e+00 : f32
    %max3A_35 = vector.broadcast %max3A : f32 to vector<1000x184xf32>
    %max3A_36 = arith.maximumf %add3A_34, %max3A_35 : vector<1000x184xf32>
    %get3A_37 = arith.constant 0 : index
    %get3A_38 = arith.constant 0 : index
    %get3A_39 = vector.load %arg7[%get3A_37, %get3A_38] : memref<184x80xf32, #tpu.memory_space<vmem>>, vector<184x80xf32>
    %dot_general3A_40 = arith.constant dense<0.000000e+00> : vector<1000x80xf32>
    %dot_general3A_41 = tpu.matmul %max3A_36, %get3A_39, %dot_general3A_40 {dimension_numbers = #tpu.dot_dimension_numbers<[1], [0], [0], [1], [0, 0, 1, 1], [], []>, transpose_lhs_hint = false} : vector<1000x184xf32>, vector<184x80xf32>, vector<1000x80xf32> -> vector<1000x80xf32>
    %get3A_42 = arith.constant 0 : index
    %get3A_43 = arith.constant 0 : index
    %get3A_44 = vector.load %arg8[%get3A_42, %get3A_43] : memref<1x80xf32, #tpu.memory_space<vmem>>, vector<1x80xf32>
    %add3A_45 = vector.broadcast %get3A_44 : vector<1x80xf32> to vector<1000x80xf32>
    %add3A_46 = arith.addf %dot_general3A_41, %add3A_45 : vector<1000x80xf32>
    %max3A_47 = arith.constant 0.000000e+00 : f32
    %max3A_48 = vector.broadcast %max3A_47 : f32 to vector<1000x80xf32>
    %max3A_49 = arith.maximumf %add3A_46, %max3A_48 : vector<1000x80xf32>
    %get3A_50 = arith.constant 0 : index
    %get3A_51 = arith.constant 0 : index
    %get3A_52 = vector.load %arg9[%get3A_50, %get3A_51] : memref<80x264xf32, #tpu.memory_space<vmem>>, vector<80x264xf32>
    %dot_general3A_53 = arith.constant dense<0.000000e+00> : vector<1000x264xf32>
    %dot_general3A_54 = tpu.matmul %max3A_49, %get3A_52, %dot_general3A_53 {dimension_numbers = #tpu.dot_dimension_numbers<[1], [0], [0], [1], [0, 0, 1, 1], [], []>, transpose_lhs_hint = false} : vector<1000x80xf32>, vector<80x264xf32>, vector<1000x264xf32> -> vector<1000x264xf32>
    %get3A_55 = arith.constant 0 : index
    %get3A_56 = arith.constant 0 : index
    %get3A_57 = vector.load %arg10[%get3A_55, %get3A_56] : memref<1x264xf32, #tpu.memory_space<vmem>>, vector<1x264xf32>
    %add3A_58 = vector.broadcast %get3A_57 : vector<1x264xf32> to vector<1000x264xf32>
    %add3A_59 = arith.addf %dot_general3A_54, %add3A_58 : vector<1000x264xf32>
    %swap3A = arith.constant 0 : index
    %swap3A_60 = arith.constant 0 : index
    %swap3A_61 = vector.load %arg11[%swap3A, %swap3A_60] : memref<1000x264xf32, #tpu.memory_space<vmem>>, vector<1000x264xf32>
    tpu.vector_store %arg11[%swap3A, %swap3A_60], %add3A_59 {strides = array<i32>} : memref<1000x264xf32, #tpu.memory_space<vmem>>, vector<1000x264xf32>,
    return
  }
  func.func @transform_0(%arg0: i32) -> (i32, i32) {
    %c0_i32 = arith.constant 0 : i32
    %c0_i32_0 = arith.constant 0 : i32
    return %arg0, %c0_i32 : i32, i32
  }
  func.func @transform_1(%arg0: i32) -> (i32, i32, i32) {
    %c0_i32 = arith.constant 0 : i32
    %c0_i32_0 = arith.constant 0 : i32
    %c0_i32_1 = arith.constant 0 : i32
    return %c0_i32, %arg0, %c0_i32_0 : i32, i32, i32
  }
  func.func @transform_2(%arg0: i32) -> (i32, i32) {
    %c0_i32 = arith.constant 0 : i32
    %c0_i32_0 = arith.constant 0 : i32
    return %arg0, %c0_i32 : i32, i32
  }
  func.func @transform_3(%arg0: i32) -> (i32, i32) {
    %c0_i32 = arith.constant 0 : i32
    %c0_i32_0 = arith.constant 0 : i32
    return %arg0, %c0_i32 : i32, i32
  }
  func.func @transform_4(%arg0: i32) -> (i32, i32) {
    %c0_i32 = arith.constant 0 : i32
    %c0_i32_0 = arith.constant 0 : i32
    %c0_i32_1 = arith.constant 0 : i32
    return %c0_i32, %c0_i32_0 : i32, i32
  }
  func.func @transform_5(%arg0: i32) -> (i32, i32) {
    %c0_i32 = arith.constant 0 : i32
    %c0_i32_0 = arith.constant 0 : i32
    %c0_i32_1 = arith.constant 0 : i32
    return %c0_i32, %c0_i32_0 : i32, i32
  }
  func.func @transform_6(%arg0: i32) -> (i32, i32) {
    %c0_i32 = arith.constant 0 : i32
    %c0_i32_0 = arith.constant 0 : i32
    %c0_i32_1 = arith.constant 0 : i32
    return %c0_i32, %c0_i32_0 : i32, i32
  }
  func.func @transform_7(%arg0: i32) -> (i32, i32) {
    %c0_i32 = arith.constant 0 : i32
    %c0_i32_0 = arith.constant 0 : i32
    %c0_i32_1 = arith.constant 0 : i32
    return %c0_i32, %c0_i32_0 : i32, i32
  }
  func.func @transform_8(%arg0: i32) -> (i32, i32) {
    %c0_i32 = arith.constant 0 : i32
    %c0_i32_0 = arith.constant 0 : i32
    %c0_i32_1 = arith.constant 0 : i32
    return %c0_i32, %c0_i32_0 : i32, i32
  }
  func.func @transform_9(%arg0: i32) -> (i32, i32) {
    %c0_i32 = arith.constant 0 : i32
    %c0_i32_0 = arith.constant 0 : i32
    %c0_i32_1 = arith.constant 0 : i32
    return %c0_i32, %c0_i32_0 : i32, i32
  }
  func.func @transform_10(%arg0: i32) -> (i32, i32) {
    %c0_i32 = arith.constant 0 : i32
    %c0_i32_0 = arith.constant 0 : i32
    return %arg0, %c0_i32 : i32, i32
  }
}

</mosaic_0001>

<sc_bundles>
// kernel: kernel.6.cloned.1.call-start
scs
__scs_entry_jumppad:
0x0: {  	(pc) =	sbr.rel $0x88, $3  }
0x1: {  	(tag) =	ssettag $0x0;
	lr =	simm.s32 $0x1  }
0x2: {  	[smem:$0x3F8A] =	sst lr;
	_ =	strace $0xD0000000  }
0x3: {  	_ = 	snop  }
0x4: {  	_ = 	snop  }
0x5: {  	_ = 	snop  }
0x6: {  	_ = 	snop  }
0x7: {  	_ = 	snop  }
__scs_overlays_trampoline_lowered:
0x8: {  	[smem:$0x3F99] =	sst s0  }
0x9: {  	[smem:$0x3F9A] =	sst s1  }
0xa: {  	[smem:$0x3F9B] =	sst s2  }
0xb: {  	[smem:$0x3F9C] =	sst s3  }
0xc: {  	[smem:$0x3F9D] =	sst s4  }
0xd: {  	[smem:$0x3F9E] =	sst s5  }
0xe: {  	[smem:$0x3F9F] =	sst s6  }
0xf: {  	[smem:$0x3FA0] =	sst s7  }
0x10: {  	[smem:$0x3FA1] =	sst s8  }
0x11: {  	[smem:$0x3FA2] =	sst s9;
	s0 =	simm.s32 @!p0 $0x0  }
0x12: {  	s1 =	sld [smem:$0x3F88];
	s0 =	simm.s32 @p0 $0x1  }
0x13: {  	[smem:$0x3FA3] =	sst s0;
	s0 =	simm.s32 @!p1 $0x0  }
0x14: {  	s2 =	sld [smem:$0x3F87];
	s0 =	simm.s32 @p1 $0x1  }
0x15: {  	[smem:$0x3FA4] =	sst s0;
	s0 =	simm.s32 @!p2 $0x0  }
0x16: {  	s3 =	sld [smem:$0x3FDB];
	s0 =	simm.s32 @p2 $0x1  }
0x17: {  	s4 =	simm.s32 $0x1BF5;
	[smem:$0x3FA6] =	sst s0  }
0x18: {  	s0 =	sld [smem:$0x3F89];
	_ =	swait.ge [sflag:s4], $0x0  }
0x19: {  	s7 =	sld [smem:$0x3F8A]  }
0x1a: {  	s8 =	sadd.s32 $0xFFFFE003, lr  }
0x1b: {  	s9 =	sadd.s32 $0xFFFFFEF7, lr;
	s5 =	simm.s32 $0xFFFFFFFF;
	p2 =	slt.u32 s8, $0xFFFFF086  }
0x1c: {  	p1 =	slt.u32 s9, $0xF7A;
	s5 =	simm.s32 @!p2 $0x0  }
0x1d: {  	s5 =	simm.s32 @p1 $0x1;
	p0 =	seq.s32 s7, s2  }
0x1e: {  	s7 =	smul.u32 @!p0 $0xF7A, s2;
	p2 =	seq.s32 @!p0 s5, $0x0  }
0x1f: {  	s9 =	smul.u32 $0xF7A, s1;
	s8 =	simm.s32 @!p0 $0x1BF5;
	p2 =	por !p2, p0  }
0x20: {  	[sflag:s8] =	ssyncset.s32 @!p0 $0xFFFFF086;
	s6 =	sadd.s32 @!p0 s3, s7;
	s7 =	simm.s32 @!p0 $0x108  }
0x21: {  	s3 =	sadd.s32 s3, s9;
	s6 =	sadd.s32 @!p0 $0x88, s6;
	s7 =	simm.s32 @p2 $0x1082  }
0x22: {  	[simem:s7], [sflag:s8] =	dma.local @!p0 [hbm:s6], $0xF7A  }
0x23: {  	s9 =	sor.u32 $0xD0000000, s2;
	s6 =	simm.s32 $0x108;
	_ =	swait.ge @!p0 [sflag:s8], $0x0  }
0x24: {  	s3 =	sadd.s32 $0x88, s3;
	s6 =	simm.s32 @!p1 $0x1082;
	[sflag:s4] =	ssyncset.s32 $0xFFFFF086  }
0x25: {  	[simem:s6], [sflag:s4] =	dma.local [hbm:s3], $0xF7A  }
0x26: {  	[smem:$0x3F8A] =	sst s1;
	(tag) =	ssettag s2;
	_ =	strace s9  }
0x27: {  	s1 =	sld [smem:$0x3F9A]  }
0x28: {  	s2 =	sld [smem:$0x3F9B]  }
0x29: {  	s4 =	sld [smem:$0x3F9D]  }
0x2a: {  	p0 =	seq.s32 s5, $0x0;
	s5 =	sld [smem:$0x3F9E]  }
0x2b: {  	s6 =	sld [smem:$0x3F9F]  }
0x2c: {  	s7 =	sld [smem:$0x3FA0]  }
0x2d: {  	s3 =	simm.s32 $0x108;
	s8 =	sld [smem:$0x3FA1]  }
0x2e: {  	s3 =	simm.s32 @!p0 $0x1082;
	s9 =	sld [smem:$0x3FA2]  }
0x2f: {  	lr =	sadd.s32 s0, s3;
	s0 =	sld [smem:$0x3F99]  }
0x30: {  	s3 =	sld [smem:$0x3F9C]  }
0x31: {  	[smem:$0x3FA5] =	sst s10  }
0x32: {  	s10 =	sld [smem:$0x3FA3];
	_ =	sdelay $0x3  }
0x33: {  	p0 =	seq.s32 s10, $0x1;
	s10 =	sld [smem:$0x3FA5];
	_ =	sdelay $0x3  }
0x34: {  	[smem:$0x3FA5] =	sst s10  }
0x35: {  	s10 =	sld [smem:$0x3FA4];
	_ =	sdelay $0x3  }
0x36: {  	p1 =	seq.s32 s10, $0x1;
	s10 =	sld [smem:$0x3FA5];
	_ =	sdelay $0x3  }
0x37: {  	[smem:$0x3FA5] =	sst s10  }
0x38: {  	s10 =	sld [smem:$0x3FA6]  }
0x39: {  	_ = 	snop;
	(pc) =	sbr.ind lr, $3  }
0x3a: {  	_ = 	snop  }
0x3b: {  	_ = 	snop  }
0x3c: {  	p2 =	seq.s32 s10, $0x1;
	s10 =	sld [smem:$0x3FA5]  }
0x3d: {  	_ =	shalt  }
0x3e: {  	_ =	shalt  }
0x3f: {  	_ =	shalt  }
0x40: {  	_ =	shalt  }
0x41: {  	_ =	shalt  }
0x42: {  	_ =	shalt  }
0x43: {  	_ =	shalt  }
0x44: {  	_ =	shalt  }
0x45: {  	_ =	shalt  }
0x46: {  	_ =	shalt  }
0x47: {  	_ =	shalt  }
0x48: {  	_ =	shalt  }
0x49: {  	_ =	shalt  }
0x4a: {  	_ =	shalt  }
0x4b: {  	_ =	shalt  }
0x4c: {  	_ =	shalt  }
0x4d: {  	_ =	shalt  }
0x4e: {  	_ =	shalt  }
0x4f: {  	_ =	shalt  }
0x50: {  	_ =	shalt  }
0x51: {  	_ =	shalt  }
0x52: {  	_ =	shalt  }
0x53: {  	_ =	shalt  }
0x54: {  	_ =	shalt  }
0x55: {  	_ =	shalt  }
0x56: {  	_ =	shalt  }
0x57: {  	_ =	shalt  }
0x58: {  	_ =	shalt  }
0x59: {  	_ =	shalt  }
0x5a: {  	_ =	shalt  }
0x5b: {  	_ =	shalt  }
0x5c: {  	_ =	shalt  }
0x5d: {  	_ =	shalt  }
0x5e: {  	_ =	shalt  }
0x5f: {  	_ =	shalt  }
0x60: {  	_ =	shalt  }
0x61: {  	_ =	shalt  }
0x62: {  	_ =	shalt  }
0x63: {  	_ =	shalt  }
0x64: {  	_ =	shalt  }
0x65: {  	_ =	shalt  }
0x66: {  	_ =	shalt  }
0x67: {  	_ =	shalt  }
0x68: {  	_ =	shalt  }
0x69: {  	_ =	shalt  }
0x6a: {  	_ =	shalt  }
0x6b: {  	_ =	shalt  }
0x6c: {  	_ =	shalt  }
0x6d: {  	_ =	shalt  }
0x6e: {  	_ =	shalt  }
0x6f: {  	_ =	shalt  }
0x70: {  	_ =	shalt  }
0x71: {  	_ =	shalt  }
0x72: {  	_ =	shalt  }
0x73: {  	_ =	shalt  }
0x74: {  	_ =	shalt  }
0x75: {  	_ =	shalt  }
0x76: {  	_ =	shalt  }
0x77: {  	_ =	shalt  }
0x78: {  	_ =	shalt  }
0x79: {  	_ =	shalt  }
0x7a: {  	_ =	shalt  }
0x7b: {  	_ =	shalt  }
0x7c: {  	_ =	shalt  }
0x7d: {  	_ =	shalt  }
0x7e: {  	_ =	shalt  }
0x7f: {  	_ =	shalt  }
0x80: {  	_ =	shalt  }
0x81: {  	_ =	shalt  }
0x82: {  	_ =	shalt  }
0x83: {  	_ =	shalt  }
0x84: {  	_ =	shalt  }
0x85: {  	_ =	shalt  }
0x86: {  	_ =	shalt  }
0x87: {  	_ =	shalt  }
.Lfunc_end0:
.L_simem_size_0:
called_computation_lowered:
.L_overlay_start_0:
0x88: {  	s2 =	sld [smem:$0x3FD9]  }
0x89: {  	s3 =	sld [smem:$0x3FFE];
	_ =	sdelay $0x1  }
0x8a: {  	s1 =	srdreg.scid  }
0x8b: {  	s0 =	sand.u32 $0x1, s1  }
0x8c: {  	s17 =	sshll.u32 s0, $0xA;
	s2 =	sadd.s32 s3, s2  }
0x8d: {  	s2 =	sadd.s32 s2, s17  }
0x8e: {  	[smem:$0x3FB1] =	sst s2  }
0x8f: {  	_ = 	snop  }
0x90: {  	s2 =	sld [smem:$0x3FD0];
	(tm) =	ssettm $0x1  }
0x91: {  	s18 =	sld [smem:$0x3FFB];
	_ =	sdelay $0x3  }
0x92: {  	_ =	strace s18  }
0x93: {  	s3 =	sld [smem:$0x3FFC];
	_ =	sdelay $0x3  }
0x94: {  	_ =	strace s3  }
0x95: {  	s3 =	sld [smem:$0x3FFD];
	_ =	sdelay $0x3  }
0x96: {  	_ =	strace s3  }
0x97: {  	_ =	strace $0x8FFFFFFF  }
0x98: {  	s19 =	sld [smem:$0x3FDB];
	_ =	sdelay $0x1  }
0x99: {  	s4 =	simm.s32 $_scs_section_size  }
0x9a: {  	s5 =	simm.s32 $_size__tile_overlayer_lowered;
	s6 =	simm.s32 $_tile_overlayer_lowered  }
0x9b: {  	s22 =	simm.s32 $0x1BFF;
	s21 =	sshll.u32 s6, $0x1;
	s3 =	sadd.s32 s4, s19  }
0x9c: {  	s7 =	simm.s32 $0x0;
	s20 =	sshll.u32 s5, $0x1;
	s5 =	sadd.s32 s21, s3  }
0x9d: {  	[timem:s7], [sflag:s22] =	dma.local [hbm:s5], s20  }
0x9e: {  	_ =	swait.ge [sflag:s22], s20  }
0x9f: {  	s4 =	ssub.s32 $0x0, s20;
	[sflag:s22] =	ssyncset.done $0x0  }
0xa0: {  	[sflag:s22] =	ssyncadd.s32 s4;
	_ =	sdelay $0x1  }
0xa1: {  	s23 =	simm.s32 $0x1B8B  }
0xa2: {  	_ =	swait.ge [sflag:s23], $0x1  }
0xa3: {  	[sflag:s23] =	ssyncset.done $0x0  }
0xa4: {  	s25 =	simm.s32 $0x1B8E;
	s24 =	sld [smem:$0x3FFE];
	[sflag:s23] =	ssyncadd.s32 $0xFFFFFFFF  }
0xa5: {  	s26 =	simm.s32 $execute0_lowered;
	[smem:$0x3FD2] =	sst s25  }
0xa6: {  	s5 =	sshll.u32 s26, $0x1;
	_ =	strace $0x80000046;
	[dreg:$0x1] =	wrdreg $0xFFFFFFFF  }
0xa7: {  	s28 =	simm.s32 $_size_execute0_lowered;
	s3 =	sadd.s32 s3, s5;
	[dreg:$0x0] =	wrdreg $0x0  }
0xa8: {  	s5 =	sshll.u32 s28, $0x1;
	[dreg:$0x2] =	wrdreg s3  }
0xa9: {  	[dreg:$0x3] =	wrdreg s5  }
0xaa: {  	[dreg:$0x4] =	wrdreg $0xC0  }
0xab: {  	_ =	task [dreg:s7], $0x5FFFF  }
0xac: {  	[dreg:$0x1] =	wrdreg $0xFFFFFFFF  }
0xad: {  	[dreg:$0x0] =	wrdreg $0x60  }
0xae: {  	[dreg:$0x2] =	wrdreg s24  }
0xaf: {  	[dreg:$0x3] =	wrdreg s2  }
0xb0: {  	[dreg:$0x4] =	wrdreg $0x40000  }
0xb1: {  	[dreg:$0x5] =	wrdreg $0x54000  }
0xb2: {  	[dreg:$0x6] =	wrdreg $0x9  }
0xb3: {  	_ =	task.clear_ibuf [dreg:s7], $0x7FFFF;
	_ =	strace $0x90000046  }
0xb4: {  	s29 =	simm.s32 $0x9;
	_ =	strace $0x80000048  }
0xb5: {  	_ =	swait.ge [sflag:s29], $0x1  }
0xb6: {  	[sflag:s29] =	ssyncadd.s32 $0xFFFFFFFF  }
0xb7: {  	_ =	strace $0x90000048  }
0xb8: {  	_ =	sfence  }
0xb9: {  	s30 =	sld [smem:$0x0];
	_ =	sdelay $0x2  }
0xba: {  	s31 =	sshll.u32 s1, $0xD;
	s1 =	sshrl.u32 s1, $0x2  }
0xbb: {  	s3 =	sand.u32 $0x4000, s31;
	s1 =	sadd.s32 s1, s30  }
0xbc: {  	s0 =	sor.u32 s3, s0;
	s1 =	sshll.u32 s1, $0x11  }
0xbd: {  	s0 =	sor.u32 s1, s0  }
0xbe: {  	s0 =	sadd.s32 $0x8F2B, s0  }
0xbf: {  	[sflag:s0] =	ssyncadd.remote.s32 $0x1  }
0xc0: {  	_ =	sfence.sel $0xFFFF  }
0xc1: {  	[dreg:$0x0] =	wrdreg $0xFFFFFFFF;
	(pc) =	sbr.abs _section_cstart, $3  }
0xc2: {  	[dreg:$0x1] =	wrdreg $0xFFFFFFFF  }
0xc3: {  	_ =	task.clear_ibuf [dreg:s7], $0x2FFFF;
	_ =	strace $0x9FFFFFFF  }
0xc4: {  	(tm) =	ssettm $0x7FFFFFFF  }
0xc5: {  	_ =	shalt  }
tec
execute0_lowered:
.L_overlay_start_1:
0x0: {  	(tag) =	ssettag $0x1  }
0x1: {  	s21 =	stileid.u32  }
0x2: {  	s0 =	rddreg [dreg:$0x0];
	s6 =	smul.u32 $0x50, s21  }
0x3: {  	s1 =	rddreg [dreg:$0x1];
	s10 =	smul.u32 $0x1400, s21  }
0x4: {  	s2 =	srdreg.scid;
	s24 =	smul.u32 $0x500, s21  }
0x5: {  	s3 =	rddreg [dreg:$0x2];
	s2 =	sand.u32 $0x1, s2;
	s21 =	smul.u32 $0x2800, s21  }
0x6: {  	s4 =	rddreg [dreg:$0x3];
	s5 =	simm.s32 $0x0;
	s7 =	smul.u32 $0x2E, s2  }
0x7: {  	[smem:$0x7FF] =	sst s5;
	s13 =	smul.u32 $0x14000, s2  }
0x8: {  	s9 =	sadd.s32 $0x3C600, s0;
	s11 =	sadd.s32 $0x37600, s0;
	s23 =	smul.u32 $0x2E0, s2  }
0x9: {  	s8 =	ssub.s32 $0x2, s2;
	p0 =	seq.s32 s2, $0x1;
	s2 =	smul.u32 $0x1700, s2  }
0xa: {  	s12 =	sshrl.u32 s8, $0x1;
	s14 =	sadd.s32 $0xC00, s10;
	s19 =	sadd.s32 $0x1000, s10  }
0xb: {  	s8 =	ssub.s32 s8, s12;
	s12 =	sadd.s32 s7, s6;
	s15 =	sadd.s32 s10, s13  }
0xc: {  	s6 =	sadd.s32 $0x400, s10;
	s7 =	sadd.s32 $0x800, s10;
	s15 =	sshrl.u32 s15, $0x3  }
0xd: {  	s18 =	sadd.s32 s13, s14;
	s16 =	sadd.s32 s13, s6;
	s17 =	sadd.s32 s9, s15  }
0xe: {  	s16 =	sshrl.u32 s16, $0x3;
	s15 =	sadd.s32 s11, s15;
	[dreg:$0x6] =	wrdreg s17  }
0xf: {  	s25 =	sadd.s32 s13, s7;
	[dreg:$0x7] =	wrdreg s15;
	s26 =	sadd.s32 s9, s16  }
0x10: {  	s28 =	sshrl.u32 s25, $0x3;
	s16 =	sadd.s32 s11, s16;
	[dreg:$0x8] =	wrdreg s26  }
0x11: {  	s13 =	sadd.s32 s13, s19;
	s17 =	sadd.s32 s9, s28;
	[dreg:$0x9] =	wrdreg s16  }
0x12: {  	s13 =	sshrl.u32 s13, $0x3;
	s15 =	sadd.s32 s11, s28;
	[dreg:$0xa] =	wrdreg s17  }
0x13: {  	s20 =	sshrl.u32 s18, $0x3;
	s22 =	sadd.s32 s11, s13;
	[dreg:$0xb] =	wrdreg s15  }
0x14: {  	s30 =	sadd.s32 s10, s3;
	s16 =	sadd.s32 s9, s20;
	[dreg:$0xf] =	wrdreg s22  }
0x15: {  	s2 =	sadd.s32 s2, s21;
	s15 =	sadd.s32 s11, s20;
	[dreg:$0xc] =	wrdreg s16  }
0x16: {  	s9 =	sadd.s32 s9, s13;
	s17 =	sadd.s32 $0x2D400, s0;
	[dreg:$0xd] =	wrdreg s15  }
0x17: {  	s22 =	sadd.s32 $0x2AC00, s0;
	[dreg:$0xe] =	wrdreg s9;
	s16 =	sadd.s32 $0x32400, s0  }
0x18: {  	s0 =	sadd.s32 $0x37400, s0;
	_ =	strace $0x80000047;
	[dreg:$0x12] =	wrdreg s2  }
0x19: {  	s29 =	sadd.s32 s6, s3;
	s28 =	sadd.s32 s7, s4;
	[dreg:$0x13] =	wrdreg s0  }
0x1a: {  	s31 =	sadd.s32 s7, s3;
	s7 =	sadd.s32 s14, s3;
	[dreg:$0x18] =	wrdreg s28  }
0x1b: {  	s8 =	smax.u32 s8, $0x1;
	s11 =	simm.s32 $0x22;
	[dreg:$0x19] =	wrdreg s7  }
0x1c: {  	s6 =	sadd.s32 s6, s4;
	s11 =	simm.s32 @!p0 $0x2E;
	[smem:$0x7F7] =	sst s8  }
0x1d: {  	s25 =	sadd.s32 s24, s17;
	s18 =	smin.u32 s11, $0x28;
	[dreg:$0x15] =	wrdreg s29  }
0x1e: {  	s15 =	sadd.s32 s23, s25;
	s13 =	sadd.s32 s24, s16;
	[dreg:$0x16] =	wrdreg s6  }
0x1f: {  	s2 =	sadd.s32 s10, s4;
	s10 =	smax.u32 s11, $0x28;
	[dreg:$0x17] =	wrdreg s31  }
0x20: {  	s11 =	sadd.s32 s19, s3;
	s8 =	simm.s32 $0x3000;
	[dreg:$0x10] =	wrdreg s15  }
0x21: {  	s20 =	sshll.u32 s18, $0x9;
	s9 =	sadd.s32 s23, s13;
	[dreg:$0x1b] =	wrdreg s11  }
0x22: {  	s13 =	sadd.s32 s19, s4;
	s7 =	sadd.s32 $0xFFFFFFD8, s10;
	[dreg:$0x14] =	wrdreg s2  }
0x23: {  	s15 =	sshll.u32 s12, $0x7;
	s11 =	simm.s32 $0x2;
	[dreg:$0x11] =	wrdreg s9  }
0x24: {  	s26 =	sadd.s32 $0xFFFFFC00, s20;
	s9 =	sadd.s32 s14, s4;
	[dreg:$0x1c] =	wrdreg s13  }
0x25: {  	s14 =	sadd.s32 $0x28, s12;
	s20 =	sshrl.u32 s7, $0x1;
	[dreg:$0x5] =	wrdreg s26  }
0x26: {  	s12 =	simm.s32 $0x80;
	[dreg:$0x1a] =	wrdreg s9;
	s21 =	smax.u32 s20, $0x1  }
0x27: {  	s19 =	sshll.u32 s14, $0x7;
	s0 =	sshll.u32 s14, $0x4;
	[dreg:$0x1f] =	wrdreg s21  }
0x28: {  	s9 =	sadd.s32 s1, s15;
	s15 =	simm.s32 $0x3800;
	[smem:$0x7F8] =	sst s0  }
0x29: {  	s14 =	simm.s32 $0x2800;
	s10 =	sadd.s32 s1, s19;
	[dreg:$0x1d] =	wrdreg s9  }
0x2a: {  	s20 =	simm.s32 $0x3400;
	s23 =	sadd.s32 $0x80, s9;
	[dreg:$0x1e] =	wrdreg s10  }
.Ltmp0:
0x2b: {  	s24 =	sadd.s32 $0x1480, s9;
	[smem:$0x7F9] =	sst s23;
	(pc) =	sbr.rel .LBB2_1-.Ltmp0, $4  }
0x2c: {  	s25 =	ssub.s32 $0xFFFFFE80, s9;
	s26 =	sadd.s32 $0x100, s9;
	[smem:$0x7FA] =	sst s24  }
0x2d: {  	s28 =	sadd.s32 $0x180, s9;
	s9 =	simm.s32 $0x3;
	[smem:$0x7FB] =	sst s25  }
0x2e: {  	s21 =	simm.s32 $0x2C00;
	s19 =	simm.s32 $0x1;
	[smem:$0x7FC] =	sst s26  }
0x2f: {  	[smem:$0x7FD] =	sst s28;
	s10 =	simm.s32 $0x3C00;
	s23 =	simm.s32 $0x0  }
.LBB2_14:
0x30: {  	[tilespmem:s0], [sflag:$0x1] =	stream.indirect.gather @!p2 [hbm4b:s22+s13], $0x8, s31, s13, $0xb8;
	[tilespmem:$0x6800] =	vst v63  }
0x31: {  	s0 =	sadd.s32 @!p2 s1, s29;
	s2 =	simm.s32 @!p2 $0x0;
	s6 =	simm.s32 @!p2 $0x3400  }
0x32: {  	[tilespmem:s6], [sflag:$0x1] =	stream.linear.gather @!p2 [hbm4b:s0+s2], $0x400, $0x38;
	[tilespmem:$0x6800] =	vst v63  }
.LBB2_15:
0x33: {  	[bflag:$0x0] =	sbarrier.arrive $0xFFFF  }
0x34: {  	[tilespmem:s14], [sflag:$0x3] =	stream.linear.gather [spmem:s30], $0x400, $0x38;
	[tilespmem:$0x6800] =	vst v63  }
0x35: {  	_ =	swait.ge [sflag:s9], $0x400  }
0x36: {  	[sflag:s9] =	ssyncset.done $0x0  }
0x37: {  	s0 =	rddreg [dreg:$0x6];
	[sflag:s9] =	ssyncadd.s32 $0xFFFFFC00  }
0x38: {  	[hbm4b:s0+s5] =	stream.linear.scatter [tilespmem:s14], [sflag:$0x3], $0x400, $0x38;
	[tilespmem:$0x6800] =	vst v63  }
0x39: {  	_ =	swait.ge [sflag:s9], $0x400  }
0x3a: {  	[sflag:s9] =	ssyncset.done $0x0  }
0x3b: {  	s2 =	rddreg [dreg:$0x14];
	[sflag:s9] =	ssyncadd.s32 $0xFFFFFC00  }
0x3c: {  	[tilespmem:s8], [sflag:$0x3] =	stream.linear.gather [spmem:s2], $0x400, $0x38;
	[tilespmem:$0x6800] =	vst v63  }
0x3d: {  	_ =	swait.ge [sflag:s9], $0x400  }
0x3e: {  	[sflag:s9] =	ssyncset.done $0x0  }
0x3f: {  	s13 =	rddreg [dreg:$0x7];
	[sflag:s9] =	ssyncadd.s32 $0xFFFFFC00  }
0x40: {  	[hbm4b:s13+s5] =	stream.linear.scatter [tilespmem:s8], [sflag:$0x3], $0x400, $0x38;
	[tilespmem:$0x6800] =	vst v63  }
0x41: {  	_ =	swait.ge [sflag:s9], $0x400  }
0x42: {  	[sflag:s9] =	ssyncset.done $0x0  }
0x43: {  	s29 =	rddreg [dreg:$0x15];
	[sflag:s9] =	ssyncadd.s32 $0xFFFFFC00  }
0x44: {  	[tilespmem:s14], [sflag:$0x3] =	stream.linear.gather [spmem:s29], $0x400, $0x38;
	[tilespmem:$0x6800] =	vst v63  }
0x45: {  	_ =	swait.ge [sflag:s9], $0x400  }
0x46: {  	[sflag:s9] =	ssyncset.done $0x0  }
0x47: {  	s24 =	rddreg [dreg:$0x8];
	[sflag:s9] =	ssyncadd.s32 $0xFFFFFC00  }
0x48: {  	[hbm4b:s24+s5] =	stream.linear.scatter [tilespmem:s14], [sflag:$0x3], $0x400, $0x38;
	[tilespmem:$0x6800] =	vst v63  }
0x49: {  	_ =	swait.ge [sflag:s9], $0x400  }
0x4a: {  	[sflag:s9] =	ssyncset.done $0x0  }
0x4b: {  	s6 =	rddreg [dreg:$0x16];
	[sflag:s9] =	ssyncadd.s32 $0xFFFFFC00  }
0x4c: {  	[tilespmem:s8], [sflag:$0x3] =	stream.linear.gather [spmem:s6], $0x400, $0x38;
	[tilespmem:$0x6800] =	vst v63  }
0x4d: {  	_ =	swait.ge [sflag:s9], $0x400  }
0x4e: {  	[sflag:s9] =	ssyncset.done $0x0  }
0x4f: {  	s25 =	rddreg [dreg:$0x9];
	[sflag:s9] =	ssyncadd.s32 $0xFFFFFC00  }
0x50: {  	[hbm4b:s25+s5] =	stream.linear.scatter [tilespmem:s8], [sflag:$0x3], $0x400, $0x38;
	[tilespmem:$0x6800] =	vst v63  }
0x51: {  	_ =	swait.ge [sflag:s9], $0x400  }
0x52: {  	[sflag:s9] =	ssyncset.done $0x0  }
0x53: {  	s31 =	rddreg [dreg:$0x17];
	[sflag:s9] =	ssyncadd.s32 $0xFFFFFC00  }
0x54: {  	[tilespmem:s14], [sflag:$0x3] =	stream.linear.gather [spmem:s31], $0x400, $0x38;
	[tilespmem:$0x6800] =	vst v63  }
0x55: {  	_ =	swait.ge [sflag:s9], $0x400  }
0x56: {  	[sflag:s9] =	ssyncset.done $0x0  }
0x57: {  	s26 =	rddreg [dreg:$0xa];
	[sflag:s9] =	ssyncadd.s32 $0xFFFFFC00  }
0x58: {  	[hbm4b:s26+s5] =	stream.linear.scatter [tilespmem:s14], [sflag:$0x3], $0x400, $0x38;
	[tilespmem:$0x6800] =	vst v63  }
0x59: {  	_ =	swait.ge [sflag:s9], $0x400  }
0x5a: {  	[sflag:s9] =	ssyncset.done $0x0  }
0x5b: {  	s28 =	rddreg [dreg:$0x18];
	[sflag:s9] =	ssyncadd.s32 $0xFFFFFC00  }
0x5c: {  	[tilespmem:s8], [sflag:$0x3] =	stream.linear.gather [spmem:s28], $0x400, $0x38;
	[tilespmem:$0x6800] =	vst v63  }
0x5d: {  	_ =	swait.ge [sflag:s9], $0x400  }
0x5e: {  	[sflag:s9] =	ssyncset.done $0x0  }
0x5f: {  	s13 =	rddreg [dreg:$0xb];
	[sflag:s9] =	ssyncadd.s32 $0xFFFFFC00  }
0x60: {  	[hbm4b:s13+s5] =	stream.linear.scatter [tilespmem:s8], [sflag:$0x3], $0x400, $0x38;
	[tilespmem:$0x6800] =	vst v63  }
0x61: {  	_ =	swait.ge [sflag:s9], $0x400  }
0x62: {  	[sflag:s9] =	ssyncset.done $0x0  }
0x63: {  	s24 =	rddreg [dreg:$0x19];
	[sflag:s9] =	ssyncadd.s32 $0xFFFFFC00  }
0x64: {  	[tilespmem:s14], [sflag:$0x3] =	stream.linear.gather [spmem:s24], $0x400, $0x38;
	[tilespmem:$0x6800] =	vst v63  }
0x65: {  	_ =	swait.ge [sflag:s9], $0x400  }
0x66: {  	[sflag:s9] =	ssyncset.done $0x0  }
0x67: {  	s25 =	rddreg [dreg:$0xc];
	[sflag:s9] =	ssyncadd.s32 $0xFFFFFC00  }
0x68: {  	[hbm4b:s25+s5] =	stream.linear.scatter [tilespmem:s14], [sflag:$0x3], $0x400, $0x38;
	[tilespmem:$0x6800] =	vst v63  }
0x69: {  	_ =	swait.ge [sflag:s9], $0x400  }
0x6a: {  	[sflag:s9] =	ssyncset.done $0x0  }
0x6b: {  	s26 =	rddreg [dreg:$0x1a];
	[sflag:s9] =	ssyncadd.s32 $0xFFFFFC00  }
0x6c: {  	[tilespmem:s8], [sflag:$0x3] =	stream.linear.gather [spmem:s26], $0x400, $0x38;
	[tilespmem:$0x6800] =	vst v63  }
0x6d: {  	_ =	swait.ge [sflag:s9], $0x400  }
0x6e: {  	[sflag:s9] =	ssyncset.done $0x0  }
0x6f: {  	s28 =	rddreg [dreg:$0xd];
	[sflag:s9] =	ssyncadd.s32 $0xFFFFFC00  }
0x70: {  	[hbm4b:s28+s5] =	stream.linear.scatter [tilespmem:s8], [sflag:$0x3], $0x400, $0x38;
	[tilespmem:$0x6800] =	vst v63  }
0x71: {  	_ =	swait.ge [sflag:s9], $0x400  }
0x72: {  	[sflag:s9] =	ssyncset.done $0x0  }
0x73: {  	s13 =	rddreg [dreg:$0x1b];
	[sflag:s9] =	ssyncadd.s32 $0xFFFFFC00  }
0x74: {  	[tilespmem:s14], [sflag:$0x3] =	stream.linear.gather [spmem:s13], $0x400, $0x38;
	[tilespmem:$0x6800] =	vst v63  }
0x75: {  	_ =	swait.ge [sflag:s9], $0x400  }
0x76: {  	[sflag:s9] =	ssyncset.done $0x0  }
0x77: {  	s24 =	rddreg [dreg:$0xe];
	[sflag:s9] =	ssyncadd.s32 $0xFFFFFC00  }
0x78: {  	[hbm4b:s24+s5] =	stream.linear.scatter [tilespmem:s14], [sflag:$0x3], $0x400, $0x38;
	[tilespmem:$0x6800] =	vst v63  }
0x79: {  	_ =	swait.ge [sflag:s9], $0x400  }
0x7a: {  	[sflag:s9] =	ssyncset.done $0x0  }
0x7b: {  	s25 =	rddreg [dreg:$0x1c];
	[sflag:s9] =	ssyncadd.s32 $0xFFFFFC00  }
0x7c: {  	[tilespmem:s8], [sflag:$0x3] =	stream.linear.gather [spmem:s25], $0x400, $0x38;
	[tilespmem:$0x6800] =	vst v63  }
0x7d: {  	_ =	swait.ge [sflag:s9], $0x400  }
0x7e: {  	[sflag:s9] =	ssyncset.done $0x0  }
0x7f: {  	s26 =	rddreg [dreg:$0xf];
	[sflag:s9] =	ssyncadd.s32 $0xFFFFFC00  }
0x80: {  	[hbm4b:s26+s5] =	stream.linear.scatter [tilespmem:s8], [sflag:$0x3], $0x400, $0x38;
	[tilespmem:$0x6800] =	vst v63  }
0x81: {  	_ =	swait.ge [sflag:s9], $0x400  }
0x82: {  	s28 =	sld [smem:$0x7F7];
	_ =	sdelay $0x1  }
0x83: {  	s23 =	sadd.s32 $0x1, s23  }
0x84: {  	p1 =	sne.s32 s23, s28  }
.Ltmp1:
0x85: {  	_ = 	snop;
	(pc) =	sbr.rel @!p1 .LBB2_16-.Ltmp1, $3  }
0x86: {  	_ =	sdelay $0x1  }
0x87: {  	[sflag:s9] =	ssyncset.done $0x0  }
0x88: {  	[sflag:s9] =	ssyncadd.s32 $0xFFFFFC00  }
.LBB2_1:
0x89: {  	p1 =	sne.s32 s18, $0x1  }
.Ltmp2:
0x8a: {  	s0 =	rddreg [dreg:$0x11];
	(pc) =	sbr.rel @!p1 .LBB2_3-.Ltmp2, $4  }
0x8b: {  	s13 =	simm.s32 $0x1400;
	s28 =	rddreg [dreg:$0x10]  }
0x8c: {  	[tilespmem:s5], [sflag:$0x2] =	stream.linear.gather [hbm4b:s0+s5], $0x80, $0x38;
	[tilespmem:$0x6800] =	vst v63  }
0x8d: {  	s24 =	sadd.s32 $0xFFFFFFFF, s18;
	s25 =	simm.s32 $0x80;
	s26 =	sadd.s32 $0x10, s0  }
0x8e: {  	[tilespmem:s13], [sflag:$0x2] =	stream.linear.gather [hbm4b:s28+s5], $0x80, $0x38;
	[tilespmem:$0x6800] =	vst v63  }
.LBB2_2:
0x8f: {  	[tilespmem:s25], [sflag:$0x2] =	stream.linear.gather [hbm4b:s26+s5], $0x80, $0x38;
	[tilespmem:$0x6800] =	vst v63  }
0x90: {  	p2 =	sne.s32 s24, $0x1  }
.Ltmp3:
0x91: {  	s24 =	sadd.s32 $0xFFFFFFFF, s24;
	(pc) =	sbr.rel @p2 .LBB2_2-.Ltmp3, $4  }
0x92: {  	s13 =	sadd.s32 $0x80, s13;
	s28 =	sadd.s32 $0x10, s28  }
0x93: {  	[tilespmem:s13], [sflag:$0x2] =	stream.linear.gather [hbm4b:s28+s5], $0x80, $0x38;
	[tilespmem:$0x6800] =	vst v63  }
0x94: {  	_ = 	snop  }
0x95: {  	s25 =	sadd.s32 $0x80, s25;
	s26 =	sadd.s32 $0x10, s26  }
.LBB2_3:
0x96: {  	s0 =	rddreg [dreg:$0x13]  }
0x97: {  	[tilespmem:s15], [sflag:$0x3] =	stream.linear.gather [hbm4b:s0+s5], $0x400, $0x38;
	[tilespmem:$0x6800] =	vst v63  }
0x98: {  	_ =	swait.ge [sflag:s9], $0x400  }
0x99: {  	[sflag:s9] =	ssyncset.done $0x0  }
0x9a: {  	[sflag:s9] =	ssyncadd.s32 $0xFFFFFC00  }
0x9b: {  	[tilespmem:s10], [sflag:$0x3] =	stream.linear.gather [hbm4b:s0+s5], $0x400, $0x38;
	[tilespmem:$0x6800] =	vst v63  }
0x9c: {  	_ =	swait.ge [sflag:s9], $0x400  }
0x9d: {  	[sflag:s9] =	ssyncset.done $0x0  }
0x9e: {  	[sflag:s9] =	ssyncadd.s32 $0xFFFFFC00  }
0x9f: {  	[spmem:s30] =	stream.linear.scatter [tilespmem:s15], [sflag:$0x3], $0x400, $0x38;
	[tilespmem:$0x6800] =	vst v63  }
0xa0: {  	_ =	swait.ge [sflag:s9], $0x400  }
0xa1: {  	[sflag:s9] =	ssyncset.done $0x0  }
0xa2: {  	[sflag:s9] =	ssyncadd.s32 $0xFFFFFC00  }
0xa3: {  	[spmem:s2] =	stream.linear.scatter [tilespmem:s10], [sflag:$0x3], $0x400, $0x38;
	[tilespmem:$0x6800] =	vst v63  }
0xa4: {  	_ =	swait.ge [sflag:s9], $0x400  }
0xa5: {  	[sflag:s9] =	ssyncset.done $0x0  }
0xa6: {  	[sflag:s9] =	ssyncadd.s32 $0xFFFFFC00  }
0xa7: {  	[spmem:s29] =	stream.linear.scatter [tilespmem:s15], [sflag:$0x3], $0x400, $0x38;
	[tilespmem:$0x6800] =	vst v63  }
0xa8: {  	_ =	swait.ge [sflag:s9], $0x400  }
0xa9: {  	[sflag:s9] =	ssyncset.done $0x0  }
0xaa: {  	[sflag:s9] =	ssyncadd.s32 $0xFFFFFC00  }
0xab: {  	[spmem:s6] =	stream.linear.scatter [tilespmem:s10], [sflag:$0x3], $0x400, $0x38;
	[tilespmem:$0x6800] =	vst v63  }
0xac: {  	_ =	swait.ge [sflag:s9], $0x400  }
0xad: {  	[sflag:s9] =	ssyncset.done $0x0  }
0xae: {  	[sflag:s9] =	ssyncadd.s32 $0xFFFFFC00  }
0xaf: {  	[spmem:s31] =	stream.linear.scatter [tilespmem:s15], [sflag:$0x3], $0x400, $0x38;
	[tilespmem:$0x6800] =	vst v63  }
0xb0: {  	_ =	swait.ge [sflag:s9], $0x400  }
0xb1: {  	[sflag:s9] =	ssyncset.done $0x0  }
0xb2: {  	s25 =	rddreg [dreg:$0x18];
	[sflag:s9] =	ssyncadd.s32 $0xFFFFFC00  }
0xb3: {  	[spmem:s25] =	stream.linear.scatter [tilespmem:s10], [sflag:$0x3], $0x400, $0x38;
	[tilespmem:$0x6800] =	vst v63  }
0xb4: {  	_ =	swait.ge [sflag:s9], $0x400  }
0xb5: {  	[sflag:s9] =	ssyncset.done $0x0  }
0xb6: {  	s26 =	rddreg [dreg:$0x19];
	[sflag:s9] =	ssyncadd.s32 $0xFFFFFC00  }
0xb7: {  	[spmem:s26] =	stream.linear.scatter [tilespmem:s15], [sflag:$0x3], $0x400, $0x38;
	[tilespmem:$0x6800] =	vst v63  }
0xb8: {  	_ =	swait.ge [sflag:s9], $0x400  }
0xb9: {  	[sflag:s9] =	ssyncset.done $0x0  }
0xba: {  	s28 =	rddreg [dreg:$0x1a];
	[sflag:s9] =	ssyncadd.s32 $0xFFFFFC00  }
0xbb: {  	[spmem:s28] =	stream.linear.scatter [tilespmem:s10], [sflag:$0x3], $0x400, $0x38;
	[tilespmem:$0x6800] =	vst v63  }
0xbc: {  	_ =	swait.ge [sflag:s9], $0x400  }
0xbd: {  	[sflag:s9] =	ssyncset.done $0x0  }
0xbe: {  	s29 =	rddreg [dreg:$0x1b];
	[sflag:s9] =	ssyncadd.s32 $0xFFFFFC00  }
0xbf: {  	[spmem:s29] =	stream.linear.scatter [tilespmem:s15], [sflag:$0x3], $0x400, $0x38;
	[tilespmem:$0x6800] =	vst v63  }
0xc0: {  	_ =	swait.ge [sflag:s9], $0x400  }
0xc1: {  	[sflag:s9] =	ssyncset.done $0x0  }
0xc2: {  	s31 =	rddreg [dreg:$0x1c];
	[sflag:s9] =	ssyncadd.s32 $0xFFFFFC00  }
0xc3: {  	[spmem:s31] =	stream.linear.scatter [tilespmem:s10], [sflag:$0x3], $0x400, $0x38;
	[tilespmem:$0x6800] =	vst v63  }
0xc4: {  	_ =	swait.ge [sflag:s9], $0x400  }
0xc5: {  	[sflag:s9] =	ssyncset.done $0x0  }
0xc6: {  	[sflag:s9] =	ssyncadd.s32 $0xFFFFFC00  }
.Ltmp4:
0xc7: {  	_ =	swait.ge [sflag:s11], $0x80;
	(pc) =	sbr.rel @!p1 .LBB2_5-.Ltmp4, $4  }
0xc8: {  	[sflag:s11] =	ssyncset.done $0x0  }
0xc9: {  	[sflag:s11] =	ssyncadd.s32 $0xFFFFFF80  }
0xca: {  	_ =	swait.ge [sflag:s11], $0x80  }
0xcb: {  	s13 =	sadd.s32 $0xFFFFFFFF, s18;
	[sflag:s11] =	ssyncset.done $0x0  }
.LBB2_4:
0xcc: {  	p1 =	sne.s32 s13, $0x1;
	s13 =	sadd.s32 $0xFFFFFFFF, s13;
	[sflag:s11] =	ssyncadd.s32 $0xFFFFFF80  }
.Ltmp5:
0xcd: {  	_ =	swait.ge [sflag:s11], $0x80;
	(pc) =	sbr.rel @p1 .LBB2_4-.Ltmp5, $4  }
0xce: {  	[sflag:s11] =	ssyncset.done $0x0  }
0xcf: {  	[sflag:s11] =	ssyncadd.s32 $0xFFFFFF80  }
0xd0: {  	_ =	swait.ge [sflag:s11], $0x80  }
0xd1: {  	[sflag:s11] =	ssyncset.done $0x0  }
.LBB2_5:
0xd2: {  	[sflag:s11] =	ssyncadd.s32 $0xFFFFFF80  }
0xd3: {  	s24 =	simm.s32 $0x0;
	[bflag:$0x0] =	sbarrier.arrive $0xFFFF  }
0xd4: {  	[tilespmem:s14], [sflag:$0x1] =	stream.indirect.gather [hbm4b:s22+s12], $0x8, s24, s12, $0xb8;
	[tilespmem:$0x6800] =	vst v63  }
0xd5: {  	s0 =	rddreg [dreg:$0x1d]  }
0xd6: {  	s31 =	sld [smem:$0x7F9]  }
0xd7: {  	s28 =	sld [smem:$0x7FC]  }
0xd8: {  	[tilespmem:s8], [sflag:$0x1] =	stream.linear.gather [hbm4b:s0+s24], $0x400, $0x38;
	[tilespmem:$0x6800] =	vst v63  }
0xd9: {  	s29 =	sld [smem:$0x7FD]  }
0xda: {  	[tilespmem:s21], [sflag:$0x1] =	stream.indirect.gather [hbm4b:s22+s12], $0x8, s12, s12, $0xb8;
	[tilespmem:$0x6800] =	vst v63  }
0xdb: {  	s26 =	simm.s32 $0x3;
	s25 =	sld [smem:$0x7FB];
	s13 =	smov.u32 s28  }
0xdc: {  	[tilespmem:s20], [sflag:$0x1] =	stream.linear.gather [hbm4b:s31+s24], $0x400, $0x38;
	[tilespmem:$0x6800] =	vst v63  }
.LBB2_6:
0xdd: {  	_ =	swait.ge [sflag:s19], $0x400  }
0xde: {  	[sflag:s19] =	ssyncset.done $0x0  }
0xdf: {  	[sflag:s19] =	ssyncadd.s32 $0xFFFFFC00  }
0xe0: {  	_ =	swait.ge [sflag:s19], $0x400  }
0xe1: {  	s0 =	sshra.s32 s24, $0x2;
	[sflag:s19] =	ssyncset.done $0x0  }
0xe2: {  	s31 =	sadd.s32 $0x1400, s0;
	[sflag:s19] =	ssyncadd.s32 $0xFFFFFC00  }
0xe3: {  	[spmem:s3] =	stream.indirect.scatter.add.f32 [tilespmem:s14], [sflag:$0x3], $0x8, s31, s12, $0xb8;
	[tilespmem:$0x6800] =	vst v63  }
0xe4: {  	_ =	swait.ge [sflag:s9], $0x400  }
0xe5: {  	[sflag:s9] =	ssyncset.done $0x0  }
0xe6: {  	s6 =	sadd.s32 $0xFFFFFFFF, s26;
	[sflag:s9] =	ssyncadd.s32 $0xFFFFFC00  }
0xe7: {  	[spmem:s4] =	stream.indirect.scatter.add.f32 [tilespmem:s8], [sflag:$0x3], $0x8, s31, s12, $0xb8;
	[tilespmem:$0x6800] =	vst v63  }
0xe8: {  	p1 =	sge.u32 s6, s18;
	_ =	swait.ge [sflag:s9], $0x400  }
0xe9: {  	s2 =	simm.s32 @!p1 $0x80;
	s31 =	sshra.s32 @!p1 s24, $0x2;
	[sflag:s9] =	ssyncset.done $0x0  }
0xea: {  	s6 =	simm.s32 @!p1 $0x2800;
	s31 =	sadd.s32 @!p1 $0x100, s31;
	[sflag:s9] =	ssyncadd.s32 $0xFFFFFC00  }
0xeb: {  	[tilespmem:s6], [sflag:$0x1] =	stream.indirect.gather @!p1 [hbm4b:s22+s2], $0x8, s31, s2, $0xb8;
	[tilespmem:$0x6800] =	vst v63  }
0xec: {  	s2 =	simm.s32 @!p1 $0x0;
	s6 =	simm.s32 @!p1 $0x3000  }
0xed: {  	[tilespmem:s6], [sflag:$0x1] =	stream.linear.gather @!p1 [hbm4b:s13+s2], $0x400, $0x38;
	[tilespmem:$0x6800] =	vst v63  }
0xee: {  	_ =	swait.ge [sflag:s19], $0x400  }
0xef: {  	[sflag:s19] =	ssyncset.done $0x0  }
0xf0: {  	[sflag:s19] =	ssyncadd.s32 $0xFFFFFC00  }
0xf1: {  	_ =	swait.ge [sflag:s19], $0x400  }
0xf2: {  	[sflag:s19] =	ssyncset.done $0x0  }
0xf3: {  	s0 =	sadd.s32 $0x1480, s0;
	[sflag:s19] =	ssyncadd.s32 $0xFFFFFC00  }
0xf4: {  	[spmem:s3] =	stream.indirect.scatter.add.f32 [tilespmem:s21], [sflag:$0x3], $0x8, s0, s12, $0xb8;
	[tilespmem:$0x6800] =	vst v63  }
0xf5: {  	_ =	swait.ge [sflag:s9], $0x400  }
0xf6: {  	[sflag:s9] =	ssyncset.done $0x0  }
0xf7: {  	p1 =	sge.u32 s26, s18;
	[sflag:s9] =	ssyncadd.s32 $0xFFFFFC00  }
0xf8: {  	[spmem:s4] =	stream.indirect.scatter.add.f32 [tilespmem:s20], [sflag:$0x3], $0x8, s0, s12, $0xb8;
	[tilespmem:$0x6800] =	vst v63  }
0xf9: {  	s2 =	simm.s32 @!p1 $0x80;
	_ =	swait.ge [sflag:s9], $0x400  }
0xfa: {  	s6 =	simm.s32 @!p1 $0x2C00;
	s0 =	sshra.s32 @!p1 s24, $0x2;
	[sflag:s9] =	ssyncset.done $0x0  }
0xfb: {  	s24 =	sadd.s32 $0x400, s24;
	s0 =	sadd.s32 @!p1 $0x180, s0;
	[sflag:s9] =	ssyncadd.s32 $0xFFFFFC00  }
0xfc: {  	[tilespmem:s6], [sflag:$0x1] =	stream.indirect.gather @!p1 [hbm4b:s22+s2], $0x8, s0, s2, $0xb8;
	[tilespmem:$0x6800] =	vst v63  }
0xfd: {  	s31 =	rddreg [dreg:$0x5];
	s0 =	simm.s32 @!p1 $0x0;
	s2 =	simm.s32 @!p1 $0x3400  }
0xfe: {  	[tilespmem:s2], [sflag:$0x1] =	stream.linear.gather @!p1 [hbm4b:s29+s0], $0x400, $0x38;
	[tilespmem:$0x6800] =	vst v63  }
0xff: {  	p1 =	sne.s32 s31, s24  }
.Ltmp6:
0x100: {  	_ = 	snop;
	(pc) =	sbr.rel @p1 .LBB2_6-.Ltmp6, $3  }
0x101: {  	_ =	sdelay $0x1  }
0x102: {  	s25 =	sadd.s32 $0xFFFFFF00, s25;
	s28 =	sadd.s32 $0x100, s28  }
0x103: {  	s26 =	sadd.s32 $0x2, s26;
	s13 =	sadd.s32 $0x100, s13;
	s29 =	sadd.s32 $0x100, s29  }
0x104: {  	_ =	swait.ge [sflag:s19], $0x400  }
0x105: {  	[sflag:s19] =	ssyncset.done $0x0  }
0x106: {  	[sflag:s19] =	ssyncadd.s32 $0xFFFFFC00  }
0x107: {  	_ =	swait.ge [sflag:s19], $0x400  }
0x108: {  	s0 =	sshra.s32 s24, $0x2;
	[sflag:s19] =	ssyncset.done $0x0  }
0x109: {  	s2 =	sadd.s32 $0x1400, s0;
	[sflag:s19] =	ssyncadd.s32 $0xFFFFFC00  }
0x10a: {  	[spmem:s3] =	stream.indirect.scatter.add.f32 [tilespmem:s14], [sflag:$0x3], $0x8, s2, s12, $0xb8;
	[tilespmem:$0x6800] =	vst v63  }
0x10b: {  	_ =	swait.ge [sflag:s9], $0x400  }
0x10c: {  	[sflag:s9] =	ssyncset.done $0x0  }
0x10d: {  	s31 =	sadd.s32 $0xFFFFFFFF, s26;
	[sflag:s9] =	ssyncadd.s32 $0xFFFFFC00  }
0x10e: {  	[spmem:s4] =	stream.indirect.scatter.add.f32 [tilespmem:s8], [sflag:$0x3], $0x8, s2, s12, $0xb8;
	[tilespmem:$0x6800] =	vst v63  }
0x10f: {  	p1 =	sge.u32 s31, s18;
	_ =	swait.ge [sflag:s9], $0x400  }
0x110: {  	s6 =	simm.s32 @!p1 $0x80;
	s2 =	sshra.s32 @!p1 s24, $0x2;
	[sflag:s9] =	ssyncset.done $0x0  }
0x111: {  	s13 =	simm.s32 @!p1 $0x2800;
	s2 =	sadd.s32 @!p1 $0x100, s2;
	[sflag:s9] =	ssyncadd.s32 $0xFFFFFC00  }
0x112: {  	[tilespmem:s13], [sflag:$0x1] =	stream.indirect.gather @!p1 [hbm4b:s22+s6], $0x8, s2, s6, $0xb8;
	[tilespmem:$0x6800] =	vst v63  }
0x113: {  	s2 =	simm.s32 @!p1 $0x0;
	s6 =	simm.s32 @!p1 $0x3000  }
0x114: {  	[tilespmem:s6], [sflag:$0x1] =	stream.linear.gather @!p1 [hbm4b:s28+s2], $0x400, $0x38;
	[tilespmem:$0x6800] =	vst v63  }
0x115: {  	_ =	swait.ge [sflag:s19], $0x400  }
0x116: {  	[sflag:s19] =	ssyncset.done $0x0  }
0x117: {  	[sflag:s19] =	ssyncadd.s32 $0xFFFFFC00  }
0x118: {  	_ =	swait.ge [sflag:s19], $0x400  }
0x119: {  	[sflag:s19] =	ssyncset.done $0x0  }
0x11a: {  	s0 =	sadd.s32 $0x1480, s0;
	[sflag:s19] =	ssyncadd.s32 $0xFFFFFC00  }
0x11b: {  	[spmem:s3] =	stream.indirect.scatter.add.f32 [tilespmem:s21], [sflag:$0x3], $0x8, s0, s12, $0xb8;
	[tilespmem:$0x6800] =	vst v63  }
0x11c: {  	_ =	swait.ge [sflag:s9], $0x400  }
0x11d: {  	[sflag:s9] =	ssyncset.done $0x0  }
0x11e: {  	p1 =	sge.u32 s26, s18;
	[sflag:s9] =	ssyncadd.s32 $0xFFFFFC00  }
0x11f: {  	[spmem:s4] =	stream.indirect.scatter.add.f32 [tilespmem:s20], [sflag:$0x3], $0x8, s0, s12, $0xb8;
	[tilespmem:$0x6800] =	vst v63  }
0x120: {  	s2 =	simm.s32 @!p1 $0x80;
	_ =	swait.ge [sflag:s9], $0x400  }
.Ltmp7:
0x121: {  	s0 =	sshra.s32 @!p1 s24, $0x2;
	[sflag:s9] =	ssyncset.done $0x0;
	(pc) =	sbr.rel @p0 .LBB2_15-.Ltmp7, $4  }
0x122: {  	s6 =	simm.s32 @!p1 $0x2C00;
	s0 =	sadd.s32 @!p1 $0x180, s0;
	[sflag:s9] =	ssyncadd.s32 $0xFFFFFC00  }
0x123: {  	[tilespmem:s6], [sflag:$0x1] =	stream.indirect.gather @!p1 [hbm4b:s22+s2], $0x8, s0, s2, $0xb8;
	[tilespmem:$0x6800] =	vst v63  }
0x124: {  	s0 =	ssub.s32 @!p1 $0x0, s25;
	s2 =	simm.s32 @!p1 $0x0;
	s6 =	simm.s32 @!p1 $0x3400  }
0x125: {  	[tilespmem:s6], [sflag:$0x1] =	stream.linear.gather @!p1 [hbm4b:s0+s2], $0x400, $0x38;
	[tilespmem:$0x6800] =	vst v63  }
0x126: {  	s6 =	sld [smem:$0x7F8];
	_ =	sdelay $0x1  }
0x127: {  	p1 =	sne.s32 s7, $0x1  }
.Ltmp8:
0x128: {  	s0 =	sand.u32 $0x1FFFFFF0, s6;
	(pc) =	sbr.rel @!p1 .LBB2_10-.Ltmp8, $4  }
0x129: {  	s13 =	simm.s32 $0x0;
	s24 =	simm.s32 $0x1400;
	s2 =	sadd.s32 s16, s0  }
0x12a: {  	[tilespmem:s13], [sflag:$0x2] =	stream.linear.gather [hbm4b:s2+s5], $0x80, $0x38;
	[tilespmem:$0x6800] =	vst v63  }
0x12b: {  	s25 =	sadd.s32 $0xFFFFFFFF, s7;
	s26 =	sadd.s32 $0x10, s6;
	s0 =	sadd.s32 s17, s0  }
0x12c: {  	[tilespmem:s24], [sflag:$0x2] =	stream.linear.gather [hbm4b:s0+s5], $0x80, $0x38;
	[tilespmem:$0x6800] =	vst v63  }
.LBB2_9:
0x12d: {  	s0 =	sand.u32 $0x1FFFFFF0, s26;
	p2 =	sne.s32 s25, $0x1;
	s25 =	sadd.s32 $0xFFFFFFFF, s25  }
.Ltmp9:
0x12e: {  	s13 =	sadd.s32 $0x80, s13;
	s2 =	sadd.s32 s16, s0;
	(pc) =	sbr.rel @p2 .LBB2_9-.Ltmp9, $4  }
0x12f: {  	[tilespmem:s13], [sflag:$0x2] =	stream.linear.gather [hbm4b:s2+s5], $0x80, $0x38;
	[tilespmem:$0x6800] =	vst v63  }
0x130: {  	s24 =	sadd.s32 $0x80, s24;
	s0 =	sadd.s32 s17, s0  }
0x131: {  	[tilespmem:s24], [sflag:$0x2] =	stream.linear.gather [hbm4b:s0+s5], $0x80, $0x38;
	[tilespmem:$0x6800] =	vst v63  }
0x132: {  	s26 =	sadd.s32 $0x10, s26  }
.LBB2_10:
.Ltmp10:
0x133: {  	_ =	swait.ge [sflag:s11], $0x80;
	(pc) =	sbr.rel @!p1 .LBB2_12-.Ltmp10, $4  }
0x134: {  	[sflag:s11] =	ssyncset.done $0x0  }
0x135: {  	[sflag:s11] =	ssyncadd.s32 $0xFFFFFF80  }
0x136: {  	_ =	swait.ge [sflag:s11], $0x80  }
0x137: {  	s13 =	sadd.s32 $0xFFFFFFFF, s7;
	[sflag:s11] =	ssyncset.done $0x0  }
.LBB2_11:
0x138: {  	p1 =	sne.s32 s13, $0x1;
	s13 =	sadd.s32 $0xFFFFFFFF, s13;
	[sflag:s11] =	ssyncadd.s32 $0xFFFFFF80  }
.Ltmp11:
0x139: {  	_ =	swait.ge [sflag:s11], $0x80;
	(pc) =	sbr.rel @p1 .LBB2_11-.Ltmp11, $4  }
0x13a: {  	[sflag:s11] =	ssyncset.done $0x0  }
0x13b: {  	[sflag:s11] =	ssyncadd.s32 $0xFFFFFF80  }
0x13c: {  	_ =	swait.ge [sflag:s11], $0x80  }
0x13d: {  	[sflag:s11] =	ssyncset.done $0x0  }
.LBB2_12:
0x13e: {  	[sflag:s11] =	ssyncadd.s32 $0xFFFFFF80;
	s0 =	simm.s32 $0x0  }
0x13f: {  	[tilespmem:s14], [sflag:$0x1] =	stream.indirect.gather [hbm4b:s22+s12], $0x8, s0, s12, $0xb8;
	[tilespmem:$0x6800] =	vst v63  }
0x140: {  	s2 =	rddreg [dreg:$0x1e]  }
0x141: {  	[tilespmem:s8], [sflag:$0x1] =	stream.linear.gather [hbm4b:s2+s0], $0x400, $0x38;
	[tilespmem:$0x6800] =	vst v63  }
0x142: {  	s13 =	sld [smem:$0x7FA]  }
0x143: {  	[tilespmem:s21], [sflag:$0x1] =	stream.indirect.gather [hbm4b:s22+s12], $0x8, s12, s12, $0xb8;
	[tilespmem:$0x6800] =	vst v63  }
0x144: {  	_ = 	snop  }
0x145: {  	[tilespmem:s20], [sflag:$0x1] =	stream.linear.gather [hbm4b:s13+s0], $0x400, $0x38;
	[tilespmem:$0x6800] =	vst v63  }
0x146: {  	_ =	swait.ge [sflag:s19], $0x400  }
0x147: {  	[sflag:s19] =	ssyncset.done $0x0  }
0x148: {  	[sflag:s19] =	ssyncadd.s32 $0xFFFFFC00  }
0x149: {  	_ =	swait.ge [sflag:s19], $0x400  }
0x14a: {  	[sflag:s19] =	ssyncset.done $0x0  }
0x14b: {  	s24 =	simm.s32 $0x1400;
	[sflag:s19] =	ssyncadd.s32 $0xFFFFFC00  }
0x14c: {  	[spmem:s3] =	stream.indirect.scatter.add.f32 [tilespmem:s14], [sflag:$0x3], $0x8, s24, s12, $0xb8;
	[tilespmem:$0x6800] =	vst v63  }
0x14d: {  	_ =	swait.ge [sflag:s9], $0x400  }
0x14e: {  	[sflag:s9] =	ssyncset.done $0x0  }
0x14f: {  	[sflag:s9] =	ssyncadd.s32 $0xFFFFFC00  }
0x150: {  	[spmem:s4] =	stream.indirect.scatter.add.f32 [tilespmem:s8], [sflag:$0x3], $0x8, s24, s12, $0xb8;
	[tilespmem:$0x6800] =	vst v63  }
0x151: {  	p1 =	sle.u32 s7, $0x2;
	_ =	swait.ge [sflag:s9], $0x400  }
0x152: {  	s2 =	simm.s32 @!p1 $0x100;
	s28 =	rddreg [dreg:$0x12]  }
0x153: {  	s0 =	simm.s32 @!p1 $0x80;
	[sflag:s9] =	ssyncset.done $0x0;
	s6 =	sadd.s32 @!p1 $0x1500, s28  }
0x154: {  	s13 =	simm.s32 @!p1 $0x2800;
	[sflag:s9] =	ssyncadd.s32 $0xFFFFFC00;
	s6 =	sand.u32 @!p1 $0x1FFFFF00, s6  }
0x155: {  	[tilespmem:s13], [sflag:$0x1] =	stream.indirect.gather @!p1 [hbm4b:s22+s0], $0x8, s2, s0, $0xb8;
	[tilespmem:$0x6800] =	vst v63  }
0x156: {  	s2 =	simm.s32 @!p1 $0x0;
	s0 =	sadd.s32 @!p1 s1, s6;
	s6 =	simm.s32 @!p1 $0x3000  }
0x157: {  	[tilespmem:s6], [sflag:$0x1] =	stream.linear.gather @!p1 [hbm4b:s0+s2], $0x400, $0x38;
	[tilespmem:$0x6800] =	vst v63  }
0x158: {  	_ =	swait.ge [sflag:s19], $0x400  }
0x159: {  	[sflag:s19] =	ssyncset.done $0x0  }
0x15a: {  	[sflag:s19] =	ssyncadd.s32 $0xFFFFFC00  }
0x15b: {  	_ =	swait.ge [sflag:s19], $0x400  }
0x15c: {  	[sflag:s19] =	ssyncset.done $0x0  }
0x15d: {  	s25 =	simm.s32 $0x1480;
	[sflag:s19] =	ssyncadd.s32 $0xFFFFFC00  }
0x15e: {  	[spmem:s3] =	stream.indirect.scatter.add.f32 [tilespmem:s21], [sflag:$0x3], $0x8, s25, s12, $0xb8;
	[tilespmem:$0x6800] =	vst v63  }
0x15f: {  	_ =	swait.ge [sflag:s9], $0x400  }
0x160: {  	s26 =	rddreg [dreg:$0x1f]  }
0x161: {  	p2 =	sle.u32 s7, $0x3;
	s24 =	sadd.s32 $0xFFFFFFFF, s26  }
0x162: {  	s31 =	simm.s32 @!p2 $0x180;
	[sflag:s9] =	ssyncset.done $0x0;
	p1 =	sne.s32 s24, $0x0  }
.Ltmp12:
0x163: {  	s13 =	simm.s32 @!p2 $0x80;
	[sflag:s9] =	ssyncadd.s32 $0xFFFFFC00;
	(pc) =	sbr.rel @!p1 .LBB2_14-.Ltmp12, $4  }
0x164: {  	[spmem:s4] =	stream.indirect.scatter.add.f32 [tilespmem:s20], [sflag:$0x3], $0x8, s25, s12, $0xb8;
	[tilespmem:$0x6800] =	vst v63  }
0x165: {  	s2 =	sadd.s32 @!p2 $0x1580, s28;
	s0 =	simm.s32 @!p2 $0x2C00;
	_ =	swait.ge [sflag:s9], $0x400  }
0x166: {  	s29 =	sand.u32 @!p2 $0x1FFFFF80, s2;
	s26 =	sadd.s32 $0x100, s28;
	[sflag:s9] =	ssyncset.done $0x0  }
0x167: {  	s28 =	simm.s32 $0x400;
	s25 =	simm.s32 $0x4;
	[sflag:s9] =	ssyncadd.s32 $0xFFFFFC00  }
.LBB2_13:
0x168: {  	[tilespmem:s0], [sflag:$0x1] =	stream.indirect.gather @!p2 [hbm4b:s22+s13], $0x8, s31, s13, $0xb8;
	[tilespmem:$0x6800] =	vst v63  }
0x169: {  	s0 =	sadd.s32 @!p2 s1, s29;
	s2 =	simm.s32 @!p2 $0x0;
	s6 =	simm.s32 @!p2 $0x3400  }
0x16a: {  	[tilespmem:s6], [sflag:$0x1] =	stream.linear.gather @!p2 [hbm4b:s0+s2], $0x400, $0x38;
	[tilespmem:$0x6800] =	vst v63  }
0x16b: {  	s24 =	sadd.s32 $0xFFFFFFFF, s24;
	s29 =	smov.u32 s26;
	_ =	swait.ge [sflag:s19], $0x400  }
0x16c: {  	p1 =	sne.s32 s24, $0x0;
	[sflag:s19] =	ssyncset.done $0x0  }
0x16d: {  	[sflag:s19] =	ssyncadd.s32 $0xFFFFFC00  }
0x16e: {  	s0 =	sshra.s32 s28, $0x2;
	_ =	swait.ge [sflag:s19], $0x400  }
0x16f: {  	s2 =	sadd.s32 $0x1400, s0;
	[sflag:s19] =	ssyncset.done $0x0  }
0x170: {  	[sflag:s19] =	ssyncadd.s32 $0xFFFFFC00  }
0x171: {  	[spmem:s3] =	stream.indirect.scatter.add.f32 [tilespmem:s14], [sflag:$0x3], $0x8, s2, s12, $0xb8;
	[tilespmem:$0x6800] =	vst v63  }
0x172: {  	_ =	swait.ge [sflag:s9], $0x400  }
0x173: {  	[sflag:s9] =	ssyncset.done $0x0  }
0x174: {  	p2 =	sge.u32 s25, s7;
	[sflag:s9] =	ssyncadd.s32 $0xFFFFFC00  }
0x175: {  	[spmem:s4] =	stream.indirect.scatter.add.f32 [tilespmem:s8], [sflag:$0x3], $0x8, s2, s12, $0xb8;
	[tilespmem:$0x6800] =	vst v63  }
0x176: {  	s6 =	simm.s32 @!p2 $0x80;
	s2 =	sshra.s32 @!p2 s28, $0x2;
	_ =	swait.ge [sflag:s9], $0x400  }
0x177: {  	s13 =	sadd.s32 @!p2 $0x1500, s26;
	s2 =	sadd.s32 @!p2 $0x100, s2;
	[sflag:s9] =	ssyncset.done $0x0  }
0x178: {  	s31 =	simm.s32 @!p2 $0x2800;
	s13 =	sand.u32 @!p2 $0x1FFFFF00, s13;
	[sflag:s9] =	ssyncadd.s32 $0xFFFFFC00  }
0x179: {  	[tilespmem:s31], [sflag:$0x1] =	stream.indirect.gather @!p2 [hbm4b:s22+s6], $0x8, s2, s6, $0xb8;
	[tilespmem:$0x6800] =	vst v63  }
0x17a: {  	s2 =	sadd.s32 @!p2 s1, s13;
	s6 =	simm.s32 @!p2 $0x0;
	s13 =	simm.s32 @!p2 $0x3000  }
0x17b: {  	[tilespmem:s13], [sflag:$0x1] =	stream.linear.gather @!p2 [hbm4b:s2+s6], $0x400, $0x38;
	[tilespmem:$0x6800] =	vst v63  }
0x17c: {  	_ =	swait.ge [sflag:s19], $0x400  }
0x17d: {  	[sflag:s19] =	ssyncset.done $0x0  }
0x17e: {  	[sflag:s19] =	ssyncadd.s32 $0xFFFFFC00  }
0x17f: {  	_ =	swait.ge [sflag:s19], $0x400  }
0x180: {  	[sflag:s19] =	ssyncset.done $0x0  }
0x181: {  	s0 =	sadd.s32 $0x1480, s0;
	[sflag:s19] =	ssyncadd.s32 $0xFFFFFC00  }
0x182: {  	[spmem:s3] =	stream.indirect.scatter.add.f32 [tilespmem:s21], [sflag:$0x3], $0x8, s0, s12, $0xb8;
	[tilespmem:$0x6800] =	vst v63  }
0x183: {  	_ =	swait.ge [sflag:s9], $0x400  }
0x184: {  	[sflag:s9] =	ssyncset.done $0x0  }
0x185: {  	s2 =	sadd.s32 $0x1, s25;
	s25 =	sadd.s32 $0x2, s25;
	[sflag:s9] =	ssyncadd.s32 $0xFFFFFC00  }
0x186: {  	[spmem:s4] =	stream.indirect.scatter.add.f32 [tilespmem:s20], [sflag:$0x3], $0x8, s0, s12, $0xb8;
	[tilespmem:$0x6800] =	vst v63  }
.Ltmp13:
0x187: {  	_ = 	snop;
	(pc) =	sbr.rel @p1 .LBB2_13-.Ltmp13, $4  }
0x188: {  	s26 =	sadd.s32 $0x100, s26;
	p2 =	sge.u32 s2, s7;
	_ =	swait.ge [sflag:s9], $0x400  }
0x189: {  	s13 =	simm.s32 @!p2 $0x80;
	s0 =	sshra.s32 @!p2 s28, $0x2;
	[sflag:s9] =	ssyncset.done $0x0  }
0x18a: {  	s2 =	sadd.s32 @!p2 $0x1580, s29;
	s31 =	sadd.s32 @!p2 $0x180, s0;
	[sflag:s9] =	ssyncadd.s32 $0xFFFFFC00  }
0x18b: {  	s29 =	sand.u32 @!p2 $0x1FFFFF80, s2;
	s28 =	sadd.s32 $0x400, s28;
	s0 =	simm.s32 @!p2 $0x2C00  }
.Ltmp14:
0x18c: {  	_ = 	snop;
	(pc) =	sbr.rel .LBB2_14-.Ltmp14, $1  }
0x18d: {  	_ =	sdelay $0x3  }
.LBB2_16:
0x18e: {  	_ =	sfence.sel $0x180000  }
0x18f: {  	[bflag:$0x0] =	sbarrier.arrive $0xFFFF  }
0x190: {  	_ =	strace $0x90000047  }
0x191: {  	s0 =	stileid.u32;
	[bflag:$0x2] =	sbarrier.arrive $0xFFFF  }
0x192: {  	p0 =	sne.s32 s0, $0x0;
	s0 =	rddreg [dreg:$0x4]  }
0x193: {  	s0 =	sadd.s32 @!p0 $0x100000, s0  }
0x194: {  	[sflag:s0] =	ssyncadd.tile.s32 @!p0 $0x1;
	_ =	shalt  }
.Lfunc_end2:
_tile_overlayer_lowered:
.L_overlay_start_2:
0x195: {  	(tag) =	ssettag $0x2  }
0x196: {  	s0 =	rddreg [dreg:$0x0];
	s2 =	stileid.u32  }
0x197: {  	s1 =	rddreg [dreg:$0x1];
	p0 =	sne.s32 s2, $0x0  }
0x198: {  	s3 =	rddreg [dreg:$0x2];
	[bflag:$0x3] =	sbarrier.arrive $0xFFFF;
	s2 =	simm.s32 @!p0 $0x1C03  }
0x199: {  	[timem:s3], [sflag:s2] =	dma.local @!p0 [hbm:s0], s1  }
0x19a: {  	s0 =	simm.s32 @!p0 $0x3  }
0x19b: {  	_ =	swait.ge @!p0 [sflag:s0], s1  }
0x19c: {  	s1 =	ssub.s32 @!p0 $0x0, s1;
	[sflag:s0] =	ssyncset.done @!p0 $0x0  }
0x19d: {  	[sflag:s0] =	ssyncadd.s32 @!p0 s1  }
0x19e: {  	[bflag:$0x3] =	sbarrier.arrive $0xFFFF  }
0x19f: {  	_ =	shalt  }

// kernel: kernel.9.cloned.1.call-start
scs
__scs_entry_jumppad:
0x0: {  	(pc) =	sbr.rel $0x88, $3  }
0x1: {  	(tag) =	ssettag $0x0;
	lr =	simm.s32 $0x1  }
0x2: {  	[smem:$0x3F8A] =	sst lr;
	_ =	strace $0xD0000000  }
0x3: {  	_ = 	snop  }
0x4: {  	_ = 	snop  }
0x5: {  	_ = 	snop  }
0x6: {  	_ = 	snop  }
0x7: {  	_ = 	snop  }
__scs_overlays_trampoline_lowered:
0x8: {  	[smem:$0x3F99] =	sst s0  }
0x9: {  	[smem:$0x3F9A] =	sst s1  }
0xa: {  	[smem:$0x3F9B] =	sst s2  }
0xb: {  	[smem:$0x3F9C] =	sst s3  }
0xc: {  	[smem:$0x3F9D] =	sst s4  }
0xd: {  	[smem:$0x3F9E] =	sst s5  }
0xe: {  	[smem:$0x3F9F] =	sst s6  }
0xf: {  	[smem:$0x3FA0] =	sst s7  }
0x10: {  	[smem:$0x3FA1] =	sst s8  }
0x11: {  	[smem:$0x3FA2] =	sst s9;
	s0 =	simm.s32 @!p0 $0x0  }
0x12: {  	s1 =	sld [smem:$0x3F88];
	s0 =	simm.s32 @p0 $0x1  }
0x13: {  	[smem:$0x3FA3] =	sst s0;
	s0 =	simm.s32 @!p1 $0x0  }
0x14: {  	s2 =	sld [smem:$0x3F87];
	s0 =	simm.s32 @p1 $0x1  }
0x15: {  	[smem:$0x3FA4] =	sst s0;
	s0 =	simm.s32 @!p2 $0x0  }
0x16: {  	s3 =	sld [smem:$0x3FDB];
	s0 =	simm.s32 @p2 $0x1  }
0x17: {  	s4 =	simm.s32 $0x1BF5;
	[smem:$0x3FA6] =	sst s0  }
0x18: {  	s0 =	sld [smem:$0x3F89];
	_ =	swait.ge [sflag:s4], $0x0  }
0x19: {  	s7 =	sld [smem:$0x3F8A]  }
0x1a: {  	s8 =	sadd.s32 $0xFFFFE003, lr  }
0x1b: {  	s9 =	sadd.s32 $0xFFFFFEF7, lr;
	s5 =	simm.s32 $0xFFFFFFFF;
	p2 =	slt.u32 s8, $0xFFFFF086  }
0x1c: {  	p1 =	slt.u32 s9, $0xF7A;
	s5 =	simm.s32 @!p2 $0x0  }
0x1d: {  	s5 =	simm.s32 @p1 $0x1;
	p0 =	seq.s32 s7, s2  }
0x1e: {  	s7 =	smul.u32 @!p0 $0xF7A, s2;
	p2 =	seq.s32 @!p0 s5, $0x0  }
0x1f: {  	s9 =	smul.u32 $0xF7A, s1;
	s8 =	simm.s32 @!p0 $0x1BF5;
	p2 =	por !p2, p0  }
0x20: {  	[sflag:s8] =	ssyncset.s32 @!p0 $0xFFFFF086;
	s6 =	sadd.s32 @!p0 s3, s7;
	s7 =	simm.s32 @!p0 $0x108  }
0x21: {  	s3 =	sadd.s32 s3, s9;
	s6 =	sadd.s32 @!p0 $0x88, s6;
	s7 =	simm.s32 @p2 $0x1082  }
0x22: {  	[simem:s7], [sflag:s8] =	dma.local @!p0 [hbm:s6], $0xF7A  }
0x23: {  	s9 =	sor.u32 $0xD0000000, s2;
	s6 =	simm.s32 $0x108;
	_ =	swait.ge @!p0 [sflag:s8], $0x0  }
0x24: {  	s3 =	sadd.s32 $0x88, s3;
	s6 =	simm.s32 @!p1 $0x1082;
	[sflag:s4] =	ssyncset.s32 $0xFFFFF086  }
0x25: {  	[simem:s6], [sflag:s4] =	dma.local [hbm:s3], $0xF7A  }
0x26: {  	[smem:$0x3F8A] =	sst s1;
	(tag) =	ssettag s2;
	_ =	strace s9  }
0x27: {  	s1 =	sld [smem:$0x3F9A]  }
0x28: {  	s2 =	sld [smem:$0x3F9B]  }
0x29: {  	s4 =	sld [smem:$0x3F9D]  }
0x2a: {  	p0 =	seq.s32 s5, $0x0;
	s5 =	sld [smem:$0x3F9E]  }
0x2b: {  	s6 =	sld [smem:$0x3F9F]  }
0x2c: {  	s7 =	sld [smem:$0x3FA0]  }
0x2d: {  	s3 =	simm.s32 $0x108;
	s8 =	sld [smem:$0x3FA1]  }
0x2e: {  	s3 =	simm.s32 @!p0 $0x1082;
	s9 =	sld [smem:$0x3FA2]  }
0x2f: {  	lr =	sadd.s32 s0, s3;
	s0 =	sld [smem:$0x3F99]  }
0x30: {  	s3 =	sld [smem:$0x3F9C]  }
0x31: {  	[smem:$0x3FA5] =	sst s10  }
0x32: {  	s10 =	sld [smem:$0x3FA3];
	_ =	sdelay $0x3  }
0x33: {  	p0 =	seq.s32 s10, $0x1;
	s10 =	sld [smem:$0x3FA5];
	_ =	sdelay $0x3  }
0x34: {  	[smem:$0x3FA5] =	sst s10  }
0x35: {  	s10 =	sld [smem:$0x3FA4];
	_ =	sdelay $0x3  }
0x36: {  	p1 =	seq.s32 s10, $0x1;
	s10 =	sld [smem:$0x3FA5];
	_ =	sdelay $0x3  }
0x37: {  	[smem:$0x3FA5] =	sst s10  }
0x38: {  	s10 =	sld [smem:$0x3FA6]  }
0x39: {  	_ = 	snop;
	(pc) =	sbr.ind lr, $3  }
0x3a: {  	_ = 	snop  }
0x3b: {  	_ = 	snop  }
0x3c: {  	p2 =	seq.s32 s10, $0x1;
	s10 =	sld [smem:$0x3FA5]  }
0x3d: {  	_ =	shalt  }
0x3e: {  	_ =	shalt  }
0x3f: {  	_ =	shalt  }
0x40: {  	_ =	shalt  }
0x41: {  	_ =	shalt  }
0x42: {  	_ =	shalt  }
0x43: {  	_ =	shalt  }
0x44: {  	_ =	shalt  }
0x45: {  	_ =	shalt  }
0x46: {  	_ =	shalt  }
0x47: {  	_ =	shalt  }
0x48: {  	_ =	shalt  }
0x49: {  	_ =	shalt  }
0x4a: {  	_ =	shalt  }
0x4b: {  	_ =	shalt  }
0x4c: {  	_ =	shalt  }
0x4d: {  	_ =	shalt  }
0x4e: {  	_ =	shalt  }
0x4f: {  	_ =	shalt  }
0x50: {  	_ =	shalt  }
0x51: {  	_ =	shalt  }
0x52: {  	_ =	shalt  }
0x53: {  	_ =	shalt  }
0x54: {  	_ =	shalt  }
0x55: {  	_ =	shalt  }
0x56: {  	_ =	shalt  }
0x57: {  	_ =	shalt  }
0x58: {  	_ =	shalt  }
0x59: {  	_ =	shalt  }
0x5a: {  	_ =	shalt  }
0x5b: {  	_ =	shalt  }
0x5c: {  	_ =	shalt  }
0x5d: {  	_ =	shalt  }
0x5e: {  	_ =	shalt  }
0x5f: {  	_ =	shalt  }
0x60: {  	_ =	shalt  }
0x61: {  	_ =	shalt  }
0x62: {  	_ =	shalt  }
0x63: {  	_ =	shalt  }
0x64: {  	_ =	shalt  }
0x65: {  	_ =	shalt  }
0x66: {  	_ =	shalt  }
0x67: {  	_ =	shalt  }
0x68: {  	_ =	shalt  }
0x69: {  	_ =	shalt  }
0x6a: {  	_ =	shalt  }
0x6b: {  	_ =	shalt  }
0x6c: {  	_ =	shalt  }
0x6d: {  	_ =	shalt  }
0x6e: {  	_ =	shalt  }
0x6f: {  	_ =	shalt  }
0x70: {  	_ =	shalt  }
0x71: {  	_ =	shalt  }
0x72: {  	_ =	shalt  }
0x73: {  	_ =	shalt  }
0x74: {  	_ =	shalt  }
0x75: {  	_ =	shalt  }
0x76: {  	_ =	shalt  }
0x77: {  	_ =	shalt  }
0x78: {  	_ =	shalt  }
0x79: {  	_ =	shalt  }
0x7a: {  	_ =	shalt  }
0x7b: {  	_ =	shalt  }
0x7c: {  	_ =	shalt  }
0x7d: {  	_ =	shalt  }
0x7e: {  	_ =	shalt  }
0x7f: {  	_ =	shalt  }
0x80: {  	_ =	shalt  }
0x81: {  	_ =	shalt  }
0x82: {  	_ =	shalt  }
0x83: {  	_ =	shalt  }
0x84: {  	_ =	shalt  }
0x85: {  	_ =	shalt  }
0x86: {  	_ =	shalt  }
0x87: {  	_ =	shalt  }
.Lfunc_end0:
.L_simem_size_0:
called_computation.1_lowered:
.L_overlay_start_0:
0x88: {  	s2 =	sld [smem:$0x3FD9]  }
0x89: {  	s3 =	sld [smem:$0x3FFE];
	_ =	sdelay $0x1  }
0x8a: {  	s1 =	srdreg.scid  }
0x8b: {  	s0 =	sand.u32 $0x1, s1  }
0x8c: {  	s17 =	sshll.u32 s0, $0xA;
	s2 =	sadd.s32 s3, s2  }
0x8d: {  	s2 =	sadd.s32 s2, s17  }
0x8e: {  	[smem:$0x3FB1] =	sst s2  }
0x8f: {  	_ = 	snop  }
0x90: {  	s2 =	sld [smem:$0x3FD0];
	(tm) =	ssettm $0x1  }
0x91: {  	s18 =	sld [smem:$0x3FFB];
	_ =	sdelay $0x3  }
0x92: {  	_ =	strace s18  }
0x93: {  	s3 =	sld [smem:$0x3FFC];
	_ =	sdelay $0x3  }
0x94: {  	_ =	strace s3  }
0x95: {  	s3 =	sld [smem:$0x3FFD];
	_ =	sdelay $0x3  }
0x96: {  	_ =	strace s3  }
0x97: {  	_ =	strace $0x8FFFFFFF  }
0x98: {  	s19 =	sld [smem:$0x3FDB];
	_ =	sdelay $0x1  }
0x99: {  	s4 =	simm.s32 $_scs_section_size  }
0x9a: {  	s5 =	simm.s32 $_size__tile_overlayer_lowered;
	s6 =	simm.s32 $_tile_overlayer_lowered  }
0x9b: {  	s22 =	simm.s32 $0x1BFF;
	s21 =	sshll.u32 s6, $0x1;
	s3 =	sadd.s32 s4, s19  }
0x9c: {  	s7 =	simm.s32 $0x0;
	s20 =	sshll.u32 s5, $0x1;
	s5 =	sadd.s32 s21, s3  }
0x9d: {  	[timem:s7], [sflag:s22] =	dma.local [hbm:s5], s20  }
0x9e: {  	_ =	swait.ge [sflag:s22], s20  }
0x9f: {  	s4 =	ssub.s32 $0x0, s20;
	[sflag:s22] =	ssyncset.done $0x0  }
0xa0: {  	[sflag:s22] =	ssyncadd.s32 s4;
	_ =	sdelay $0x1  }
0xa1: {  	s23 =	simm.s32 $0x1B8B  }
0xa2: {  	_ =	swait.ge [sflag:s23], $0x1  }
0xa3: {  	[sflag:s23] =	ssyncset.done $0x0  }
0xa4: {  	s25 =	simm.s32 $0x1B8E;
	s24 =	sld [smem:$0x3FFE];
	[sflag:s23] =	ssyncadd.s32 $0xFFFFFFFF  }
0xa5: {  	s26 =	simm.s32 $execute0_lowered;
	[smem:$0x3FD2] =	sst s25  }
0xa6: {  	s5 =	sshll.u32 s26, $0x1;
	_ =	strace $0x80000049;
	[dreg:$0x1] =	wrdreg $0xFFFFFFFF  }
0xa7: {  	s28 =	simm.s32 $_size_execute0_lowered;
	s3 =	sadd.s32 s3, s5;
	[dreg:$0x0] =	wrdreg $0x0  }
0xa8: {  	s5 =	sshll.u32 s28, $0x1;
	[dreg:$0x2] =	wrdreg s3  }
0xa9: {  	[dreg:$0x3] =	wrdreg s5  }
0xaa: {  	[dreg:$0x4] =	wrdreg $0xC0  }
0xab: {  	_ =	task [dreg:s7], $0x5FFFF  }
0xac: {  	[dreg:$0x1] =	wrdreg $0xFFFFFFFF  }
0xad: {  	[dreg:$0x0] =	wrdreg $0x60  }
0xae: {  	[dreg:$0x2] =	wrdreg s24  }
0xaf: {  	[dreg:$0x3] =	wrdreg s2  }
0xb0: {  	[dreg:$0x4] =	wrdreg $0xD0000  }
0xb1: {  	[dreg:$0x5] =	wrdreg $0x9  }
0xb2: {  	_ =	task.clear_ibuf [dreg:s7], $0x6FFFF;
	_ =	strace $0x90000049  }
0xb3: {  	s29 =	simm.s32 $0x9;
	_ =	strace $0x8000004B  }
0xb4: {  	_ =	swait.ge [sflag:s29], $0x1  }
0xb5: {  	[sflag:s29] =	ssyncadd.s32 $0xFFFFFFFF  }
0xb6: {  	_ =	strace $0x9000004B  }
0xb7: {  	_ =	sfence  }
0xb8: {  	s30 =	sld [smem:$0x0];
	_ =	sdelay $0x2  }
0xb9: {  	s31 =	sshll.u32 s1, $0xD;
	s1 =	sshrl.u32 s1, $0x2  }
0xba: {  	s3 =	sand.u32 $0x4000, s31;
	s1 =	sadd.s32 s1, s30  }
0xbb: {  	s0 =	sor.u32 s3, s0;
	s1 =	sshll.u32 s1, $0x11  }
0xbc: {  	s0 =	sor.u32 s1, s0  }
0xbd: {  	s0 =	sadd.s32 $0x8F2B, s0  }
0xbe: {  	[sflag:s0] =	ssyncadd.remote.s32 $0x1  }
0xbf: {  	_ =	sfence.sel $0xFFFF  }
0xc0: {  	[dreg:$0x0] =	wrdreg $0xFFFFFFFF;
	(pc) =	sbr.abs _section_cstart, $3  }
0xc1: {  	[dreg:$0x1] =	wrdreg $0xFFFFFFFF  }
0xc2: {  	_ =	task.clear_ibuf [dreg:s7], $0x2FFFF;
	_ =	strace $0x9FFFFFFF  }
0xc3: {  	(tm) =	ssettm $0x7FFFFFFF  }
tec
execute0_lowered:
.L_overlay_start_1:
0x0: {  	(tag) =	ssettag $0x1  }
0x1: {  	s0 =	rddreg [dreg:$0x0]  }
0x2: {  	s2 =	rddreg [dreg:$0x1]  }
0x3: {  	s3 =	rddreg [dreg:$0x2]  }
0x4: {  	s11 =	stileid.u32;
	s4 =	simm.s32 $0x0;
	s5 =	srdreg.scid  }
0x5: {  	s8 =	simm.s32 $0x14;
	s1 =	smul.u32 $0x500, s11;
	[smem:$0x7FF] =	sst s4  }
0x6: {  	s5 =	sand.u32 $0x1, s5;
	s7 =	sadd.s32 $0x3A00, s0;
	s9 =	smul.u32 $0x46000, s11  }
0x7: {  	s11 =	smul.u32 $0x11800, s11;
	_ =	strace $0x8000004A;
	s6 =	ssub.s32 $0x2, s5  }
0x8: {  	[dreg:$0x4] =	wrdreg s7;
	p0 =	seq.s32 s5, $0x1;
	s12 =	smul.u32 $0x118000, s5  }
0x9: {  	s5 =	smul.u32 $0x3C0, s5;
	s1 =	sadd.s32 s1, s0;
	s0 =	sadd.s32 $0x37400, s0  }
0xa: {  	s21 =	sshrl.u32 s6, $0x1;
	s8 =	simm.s32 @!p0 $0x3C;
	s22 =	sshrl.u32 s9, $0x2  }
0xb: {  	s15 =	sadd.s32 s11, s3;
	s25 =	sadd.s32 $0x3800, s11;
	s16 =	sadd.s32 $0x7000, s11  }
0xc: {  	s19 =	sadd.s32 $0xA800, s11;
	s9 =	simm.s32 $0x2800;
	s10 =	ssub.s32 s6, s21  }
0xd: {  	s23 =	smax.u32 s8, $0x28;
	s6 =	smin.u32 s8, $0x28;
	s7 =	sadd.s32 s22, s3  }
0xe: {  	s14 =	sadd.s32 s11, s12;
	[dreg:$0x5] =	wrdreg s15;
	s26 =	sadd.s32 s12, s25  }
0xf: {  	s15 =	sadd.s32 s25, s3;
	s28 =	sadd.s32 s12, s16;
	s17 =	sadd.s32 s16, s3  }
0x10: {  	s11 =	sadd.s32 $0xE000, s11;
	s20 =	sadd.s32 s19, s3;
	s25 =	sadd.s32 $0x32680, s1  }
0x11: {  	s8 =	sadd.s32 $0xFFFFFFD8, s23;
	s24 =	sshrl.u32 s6, $0x1;
	[dreg:$0x7] =	wrdreg s15  }
0x12: {  	s14 =	sshrl.u32 s14, $0x3;
	[dreg:$0x9] =	wrdreg s17;
	s18 =	sshrl.u32 s28, $0x3  }
0x13: {  	[dreg:$0xb] =	wrdreg s20;
	s22 =	smax.u32 s10, $0x1;
	s23 =	sadd.s32 s5, s1  }
0x14: {  	[dreg:$0x12] =	wrdreg s25;
	s28 =	sadd.s32 $0x7000, s7;
	s29 =	sadd.s32 $0xA800, s7  }
0x15: {  	s30 =	sadd.s32 $0xE000, s7;
	s5 =	simm.s32 $0x80;
	[dreg:$0x10] =	wrdreg s22  }
0x16: {  	s10 =	simm.s32 $0x6000;
	s14 =	sadd.s32 s0, s14;
	[dreg:$0x14] =	wrdreg s28  }
0x17: {  	s13 =	sshrl.u32 s8, $0x1;
	s24 =	sadd.s32 $0xFFFFFFFF, s24;
	[dreg:$0x6] =	wrdreg s14  }
0x18: {  	s22 =	sadd.s32 $0x32400, s23;
	s21 =	smax.u32 s13, $0x1;
	[dreg:$0x11] =	wrdreg s24  }
0x19: {  	s14 =	sshrl.u32 s26, $0x3;
	s26 =	sadd.s32 $0x3800, s7;
	[dreg:$0xf] =	wrdreg s21  }
0x1a: {  	s31 =	smax.u32 s8, $0x1;
	s14 =	sadd.s32 s0, s14;
	[dreg:$0x13] =	wrdreg s26  }
0x1b: {  	s24 =	sadd.s32 $0x2D680, s1;
	[dreg:$0x8] =	wrdreg s14;
	s14 =	sadd.s32 s0, s18  }
0x1c: {  	s1 =	simm.s32 $0x3;
	s21 =	sadd.s32 $0x2D400, s23;
	[dreg:$0xa] =	wrdreg s14  }
.Ltmp0:
0x1d: {  	s14 =	sadd.s32 s12, s19;
	s12 =	sadd.s32 s12, s11;
	(pc) =	sbr.rel .LBB2_1-.Ltmp0, $4  }
0x1e: {  	s11 =	sadd.s32 s11, s3;
	s19 =	simm.s32 $0x2;
	s14 =	sshrl.u32 s14, $0x3  }
0x1f: {  	s12 =	sshrl.u32 s12, $0x3;
	[dreg:$0xd] =	wrdreg s11;
	s14 =	sadd.s32 s0, s14  }
0x20: {  	s11 =	simm.s32 $0x1;
	s0 =	sadd.s32 s0, s12;
	[dreg:$0xc] =	wrdreg s14  }
0x21: {  	s12 =	simm.s32 $0x0;
	[dreg:$0xe] =	wrdreg s0;
	s0 =	simm.s32 $0x9800  }
.LBB2_14:
0x22: {  	[sflag:s1] =	ssyncadd.s32 $0xFFFFC800;
	s13 =	simm.s32 @!p2 $0x6000  }
0x23: {  	[tilespmem:s13], [sflag:$0x1] =	stream.indirect.gather @!p2 [hbm4b:s2+s18], $0x70, s17, s18, $0xb8;
	[tilespmem:$0x1E800] =	vst v63  }
.LBB2_15:
0x24: {  	[bflag:$0x0] =	sbarrier.arrive $0xFFFF  }
0x25: {  	s13 =	rddreg [dreg:$0x5]  }
0x26: {  	[tilespmem:s9], [sflag:$0x3] =	stream.linear.gather [spmem:s13], $0x3800, $0x38;
	[tilespmem:$0x1E800] =	vst v63  }
0x27: {  	_ =	swait.ge [sflag:s1], $0x3800  }
0x28: {  	[sflag:s1] =	ssyncset.done $0x0  }
0x29: {  	s14 =	rddreg [dreg:$0x6];
	[sflag:s1] =	ssyncadd.s32 $0xFFFFC800  }
0x2a: {  	[hbm4b:s14+s4] =	stream.linear.scatter [tilespmem:s9], [sflag:$0x3], $0x3800, $0x38;
	[tilespmem:$0x1E800] =	vst v63  }
0x2b: {  	_ =	swait.ge [sflag:s1], $0x3800  }
0x2c: {  	[sflag:s1] =	ssyncset.done $0x0  }
0x2d: {  	s15 =	rddreg [dreg:$0x7];
	[sflag:s1] =	ssyncadd.s32 $0xFFFFC800  }
0x2e: {  	[tilespmem:s9], [sflag:$0x3] =	stream.linear.gather [spmem:s15], $0x3800, $0x38;
	[tilespmem:$0x1E800] =	vst v63  }
0x2f: {  	_ =	swait.ge [sflag:s1], $0x3800  }
0x30: {  	[sflag:s1] =	ssyncset.done $0x0  }
0x31: {  	s16 =	rddreg [dreg:$0x8];
	[sflag:s1] =	ssyncadd.s32 $0xFFFFC800  }
0x32: {  	[hbm4b:s16+s4] =	stream.linear.scatter [tilespmem:s9], [sflag:$0x3], $0x3800, $0x38;
	[tilespmem:$0x1E800] =	vst v63  }
0x33: {  	_ =	swait.ge [sflag:s1], $0x3800  }
0x34: {  	[sflag:s1] =	ssyncset.done $0x0  }
0x35: {  	s17 =	rddreg [dreg:$0x9];
	[sflag:s1] =	ssyncadd.s32 $0xFFFFC800  }
0x36: {  	[tilespmem:s9], [sflag:$0x3] =	stream.linear.gather [spmem:s17], $0x3800, $0x38;
	[tilespmem:$0x1E800] =	vst v63  }
0x37: {  	_ =	swait.ge [sflag:s1], $0x3800  }
0x38: {  	[sflag:s1] =	ssyncset.done $0x0  }
0x39: {  	s18 =	rddreg [dreg:$0xa];
	[sflag:s1] =	ssyncadd.s32 $0xFFFFC800  }
0x3a: {  	[hbm4b:s18+s4] =	stream.linear.scatter [tilespmem:s9], [sflag:$0x3], $0x3800, $0x38;
	[tilespmem:$0x1E800] =	vst v63  }
0x3b: {  	_ =	swait.ge [sflag:s1], $0x3800  }
0x3c: {  	[sflag:s1] =	ssyncset.done $0x0  }
0x3d: {  	s20 =	rddreg [dreg:$0xb];
	[sflag:s1] =	ssyncadd.s32 $0xFFFFC800  }
0x3e: {  	[tilespmem:s9], [sflag:$0x3] =	stream.linear.gather [spmem:s20], $0x3800, $0x38;
	[tilespmem:$0x1E800] =	vst v63  }
0x3f: {  	_ =	swait.ge [sflag:s1], $0x3800  }
0x40: {  	[sflag:s1] =	ssyncset.done $0x0  }
0x41: {  	s23 =	rddreg [dreg:$0xc];
	[sflag:s1] =	ssyncadd.s32 $0xFFFFC800  }
0x42: {  	[hbm4b:s23+s4] =	stream.linear.scatter [tilespmem:s9], [sflag:$0x3], $0x3800, $0x38;
	[tilespmem:$0x1E800] =	vst v63  }
0x43: {  	_ =	swait.ge [sflag:s1], $0x3800  }
0x44: {  	[sflag:s1] =	ssyncset.done $0x0  }
0x45: {  	s25 =	rddreg [dreg:$0xd];
	[sflag:s1] =	ssyncadd.s32 $0xFFFFC800  }
0x46: {  	[tilespmem:s9], [sflag:$0x3] =	stream.linear.gather [spmem:s25], $0x3800, $0x38;
	[tilespmem:$0x1E800] =	vst v63  }
0x47: {  	_ =	swait.ge [sflag:s1], $0x3800  }
0x48: {  	[sflag:s1] =	ssyncset.done $0x0  }
0x49: {  	s26 =	rddreg [dreg:$0xe];
	[sflag:s1] =	ssyncadd.s32 $0xFFFFC800  }
0x4a: {  	[hbm4b:s26+s4] =	stream.linear.scatter [tilespmem:s9], [sflag:$0x3], $0x3800, $0x38;
	[tilespmem:$0x1E800] =	vst v63  }
0x4b: {  	_ =	swait.ge [sflag:s1], $0x3800  }
0x4c: {  	s12 =	sadd.s32 $0x1, s12;
	s28 =	rddreg [dreg:$0x10]  }
0x4d: {  	p1 =	sne.s32 s12, s28  }
.Ltmp1:
0x4e: {  	_ = 	snop;
	(pc) =	sbr.rel @!p1 .LBB2_16-.Ltmp1, $3  }
0x4f: {  	_ =	sdelay $0x1  }
0x50: {  	[sflag:s1] =	ssyncset.done $0x0  }
0x51: {  	[sflag:s1] =	ssyncadd.s32 $0xFFFFC800  }
.LBB2_1:
0x52: {  	p1 =	sne.s32 s6, $0x1  }
.Ltmp2:
0x53: {  	_ = 	snop;
	(pc) =	sbr.rel @!p1 .LBB2_3-.Ltmp2, $4  }
0x54: {  	[tilespmem:s4], [sflag:$0x2] =	stream.linear.gather [hbm4b:s22+s4], $0x80, $0x38;
	[tilespmem:$0x1E800] =	vst v63  }
0x55: {  	s13 =	simm.s32 $0x1400;
	s14 =	sadd.s32 $0xFFFFFFFF, s6  }
0x56: {  	s15 =	simm.s32 $0x80;
	s16 =	sadd.s32 $0x10, s22;
	s17 =	smov.u32 s21  }
0x57: {  	[tilespmem:s13], [sflag:$0x2] =	stream.linear.gather [hbm4b:s21+s4], $0x80, $0x38;
	[tilespmem:$0x1E800] =	vst v63  }
.LBB2_2:
0x58: {  	[tilespmem:s15], [sflag:$0x2] =	stream.linear.gather [hbm4b:s16+s4], $0x80, $0x38;
	[tilespmem:$0x1E800] =	vst v63  }
0x59: {  	p2 =	sne.s32 s14, $0x1  }
.Ltmp3:
0x5a: {  	s14 =	sadd.s32 $0xFFFFFFFF, s14;
	(pc) =	sbr.rel @p2 .LBB2_2-.Ltmp3, $4  }
0x5b: {  	s13 =	sadd.s32 $0x80, s13;
	s17 =	sadd.s32 $0x10, s17  }
0x5c: {  	[tilespmem:s13], [sflag:$0x2] =	stream.linear.gather [hbm4b:s17+s4], $0x80, $0x38;
	[tilespmem:$0x1E800] =	vst v63  }
0x5d: {  	_ = 	snop  }
0x5e: {  	s15 =	sadd.s32 $0x80, s15;
	s16 =	sadd.s32 $0x10, s16  }
.LBB2_3:
0x5f: {  	s13 =	rddreg [dreg:$0x4]  }
0x60: {  	[tilespmem:s0], [sflag:$0x3] =	stream.linear.gather [hbm4b:s13+s4], $0x3800, $0x38;
	[tilespmem:$0x1E800] =	vst v63  }
0x61: {  	_ =	swait.ge [sflag:s1], $0x3800  }
0x62: {  	[sflag:s1] =	ssyncset.done $0x0  }
0x63: {  	[sflag:s1] =	ssyncadd.s32 $0xFFFFC800  }
0x64: {  	[spmem:s7] =	stream.linear.scatter [tilespmem:s0], [sflag:$0x3], $0x3800, $0x38;
	[tilespmem:$0x1E800] =	vst v63  }
0x65: {  	_ =	swait.ge [sflag:s1], $0x3800  }
0x66: {  	[sflag:s1] =	ssyncset.done $0x0  }
0x67: {  	s26 =	rddreg [dreg:$0x13];
	[sflag:s1] =	ssyncadd.s32 $0xFFFFC800  }
0x68: {  	[spmem:s26] =	stream.linear.scatter [tilespmem:s0], [sflag:$0x3], $0x3800, $0x38;
	[tilespmem:$0x1E800] =	vst v63  }
0x69: {  	_ =	swait.ge [sflag:s1], $0x3800  }
0x6a: {  	[sflag:s1] =	ssyncset.done $0x0  }
0x6b: {  	s28 =	rddreg [dreg:$0x14];
	[sflag:s1] =	ssyncadd.s32 $0xFFFFC800  }
0x6c: {  	[spmem:s28] =	stream.linear.scatter [tilespmem:s0], [sflag:$0x3], $0x3800, $0x38;
	[tilespmem:$0x1E800] =	vst v63  }
0x6d: {  	_ =	swait.ge [sflag:s1], $0x3800  }
0x6e: {  	[sflag:s1] =	ssyncset.done $0x0  }
0x6f: {  	[sflag:s1] =	ssyncadd.s32 $0xFFFFC800  }
0x70: {  	[spmem:s29] =	stream.linear.scatter [tilespmem:s0], [sflag:$0x3], $0x3800, $0x38;
	[tilespmem:$0x1E800] =	vst v63  }
0x71: {  	_ =	swait.ge [sflag:s1], $0x3800  }
0x72: {  	[sflag:s1] =	ssyncset.done $0x0  }
0x73: {  	[sflag:s1] =	ssyncadd.s32 $0xFFFFC800  }
0x74: {  	[spmem:s30] =	stream.linear.scatter [tilespmem:s0], [sflag:$0x3], $0x3800, $0x38;
	[tilespmem:$0x1E800] =	vst v63  }
0x75: {  	_ =	swait.ge [sflag:s1], $0x3800  }
0x76: {  	[sflag:s1] =	ssyncset.done $0x0  }
0x77: {  	[sflag:s1] =	ssyncadd.s32 $0xFFFFC800  }
.Ltmp4:
0x78: {  	_ =	swait.ge [sflag:s19], $0x80;
	(pc) =	sbr.rel @!p1 .LBB2_5-.Ltmp4, $4  }
0x79: {  	[sflag:s19] =	ssyncset.done $0x0  }
0x7a: {  	[sflag:s19] =	ssyncadd.s32 $0xFFFFFF80  }
0x7b: {  	_ =	swait.ge [sflag:s19], $0x80  }
0x7c: {  	s13 =	sadd.s32 $0xFFFFFFFF, s6;
	[sflag:s19] =	ssyncset.done $0x0  }
.LBB2_4:
0x7d: {  	p1 =	sne.s32 s13, $0x1;
	s13 =	sadd.s32 $0xFFFFFFFF, s13;
	[sflag:s19] =	ssyncadd.s32 $0xFFFFFF80  }
.Ltmp5:
0x7e: {  	_ =	swait.ge [sflag:s19], $0x80;
	(pc) =	sbr.rel @p1 .LBB2_4-.Ltmp5, $4  }
0x7f: {  	[sflag:s19] =	ssyncset.done $0x0  }
0x80: {  	[sflag:s19] =	ssyncadd.s32 $0xFFFFFF80  }
0x81: {  	_ =	swait.ge [sflag:s19], $0x80  }
0x82: {  	[sflag:s19] =	ssyncset.done $0x0  }
.LBB2_5:
0x83: {  	[sflag:s19] =	ssyncadd.s32 $0xFFFFFF80  }
0x84: {  	[bflag:$0x0] =	sbarrier.arrive $0xFFFF  }
0x85: {  	[tilespmem:s9], [sflag:$0x1] =	stream.indirect.gather [hbm4b:s2+s5], $0x70, s4, s5, $0xb8;
	[tilespmem:$0x1E800] =	vst v63  }
0x86: {  	_ = 	snop  }
0x87: {  	[tilespmem:s10], [sflag:$0x1] =	stream.indirect.gather [hbm4b:s2+s5], $0x70, s5, s5, $0xb8;
	[tilespmem:$0x1E800] =	vst v63  }
0x88: {  	_ =	swait.ge [sflag:s11], $0x3800  }
0x89: {  	[sflag:s11] =	ssyncset.done $0x0  }
0x8a: {  	s13 =	simm.s32 $0x1400;
	[sflag:s11] =	ssyncadd.s32 $0xFFFFC800  }
0x8b: {  	[spmem:s3] =	stream.indirect.scatter.add.f32 [tilespmem:s9], [sflag:$0x3], $0x70, s13, s5, $0xb8;
	[tilespmem:$0x1E800] =	vst v63  }
0x8c: {  	p1 =	sle.u32 s6, $0x2;
	_ =	swait.ge [sflag:s1], $0x3800  }
0x8d: {  	s14 =	simm.s32 @!p1 $0x80;
	[sflag:s1] =	ssyncset.done $0x0  }
0x8e: {  	s15 =	simm.s32 @!p1 $0x2800;
	s13 =	simm.s32 @!p1 $0x100;
	[sflag:s1] =	ssyncadd.s32 $0xFFFFC800  }
0x8f: {  	[tilespmem:s15], [sflag:$0x1] =	stream.indirect.gather @!p1 [hbm4b:s2+s14], $0x70, s13, s14, $0xb8;
	[tilespmem:$0x1E800] =	vst v63  }
0x90: {  	_ =	swait.ge [sflag:s11], $0x3800  }
0x91: {  	s28 =	rddreg [dreg:$0x11]  }
0x92: {  	s17 =	sadd.s32 $0xFFFFFFFF, s28  }
0x93: {  	s16 =	simm.s32 $0x1480;
	p2 =	sle.u32 s6, $0x3;
	p1 =	sne.s32 s17, $0x0  }
.Ltmp6:
0x94: {  	s20 =	simm.s32 $0x180;
	[sflag:s11] =	ssyncset.done $0x0;
	(pc) =	sbr.rel @!p1 .LBB2_7-.Ltmp6, $4  }
0x95: {  	s18 =	simm.s32 $0x180;
	s23 =	simm.s32 @!p2 $0x80;
	[sflag:s11] =	ssyncadd.s32 $0xFFFFC800  }
0x96: {  	[spmem:s3] =	stream.indirect.scatter.add.f32 [tilespmem:s10], [sflag:$0x3], $0x70, s16, s5, $0xb8;
	[tilespmem:$0x1E800] =	vst v63  }
0x97: {  	s25 =	simm.s32 @!p2 $0x6000;
	s13 =	simm.s32 $0x180;
	_ =	swait.ge [sflag:s1], $0x3800  }
0x98: {  	s15 =	simm.s32 $0x1580;
	s14 =	simm.s32 $0x5;
	[sflag:s1] =	ssyncset.done $0x0  }
.LBB2_6:
0x99: {  	s18 =	smov.u32 s13;
	s16 =	smov.u32 s15  }
0x9a: {  	s17 =	sadd.s32 $0xFFFFFFFF, s17;
	s13 =	sadd.s32 $0x100, s13;
	[sflag:s1] =	ssyncadd.s32 $0xFFFFC800  }
0x9b: {  	[tilespmem:s25], [sflag:$0x1] =	stream.indirect.gather @!p2 [hbm4b:s2+s23], $0x70, s20, s23, $0xb8;
	[tilespmem:$0x1E800] =	vst v63  }
0x9c: {  	p1 =	sne.s32 s17, $0x0;
	s20 =	smov.u32 s13;
	_ =	swait.ge [sflag:s11], $0x3800  }
0x9d: {  	s23 =	sadd.s32 $0xFFFFFF80, s15;
	s25 =	smov.u32 s15;
	[sflag:s11] =	ssyncset.done $0x0  }
0x9e: {  	s26 =	sadd.s32 $0xFFFFFFFF, s14;
	[sflag:s11] =	ssyncadd.s32 $0xFFFFC800  }
0x9f: {  	[spmem:s3] =	stream.indirect.scatter.add.f32 [tilespmem:s9], [sflag:$0x3], $0x70, s23, s5, $0xb8;
	[tilespmem:$0x1E800] =	vst v63  }
0xa0: {  	p2 =	sge.u32 s26, s6;
	_ =	swait.ge [sflag:s1], $0x3800  }
0xa1: {  	s26 =	simm.s32 @!p2 $0x80;
	s23 =	sadd.s32 @!p2 $0xFFFFFF80, s13;
	[sflag:s1] =	ssyncset.done $0x0  }
0xa2: {  	s28 =	simm.s32 @!p2 $0x2800;
	[sflag:s1] =	ssyncadd.s32 $0xFFFFC800  }
0xa3: {  	[tilespmem:s28], [sflag:$0x1] =	stream.indirect.gather @!p2 [hbm4b:s2+s26], $0x70, s23, s26, $0xb8;
	[tilespmem:$0x1E800] =	vst v63  }
0xa4: {  	_ =	swait.ge [sflag:s11], $0x3800  }
.Ltmp7:
0xa5: {  	[sflag:s11] =	ssyncset.done $0x0;
	(pc) =	sbr.rel @p1 .LBB2_6-.Ltmp7, $4  }
0xa6: {  	s15 =	sadd.s32 $0x100, s15;
	[sflag:s11] =	ssyncadd.s32 $0xFFFFC800  }
0xa7: {  	[spmem:s3] =	stream.indirect.scatter.add.f32 [tilespmem:s10], [sflag:$0x3], $0x70, s25, s5, $0xb8;
	[tilespmem:$0x1E800] =	vst v63  }
0xa8: {  	p2 =	sge.u32 s14, s6;
	s14 =	sadd.s32 $0x2, s14;
	_ =	swait.ge [sflag:s1], $0x3800  }
0xa9: {  	s23 =	simm.s32 @!p2 $0x80;
	s25 =	simm.s32 @!p2 $0x6000;
	[sflag:s1] =	ssyncset.done $0x0  }
.LBB2_7:
0xaa: {  	[sflag:s1] =	ssyncadd.s32 $0xFFFFC800  }
0xab: {  	[tilespmem:s25], [sflag:$0x1] =	stream.indirect.gather @!p2 [hbm4b:s2+s23], $0x70, s20, s23, $0xb8;
	[tilespmem:$0x1E800] =	vst v63  }
0xac: {  	_ =	swait.ge [sflag:s11], $0x3800  }
0xad: {  	[sflag:s11] =	ssyncset.done $0x0  }
0xae: {  	s16 =	sadd.s32 $0x80, s16;
	s28 =	sadd.s32 $0xFFFFFFFF, s14;
	[sflag:s11] =	ssyncadd.s32 $0xFFFFC800  }
0xaf: {  	[spmem:s3] =	stream.indirect.scatter.add.f32 [tilespmem:s9], [sflag:$0x3], $0x70, s16, s5, $0xb8;
	[tilespmem:$0x1E800] =	vst v63  }
0xb0: {  	p1 =	sge.u32 s28, s6;
	_ =	swait.ge [sflag:s1], $0x3800  }
0xb1: {  	s17 =	simm.s32 @!p1 $0x80;
	[sflag:s1] =	ssyncset.done $0x0  }
0xb2: {  	s16 =	sadd.s32 @!p1 $0x80, s18;
	s18 =	simm.s32 @!p1 $0x2800;
	[sflag:s1] =	ssyncadd.s32 $0xFFFFC800  }
0xb3: {  	[tilespmem:s18], [sflag:$0x1] =	stream.indirect.gather @!p1 [hbm4b:s2+s17], $0x70, s16, s17, $0xb8;
	[tilespmem:$0x1E800] =	vst v63  }
0xb4: {  	_ =	swait.ge [sflag:s11], $0x3800  }
0xb5: {  	[sflag:s11] =	ssyncset.done $0x0  }
0xb6: {  	[sflag:s11] =	ssyncadd.s32 $0xFFFFC800  }
0xb7: {  	[spmem:s3] =	stream.indirect.scatter.add.f32 [tilespmem:s10], [sflag:$0x3], $0x70, s15, s5, $0xb8;
	[tilespmem:$0x1E800] =	vst v63  }
.Ltmp8:
0xb8: {  	_ = 	snop;
	(pc) =	sbr.rel @p0 .LBB2_15-.Ltmp8, $4  }
0xb9: {  	_ =	swait.ge [sflag:s1], $0x3800  }
0xba: {  	s13 =	sadd.s32 $0x100, s13;
	p1 =	sge.u32 s14, s6;
	[sflag:s1] =	ssyncset.done $0x0  }
0xbb: {  	s14 =	simm.s32 @!p1 $0x80;
	s15 =	simm.s32 @!p1 $0x6000;
	[sflag:s1] =	ssyncadd.s32 $0xFFFFC800  }
0xbc: {  	[tilespmem:s15], [sflag:$0x1] =	stream.indirect.gather @!p1 [hbm4b:s2+s14], $0x70, s13, s14, $0xb8;
	[tilespmem:$0x1E800] =	vst v63  }
0xbd: {  	p1 =	sne.s32 s31, $0x1  }
.Ltmp9:
0xbe: {  	s13 =	simm.s32 $0x0;
	(pc) =	sbr.rel @!p1 .LBB2_10-.Ltmp9, $4  }
0xbf: {  	s16 =	rddreg [dreg:$0x12];
	s14 =	sadd.s32 $0xFFFFFFFF, s31;
	s15 =	simm.s32 $0x80  }
0xc0: {  	[tilespmem:s13], [sflag:$0x2] =	stream.linear.gather [hbm4b:s16+s4], $0x80, $0x38;
	[tilespmem:$0x1E800] =	vst v63  }
0xc1: {  	s17 =	smov.u32 s24;
	s13 =	simm.s32 $0x1400;
	s16 =	sadd.s32 $0x10, s16  }
0xc2: {  	[tilespmem:s13], [sflag:$0x2] =	stream.linear.gather [hbm4b:s24+s4], $0x80, $0x38;
	[tilespmem:$0x1E800] =	vst v63  }
.LBB2_9:
0xc3: {  	[tilespmem:s15], [sflag:$0x2] =	stream.linear.gather [hbm4b:s16+s4], $0x80, $0x38;
	[tilespmem:$0x1E800] =	vst v63  }
0xc4: {  	p2 =	sne.s32 s14, $0x1  }
.Ltmp10:
0xc5: {  	s14 =	sadd.s32 $0xFFFFFFFF, s14;
	(pc) =	sbr.rel @p2 .LBB2_9-.Ltmp10, $4  }
0xc6: {  	s13 =	sadd.s32 $0x80, s13;
	s17 =	sadd.s32 $0x10, s17  }
0xc7: {  	[tilespmem:s13], [sflag:$0x2] =	stream.linear.gather [hbm4b:s17+s4], $0x80, $0x38;
	[tilespmem:$0x1E800] =	vst v63  }
0xc8: {  	_ = 	snop  }
0xc9: {  	s15 =	sadd.s32 $0x80, s15;
	s16 =	sadd.s32 $0x10, s16  }
.LBB2_10:
.Ltmp11:
0xca: {  	_ =	swait.ge [sflag:s19], $0x80;
	(pc) =	sbr.rel @!p1 .LBB2_12-.Ltmp11, $4  }
0xcb: {  	[sflag:s19] =	ssyncset.done $0x0  }
0xcc: {  	[sflag:s19] =	ssyncadd.s32 $0xFFFFFF80  }
0xcd: {  	_ =	swait.ge [sflag:s19], $0x80  }
0xce: {  	s13 =	sadd.s32 $0xFFFFFFFF, s31;
	[sflag:s19] =	ssyncset.done $0x0  }
.LBB2_11:
0xcf: {  	p1 =	sne.s32 s13, $0x1;
	s13 =	sadd.s32 $0xFFFFFFFF, s13;
	[sflag:s19] =	ssyncadd.s32 $0xFFFFFF80  }
.Ltmp12:
0xd0: {  	_ =	swait.ge [sflag:s19], $0x80;
	(pc) =	sbr.rel @p1 .LBB2_11-.Ltmp12, $4  }
0xd1: {  	[sflag:s19] =	ssyncset.done $0x0  }
0xd2: {  	[sflag:s19] =	ssyncadd.s32 $0xFFFFFF80  }
0xd3: {  	_ =	swait.ge [sflag:s19], $0x80  }
0xd4: {  	[sflag:s19] =	ssyncset.done $0x0  }
.LBB2_12:
0xd5: {  	[sflag:s19] =	ssyncadd.s32 $0xFFFFFF80  }
0xd6: {  	[tilespmem:s9], [sflag:$0x1] =	stream.indirect.gather [hbm4b:s2+s5], $0x70, s4, s5, $0xb8;
	[tilespmem:$0x1E800] =	vst v63  }
0xd7: {  	_ = 	snop  }
0xd8: {  	[tilespmem:s10], [sflag:$0x1] =	stream.indirect.gather [hbm4b:s2+s5], $0x70, s5, s5, $0xb8;
	[tilespmem:$0x1E800] =	vst v63  }
0xd9: {  	_ =	swait.ge [sflag:s11], $0x3800  }
0xda: {  	[sflag:s11] =	ssyncset.done $0x0  }
0xdb: {  	s13 =	simm.s32 $0x1400;
	[sflag:s11] =	ssyncadd.s32 $0xFFFFC800  }
0xdc: {  	[spmem:s3] =	stream.indirect.scatter.add.f32 [tilespmem:s9], [sflag:$0x3], $0x70, s13, s5, $0xb8;
	[tilespmem:$0x1E800] =	vst v63  }
0xdd: {  	p1 =	sle.u32 s8, $0x2;
	_ =	swait.ge [sflag:s1], $0x3800  }
0xde: {  	s14 =	simm.s32 @!p1 $0x80;
	s15 =	simm.s32 @!p1 $0x2800;
	[sflag:s1] =	ssyncset.done $0x0  }
0xdf: {  	s13 =	simm.s32 $0x100;
	s28 =	rddreg [dreg:$0xf];
	[sflag:s1] =	ssyncadd.s32 $0xFFFFC800  }
0xe0: {  	[tilespmem:s15], [sflag:$0x1] =	stream.indirect.gather @!p1 [hbm4b:s2+s14], $0x70, s13, s14, $0xb8;
	[tilespmem:$0x1E800] =	vst v63  }
0xe1: {  	s13 =	sadd.s32 $0xFFFFFFFF, s28  }
0xe2: {  	_ =	swait.ge [sflag:s11], $0x3800;
	p1 =	sne.s32 s13, $0x0  }
.Ltmp13:
0xe3: {  	p2 =	sle.u32 s8, $0x3;
	[sflag:s11] =	ssyncset.done $0x0;
	(pc) =	sbr.rel @!p1 .LBB2_14-.Ltmp13, $4  }
0xe4: {  	s16 =	simm.s32 $0x1480;
	s17 =	simm.s32 @!p2 $0x180;
	[sflag:s11] =	ssyncadd.s32 $0xFFFFC800  }
0xe5: {  	[spmem:s3] =	stream.indirect.scatter.add.f32 [tilespmem:s10], [sflag:$0x3], $0x70, s16, s5, $0xb8;
	[tilespmem:$0x1E800] =	vst v63  }
0xe6: {  	s18 =	simm.s32 @!p2 $0x80;
	s14 =	simm.s32 $0x4;
	_ =	swait.ge [sflag:s1], $0x3800  }
0xe7: {  	s15 =	simm.s32 $0x200;
	s16 =	simm.s32 $0x1580;
	[sflag:s1] =	ssyncset.done $0x0  }
.LBB2_13:
0xe8: {  	s13 =	sadd.s32 $0xFFFFFFFF, s13;
	[sflag:s1] =	ssyncadd.s32 $0xFFFFC800;
	s20 =	simm.s32 @!p2 $0x6000  }
0xe9: {  	[tilespmem:s20], [sflag:$0x1] =	stream.indirect.gather @!p2 [hbm4b:s2+s18], $0x70, s17, s18, $0xb8;
	[tilespmem:$0x1E800] =	vst v63  }
0xea: {  	p1 =	sne.s32 s13, $0x0;
	s17 =	smov.u32 s14;
	_ =	swait.ge [sflag:s11], $0x3800  }
0xeb: {  	s18 =	sadd.s32 $0xFFFFFF80, s16;
	s20 =	smov.u32 s15;
	[sflag:s11] =	ssyncset.done $0x0  }
0xec: {  	[sflag:s11] =	ssyncadd.s32 $0xFFFFC800  }
0xed: {  	[spmem:s3] =	stream.indirect.scatter.add.f32 [tilespmem:s9], [sflag:$0x3], $0x70, s18, s5, $0xb8;
	[tilespmem:$0x1E800] =	vst v63  }
0xee: {  	p2 =	sge.u32 s14, s8;
	_ =	swait.ge [sflag:s1], $0x3800  }
0xef: {  	s23 =	simm.s32 @!p2 $0x2800;
	s18 =	simm.s32 @!p2 $0x80;
	[sflag:s1] =	ssyncset.done $0x0  }
0xf0: {  	[sflag:s1] =	ssyncadd.s32 $0xFFFFC800  }
0xf1: {  	[tilespmem:s23], [sflag:$0x1] =	stream.indirect.gather @!p2 [hbm4b:s2+s18], $0x70, s15, s18, $0xb8;
	[tilespmem:$0x1E800] =	vst v63  }
0xf2: {  	_ =	swait.ge [sflag:s11], $0x3800  }
.Ltmp14:
0xf3: {  	s14 =	sadd.s32 $0x2, s14;
	[sflag:s11] =	ssyncset.done $0x0;
	(pc) =	sbr.rel @p1 .LBB2_13-.Ltmp14, $4  }
0xf4: {  	s17 =	sadd.s32 $0x1, s17;
	s15 =	sadd.s32 $0x100, s15;
	[sflag:s11] =	ssyncadd.s32 $0xFFFFC800  }
0xf5: {  	[spmem:s3] =	stream.indirect.scatter.add.f32 [tilespmem:s10], [sflag:$0x3], $0x70, s16, s5, $0xb8;
	[tilespmem:$0x1E800] =	vst v63  }
0xf6: {  	p2 =	sge.u32 s17, s8;
	s16 =	sadd.s32 $0x100, s16;
	_ =	swait.ge [sflag:s1], $0x3800  }
0xf7: {  	s17 =	sadd.s32 @!p2 $0x80, s20;
	s18 =	simm.s32 @!p2 $0x80;
	[sflag:s1] =	ssyncset.done $0x0  }
.Ltmp15:
0xf8: {  	_ = 	snop;
	(pc) =	sbr.rel .LBB2_14-.Ltmp15, $1  }
0xf9: {  	_ =	sdelay $0x3  }
.LBB2_16:
0xfa: {  	_ =	sfence.sel $0x180000  }
0xfb: {  	[bflag:$0x0] =	sbarrier.arrive $0xFFFF  }
0xfc: {  	_ =	strace $0x9000004A  }
0xfd: {  	s0 =	stileid.u32;
	[bflag:$0x2] =	sbarrier.arrive $0xFFFF  }
0xfe: {  	p0 =	sne.s32 s0, $0x0;
	s0 =	rddreg [dreg:$0x3]  }
0xff: {  	s0 =	sadd.s32 @!p0 $0x100000, s0  }
0x100: {  	[sflag:s0] =	ssyncadd.tile.s32 @!p0 $0x1;
	_ =	shalt  }
.Lfunc_end2:
_tile_overlayer_lowered:
.L_overlay_start_2:
0x101: {  	(tag) =	ssettag $0x2  }
0x102: {  	s0 =	rddreg [dreg:$0x0];
	s2 =	stileid.u32  }
0x103: {  	s1 =	rddreg [dreg:$0x1];
	p0 =	sne.s32 s2, $0x0  }
0x104: {  	s3 =	rddreg [dreg:$0x2];
	[bflag:$0x3] =	sbarrier.arrive $0xFFFF;
	s2 =	simm.s32 @!p0 $0x1C03  }
0x105: {  	[timem:s3], [sflag:s2] =	dma.local @!p0 [hbm:s0], s1  }
0x106: {  	s0 =	simm.s32 @!p0 $0x3  }
0x107: {  	_ =	swait.ge @!p0 [sflag:s0], s1  }
0x108: {  	s1 =	ssub.s32 @!p0 $0x0, s1;
	[sflag:s0] =	ssyncset.done @!p0 $0x0  }
0x109: {  	[sflag:s0] =	ssyncadd.s32 @!p0 s1  }
0x10a: {  	[bflag:$0x3] =	sbarrier.arrive $0xFFFF  }
0x10b: {  	_ =	shalt  }

</sc_bundles>
